<compile_context>
chip_gen: v7x
topology: tpu7x:2x2x1
jax: 0.10.2.dev20260603
libtpu: 0.0.44.dev20260713+nightly
codegen_flags: <defaults>
</compile_context>

<pallas_src>
import functools

import jax
import jax.numpy as jnp
from jax import lax
from jax.experimental import pallas as pl
from jax.experimental.pallas import tpu as pltpu
from jax.experimental.pallas import tpu_sc as plsc

LANES = 16
MASK_HI = 0xFFFF0000


def _pack_pairs(z):
    C = z.shape[0]
    zb = lax.bitcast_convert_type(z, jnp.uint32)
    rnd = zb + jnp.uint32(0x7FFF) + ((zb >> jnp.uint32(16)) & jnp.uint32(1))
    lo = rnd[: C // 2]
    hi = rnd[C // 2:]
    packed = (hi & jnp.uint32(MASK_HI)) | (lo >> jnp.uint32(16))
    return lax.bitcast_convert_type(packed, jnp.int32)


def _make_agg(C, N, E, n_workers=32, eb=2000):
    pp = (C // 2) // n_workers
    assert (C // 2) % n_workers == 0 and E % eb == 0 and eb % LANES == 0
    nblk = E // eb
    assert nblk % 2 == 0

    mesh = plsc.VectorSubcoreMesh(core_axis_name="c", subcore_axis_name="s")

    @functools.partial(
        pl.kernel,
        out_type=jax.ShapeDtypeStruct((C * N,), jnp.float32),
        mesh=mesh,
        compiler_params=pltpu.CompilerParams(needs_layout_passes=False),
        scratch_types=[
            pltpu.VMEM((pp * N,), jnp.int32),
            pltpu.VMEM((2 * pp * N,), jnp.float32),
            pltpu.VMEM((eb,), jnp.int32),
            pltpu.VMEM((eb,), jnp.int32),
            pltpu.VMEM((eb,), jnp.int32),
            pltpu.VMEM((eb,), jnp.int32),
            pltpu.SemaphoreType.DMA,
            pltpu.SemaphoreType.DMA,
        ],
    )
    def agg(packedT, src_hbm, dst_hbm, out, slab, acc,
            sbuf0, sbuf1, dbuf0, dbuf1, sem0, sem1):
        wid = lax.axis_index("s") * 2 + lax.axis_index("c")
        sems = (sem0, sem1)
        sbufs = (sbuf0, sbuf1)
        dbufs = (dbuf0, dbuf1)

        def start_blk(b, par):
            pltpu.async_copy(src_hbm.at[pl.ds(b * eb, eb)], sbufs[par],
                             sems[par])
            pltpu.async_copy(dst_hbm.at[pl.ds(b * eb, eb)], dbufs[par],
                             sems[par])

        def wait_blk(par):
            pltpu.make_async_copy(src_hbm.at[pl.ds(0, eb)], sbufs[par],
                                  sems[par]).wait()
            pltpu.make_async_copy(dst_hbm.at[pl.ds(0, eb)], dbufs[par],
                                  sems[par]).wait()

        start_blk(0, 0)
        pltpu.sync_copy(packedT.at[pl.ds(wid * (pp * N), pp * N)], slab)

        @plsc.parallel_loop(0, 2 * pp * N // LANES, 1, unroll=8)
        def zbody(i):
            acc[pl.ds(i * LANES, LANES)] = jnp.zeros((LANES,), jnp.float32)

        def pair_body(k, carry):
            for par in (0, 1):
                b = k * 2 + par
                wait_blk(par)

                @pl.when(b + 1 < nblk)
                def _():
                    start_blk(b + 1, 1 - par)

                @plsc.parallel_loop(0, eb // LANES, 1, unroll=8)
                def ed(i):
                    sv = sbufs[par][pl.ds(i * LANES, LANES)]
                    dv = dbufs[par][pl.ds(i * LANES, LANES)]
                    for j in range(pp):
                        g = plsc.load_gather(slab, [sv + (j * N)])
                        gu = plsc.bitcast(g, jnp.uint32)
                        flo = plsc.bitcast(gu << jnp.uint32(16), jnp.float32)
                        fhi = plsc.bitcast(gu & jnp.uint32(MASK_HI),
                                           jnp.float32)
                        plsc.addupdate_scatter(acc, [dv + (j * N)], flo)
                        plsc.addupdate_scatter(acc, [dv + ((pp + j) * N)], fhi)
            return carry
        lax.fori_loop(0, nblk // 2, pair_body, 0)

        pltpu.sync_copy(acc.at[pl.ds(0, pp * N)],
                        out.at[pl.ds(wid * (pp * N), pp * N)])
        pltpu.sync_copy(acc.at[pl.ds(pp * N, pp * N)],
                        out.at[pl.ds((C // 2 + wid * pp) * N, pp * N)])

    return agg


def _make_deg(N, E, n_workers=32):
    assert E % (n_workers * LANES) == 0
    epw = E // n_workers

    mesh = plsc.VectorSubcoreMesh(core_axis_name="c", subcore_axis_name="s")

    @functools.partial(
        pl.kernel,
        out_type=jax.ShapeDtypeStruct((n_workers, N), jnp.float32),
        mesh=mesh,
        compiler_params=pltpu.CompilerParams(needs_layout_passes=False),
        scratch_types=[
            pltpu.VMEM((N,), jnp.float32),
            pltpu.VMEM((epw,), jnp.int32),
        ],
    )
    def deg(dst_hbm, out, dl, dbuf):
        wid = lax.axis_index("s") * 2 + lax.axis_index("c")

        @plsc.parallel_loop(0, N // LANES, 1, unroll=8)
        def zbody(i):
            dl[pl.ds(i * LANES, LANES)] = jnp.zeros((LANES,), jnp.float32)

        pltpu.sync_copy(dst_hbm.at[pl.ds(wid * epw, epw)], dbuf)

        ones = jnp.full((LANES,), 1.0, jnp.float32)

        @plsc.parallel_loop(0, epw // LANES, 1, unroll=8)
        def ed(i):
            dv = dbuf[pl.ds(i * LANES, LANES)]
            plsc.addupdate_scatter(dl, [dv], ones)

        pltpu.sync_copy(dl, out.at[wid])

    return deg


def _contract00(a, b):
    return lax.dot_general(a, b, (((0,), (0,)), ((), ())),
                           preferred_element_type=jnp.float32)


def _transpose_pack_tc(x):
    N, D = x.shape

    def body(x_ref, xT_ref, packed_ref):
        i0 = lax.broadcasted_iota(jnp.int32, (D, D), 0)
        i1 = lax.broadcasted_iota(jnp.int32, (D, D), 1)
        eye = (i0 == i1).astype(jnp.float32)
        xT = lax.dot_general(eye, x_ref[...], (((1,), (1,)), ((), ())),
                             preferred_element_type=jnp.float32)
        xT_ref[...] = xT
        packed_ref[...] = _pack_pairs(xT)

    return pl.pallas_call(
        body,
        out_shape=(jax.ShapeDtypeStruct((D, N), jnp.float32),
                   jax.ShapeDtypeStruct((D // 2, N), jnp.int32)))(x)


def _wr_term_tc(hT, W_r, b):
    Hh = W_r.shape[1]
    N = hT.shape[1]

    def body(h_ref, wr_ref, b_ref, out_ref):
        out_ref[...] = _contract00(wr_ref[...], h_ref[...]) + b_ref[...]

    return pl.pallas_call(
        body, out_shape=jax.ShapeDtypeStruct((Hh, N), jnp.float32),
    )(hT, W_r, b)


def _combine0_tc(aggT, r_term, degs, W_l):
    Hh, N = r_term.shape

    def body(agg_ref, r_ref, degs_ref, wl_ref, out_ref, packed_ref, inv_ref):
        deg = jnp.sum(degs_ref[...], axis=0, keepdims=True)
        inv = 1.0 / jnp.maximum(deg, 1.0)
        inv_ref[...] = inv
        aggn = agg_ref[...] * inv
        h = jnp.maximum(_contract00(wl_ref[...], aggn) + r_ref[...], 0.0)
        out_ref[...] = h
        packed_ref[...] = _pack_pairs(h)

    return pl.pallas_call(
        body,
        out_shape=(jax.ShapeDtypeStruct((Hh, N), jnp.float32),
                   jax.ShapeDtypeStruct((Hh // 2, N), jnp.int32),
                   jax.ShapeDtypeStruct((1, N), jnp.float32)),
    )(aggT, r_term, degs, W_l)


def _combine_tc(aggT, r_term, inv_deg, W_l):
    Hh, N = r_term.shape

    def body(agg_ref, r_ref, inv_ref, wl_ref, out_ref, packed_ref):
        aggn = agg_ref[...] * inv_ref[...]
        h = jnp.maximum(_contract00(wl_ref[...], aggn) + r_ref[...], 0.0)
        out_ref[...] = h
        packed_ref[...] = _pack_pairs(h)

    return pl.pallas_call(
        body,
        out_shape=(jax.ShapeDtypeStruct((Hh, N), jnp.float32),
                   jax.ShapeDtypeStruct((Hh // 2, N), jnp.int32)),
    )(aggT, r_term, inv_deg, W_l)


def _combine_pool_tc(aggT, r_term, inv_deg, W_l, batch2d, G,
                     W_fc1, b_fc1, W_fc2, b_fc2):
    Hh, N = r_term.shape

    def body(agg_ref, r_ref, inv_ref, wl_ref, batch_ref,
             wf1_ref, bf1_ref, wf2_ref, bf2_ref, out_ref):
        aggn = agg_ref[...] * inv_ref[...]
        h = jnp.maximum(_contract00(wl_ref[...], aggn) + r_ref[...], 0.0)
        gids = lax.broadcasted_iota(jnp.int32, (G, N), 0)
        oh = (batch_ref[...] == gids).astype(jnp.float32)
        pooledT = lax.dot_general(h, oh, (((1,), (1,)), ((), ())),
                                  preferred_element_type=jnp.float32)
        counts = lax.dot_general(jnp.ones((1, N), jnp.float32), oh,
                                 (((1,), (1,)), ((), ())),
                                 preferred_element_type=jnp.float32)
        pooled = pooledT / jnp.maximum(counts, 1.0)
        z1 = jnp.maximum(_contract00(wf1_ref[...], pooled) + bf1_ref[...], 0.0)
        z2 = _contract00(wf2_ref[...], z1) + bf2_ref[...]
        out_ref[...] = 1.0 / (1.0 + jnp.exp(-z2))

    return pl.pallas_call(
        body, out_shape=jax.ShapeDtypeStruct((1, G), jnp.float32),
    )(aggT, r_term, inv_deg, W_l, batch2d, W_fc1, b_fc1, W_fc2, b_fc2)


def kernel(x, edge_index, batch, W_l0, W_r0, b0, W_l1, W_r1, b1,
           W_l2, W_r2, b2, W_fc1, b_fc1, W_fc2, b_fc2):
    N, D = x.shape
    E = edge_index.shape[1]
    H = W_l0.shape[1]
    G = 64

    src = edge_index[0]
    dst = edge_index[1]
    batch2d = batch.reshape(1, N)
    b0c = b0.reshape(H, 1)
    b1c = b1.reshape(H, 1)
    b2c = b2.reshape(H, 1)
    bf1 = b_fc1.reshape(-1, 1)
    bf2 = b_fc2.reshape(1, 1)

    agg_d = _make_agg(D, N, E, eb=8000)
    agg_h = _make_agg(H, N, E, eb=2000)
    deg_k = _make_deg(N, E)

    xT, x_packed = _transpose_pack_tc(x)
    degs = deg_k(dst)

    a0 = agg_d(x_packed.reshape(-1), src, dst).reshape(D, N)
    r0 = _wr_term_tc(xT, W_r0, b0c)
    h1T, h1p, inv_deg = _combine0_tc(a0, r0, degs, W_l0)

    a1 = agg_h(h1p.reshape(-1), src, dst).reshape(H, N)
    r1 = _wr_term_tc(h1T, W_r1, b1c)
    h2T, h2p = _combine_tc(a1, r1, inv_deg, W_l1)

    a2 = agg_h(h2p.reshape(-1), src, dst).reshape(H, N)
    r2 = _wr_term_tc(h2T, W_r2, b2c)
    out = _combine_pool_tc(a2, r2, inv_deg, W_l2, batch2d, G,
                           W_fc1, bf1, W_fc2, bf2)
    return out.reshape(G)

# --- scband reference (transcript-rebuilt; emitter-appended) ---
"""Pipeline reference for scband-graph-sage-88424786690496 (READ-ONLY COPY).

The authoritative reference and input builder live on the scoring server;
editing this copy changes nothing except your own understanding.
"""

import jax, jax.numpy as jnp
import numpy as np

N = 10000
E = 320000
D = 128
H = 256
G = 64


def setup_inputs(seed: int = 0) -> dict:
    key = jax.random.key(seed)
    ks = jax.random.split(key, 20)
    x = jax.random.normal(ks[0], (N, D), dtype=jnp.float32)
    edge_index = jax.random.randint(ks[1], (2, E), 0, N, dtype=jnp.int32)
    batch = jnp.sort(jax.random.randint(ks[2], (N,), 0, G, dtype=jnp.int32))

    def lin(k, fin, fout):
        return jax.random.normal(k, (fin, fout), dtype=jnp.float32) * (1.0 / np.sqrt(fin))

    inp = {
        "x": x,
        "edge_index": edge_index,
        "batch": batch,
        # SAGEConv layer 0: D -> H
        "W_l0": lin(ks[3], D, H),
        "W_r0": lin(ks[4], D, H),
        "b0": jnp.zeros((H,), dtype=jnp.float32),
        # SAGEConv layer 1: H -> H
        "W_l1": lin(ks[5], H, H),
        "W_r1": lin(ks[6], H, H),
        "b1": jnp.zeros((H,), dtype=jnp.float32),
        # SAGEConv layer 2: H -> H
        "W_l2": lin(ks[7], H, H),
        "W_r2": lin(ks[8], H, H),
        "b2": jnp.zeros((H,), dtype=jnp.float32),
        # lin1: H -> H//2, lin2: H//2 -> 1
        "W_fc1": lin(ks[9], H, H // 2),
        "b_fc1": jnp.zeros((H // 2,), dtype=jnp.float32),
        "W_fc2": lin(ks[10], H // 2, 1),
        "b_fc2": jnp.zeros((1,), dtype=jnp.float32),
    }
    return inp


def _sage_conv(x, src, dst, W_l, W_r, b):
    # mean aggregation of neighbor messages (PyG SAGEConv with aggr='mean')
    msg = jnp.take(x, src, axis=0)
    agg = jax.ops.segment_sum(msg, dst, num_segments=N)
    deg = jax.ops.segment_sum(jnp.ones((src.shape[0],), dtype=x.dtype), dst, num_segments=N)
    agg = agg / jnp.maximum(deg, 1.0)[:, None]
    return agg @ W_l + x @ W_r + b


def reference(x, edge_index, batch, W_l0, W_r0, b0, W_l1, W_r1, b1, W_l2, W_r2, b2, W_fc1, b_fc1, W_fc2, b_fc2):
    src = edge_index[0]
    dst = edge_index[1]
    h = x
    h = jax.nn.relu(_sage_conv(h, src, dst, W_l0, W_r0, b0))
    h = jax.nn.relu(_sage_conv(h, src, dst, W_l1, W_r1, b1))
    h = jax.nn.relu(_sage_conv(h, src, dst, W_l2, W_r2, b2))
    # global mean pool over graphs in the batch
    pooled = jax.ops.segment_sum(h, batch, num_segments=G)
    counts = jax.ops.segment_sum(jnp.ones((N,), dtype=h.dtype), batch, num_segments=G)
    pooled = pooled / jnp.maximum(counts, 1.0)[:, None]
    out = jax.nn.relu(pooled @ W_fc1 + b_fc1)
    out = jax.nn.sigmoid(out @ W_fc2 + b_fc2)
    return out.squeeze(-1)

if __name__ == "__main__":
    import jax
    _d = setup_inputs()
    print(jax.jit(kernel)(*tuple(_d.values())))

</pallas_src>

<mosaic_0001>
#map = affine_map<(d0, d1) -> (0)>
module attributes {stable_mosaic.version = 14 : i64} {
  func.func @agg(%arg0: i32, %arg1: i32, %arg2: memref<640000xi32, #tpu.memory_space<hbm>>, %arg3: memref<320000xi32, #tpu.memory_space<hbm>>, %arg4: memref<320000xi32, #tpu.memory_space<hbm>>, %arg5: memref<1280000xf32, #tpu.memory_space<hbm>>, %arg6: memref<20000xi32, #tpu.memory_space<vmem>>, %arg7: memref<40000xf32, #tpu.memory_space<vmem>>, %arg8: memref<8000xi32, #tpu.memory_space<vmem>>, %arg9: memref<8000xi32, #tpu.memory_space<vmem>>, %arg10: memref<8000xi32, #tpu.memory_space<vmem>>, %arg11: memref<8000xi32, #tpu.memory_space<vmem>>, %arg12: memref<!tpu.dma_semaphore, #tpu.memory_space<semaphore_mem>>, %arg13: memref<!tpu.dma_semaphore, #tpu.memory_space<semaphore_mem>>) attributes {dimension_semantics = [#tpu.dimension_semantics<core_parallel>, #tpu.dimension_semantics<subcore_parallel>], iteration_bounds = array<i64: 2, 16>, scalar_prefetch = 0 : i64, scratch_operands = 8 : i64, tpu.core_type = #tpu.core_type<sc_vector_subcore>, window_params = [{transform_indices = #map}, {transform_indices = #map}, {transform_indices = #map}, {transform_indices = #map}]} {
    %mul3A = arith.constant 2 : i32
    %mul3A_0 = arith.muli %arg1, %mul3A : i32
    %add3A = arith.addi %mul3A_0, %arg0 : i32
    %dma_start3A = arith.constant 0 : i32
    %dma_start3A_1 = tpu.memref_slice %arg3[%dma_start3A] : memref<320000xi32, #tpu.memory_space<hbm>> -> memref<8000xi32, #tpu.memory_space<hbm>>
    %dma_start3A_2 = arith.constant 0 : i32
    %dma_start3A_3 = tpu.memref_slice %arg3[%dma_start3A_2] : memref<320000xi32, #tpu.memory_space<hbm>> -> memref<8000xi32, #tpu.memory_space<hbm>>
    tpu.enqueue_dma source(%dma_start3A_3 : memref<8000xi32, #tpu.memory_space<hbm>>) target(%arg8 : memref<8000xi32, #tpu.memory_space<vmem>>) target_semaphore(%arg12 : memref<!tpu.dma_semaphore, #tpu.memory_space<semaphore_mem>>)
    %dma_start3A_4 = arith.constant 0 : i32
    %dma_start3A_5 = tpu.memref_slice %arg4[%dma_start3A_4] : memref<320000xi32, #tpu.memory_space<hbm>> -> memref<8000xi32, #tpu.memory_space<hbm>>
    %dma_start3A_6 = arith.constant 0 : i32
    %dma_start3A_7 = tpu.memref_slice %arg4[%dma_start3A_6] : memref<320000xi32, #tpu.memory_space<hbm>> -> memref<8000xi32, #tpu.memory_space<hbm>>
    tpu.enqueue_dma source(%dma_start3A_7 : memref<8000xi32, #tpu.memory_space<hbm>>) target(%arg10 : memref<8000xi32, #tpu.memory_space<vmem>>) target_semaphore(%arg12 : memref<!tpu.dma_semaphore, #tpu.memory_space<semaphore_mem>>)
    %mul3A_8 = arith.constant 20000 : i32
    %mul3A_9 = arith.muli %add3A, %mul3A_8 : i32
    "tpu.region"() ({
      %run_scoped3A = tpu.sem_alloc : memref<!tpu.dma_semaphore, #tpu.memory_space<semaphore_mem>>
      %dma_start3A_25 = tpu.memref_slice %arg2[%mul3A_9] : memref<640000xi32, #tpu.memory_space<hbm>> -> memref<20000xi32, #tpu.memory_space<hbm>>
      %dma_start3A_26 = tpu.memref_slice %arg2[%mul3A_9] : memref<640000xi32, #tpu.memory_space<hbm>> -> memref<20000xi32, #tpu.memory_space<hbm>>
      tpu.enqueue_dma source(%dma_start3A_26 : memref<20000xi32, #tpu.memory_space<hbm>>) target(%arg6 : memref<20000xi32, #tpu.memory_space<vmem>>) target_semaphore(%run_scoped3A : memref<!tpu.dma_semaphore, #tpu.memory_space<semaphore_mem>>)
      %dma_wait3A = tpu.memref_slice %arg2[%mul3A_9] : memref<640000xi32, #tpu.memory_space<hbm>> -> memref<20000xi32, #tpu.memory_space<hbm>>
      %dma_wait3A_27 = tpu.memref_slice %arg2[%mul3A_9] : memref<640000xi32, #tpu.memory_space<hbm>> -> memref<20000xi32, #tpu.memory_space<hbm>>
      tpu.wait_dma2 semaphore(%run_scoped3A : memref<!tpu.dma_semaphore, #tpu.memory_space<semaphore_mem>>) src(%dma_wait3A_27 : memref<20000xi32, #tpu.memory_space<hbm>>) dst(%arg6 : memref<20000xi32, #tpu.memory_space<vmem>>)
      tpu.yield
    }) : () -> ()
    %parallel_loop3A = arith.constant 0 : i32
    %parallel_loop3A_10 = arith.constant 2500 : i32
    %parallel_loop3A_11 = arith.constant 1 : i32
    scf.for %parallel_loop3A_25 = %parallel_loop3A to %parallel_loop3A_10 step %parallel_loop3A_11  : i32 {
      %parallel_loop3A_26 = arith.constant 0.000000e+00 : f32
      %parallel_loop3A_27 = vector.broadcast %parallel_loop3A_26 : f32 to vector<16xf32>
      %parallel_loop3A_28 = arith.constant 16 : i32
      %parallel_loop3A_29 = arith.muli %parallel_loop3A_25, %parallel_loop3A_28 : i32
      %parallel_loop3A_30 = arith.index_cast %parallel_loop3A_29 : i32 to index
      %parallel_loop3A_31 = tpu.vector_load %arg7[%parallel_loop3A_30] {strides = array<i32>} : memref<40000xf32, #tpu.memory_space<vmem>>, vector<16xf32>,
      tpu.vector_store %arg7[%parallel_loop3A_30], %parallel_loop3A_27 {strides = array<i32>} : memref<40000xf32, #tpu.memory_space<vmem>>, vector<16xf32>,
    } {sc.loop_unroll_factor = 8 : i64, sc.parallel_access}
    %scan3A = arith.constant 0 : i32
    %scan3A_12 = arith.constant 0 : i32
    %scan3A_13 = arith.constant 20 : i32
    %scan3A_14 = arith.addi %scan3A_12, %scan3A_13 : i32
    %scan3A_15 = arith.constant 1 : i32
    scf.for %scan3A_25 = %scan3A_12 to %scan3A_14 step %scan3A_15  : i32 {
      %mul3A_26 = arith.constant 2 : i32
      %mul3A_27 = arith.muli %scan3A_25, %mul3A_26 : i32
      %add3A_28 = arith.constant 0 : i32
      %add3A_29 = arith.addi %mul3A_27, %add3A_28 : i32
      %dma_wait3A = arith.constant 0 : i32
      %dma_wait3A_30 = tpu.memref_slice %arg3[%dma_wait3A] : memref<320000xi32, #tpu.memory_space<hbm>> -> memref<8000xi32, #tpu.memory_space<hbm>>
      %dma_wait3A_31 = arith.constant 0 : i32
      %dma_wait3A_32 = tpu.memref_slice %arg3[%dma_wait3A_31] : memref<320000xi32, #tpu.memory_space<hbm>> -> memref<8000xi32, #tpu.memory_space<hbm>>
      tpu.wait_dma2 semaphore(%arg12 : memref<!tpu.dma_semaphore, #tpu.memory_space<semaphore_mem>>) src(%dma_wait3A_32 : memref<8000xi32, #tpu.memory_space<hbm>>) dst(%arg8 : memref<8000xi32, #tpu.memory_space<vmem>>)
      %dma_wait3A_33 = arith.constant 0 : i32
      %dma_wait3A_34 = tpu.memref_slice %arg4[%dma_wait3A_33] : memref<320000xi32, #tpu.memory_space<hbm>> -> memref<8000xi32, #tpu.memory_space<hbm>>
      %dma_wait3A_35 = arith.constant 0 : i32
      %dma_wait3A_36 = tpu.memref_slice %arg4[%dma_wait3A_35] : memref<320000xi32, #tpu.memory_space<hbm>> -> memref<8000xi32, #tpu.memory_space<hbm>>
      tpu.wait_dma2 semaphore(%arg12 : memref<!tpu.dma_semaphore, #tpu.memory_space<semaphore_mem>>) src(%dma_wait3A_36 : memref<8000xi32, #tpu.memory_space<hbm>>) dst(%arg10 : memref<8000xi32, #tpu.memory_space<vmem>>)
      %add3A_37 = arith.constant 1 : i32
      %add3A_38 = arith.addi %add3A_29, %add3A_37 : i32
      %lt3A = arith.constant 40 : i32
      %lt3A_39 = arith.cmpi slt, %add3A_38, %lt3A : i32
      %convert_element_type3A = arith.extui %lt3A_39 : i1 to i32
      %cond3A = arith.constant 0 : i32
      %cond3A_40 = arith.cmpi ne, %convert_element_type3A, %cond3A : i32
      scf.if %cond3A_40 {
        %add3A_66 = arith.constant 1 : i32
        %add3A_67 = arith.addi %add3A_29, %add3A_66 : i32
        %mul3A_68 = arith.constant 8000 : i32
        %mul3A_69 = arith.muli %add3A_67, %mul3A_68 : i32
        %dma_start3A_70 = tpu.memref_slice %arg3[%mul3A_69] : memref<320000xi32, #tpu.memory_space<hbm>> -> memref<8000xi32, #tpu.memory_space<hbm>>
        %dma_start3A_71 = tpu.memref_slice %arg3[%mul3A_69] : memref<320000xi32, #tpu.memory_space<hbm>> -> memref<8000xi32, #tpu.memory_space<hbm>>
        tpu.enqueue_dma source(%dma_start3A_71 : memref<8000xi32, #tpu.memory_space<hbm>>) target(%arg9 : memref<8000xi32, #tpu.memory_space<vmem>>) target_semaphore(%arg13 : memref<!tpu.dma_semaphore, #tpu.memory_space<semaphore_mem>>)
        %mul3A_72 = arith.constant 8000 : i32
        %mul3A_73 = arith.muli %add3A_67, %mul3A_72 : i32
        %dma_start3A_74 = tpu.memref_slice %arg4[%mul3A_73] : memref<320000xi32, #tpu.memory_space<hbm>> -> memref<8000xi32, #tpu.memory_space<hbm>>
        %dma_start3A_75 = tpu.memref_slice %arg4[%mul3A_73] : memref<320000xi32, #tpu.memory_space<hbm>> -> memref<8000xi32, #tpu.memory_space<hbm>>
        tpu.enqueue_dma source(%dma_start3A_75 : memref<8000xi32, #tpu.memory_space<hbm>>) target(%arg11 : memref<8000xi32, #tpu.memory_space<vmem>>) target_semaphore(%arg13 : memref<!tpu.dma_semaphore, #tpu.memory_space<semaphore_mem>>)
      } else {
      }
      %parallel_loop3A_41 = arith.constant 0 : i32
      %parallel_loop3A_42 = arith.constant 500 : i32
      %parallel_loop3A_43 = arith.constant 1 : i32
      scf.for %parallel_loop3A_66 = %parallel_loop3A_41 to %parallel_loop3A_42 step %parallel_loop3A_43  : i32 {
        %parallel_loop3A_67 = arith.constant 16 : i32
        %parallel_loop3A_68 = arith.muli %parallel_loop3A_66, %parallel_loop3A_67 : i32
        %parallel_loop3A_69 = arith.index_cast %parallel_loop3A_68 : i32 to index
        %parallel_loop3A_70 = tpu.vector_load %arg8[%parallel_loop3A_69] {strides = array<i32>} : memref<8000xi32, #tpu.memory_space<vmem>>, vector<16xi32>,
        %parallel_loop3A_71 = arith.constant 16 : i32
        %parallel_loop3A_72 = arith.muli %parallel_loop3A_66, %parallel_loop3A_71 : i32
        %parallel_loop3A_73 = arith.index_cast %parallel_loop3A_72 : i32 to index
        %parallel_loop3A_74 = tpu.vector_load %arg10[%parallel_loop3A_73] {strides = array<i32>} : memref<8000xi32, #tpu.memory_space<vmem>>, vector<16xi32>,
        %parallel_loop3A_75 = arith.constant 0 : i32
        %parallel_loop3A_76 = vector.broadcast %parallel_loop3A_75 : i32 to vector<16xi32>
        %parallel_loop3A_77 = arith.addi %parallel_loop3A_70, %parallel_loop3A_76 : vector<16xi32>
        %parallel_loop3A_78 = tpu.vector_load_idx %arg6[%parallel_loop3A_77] : memref<20000xi32, #tpu.memory_space<vmem>>[vector<16xi32>], vector<16xi32>,
        %parallel_loop3A_79 = vector.bitcast %parallel_loop3A_78 : vector<16xi32> to vector<16xi32>
        %parallel_loop3A_80 = arith.constant 16 : i32
        %parallel_loop3A_81 = vector.broadcast %parallel_loop3A_80 : i32 to vector<16xi32>
        %parallel_loop3A_82 = arith.shli %parallel_loop3A_79, %parallel_loop3A_81 : vector<16xi32>
        %parallel_loop3A_83 = vector.bitcast %parallel_loop3A_82 : vector<16xi32> to vector<16xf32>
        %parallel_loop3A_84 = arith.constant -65536 : i32
        %parallel_loop3A_85 = vector.broadcast %parallel_loop3A_84 : i32 to vector<16xi32>
        %parallel_loop3A_86 = arith.andi %parallel_loop3A_79, %parallel_loop3A_85 : vector<16xi32>
        %parallel_loop3A_87 = vector.bitcast %parallel_loop3A_86 : vector<16xi32> to vector<16xf32>
        %parallel_loop3A_88 = arith.constant 0 : i32
        %parallel_loop3A_89 = vector.broadcast %parallel_loop3A_88 : i32 to vector<16xi32>
        %parallel_loop3A_90 = arith.addi %parallel_loop3A_74, %parallel_loop3A_89 : vector<16xi32>
        tpu.vector_store_idx %arg7[%parallel_loop3A_90], %parallel_loop3A_83 {add = true} : memref<40000xf32, #tpu.memory_space<vmem>>[vector<16xi32>], vector<16xf32>,
        %parallel_loop3A_91 = arith.constant 20000 : i32
        %parallel_loop3A_92 = vector.broadcast %parallel_loop3A_91 : i32 to vector<16xi32>
        %parallel_loop3A_93 = arith.addi %parallel_loop3A_74, %parallel_loop3A_92 : vector<16xi32>
        tpu.vector_store_idx %arg7[%parallel_loop3A_93], %parallel_loop3A_87 {add = true} : memref<40000xf32, #tpu.memory_space<vmem>>[vector<16xi32>], vector<16xf32>,
        %parallel_loop3A_94 = arith.constant 10000 : i32
        %parallel_loop3A_95 = vector.broadcast %parallel_loop3A_94 : i32 to vector<16xi32>
        %parallel_loop3A_96 = arith.addi %parallel_loop3A_70, %parallel_loop3A_95 : vector<16xi32>
        %parallel_loop3A_97 = tpu.vector_load_idx %arg6[%parallel_loop3A_96] : memref<20000xi32, #tpu.memory_space<vmem>>[vector<16xi32>], vector<16xi32>,
        %parallel_loop3A_98 = vector.bitcast %parallel_loop3A_97 : vector<16xi32> to vector<16xi32>
        %parallel_loop3A_99 = arith.constant 16 : i32
        %parallel_loop3A_100 = vector.broadcast %parallel_loop3A_99 : i32 to vector<16xi32>
        %parallel_loop3A_101 = arith.shli %parallel_loop3A_98, %parallel_loop3A_100 : vector<16xi32>
        %parallel_loop3A_102 = vector.bitcast %parallel_loop3A_101 : vector<16xi32> to vector<16xf32>
        %parallel_loop3A_103 = arith.constant -65536 : i32
        %parallel_loop3A_104 = vector.broadcast %parallel_loop3A_103 : i32 to vector<16xi32>
        %parallel_loop3A_105 = arith.andi %parallel_loop3A_98, %parallel_loop3A_104 : vector<16xi32>
        %parallel_loop3A_106 = vector.bitcast %parallel_loop3A_105 : vector<16xi32> to vector<16xf32>
        %parallel_loop3A_107 = arith.constant 10000 : i32
        %parallel_loop3A_108 = vector.broadcast %parallel_loop3A_107 : i32 to vector<16xi32>
        %parallel_loop3A_109 = arith.addi %parallel_loop3A_74, %parallel_loop3A_108 : vector<16xi32>
        tpu.vector_store_idx %arg7[%parallel_loop3A_109], %parallel_loop3A_102 {add = true} : memref<40000xf32, #tpu.memory_space<vmem>>[vector<16xi32>], vector<16xf32>,
        %parallel_loop3A_110 = arith.constant 30000 : i32
        %parallel_loop3A_111 = vector.broadcast %parallel_loop3A_110 : i32 to vector<16xi32>
        %parallel_loop3A_112 = arith.addi %parallel_loop3A_74, %parallel_loop3A_111 : vector<16xi32>
        tpu.vector_store_idx %arg7[%parallel_loop3A_112], %parallel_loop3A_106 {add = true} : memref<40000xf32, #tpu.memory_space<vmem>>[vector<16xi32>], vector<16xf32>,
      } {sc.loop_unroll_factor = 8 : i64, sc.parallel_access}
      %mul3A_44 = arith.constant 2 : i32
      %mul3A_45 = arith.muli %scan3A_25, %mul3A_44 : i32
      %add3A_46 = arith.constant 1 : i32
      %add3A_47 = arith.addi %mul3A_45, %add3A_46 : i32
      %dma_wait3A_48 = arith.constant 0 : i32
      %dma_wait3A_49 = tpu.memref_slice %arg3[%dma_wait3A_48] : memref<320000xi32, #tpu.memory_space<hbm>> -> memref<8000xi32, #tpu.memory_space<hbm>>
      %dma_wait3A_50 = arith.constant 0 : i32
      %dma_wait3A_51 = tpu.memref_slice %arg3[%dma_wait3A_50] : memref<320000xi32, #tpu.memory_space<hbm>> -> memref<8000xi32, #tpu.memory_space<hbm>>
      tpu.wait_dma2 semaphore(%arg13 : memref<!tpu.dma_semaphore, #tpu.memory_space<semaphore_mem>>) src(%dma_wait3A_51 : memref<8000xi32, #tpu.memory_space<hbm>>) dst(%arg9 : memref<8000xi32, #tpu.memory_space<vmem>>)
      %dma_wait3A_52 = arith.constant 0 : i32
      %dma_wait3A_53 = tpu.memref_slice %arg4[%dma_wait3A_52] : memref<320000xi32, #tpu.memory_space<hbm>> -> memref<8000xi32, #tpu.memory_space<hbm>>
      %dma_wait3A_54 = arith.constant 0 : i32
      %dma_wait3A_55 = tpu.memref_slice %arg4[%dma_wait3A_54] : memref<320000xi32, #tpu.memory_space<hbm>> -> memref<8000xi32, #tpu.memory_space<hbm>>
      tpu.wait_dma2 semaphore(%arg13 : memref<!tpu.dma_semaphore, #tpu.memory_space<semaphore_mem>>) src(%dma_wait3A_55 : memref<8000xi32, #tpu.memory_space<hbm>>) dst(%arg11 : memref<8000xi32, #tpu.memory_space<vmem>>)
      %add3A_56 = arith.constant 1 : i32
      %add3A_57 = arith.addi %add3A_47, %add3A_56 : i32
      %lt3A_58 = arith.constant 40 : i32
      %lt3A_59 = arith.cmpi slt, %add3A_57, %lt3A_58 : i32
      %convert_element_type3A_60 = arith.extui %lt3A_59 : i1 to i32
      %cond3A_61 = arith.constant 0 : i32
      %cond3A_62 = arith.cmpi ne, %convert_element_type3A_60, %cond3A_61 : i32
      scf.if %cond3A_62 {
        %add3A_66 = arith.constant 1 : i32
        %add3A_67 = arith.addi %add3A_47, %add3A_66 : i32
        %mul3A_68 = arith.constant 8000 : i32
        %mul3A_69 = arith.muli %add3A_67, %mul3A_68 : i32
        %dma_start3A_70 = tpu.memref_slice %arg3[%mul3A_69] : memref<320000xi32, #tpu.memory_space<hbm>> -> memref<8000xi32, #tpu.memory_space<hbm>>
        %dma_start3A_71 = tpu.memref_slice %arg3[%mul3A_69] : memref<320000xi32, #tpu.memory_space<hbm>> -> memref<8000xi32, #tpu.memory_space<hbm>>
        tpu.enqueue_dma source(%dma_start3A_71 : memref<8000xi32, #tpu.memory_space<hbm>>) target(%arg8 : memref<8000xi32, #tpu.memory_space<vmem>>) target_semaphore(%arg12 : memref<!tpu.dma_semaphore, #tpu.memory_space<semaphore_mem>>)
        %mul3A_72 = arith.constant 8000 : i32
        %mul3A_73 = arith.muli %add3A_67, %mul3A_72 : i32
        %dma_start3A_74 = tpu.memref_slice %arg4[%mul3A_73] : memref<320000xi32, #tpu.memory_space<hbm>> -> memref<8000xi32, #tpu.memory_space<hbm>>
        %dma_start3A_75 = tpu.memref_slice %arg4[%mul3A_73] : memref<320000xi32, #tpu.memory_space<hbm>> -> memref<8000xi32, #tpu.memory_space<hbm>>
        tpu.enqueue_dma source(%dma_start3A_75 : memref<8000xi32, #tpu.memory_space<hbm>>) target(%arg10 : memref<8000xi32, #tpu.memory_space<vmem>>) target_semaphore(%arg12 : memref<!tpu.dma_semaphore, #tpu.memory_space<semaphore_mem>>)
      } else {
      }
      %parallel_loop3A_63 = arith.constant 0 : i32
      %parallel_loop3A_64 = arith.constant 500 : i32
      %parallel_loop3A_65 = arith.constant 1 : i32
      scf.for %parallel_loop3A_66 = %parallel_loop3A_63 to %parallel_loop3A_64 step %parallel_loop3A_65  : i32 {
        %parallel_loop3A_67 = arith.constant 16 : i32
        %parallel_loop3A_68 = arith.muli %parallel_loop3A_66, %parallel_loop3A_67 : i32
        %parallel_loop3A_69 = arith.index_cast %parallel_loop3A_68 : i32 to index
        %parallel_loop3A_70 = tpu.vector_load %arg9[%parallel_loop3A_69] {strides = array<i32>} : memref<8000xi32, #tpu.memory_space<vmem>>, vector<16xi32>,
        %parallel_loop3A_71 = arith.constant 16 : i32
        %parallel_loop3A_72 = arith.muli %parallel_loop3A_66, %parallel_loop3A_71 : i32
        %parallel_loop3A_73 = arith.index_cast %parallel_loop3A_72 : i32 to index
        %parallel_loop3A_74 = tpu.vector_load %arg11[%parallel_loop3A_73] {strides = array<i32>} : memref<8000xi32, #tpu.memory_space<vmem>>, vector<16xi32>,
        %parallel_loop3A_75 = arith.constant 0 : i32
        %parallel_loop3A_76 = vector.broadcast %parallel_loop3A_75 : i32 to vector<16xi32>
        %parallel_loop3A_77 = arith.addi %parallel_loop3A_70, %parallel_loop3A_76 : vector<16xi32>
        %parallel_loop3A_78 = tpu.vector_load_idx %arg6[%parallel_loop3A_77] : memref<20000xi32, #tpu.memory_space<vmem>>[vector<16xi32>], vector<16xi32>,
        %parallel_loop3A_79 = vector.bitcast %parallel_loop3A_78 : vector<16xi32> to vector<16xi32>
        %parallel_loop3A_80 = arith.constant 16 : i32
        %parallel_loop3A_81 = vector.broadcast %parallel_loop3A_80 : i32 to vector<16xi32>
        %parallel_loop3A_82 = arith.shli %parallel_loop3A_79, %parallel_loop3A_81 : vector<16xi32>
        %parallel_loop3A_83 = vector.bitcast %parallel_loop3A_82 : vector<16xi32> to vector<16xf32>
        %parallel_loop3A_84 = arith.constant -65536 : i32
        %parallel_loop3A_85 = vector.broadcast %parallel_loop3A_84 : i32 to vector<16xi32>
        %parallel_loop3A_86 = arith.andi %parallel_loop3A_79, %parallel_loop3A_85 : vector<16xi32>
        %parallel_loop3A_87 = vector.bitcast %parallel_loop3A_86 : vector<16xi32> to vector<16xf32>
        %parallel_loop3A_88 = arith.constant 0 : i32
        %parallel_loop3A_89 = vector.broadcast %parallel_loop3A_88 : i32 to vector<16xi32>
        %parallel_loop3A_90 = arith.addi %parallel_loop3A_74, %parallel_loop3A_89 : vector<16xi32>
        tpu.vector_store_idx %arg7[%parallel_loop3A_90], %parallel_loop3A_83 {add = true} : memref<40000xf32, #tpu.memory_space<vmem>>[vector<16xi32>], vector<16xf32>,
        %parallel_loop3A_91 = arith.constant 20000 : i32
        %parallel_loop3A_92 = vector.broadcast %parallel_loop3A_91 : i32 to vector<16xi32>
        %parallel_loop3A_93 = arith.addi %parallel_loop3A_74, %parallel_loop3A_92 : vector<16xi32>
        tpu.vector_store_idx %arg7[%parallel_loop3A_93], %parallel_loop3A_87 {add = true} : memref<40000xf32, #tpu.memory_space<vmem>>[vector<16xi32>], vector<16xf32>,
        %parallel_loop3A_94 = arith.constant 10000 : i32
        %parallel_loop3A_95 = vector.broadcast %parallel_loop3A_94 : i32 to vector<16xi32>
        %parallel_loop3A_96 = arith.addi %parallel_loop3A_70, %parallel_loop3A_95 : vector<16xi32>
        %parallel_loop3A_97 = tpu.vector_load_idx %arg6[%parallel_loop3A_96] : memref<20000xi32, #tpu.memory_space<vmem>>[vector<16xi32>], vector<16xi32>,
        %parallel_loop3A_98 = vector.bitcast %parallel_loop3A_97 : vector<16xi32> to vector<16xi32>
        %parallel_loop3A_99 = arith.constant 16 : i32
        %parallel_loop3A_100 = vector.broadcast %parallel_loop3A_99 : i32 to vector<16xi32>
        %parallel_loop3A_101 = arith.shli %parallel_loop3A_98, %parallel_loop3A_100 : vector<16xi32>
        %parallel_loop3A_102 = vector.bitcast %parallel_loop3A_101 : vector<16xi32> to vector<16xf32>
        %parallel_loop3A_103 = arith.constant -65536 : i32
        %parallel_loop3A_104 = vector.broadcast %parallel_loop3A_103 : i32 to vector<16xi32>
        %parallel_loop3A_105 = arith.andi %parallel_loop3A_98, %parallel_loop3A_104 : vector<16xi32>
        %parallel_loop3A_106 = vector.bitcast %parallel_loop3A_105 : vector<16xi32> to vector<16xf32>
        %parallel_loop3A_107 = arith.constant 10000 : i32
        %parallel_loop3A_108 = vector.broadcast %parallel_loop3A_107 : i32 to vector<16xi32>
        %parallel_loop3A_109 = arith.addi %parallel_loop3A_74, %parallel_loop3A_108 : vector<16xi32>
        tpu.vector_store_idx %arg7[%parallel_loop3A_109], %parallel_loop3A_102 {add = true} : memref<40000xf32, #tpu.memory_space<vmem>>[vector<16xi32>], vector<16xf32>,
        %parallel_loop3A_110 = arith.constant 30000 : i32
        %parallel_loop3A_111 = vector.broadcast %parallel_loop3A_110 : i32 to vector<16xi32>
        %parallel_loop3A_112 = arith.addi %parallel_loop3A_74, %parallel_loop3A_111 : vector<16xi32>
        tpu.vector_store_idx %arg7[%parallel_loop3A_112], %parallel_loop3A_106 {add = true} : memref<40000xf32, #tpu.memory_space<vmem>>[vector<16xi32>], vector<16xf32>,
      } {sc.loop_unroll_factor = 8 : i64, sc.parallel_access}
    }
    %scan3A_16 = arith.constant 20 : i32
    %mul3A_17 = arith.constant 20000 : i32
    %mul3A_18 = arith.muli %add3A, %mul3A_17 : i32
    "tpu.region"() ({
      %run_scoped3A = tpu.sem_alloc : memref<!tpu.dma_semaphore, #tpu.memory_space<semaphore_mem>>
      %dma_start3A_25 = arith.constant 0 : i32
      %dma_start3A_26 = tpu.memref_slice %arg7[%dma_start3A_25] : memref<40000xf32, #tpu.memory_space<vmem>> -> memref<20000xf32, #tpu.memory_space<vmem>>
      %dma_start3A_27 = tpu.memref_slice %arg5[%mul3A_18] : memref<1280000xf32, #tpu.memory_space<hbm>> -> memref<20000xf32, #tpu.memory_space<hbm>>
      %dma_start3A_28 = tpu.memref_slice %arg5[%mul3A_18] : memref<1280000xf32, #tpu.memory_space<hbm>> -> memref<20000xf32, #tpu.memory_space<hbm>>
      %dma_start3A_29 = arith.constant 0 : i32
      %dma_start3A_30 = tpu.memref_slice %arg7[%dma_start3A_29] : memref<40000xf32, #tpu.memory_space<vmem>> -> memref<20000xf32, #tpu.memory_space<vmem>>
      tpu.enqueue_dma source(%dma_start3A_30 : memref<20000xf32, #tpu.memory_space<vmem>>) target(%dma_start3A_28 : memref<20000xf32, #tpu.memory_space<hbm>>) target_semaphore(%run_scoped3A : memref<!tpu.dma_semaphore, #tpu.memory_space<semaphore_mem>>)
      %dma_wait3A = arith.constant 0 : i32
      %dma_wait3A_31 = tpu.memref_slice %arg7[%dma_wait3A] : memref<40000xf32, #tpu.memory_space<vmem>> -> memref<20000xf32, #tpu.memory_space<vmem>>
      %dma_wait3A_32 = tpu.memref_slice %arg5[%mul3A_18] : memref<1280000xf32, #tpu.memory_space<hbm>> -> memref<20000xf32, #tpu.memory_space<hbm>>
      %dma_wait3A_33 = tpu.memref_slice %arg5[%mul3A_18] : memref<1280000xf32, #tpu.memory_space<hbm>> -> memref<20000xf32, #tpu.memory_space<hbm>>
      %dma_wait3A_34 = arith.constant 0 : i32
      %dma_wait3A_35 = tpu.memref_slice %arg7[%dma_wait3A_34] : memref<40000xf32, #tpu.memory_space<vmem>> -> memref<20000xf32, #tpu.memory_space<vmem>>
      tpu.wait_dma2 semaphore(%run_scoped3A : memref<!tpu.dma_semaphore, #tpu.memory_space<semaphore_mem>>) src(%dma_wait3A_35 : memref<20000xf32, #tpu.memory_space<vmem>>) dst(%dma_wait3A_33 : memref<20000xf32, #tpu.memory_space<hbm>>)
      tpu.yield
    }) : () -> ()
    %mul3A_19 = arith.constant 2 : i32
    %mul3A_20 = arith.muli %add3A, %mul3A_19 : i32
    %add3A_21 = arith.constant 64 : i32
    %add3A_22 = arith.addi %add3A_21, %mul3A_20 : i32
    %mul3A_23 = arith.constant 10000 : i32
    %mul3A_24 = arith.muli %add3A_22, %mul3A_23 : i32
    "tpu.region"() ({
      %run_scoped3A = tpu.sem_alloc : memref<!tpu.dma_semaphore, #tpu.memory_space<semaphore_mem>>
      %dma_start3A_25 = arith.constant 20000 : i32
      %dma_start3A_26 = tpu.memref_slice %arg7[%dma_start3A_25] : memref<40000xf32, #tpu.memory_space<vmem>> -> memref<20000xf32, #tpu.memory_space<vmem>>
      %dma_start3A_27 = tpu.memref_slice %arg5[%mul3A_24] : memref<1280000xf32, #tpu.memory_space<hbm>> -> memref<20000xf32, #tpu.memory_space<hbm>>
      %dma_start3A_28 = tpu.memref_slice %arg5[%mul3A_24] : memref<1280000xf32, #tpu.memory_space<hbm>> -> memref<20000xf32, #tpu.memory_space<hbm>>
      %dma_start3A_29 = arith.constant 20000 : i32
      %dma_start3A_30 = tpu.memref_slice %arg7[%dma_start3A_29] : memref<40000xf32, #tpu.memory_space<vmem>> -> memref<20000xf32, #tpu.memory_space<vmem>>
      tpu.enqueue_dma source(%dma_start3A_30 : memref<20000xf32, #tpu.memory_space<vmem>>) target(%dma_start3A_28 : memref<20000xf32, #tpu.memory_space<hbm>>) target_semaphore(%run_scoped3A : memref<!tpu.dma_semaphore, #tpu.memory_space<semaphore_mem>>)
      %dma_wait3A = arith.constant 20000 : i32
      %dma_wait3A_31 = tpu.memref_slice %arg7[%dma_wait3A] : memref<40000xf32, #tpu.memory_space<vmem>> -> memref<20000xf32, #tpu.memory_space<vmem>>
      %dma_wait3A_32 = tpu.memref_slice %arg5[%mul3A_24] : memref<1280000xf32, #tpu.memory_space<hbm>> -> memref<20000xf32, #tpu.memory_space<hbm>>
      %dma_wait3A_33 = tpu.memref_slice %arg5[%mul3A_24] : memref<1280000xf32, #tpu.memory_space<hbm>> -> memref<20000xf32, #tpu.memory_space<hbm>>
      %dma_wait3A_34 = arith.constant 20000 : i32
      %dma_wait3A_35 = tpu.memref_slice %arg7[%dma_wait3A_34] : memref<40000xf32, #tpu.memory_space<vmem>> -> memref<20000xf32, #tpu.memory_space<vmem>>
      tpu.wait_dma2 semaphore(%run_scoped3A : memref<!tpu.dma_semaphore, #tpu.memory_space<semaphore_mem>>) src(%dma_wait3A_35 : memref<20000xf32, #tpu.memory_space<vmem>>) dst(%dma_wait3A_33 : memref<20000xf32, #tpu.memory_space<hbm>>)
      tpu.yield
    }) : () -> ()
    return
  }
}

#map = affine_map<(d0, d1) -> (0)>
module attributes {stable_mosaic.version = 14 : i64} {
  func.func @agg(%arg0: i32, %arg1: i32, %arg2: memref<1280000xi32, #tpu.memory_space<hbm>>, %arg3: memref<320000xi32, #tpu.memory_space<hbm>>, %arg4: memref<320000xi32, #tpu.memory_space<hbm>>, %arg5: memref<2560000xf32, #tpu.memory_space<hbm>>, %arg6: memref<40000xi32, #tpu.memory_space<vmem>>, %arg7: memref<80000xf32, #tpu.memory_space<vmem>>, %arg8: memref<2000xi32, #tpu.memory_space<vmem>>, %arg9: memref<2000xi32, #tpu.memory_space<vmem>>, %arg10: memref<2000xi32, #tpu.memory_space<vmem>>, %arg11: memref<2000xi32, #tpu.memory_space<vmem>>, %arg12: memref<!tpu.dma_semaphore, #tpu.memory_space<semaphore_mem>>, %arg13: memref<!tpu.dma_semaphore, #tpu.memory_space<semaphore_mem>>) attributes {dimension_semantics = [#tpu.dimension_semantics<core_parallel>, #tpu.dimension_semantics<subcore_parallel>], iteration_bounds = array<i64: 2, 16>, scalar_prefetch = 0 : i64, scratch_operands = 8 : i64, tpu.core_type = #tpu.core_type<sc_vector_subcore>, window_params = [{transform_indices = #map}, {transform_indices = #map}, {transform_indices = #map}, {transform_indices = #map}]} {
    %mul3A = arith.constant 2 : i32
    %mul3A_0 = arith.muli %arg1, %mul3A : i32
    %add3A = arith.addi %mul3A_0, %arg0 : i32
    %dma_start3A = arith.constant 0 : i32
    %dma_start3A_1 = tpu.memref_slice %arg3[%dma_start3A] : memref<320000xi32, #tpu.memory_space<hbm>> -> memref<2000xi32, #tpu.memory_space<hbm>>
    %dma_start3A_2 = arith.constant 0 : i32
    %dma_start3A_3 = tpu.memref_slice %arg3[%dma_start3A_2] : memref<320000xi32, #tpu.memory_space<hbm>> -> memref<2000xi32, #tpu.memory_space<hbm>>
    tpu.enqueue_dma source(%dma_start3A_3 : memref<2000xi32, #tpu.memory_space<hbm>>) target(%arg8 : memref<2000xi32, #tpu.memory_space<vmem>>) target_semaphore(%arg12 : memref<!tpu.dma_semaphore, #tpu.memory_space<semaphore_mem>>)
    %dma_start3A_4 = arith.constant 0 : i32
    %dma_start3A_5 = tpu.memref_slice %arg4[%dma_start3A_4] : memref<320000xi32, #tpu.memory_space<hbm>> -> memref<2000xi32, #tpu.memory_space<hbm>>
    %dma_start3A_6 = arith.constant 0 : i32
    %dma_start3A_7 = tpu.memref_slice %arg4[%dma_start3A_6] : memref<320000xi32, #tpu.memory_space<hbm>> -> memref<2000xi32, #tpu.memory_space<hbm>>
    tpu.enqueue_dma source(%dma_start3A_7 : memref<2000xi32, #tpu.memory_space<hbm>>) target(%arg10 : memref<2000xi32, #tpu.memory_space<vmem>>) target_semaphore(%arg12 : memref<!tpu.dma_semaphore, #tpu.memory_space<semaphore_mem>>)
    %mul3A_8 = arith.constant 40000 : i32
    %mul3A_9 = arith.muli %add3A, %mul3A_8 : i32
    "tpu.region"() ({
      %run_scoped3A = tpu.sem_alloc : memref<!tpu.dma_semaphore, #tpu.memory_space<semaphore_mem>>
      %dma_start3A_25 = tpu.memref_slice %arg2[%mul3A_9] : memref<1280000xi32, #tpu.memory_space<hbm>> -> memref<40000xi32, #tpu.memory_space<hbm>>
      %dma_start3A_26 = tpu.memref_slice %arg2[%mul3A_9] : memref<1280000xi32, #tpu.memory_space<hbm>> -> memref<40000xi32, #tpu.memory_space<hbm>>
      tpu.enqueue_dma source(%dma_start3A_26 : memref<40000xi32, #tpu.memory_space<hbm>>) target(%arg6 : memref<40000xi32, #tpu.memory_space<vmem>>) target_semaphore(%run_scoped3A : memref<!tpu.dma_semaphore, #tpu.memory_space<semaphore_mem>>)
      %dma_wait3A = tpu.memref_slice %arg2[%mul3A_9] : memref<1280000xi32, #tpu.memory_space<hbm>> -> memref<40000xi32, #tpu.memory_space<hbm>>
      %dma_wait3A_27 = tpu.memref_slice %arg2[%mul3A_9] : memref<1280000xi32, #tpu.memory_space<hbm>> -> memref<40000xi32, #tpu.memory_space<hbm>>
      tpu.wait_dma2 semaphore(%run_scoped3A : memref<!tpu.dma_semaphore, #tpu.memory_space<semaphore_mem>>) src(%dma_wait3A_27 : memref<40000xi32, #tpu.memory_space<hbm>>) dst(%arg6 : memref<40000xi32, #tpu.memory_space<vmem>>)
      tpu.yield
    }) : () -> ()
    %parallel_loop3A = arith.constant 0 : i32
    %parallel_loop3A_10 = arith.constant 5000 : i32
    %parallel_loop3A_11 = arith.constant 1 : i32
    scf.for %parallel_loop3A_25 = %parallel_loop3A to %parallel_loop3A_10 step %parallel_loop3A_11  : i32 {
      %parallel_loop3A_26 = arith.constant 0.000000e+00 : f32
      %parallel_loop3A_27 = vector.broadcast %parallel_loop3A_26 : f32 to vector<16xf32>
      %parallel_loop3A_28 = arith.constant 16 : i32
      %parallel_loop3A_29 = arith.muli %parallel_loop3A_25, %parallel_loop3A_28 : i32
      %parallel_loop3A_30 = arith.index_cast %parallel_loop3A_29 : i32 to index
      %parallel_loop3A_31 = tpu.vector_load %arg7[%parallel_loop3A_30] {strides = array<i32>} : memref<80000xf32, #tpu.memory_space<vmem>>, vector<16xf32>,
      tpu.vector_store %arg7[%parallel_loop3A_30], %parallel_loop3A_27 {strides = array<i32>} : memref<80000xf32, #tpu.memory_space<vmem>>, vector<16xf32>,
    } {sc.loop_unroll_factor = 8 : i64, sc.parallel_access}
    %scan3A = arith.constant 0 : i32
    %scan3A_12 = arith.constant 0 : i32
    %scan3A_13 = arith.constant 80 : i32
    %scan3A_14 = arith.addi %scan3A_12, %scan3A_13 : i32
    %scan3A_15 = arith.constant 1 : i32
    scf.for %scan3A_25 = %scan3A_12 to %scan3A_14 step %scan3A_15  : i32 {
      %mul3A_26 = arith.constant 2 : i32
      %mul3A_27 = arith.muli %scan3A_25, %mul3A_26 : i32
      %add3A_28 = arith.constant 0 : i32
      %add3A_29 = arith.addi %mul3A_27, %add3A_28 : i32
      %dma_wait3A = arith.constant 0 : i32
      %dma_wait3A_30 = tpu.memref_slice %arg3[%dma_wait3A] : memref<320000xi32, #tpu.memory_space<hbm>> -> memref<2000xi32, #tpu.memory_space<hbm>>
      %dma_wait3A_31 = arith.constant 0 : i32
      %dma_wait3A_32 = tpu.memref_slice %arg3[%dma_wait3A_31] : memref<320000xi32, #tpu.memory_space<hbm>> -> memref<2000xi32, #tpu.memory_space<hbm>>
      tpu.wait_dma2 semaphore(%arg12 : memref<!tpu.dma_semaphore, #tpu.memory_space<semaphore_mem>>) src(%dma_wait3A_32 : memref<2000xi32, #tpu.memory_space<hbm>>) dst(%arg8 : memref<2000xi32, #tpu.memory_space<vmem>>)
      %dma_wait3A_33 = arith.constant 0 : i32
      %dma_wait3A_34 = tpu.memref_slice %arg4[%dma_wait3A_33] : memref<320000xi32, #tpu.memory_space<hbm>> -> memref<2000xi32, #tpu.memory_space<hbm>>
      %dma_wait3A_35 = arith.constant 0 : i32
      %dma_wait3A_36 = tpu.memref_slice %arg4[%dma_wait3A_35] : memref<320000xi32, #tpu.memory_space<hbm>> -> memref<2000xi32, #tpu.memory_space<hbm>>
      tpu.wait_dma2 semaphore(%arg12 : memref<!tpu.dma_semaphore, #tpu.memory_space<semaphore_mem>>) src(%dma_wait3A_36 : memref<2000xi32, #tpu.memory_space<hbm>>) dst(%arg10 : memref<2000xi32, #tpu.memory_space<vmem>>)
      %add3A_37 = arith.constant 1 : i32
      %add3A_38 = arith.addi %add3A_29, %add3A_37 : i32
      %lt3A = arith.constant 160 : i32
      %lt3A_39 = arith.cmpi slt, %add3A_38, %lt3A : i32
      %convert_element_type3A = arith.extui %lt3A_39 : i1 to i32
      %cond3A = arith.constant 0 : i32
      %cond3A_40 = arith.cmpi ne, %convert_element_type3A, %cond3A : i32
      scf.if %cond3A_40 {
        %add3A_66 = arith.constant 1 : i32
        %add3A_67 = arith.addi %add3A_29, %add3A_66 : i32
        %mul3A_68 = arith.constant 2000 : i32
        %mul3A_69 = arith.muli %add3A_67, %mul3A_68 : i32
        %dma_start3A_70 = tpu.memref_slice %arg3[%mul3A_69] : memref<320000xi32, #tpu.memory_space<hbm>> -> memref<2000xi32, #tpu.memory_space<hbm>>
        %dma_start3A_71 = tpu.memref_slice %arg3[%mul3A_69] : memref<320000xi32, #tpu.memory_space<hbm>> -> memref<2000xi32, #tpu.memory_space<hbm>>
        tpu.enqueue_dma source(%dma_start3A_71 : memref<2000xi32, #tpu.memory_space<hbm>>) target(%arg9 : memref<2000xi32, #tpu.memory_space<vmem>>) target_semaphore(%arg13 : memref<!tpu.dma_semaphore, #tpu.memory_space<semaphore_mem>>)
        %mul3A_72 = arith.constant 2000 : i32
        %mul3A_73 = arith.muli %add3A_67, %mul3A_72 : i32
        %dma_start3A_74 = tpu.memref_slice %arg4[%mul3A_73] : memref<320000xi32, #tpu.memory_space<hbm>> -> memref<2000xi32, #tpu.memory_space<hbm>>
        %dma_start3A_75 = tpu.memref_slice %arg4[%mul3A_73] : memref<320000xi32, #tpu.memory_space<hbm>> -> memref<2000xi32, #tpu.memory_space<hbm>>
        tpu.enqueue_dma source(%dma_start3A_75 : memref<2000xi32, #tpu.memory_space<hbm>>) target(%arg11 : memref<2000xi32, #tpu.memory_space<vmem>>) target_semaphore(%arg13 : memref<!tpu.dma_semaphore, #tpu.memory_space<semaphore_mem>>)
      } else {
      }
      %parallel_loop3A_41 = arith.constant 0 : i32
      %parallel_loop3A_42 = arith.constant 125 : i32
      %parallel_loop3A_43 = arith.constant 1 : i32
      scf.for %parallel_loop3A_66 = %parallel_loop3A_41 to %parallel_loop3A_42 step %parallel_loop3A_43  : i32 {
        %parallel_loop3A_67 = arith.constant 16 : i32
        %parallel_loop3A_68 = arith.muli %parallel_loop3A_66, %parallel_loop3A_67 : i32
        %parallel_loop3A_69 = arith.index_cast %parallel_loop3A_68 : i32 to index
        %parallel_loop3A_70 = tpu.vector_load %arg8[%parallel_loop3A_69] {strides = array<i32>} : memref<2000xi32, #tpu.memory_space<vmem>>, vector<16xi32>,
        %parallel_loop3A_71 = arith.constant 16 : i32
        %parallel_loop3A_72 = arith.muli %parallel_loop3A_66, %parallel_loop3A_71 : i32
        %parallel_loop3A_73 = arith.index_cast %parallel_loop3A_72 : i32 to index
        %parallel_loop3A_74 = tpu.vector_load %arg10[%parallel_loop3A_73] {strides = array<i32>} : memref<2000xi32, #tpu.memory_space<vmem>>, vector<16xi32>,
        %parallel_loop3A_75 = arith.constant 0 : i32
        %parallel_loop3A_76 = vector.broadcast %parallel_loop3A_75 : i32 to vector<16xi32>
        %parallel_loop3A_77 = arith.addi %parallel_loop3A_70, %parallel_loop3A_76 : vector<16xi32>
        %parallel_loop3A_78 = tpu.vector_load_idx %arg6[%parallel_loop3A_77] : memref<40000xi32, #tpu.memory_space<vmem>>[vector<16xi32>], vector<16xi32>,
        %parallel_loop3A_79 = vector.bitcast %parallel_loop3A_78 : vector<16xi32> to vector<16xi32>
        %parallel_loop3A_80 = arith.constant 16 : i32
        %parallel_loop3A_81 = vector.broadcast %parallel_loop3A_80 : i32 to vector<16xi32>
        %parallel_loop3A_82 = arith.shli %parallel_loop3A_79, %parallel_loop3A_81 : vector<16xi32>
        %parallel_loop3A_83 = vector.bitcast %parallel_loop3A_82 : vector<16xi32> to vector<16xf32>
        %parallel_loop3A_84 = arith.constant -65536 : i32
        %parallel_loop3A_85 = vector.broadcast %parallel_loop3A_84 : i32 to vector<16xi32>
        %parallel_loop3A_86 = arith.andi %parallel_loop3A_79, %parallel_loop3A_85 : vector<16xi32>
        %parallel_loop3A_87 = vector.bitcast %parallel_loop3A_86 : vector<16xi32> to vector<16xf32>
        %parallel_loop3A_88 = arith.constant 0 : i32
        %parallel_loop3A_89 = vector.broadcast %parallel_loop3A_88 : i32 to vector<16xi32>
        %parallel_loop3A_90 = arith.addi %parallel_loop3A_74, %parallel_loop3A_89 : vector<16xi32>
        tpu.vector_store_idx %arg7[%parallel_loop3A_90], %parallel_loop3A_83 {add = true} : memref<80000xf32, #tpu.memory_space<vmem>>[vector<16xi32>], vector<16xf32>,
        %parallel_loop3A_91 = arith.constant 40000 : i32
        %parallel_loop3A_92 = vector.broadcast %parallel_loop3A_91 : i32 to vector<16xi32>
        %parallel_loop3A_93 = arith.addi %parallel_loop3A_74, %parallel_loop3A_92 : vector<16xi32>
        tpu.vector_store_idx %arg7[%parallel_loop3A_93], %parallel_loop3A_87 {add = true} : memref<80000xf32, #tpu.memory_space<vmem>>[vector<16xi32>], vector<16xf32>,
        %parallel_loop3A_94 = arith.constant 10000 : i32
        %parallel_loop3A_95 = vector.broadcast %parallel_loop3A_94 : i32 to vector<16xi32>
        %parallel_loop3A_96 = arith.addi %parallel_loop3A_70, %parallel_loop3A_95 : vector<16xi32>
        %parallel_loop3A_97 = tpu.vector_load_idx %arg6[%parallel_loop3A_96] : memref<40000xi32, #tpu.memory_space<vmem>>[vector<16xi32>], vector<16xi32>,
        %parallel_loop3A_98 = vector.bitcast %parallel_loop3A_97 : vector<16xi32> to vector<16xi32>
        %parallel_loop3A_99 = arith.constant 16 : i32
        %parallel_loop3A_100 = vector.broadcast %parallel_loop3A_99 : i32 to vector<16xi32>
        %parallel_loop3A_101 = arith.shli %parallel_loop3A_98, %parallel_loop3A_100 : vector<16xi32>
        %parallel_loop3A_102 = vector.bitcast %parallel_loop3A_101 : vector<16xi32> to vector<16xf32>
        %parallel_loop3A_103 = arith.constant -65536 : i32
        %parallel_loop3A_104 = vector.broadcast %parallel_loop3A_103 : i32 to vector<16xi32>
        %parallel_loop3A_105 = arith.andi %parallel_loop3A_98, %parallel_loop3A_104 : vector<16xi32>
        %parallel_loop3A_106 = vector.bitcast %parallel_loop3A_105 : vector<16xi32> to vector<16xf32>
        %parallel_loop3A_107 = arith.constant 10000 : i32
        %parallel_loop3A_108 = vector.broadcast %parallel_loop3A_107 : i32 to vector<16xi32>
        %parallel_loop3A_109 = arith.addi %parallel_loop3A_74, %parallel_loop3A_108 : vector<16xi32>
        tpu.vector_store_idx %arg7[%parallel_loop3A_109], %parallel_loop3A_102 {add = true} : memref<80000xf32, #tpu.memory_space<vmem>>[vector<16xi32>], vector<16xf32>,
        %parallel_loop3A_110 = arith.constant 50000 : i32
        %parallel_loop3A_111 = vector.broadcast %parallel_loop3A_110 : i32 to vector<16xi32>
        %parallel_loop3A_112 = arith.addi %parallel_loop3A_74, %parallel_loop3A_111 : vector<16xi32>
        tpu.vector_store_idx %arg7[%parallel_loop3A_112], %parallel_loop3A_106 {add = true} : memref<80000xf32, #tpu.memory_space<vmem>>[vector<16xi32>], vector<16xf32>,
        %parallel_loop3A_113 = arith.constant 20000 : i32
        %parallel_loop3A_114 = vector.broadcast %parallel_loop3A_113 : i32 to vector<16xi32>
        %parallel_loop3A_115 = arith.addi %parallel_loop3A_70, %parallel_loop3A_114 : vector<16xi32>
        %parallel_loop3A_116 = tpu.vector_load_idx %arg6[%parallel_loop3A_115] : memref<40000xi32, #tpu.memory_space<vmem>>[vector<16xi32>], vector<16xi32>,
        %parallel_loop3A_117 = vector.bitcast %parallel_loop3A_116 : vector<16xi32> to vector<16xi32>
        %parallel_loop3A_118 = arith.constant 16 : i32
        %parallel_loop3A_119 = vector.broadcast %parallel_loop3A_118 : i32 to vector<16xi32>
        %parallel_loop3A_120 = arith.shli %parallel_loop3A_117, %parallel_loop3A_119 : vector<16xi32>
        %parallel_loop3A_121 = vector.bitcast %parallel_loop3A_120 : vector<16xi32> to vector<16xf32>
        %parallel_loop3A_122 = arith.constant -65536 : i32
        %parallel_loop3A_123 = vector.broadcast %parallel_loop3A_122 : i32 to vector<16xi32>
        %parallel_loop3A_124 = arith.andi %parallel_loop3A_117, %parallel_loop3A_123 : vector<16xi32>
        %parallel_loop3A_125 = vector.bitcast %parallel_loop3A_124 : vector<16xi32> to vector<16xf32>
        %parallel_loop3A_126 = arith.constant 20000 : i32
        %parallel_loop3A_127 = vector.broadcast %parallel_loop3A_126 : i32 to vector<16xi32>
        %parallel_loop3A_128 = arith.addi %parallel_loop3A_74, %parallel_loop3A_127 : vector<16xi32>
        tpu.vector_store_idx %arg7[%parallel_loop3A_128], %parallel_loop3A_121 {add = true} : memref<80000xf32, #tpu.memory_space<vmem>>[vector<16xi32>], vector<16xf32>,
        %parallel_loop3A_129 = arith.constant 60000 : i32
        %parallel_loop3A_130 = vector.broadcast %parallel_loop3A_129 : i32 to vector<16xi32>
        %parallel_loop3A_131 = arith.addi %parallel_loop3A_74, %parallel_loop3A_130 : vector<16xi32>
        tpu.vector_store_idx %arg7[%parallel_loop3A_131], %parallel_loop3A_125 {add = true} : memref<80000xf32, #tpu.memory_space<vmem>>[vector<16xi32>], vector<16xf32>,
        %parallel_loop3A_132 = arith.constant 30000 : i32
        %parallel_loop3A_133 = vector.broadcast %parallel_loop3A_132 : i32 to vector<16xi32>
        %parallel_loop3A_134 = arith.addi %parallel_loop3A_70, %parallel_loop3A_133 : vector<16xi32>
        %parallel_loop3A_135 = tpu.vector_load_idx %arg6[%parallel_loop3A_134] : memref<40000xi32, #tpu.memory_space<vmem>>[vector<16xi32>], vector<16xi32>,
        %parallel_loop3A_136 = vector.bitcast %parallel_loop3A_135 : vector<16xi32> to vector<16xi32>
        %parallel_loop3A_137 = arith.constant 16 : i32
        %parallel_loop3A_138 = vector.broadcast %parallel_loop3A_137 : i32 to vector<16xi32>
        %parallel_loop3A_139 = arith.shli %parallel_loop3A_136, %parallel_loop3A_138 : vector<16xi32>
        %parallel_loop3A_140 = vector.bitcast %parallel_loop3A_139 : vector<16xi32> to vector<16xf32>
        %parallel_loop3A_141 = arith.constant -65536 : i32
        %parallel_loop3A_142 = vector.broadcast %parallel_loop3A_141 : i32 to vector<16xi32>
        %parallel_loop3A_143 = arith.andi %parallel_loop3A_136, %parallel_loop3A_142 : vector<16xi32>
        %parallel_loop3A_144 = vector.bitcast %parallel_loop3A_143 : vector<16xi32> to vector<16xf32>
        %parallel_loop3A_145 = arith.constant 30000 : i32
        %parallel_loop3A_146 = vector.broadcast %parallel_loop3A_145 : i32 to vector<16xi32>
        %parallel_loop3A_147 = arith.addi %parallel_loop3A_74, %parallel_loop3A_146 : vector<16xi32>
        tpu.vector_store_idx %arg7[%parallel_loop3A_147], %parallel_loop3A_140 {add = true} : memref<80000xf32, #tpu.memory_space<vmem>>[vector<16xi32>], vector<16xf32>,
        %parallel_loop3A_148 = arith.constant 70000 : i32
        %parallel_loop3A_149 = vector.broadcast %parallel_loop3A_148 : i32 to vector<16xi32>
        %parallel_loop3A_150 = arith.addi %parallel_loop3A_74, %parallel_loop3A_149 : vector<16xi32>
        tpu.vector_store_idx %arg7[%parallel_loop3A_150], %parallel_loop3A_144 {add = true} : memref<80000xf32, #tpu.memory_space<vmem>>[vector<16xi32>], vector<16xf32>,
      } {sc.loop_unroll_factor = 8 : i64, sc.parallel_access}
      %mul3A_44 = arith.constant 2 : i32
      %mul3A_45 = arith.muli %scan3A_25, %mul3A_44 : i32
      %add3A_46 = arith.constant 1 : i32
      %add3A_47 = arith.addi %mul3A_45, %add3A_46 : i32
      %dma_wait3A_48 = arith.constant 0 : i32
      %dma_wait3A_49 = tpu.memref_slice %arg3[%dma_wait3A_48] : memref<320000xi32, #tpu.memory_space<hbm>> -> memref<2000xi32, #tpu.memory_space<hbm>>
      %dma_wait3A_50 = arith.constant 0 : i32
      %dma_wait3A_51 = tpu.memref_slice %arg3[%dma_wait3A_50] : memref<320000xi32, #tpu.memory_space<hbm>> -> memref<2000xi32, #tpu.memory_space<hbm>>
      tpu.wait_dma2 semaphore(%arg13 : memref<!tpu.dma_semaphore, #tpu.memory_space<semaphore_mem>>) src(%dma_wait3A_51 : memref<2000xi32, #tpu.memory_space<hbm>>) dst(%arg9 : memref<2000xi32, #tpu.memory_space<vmem>>)
      %dma_wait3A_52 = arith.constant 0 : i32
      %dma_wait3A_53 = tpu.memref_slice %arg4[%dma_wait3A_52] : memref<320000xi32, #tpu.memory_space<hbm>> -> memref<2000xi32, #tpu.memory_space<hbm>>
      %dma_wait3A_54 = arith.constant 0 : i32
      %dma_wait3A_55 = tpu.memref_slice %arg4[%dma_wait3A_54] : memref<320000xi32, #tpu.memory_space<hbm>> -> memref<2000xi32, #tpu.memory_space<hbm>>
      tpu.wait_dma2 semaphore(%arg13 : memref<!tpu.dma_semaphore, #tpu.memory_space<semaphore_mem>>) src(%dma_wait3A_55 : memref<2000xi32, #tpu.memory_space<hbm>>) dst(%arg11 : memref<2000xi32, #tpu.memory_space<vmem>>)
      %add3A_56 = arith.constant 1 : i32
      %add3A_57 = arith.addi %add3A_47, %add3A_56 : i32
      %lt3A_58 = arith.constant 160 : i32
      %lt3A_59 = arith.cmpi slt, %add3A_57, %lt3A_58 : i32
      %convert_element_type3A_60 = arith.extui %lt3A_59 : i1 to i32
      %cond3A_61 = arith.constant 0 : i32
      %cond3A_62 = arith.cmpi ne, %convert_element_type3A_60, %cond3A_61 : i32
      scf.if %cond3A_62 {
        %add3A_66 = arith.constant 1 : i32
        %add3A_67 = arith.addi %add3A_47, %add3A_66 : i32
        %mul3A_68 = arith.constant 2000 : i32
        %mul3A_69 = arith.muli %add3A_67, %mul3A_68 : i32
        %dma_start3A_70 = tpu.memref_slice %arg3[%mul3A_69] : memref<320000xi32, #tpu.memory_space<hbm>> -> memref<2000xi32, #tpu.memory_space<hbm>>
        %dma_start3A_71 = tpu.memref_slice %arg3[%mul3A_69] : memref<320000xi32, #tpu.memory_space<hbm>> -> memref<2000xi32, #tpu.memory_space<hbm>>
        tpu.enqueue_dma source(%dma_start3A_71 : memref<2000xi32, #tpu.memory_space<hbm>>) target(%arg8 : memref<2000xi32, #tpu.memory_space<vmem>>) target_semaphore(%arg12 : memref<!tpu.dma_semaphore, #tpu.memory_space<semaphore_mem>>)
        %mul3A_72 = arith.constant 2000 : i32
        %mul3A_73 = arith.muli %add3A_67, %mul3A_72 : i32
        %dma_start3A_74 = tpu.memref_slice %arg4[%mul3A_73] : memref<320000xi32, #tpu.memory_space<hbm>> -> memref<2000xi32, #tpu.memory_space<hbm>>
        %dma_start3A_75 = tpu.memref_slice %arg4[%mul3A_73] : memref<320000xi32, #tpu.memory_space<hbm>> -> memref<2000xi32, #tpu.memory_space<hbm>>
        tpu.enqueue_dma source(%dma_start3A_75 : memref<2000xi32, #tpu.memory_space<hbm>>) target(%arg10 : memref<2000xi32, #tpu.memory_space<vmem>>) target_semaphore(%arg12 : memref<!tpu.dma_semaphore, #tpu.memory_space<semaphore_mem>>)
      } else {
      }
      %parallel_loop3A_63 = arith.constant 0 : i32
      %parallel_loop3A_64 = arith.constant 125 : i32
      %parallel_loop3A_65 = arith.constant 1 : i32
      scf.for %parallel_loop3A_66 = %parallel_loop3A_63 to %parallel_loop3A_64 step %parallel_loop3A_65  : i32 {
        %parallel_loop3A_67 = arith.constant 16 : i32
        %parallel_loop3A_68 = arith.muli %parallel_loop3A_66, %parallel_loop3A_67 : i32
        %parallel_loop3A_69 = arith.index_cast %parallel_loop3A_68 : i32 to index
        %parallel_loop3A_70 = tpu.vector_load %arg9[%parallel_loop3A_69] {strides = array<i32>} : memref<2000xi32, #tpu.memory_space<vmem>>, vector<16xi32>,
        %parallel_loop3A_71 = arith.constant 16 : i32
        %parallel_loop3A_72 = arith.muli %parallel_loop3A_66, %parallel_loop3A_71 : i32
        %parallel_loop3A_73 = arith.index_cast %parallel_loop3A_72 : i32 to index
        %parallel_loop3A_74 = tpu.vector_load %arg11[%parallel_loop3A_73] {strides = array<i32>} : memref<2000xi32, #tpu.memory_space<vmem>>, vector<16xi32>,
        %parallel_loop3A_75 = arith.constant 0 : i32
        %parallel_loop3A_76 = vector.broadcast %parallel_loop3A_75 : i32 to vector<16xi32>
        %parallel_loop3A_77 = arith.addi %parallel_loop3A_70, %parallel_loop3A_76 : vector<16xi32>
        %parallel_loop3A_78 = tpu.vector_load_idx %arg6[%parallel_loop3A_77] : memref<40000xi32, #tpu.memory_space<vmem>>[vector<16xi32>], vector<16xi32>,
        %parallel_loop3A_79 = vector.bitcast %parallel_loop3A_78 : vector<16xi32> to vector<16xi32>
        %parallel_loop3A_80 = arith.constant 16 : i32
        %parallel_loop3A_81 = vector.broadcast %parallel_loop3A_80 : i32 to vector<16xi32>
        %parallel_loop3A_82 = arith.shli %parallel_loop3A_79, %parallel_loop3A_81 : vector<16xi32>
        %parallel_loop3A_83 = vector.bitcast %parallel_loop3A_82 : vector<16xi32> to vector<16xf32>
        %parallel_loop3A_84 = arith.constant -65536 : i32
        %parallel_loop3A_85 = vector.broadcast %parallel_loop3A_84 : i32 to vector<16xi32>
        %parallel_loop3A_86 = arith.andi %parallel_loop3A_79, %parallel_loop3A_85 : vector<16xi32>
        %parallel_loop3A_87 = vector.bitcast %parallel_loop3A_86 : vector<16xi32> to vector<16xf32>
        %parallel_loop3A_88 = arith.constant 0 : i32
        %parallel_loop3A_89 = vector.broadcast %parallel_loop3A_88 : i32 to vector<16xi32>
        %parallel_loop3A_90 = arith.addi %parallel_loop3A_74, %parallel_loop3A_89 : vector<16xi32>
        tpu.vector_store_idx %arg7[%parallel_loop3A_90], %parallel_loop3A_83 {add = true} : memref<80000xf32, #tpu.memory_space<vmem>>[vector<16xi32>], vector<16xf32>,
        %parallel_loop3A_91 = arith.constant 40000 : i32
        %parallel_loop3A_92 = vector.broadcast %parallel_loop3A_91 : i32 to vector<16xi32>
        %parallel_loop3A_93 = arith.addi %parallel_loop3A_74, %parallel_loop3A_92 : vector<16xi32>
        tpu.vector_store_idx %arg7[%parallel_loop3A_93], %parallel_loop3A_87 {add = true} : memref<80000xf32, #tpu.memory_space<vmem>>[vector<16xi32>], vector<16xf32>,
        %parallel_loop3A_94 = arith.constant 10000 : i32
        %parallel_loop3A_95 = vector.broadcast %parallel_loop3A_94 : i32 to vector<16xi32>
        %parallel_loop3A_96 = arith.addi %parallel_loop3A_70, %parallel_loop3A_95 : vector<16xi32>
        %parallel_loop3A_97 = tpu.vector_load_idx %arg6[%parallel_loop3A_96] : memref<40000xi32, #tpu.memory_space<vmem>>[vector<16xi32>], vector<16xi32>,
        %parallel_loop3A_98 = vector.bitcast %parallel_loop3A_97 : vector<16xi32> to vector<16xi32>
        %parallel_loop3A_99 = arith.constant 16 : i32
        %parallel_loop3A_100 = vector.broadcast %parallel_loop3A_99 : i32 to vector<16xi32>
        %parallel_loop3A_101 = arith.shli %parallel_loop3A_98, %parallel_loop3A_100 : vector<16xi32>
        %parallel_loop3A_102 = vector.bitcast %parallel_loop3A_101 : vector<16xi32> to vector<16xf32>
        %parallel_loop3A_103 = arith.constant -65536 : i32
        %parallel_loop3A_104 = vector.broadcast %parallel_loop3A_103 : i32 to vector<16xi32>
        %parallel_loop3A_105 = arith.andi %parallel_loop3A_98, %parallel_loop3A_104 : vector<16xi32>
        %parallel_loop3A_106 = vector.bitcast %parallel_loop3A_105 : vector<16xi32> to vector<16xf32>
        %parallel_loop3A_107 = arith.constant 10000 : i32
        %parallel_loop3A_108 = vector.broadcast %parallel_loop3A_107 : i32 to vector<16xi32>
        %parallel_loop3A_109 = arith.addi %parallel_loop3A_74, %parallel_loop3A_108 : vector<16xi32>
        tpu.vector_store_idx %arg7[%parallel_loop3A_109], %parallel_loop3A_102 {add = true} : memref<80000xf32, #tpu.memory_space<vmem>>[vector<16xi32>], vector<16xf32>,
        %parallel_loop3A_110 = arith.constant 50000 : i32
        %parallel_loop3A_111 = vector.broadcast %parallel_loop3A_110 : i32 to vector<16xi32>
        %parallel_loop3A_112 = arith.addi %parallel_loop3A_74, %parallel_loop3A_111 : vector<16xi32>
        tpu.vector_store_idx %arg7[%parallel_loop3A_112], %parallel_loop3A_106 {add = true} : memref<80000xf32, #tpu.memory_space<vmem>>[vector<16xi32>], vector<16xf32>,
        %parallel_loop3A_113 = arith.constant 20000 : i32
        %parallel_loop3A_114 = vector.broadcast %parallel_loop3A_113 : i32 to vector<16xi32>
        %parallel_loop3A_115 = arith.addi %parallel_loop3A_70, %parallel_loop3A_114 : vector<16xi32>
        %parallel_loop3A_116 = tpu.vector_load_idx %arg6[%parallel_loop3A_115] : memref<40000xi32, #tpu.memory_space<vmem>>[vector<16xi32>], vector<16xi32>,
        %parallel_loop3A_117 = vector.bitcast %parallel_loop3A_116 : vector<16xi32> to vector<16xi32>
        %parallel_loop3A_118 = arith.constant 16 : i32
        %parallel_loop3A_119 = vector.broadcast %parallel_loop3A_118 : i32 to vector<16xi32>
        %parallel_loop3A_120 = arith.shli %parallel_loop3A_117, %parallel_loop3A_119 : vector<16xi32>
        %parallel_loop3A_121 = vector.bitcast %parallel_loop3A_120 : vector<16xi32> to vector<16xf32>
        %parallel_loop3A_122 = arith.constant -65536 : i32
        %parallel_loop3A_123 = vector.broadcast %parallel_loop3A_122 : i32 to vector<16xi32>
        %parallel_loop3A_124 = arith.andi %parallel_loop3A_117, %parallel_loop3A_123 : vector<16xi32>
        %parallel_loop3A_125 = vector.bitcast %parallel_loop3A_124 : vector<16xi32> to vector<16xf32>
        %parallel_loop3A_126 = arith.constant 20000 : i32
        %parallel_loop3A_127 = vector.broadcast %parallel_loop3A_126 : i32 to vector<16xi32>
        %parallel_loop3A_128 = arith.addi %parallel_loop3A_74, %parallel_loop3A_127 : vector<16xi32>
        tpu.vector_store_idx %arg7[%parallel_loop3A_128], %parallel_loop3A_121 {add = true} : memref<80000xf32, #tpu.memory_space<vmem>>[vector<16xi32>], vector<16xf32>,
        %parallel_loop3A_129 = arith.constant 60000 : i32
        %parallel_loop3A_130 = vector.broadcast %parallel_loop3A_129 : i32 to vector<16xi32>
        %parallel_loop3A_131 = arith.addi %parallel_loop3A_74, %parallel_loop3A_130 : vector<16xi32>
        tpu.vector_store_idx %arg7[%parallel_loop3A_131], %parallel_loop3A_125 {add = true} : memref<80000xf32, #tpu.memory_space<vmem>>[vector<16xi32>], vector<16xf32>,
        %parallel_loop3A_132 = arith.constant 30000 : i32
        %parallel_loop3A_133 = vector.broadcast %parallel_loop3A_132 : i32 to vector<16xi32>
        %parallel_loop3A_134 = arith.addi %parallel_loop3A_70, %parallel_loop3A_133 : vector<16xi32>
        %parallel_loop3A_135 = tpu.vector_load_idx %arg6[%parallel_loop3A_134] : memref<40000xi32, #tpu.memory_space<vmem>>[vector<16xi32>], vector<16xi32>,
        %parallel_loop3A_136 = vector.bitcast %parallel_loop3A_135 : vector<16xi32> to vector<16xi32>
        %parallel_loop3A_137 = arith.constant 16 : i32
        %parallel_loop3A_138 = vector.broadcast %parallel_loop3A_137 : i32 to vector<16xi32>
        %parallel_loop3A_139 = arith.shli %parallel_loop3A_136, %parallel_loop3A_138 : vector<16xi32>
        %parallel_loop3A_140 = vector.bitcast %parallel_loop3A_139 : vector<16xi32> to vector<16xf32>
        %parallel_loop3A_141 = arith.constant -65536 : i32
        %parallel_loop3A_142 = vector.broadcast %parallel_loop3A_141 : i32 to vector<16xi32>
        %parallel_loop3A_143 = arith.andi %parallel_loop3A_136, %parallel_loop3A_142 : vector<16xi32>
        %parallel_loop3A_144 = vector.bitcast %parallel_loop3A_143 : vector<16xi32> to vector<16xf32>
        %parallel_loop3A_145 = arith.constant 30000 : i32
        %parallel_loop3A_146 = vector.broadcast %parallel_loop3A_145 : i32 to vector<16xi32>
        %parallel_loop3A_147 = arith.addi %parallel_loop3A_74, %parallel_loop3A_146 : vector<16xi32>
        tpu.vector_store_idx %arg7[%parallel_loop3A_147], %parallel_loop3A_140 {add = true} : memref<80000xf32, #tpu.memory_space<vmem>>[vector<16xi32>], vector<16xf32>,
        %parallel_loop3A_148 = arith.constant 70000 : i32
        %parallel_loop3A_149 = vector.broadcast %parallel_loop3A_148 : i32 to vector<16xi32>
        %parallel_loop3A_150 = arith.addi %parallel_loop3A_74, %parallel_loop3A_149 : vector<16xi32>
        tpu.vector_store_idx %arg7[%parallel_loop3A_150], %parallel_loop3A_144 {add = true} : memref<80000xf32, #tpu.memory_space<vmem>>[vector<16xi32>], vector<16xf32>,
      } {sc.loop_unroll_factor = 8 : i64, sc.parallel_access}
    }
    %scan3A_16 = arith.constant 80 : i32
    %mul3A_17 = arith.constant 40000 : i32
    %mul3A_18 = arith.muli %add3A, %mul3A_17 : i32
    "tpu.region"() ({
      %run_scoped3A = tpu.sem_alloc : memref<!tpu.dma_semaphore, #tpu.memory_space<semaphore_mem>>
      %dma_start3A_25 = arith.constant 0 : i32
      %dma_start3A_26 = tpu.memref_slice %arg7[%dma_start3A_25] : memref<80000xf32, #tpu.memory_space<vmem>> -> memref<40000xf32, #tpu.memory_space<vmem>>
      %dma_start3A_27 = tpu.memref_slice %arg5[%mul3A_18] : memref<2560000xf32, #tpu.memory_space<hbm>> -> memref<40000xf32, #tpu.memory_space<hbm>>
      %dma_start3A_28 = tpu.memref_slice %arg5[%mul3A_18] : memref<2560000xf32, #tpu.memory_space<hbm>> -> memref<40000xf32, #tpu.memory_space<hbm>>
      %dma_start3A_29 = arith.constant 0 : i32
      %dma_start3A_30 = tpu.memref_slice %arg7[%dma_start3A_29] : memref<80000xf32, #tpu.memory_space<vmem>> -> memref<40000xf32, #tpu.memory_space<vmem>>
      tpu.enqueue_dma source(%dma_start3A_30 : memref<40000xf32, #tpu.memory_space<vmem>>) target(%dma_start3A_28 : memref<40000xf32, #tpu.memory_space<hbm>>) target_semaphore(%run_scoped3A : memref<!tpu.dma_semaphore, #tpu.memory_space<semaphore_mem>>)
      %dma_wait3A = arith.constant 0 : i32
      %dma_wait3A_31 = tpu.memref_slice %arg7[%dma_wait3A] : memref<80000xf32, #tpu.memory_space<vmem>> -> memref<40000xf32, #tpu.memory_space<vmem>>
      %dma_wait3A_32 = tpu.memref_slice %arg5[%mul3A_18] : memref<2560000xf32, #tpu.memory_space<hbm>> -> memref<40000xf32, #tpu.memory_space<hbm>>
      %dma_wait3A_33 = tpu.memref_slice %arg5[%mul3A_18] : memref<2560000xf32, #tpu.memory_space<hbm>> -> memref<40000xf32, #tpu.memory_space<hbm>>
      %dma_wait3A_34 = arith.constant 0 : i32
      %dma_wait3A_35 = tpu.memref_slice %arg7[%dma_wait3A_34] : memref<80000xf32, #tpu.memory_space<vmem>> -> memref<40000xf32, #tpu.memory_space<vmem>>
      tpu.wait_dma2 semaphore(%run_scoped3A : memref<!tpu.dma_semaphore, #tpu.memory_space<semaphore_mem>>) src(%dma_wait3A_35 : memref<40000xf32, #tpu.memory_space<vmem>>) dst(%dma_wait3A_33 : memref<40000xf32, #tpu.memory_space<hbm>>)
      tpu.yield
    }) : () -> ()
    %mul3A_19 = arith.constant 4 : i32
    %mul3A_20 = arith.muli %add3A, %mul3A_19 : i32
    %add3A_21 = arith.constant 128 : i32
    %add3A_22 = arith.addi %add3A_21, %mul3A_20 : i32
    %mul3A_23 = arith.constant 10000 : i32
    %mul3A_24 = arith.muli %add3A_22, %mul3A_23 : i32
    "tpu.region"() ({
      %run_scoped3A = tpu.sem_alloc : memref<!tpu.dma_semaphore, #tpu.memory_space<semaphore_mem>>
      %dma_start3A_25 = arith.constant 40000 : i32
      %dma_start3A_26 = tpu.memref_slice %arg7[%dma_start3A_25] : memref<80000xf32, #tpu.memory_space<vmem>> -> memref<40000xf32, #tpu.memory_space<vmem>>
      %dma_start3A_27 = tpu.memref_slice %arg5[%mul3A_24] : memref<2560000xf32, #tpu.memory_space<hbm>> -> memref<40000xf32, #tpu.memory_space<hbm>>
      %dma_start3A_28 = tpu.memref_slice %arg5[%mul3A_24] : memref<2560000xf32, #tpu.memory_space<hbm>> -> memref<40000xf32, #tpu.memory_space<hbm>>
      %dma_start3A_29 = arith.constant 40000 : i32
      %dma_start3A_30 = tpu.memref_slice %arg7[%dma_start3A_29] : memref<80000xf32, #tpu.memory_space<vmem>> -> memref<40000xf32, #tpu.memory_space<vmem>>
      tpu.enqueue_dma source(%dma_start3A_30 : memref<40000xf32, #tpu.memory_space<vmem>>) target(%dma_start3A_28 : memref<40000xf32, #tpu.memory_space<hbm>>) target_semaphore(%run_scoped3A : memref<!tpu.dma_semaphore, #tpu.memory_space<semaphore_mem>>)
      %dma_wait3A = arith.constant 40000 : i32
      %dma_wait3A_31 = tpu.memref_slice %arg7[%dma_wait3A] : memref<80000xf32, #tpu.memory_space<vmem>> -> memref<40000xf32, #tpu.memory_space<vmem>>
      %dma_wait3A_32 = tpu.memref_slice %arg5[%mul3A_24] : memref<2560000xf32, #tpu.memory_space<hbm>> -> memref<40000xf32, #tpu.memory_space<hbm>>
      %dma_wait3A_33 = tpu.memref_slice %arg5[%mul3A_24] : memref<2560000xf32, #tpu.memory_space<hbm>> -> memref<40000xf32, #tpu.memory_space<hbm>>
      %dma_wait3A_34 = arith.constant 40000 : i32
      %dma_wait3A_35 = tpu.memref_slice %arg7[%dma_wait3A_34] : memref<80000xf32, #tpu.memory_space<vmem>> -> memref<40000xf32, #tpu.memory_space<vmem>>
      tpu.wait_dma2 semaphore(%run_scoped3A : memref<!tpu.dma_semaphore, #tpu.memory_space<semaphore_mem>>) src(%dma_wait3A_35 : memref<40000xf32, #tpu.memory_space<vmem>>) dst(%dma_wait3A_33 : memref<40000xf32, #tpu.memory_space<hbm>>)
      tpu.yield
    }) : () -> ()
    return
  }
}

#map = affine_map<(d0, d1) -> (0)>
#map1 = affine_map<(d0, d1) -> (0, 0)>
module attributes {stable_mosaic.version = 14 : i64} {
  func.func @deg(%arg0: i32, %arg1: i32, %arg2: memref<320000xi32, #tpu.memory_space<hbm>>, %arg3: memref<32x10000xf32, #tpu.memory_space<hbm>>, %arg4: memref<10000xf32, #tpu.memory_space<vmem>>, %arg5: memref<10000xi32, #tpu.memory_space<vmem>>) attributes {dimension_semantics = [#tpu.dimension_semantics<core_parallel>, #tpu.dimension_semantics<subcore_parallel>], iteration_bounds = array<i64: 2, 16>, scalar_prefetch = 0 : i64, scratch_operands = 2 : i64, tpu.core_type = #tpu.core_type<sc_vector_subcore>, window_params = [{transform_indices = #map}, {transform_indices = #map1}]} {
    %mul3A = arith.constant 2 : i32
    %mul3A_0 = arith.muli %arg1, %mul3A : i32
    %add3A = arith.addi %mul3A_0, %arg0 : i32
    %parallel_loop3A = arith.constant 0 : i32
    %parallel_loop3A_1 = arith.constant 625 : i32
    %parallel_loop3A_2 = arith.constant 1 : i32
    scf.for %parallel_loop3A_9 = %parallel_loop3A to %parallel_loop3A_1 step %parallel_loop3A_2  : i32 {
      %parallel_loop3A_10 = arith.constant 0.000000e+00 : f32
      %parallel_loop3A_11 = vector.broadcast %parallel_loop3A_10 : f32 to vector<16xf32>
      %parallel_loop3A_12 = arith.constant 16 : i32
      %parallel_loop3A_13 = arith.muli %parallel_loop3A_9, %parallel_loop3A_12 : i32
      %parallel_loop3A_14 = arith.index_cast %parallel_loop3A_13 : i32 to index
      %parallel_loop3A_15 = tpu.vector_load %arg4[%parallel_loop3A_14] {strides = array<i32>} : memref<10000xf32, #tpu.memory_space<vmem>>, vector<16xf32>,
      tpu.vector_store %arg4[%parallel_loop3A_14], %parallel_loop3A_11 {strides = array<i32>} : memref<10000xf32, #tpu.memory_space<vmem>>, vector<16xf32>,
    } {sc.loop_unroll_factor = 8 : i64, sc.parallel_access}
    %mul3A_3 = arith.constant 10000 : i32
    %mul3A_4 = arith.muli %add3A, %mul3A_3 : i32
    "tpu.region"() ({
      %run_scoped3A = tpu.sem_alloc : memref<!tpu.dma_semaphore, #tpu.memory_space<semaphore_mem>>
      %dma_start3A = tpu.memref_slice %arg2[%mul3A_4] : memref<320000xi32, #tpu.memory_space<hbm>> -> memref<10000xi32, #tpu.memory_space<hbm>>
      %dma_start3A_9 = tpu.memref_slice %arg2[%mul3A_4] : memref<320000xi32, #tpu.memory_space<hbm>> -> memref<10000xi32, #tpu.memory_space<hbm>>
      tpu.enqueue_dma source(%dma_start3A_9 : memref<10000xi32, #tpu.memory_space<hbm>>) target(%arg5 : memref<10000xi32, #tpu.memory_space<vmem>>) target_semaphore(%run_scoped3A : memref<!tpu.dma_semaphore, #tpu.memory_space<semaphore_mem>>)
      %dma_wait3A = tpu.memref_slice %arg2[%mul3A_4] : memref<320000xi32, #tpu.memory_space<hbm>> -> memref<10000xi32, #tpu.memory_space<hbm>>
      %dma_wait3A_10 = tpu.memref_slice %arg2[%mul3A_4] : memref<320000xi32, #tpu.memory_space<hbm>> -> memref<10000xi32, #tpu.memory_space<hbm>>
      tpu.wait_dma2 semaphore(%run_scoped3A : memref<!tpu.dma_semaphore, #tpu.memory_space<semaphore_mem>>) src(%dma_wait3A_10 : memref<10000xi32, #tpu.memory_space<hbm>>) dst(%arg5 : memref<10000xi32, #tpu.memory_space<vmem>>)
      tpu.yield
    }) : () -> ()
    %broadcast_in_dim3A = arith.constant 1.000000e+00 : f32
    %broadcast_in_dim3A_5 = vector.broadcast %broadcast_in_dim3A : f32 to vector<16xf32>
    %parallel_loop3A_6 = arith.constant 0 : i32
    %parallel_loop3A_7 = arith.constant 625 : i32
    %parallel_loop3A_8 = arith.constant 1 : i32
    scf.for %parallel_loop3A_9 = %parallel_loop3A_6 to %parallel_loop3A_7 step %parallel_loop3A_8  : i32 {
      %parallel_loop3A_10 = arith.constant 16 : i32
      %parallel_loop3A_11 = arith.muli %parallel_loop3A_9, %parallel_loop3A_10 : i32
      %parallel_loop3A_12 = arith.index_cast %parallel_loop3A_11 : i32 to index
      %parallel_loop3A_13 = tpu.vector_load %arg5[%parallel_loop3A_12] {strides = array<i32>} : memref<10000xi32, #tpu.memory_space<vmem>>, vector<16xi32>,
      tpu.vector_store_idx %arg4[%parallel_loop3A_13], %broadcast_in_dim3A_5 {add = true} : memref<10000xf32, #tpu.memory_space<vmem>>[vector<16xi32>], vector<16xf32>,
    } {sc.loop_unroll_factor = 8 : i64, sc.parallel_access}
    "tpu.region"() ({
      %run_scoped3A = tpu.sem_alloc : memref<!tpu.dma_semaphore, #tpu.memory_space<semaphore_mem>>
      %dma_start3A = arith.constant 0 : i32
      %dma_start3A_9 = tpu.memref_slice %arg3[%add3A, %dma_start3A] : memref<32x10000xf32, #tpu.memory_space<hbm>> -> memref<1x10000xf32, #tpu.memory_space<hbm>>
      %dma_start3A_10 = tpu.memref_squeeze %dma_start3A_9 : memref<1x10000xf32, #tpu.memory_space<hbm>> -> memref<10000xf32, #tpu.memory_space<hbm>>
      %dma_start3A_11 = arith.constant 0 : i32
      %dma_start3A_12 = tpu.memref_slice %arg3[%add3A, %dma_start3A_11] : memref<32x10000xf32, #tpu.memory_space<hbm>> -> memref<1x10000xf32, #tpu.memory_space<hbm>>
      %dma_start3A_13 = tpu.memref_squeeze %dma_start3A_12 : memref<1x10000xf32, #tpu.memory_space<hbm>> -> memref<10000xf32, #tpu.memory_space<hbm>>
      tpu.enqueue_dma source(%arg4 : memref<10000xf32, #tpu.memory_space<vmem>>) target(%dma_start3A_13 : memref<10000xf32, #tpu.memory_space<hbm>>) target_semaphore(%run_scoped3A : memref<!tpu.dma_semaphore, #tpu.memory_space<semaphore_mem>>)
      %dma_wait3A = arith.constant 0 : i32
      %dma_wait3A_14 = tpu.memref_slice %arg3[%add3A, %dma_wait3A] : memref<32x10000xf32, #tpu.memory_space<hbm>> -> memref<1x10000xf32, #tpu.memory_space<hbm>>
      %dma_wait3A_15 = tpu.memref_squeeze %dma_wait3A_14 : memref<1x10000xf32, #tpu.memory_space<hbm>> -> memref<10000xf32, #tpu.memory_space<hbm>>
      %dma_wait3A_16 = arith.constant 0 : i32
      %dma_wait3A_17 = tpu.memref_slice %arg3[%add3A, %dma_wait3A_16] : memref<32x10000xf32, #tpu.memory_space<hbm>> -> memref<1x10000xf32, #tpu.memory_space<hbm>>
      %dma_wait3A_18 = tpu.memref_squeeze %dma_wait3A_17 : memref<1x10000xf32, #tpu.memory_space<hbm>> -> memref<10000xf32, #tpu.memory_space<hbm>>
      tpu.wait_dma2 semaphore(%run_scoped3A : memref<!tpu.dma_semaphore, #tpu.memory_space<semaphore_mem>>) src(%arg4 : memref<10000xf32, #tpu.memory_space<vmem>>) dst(%dma_wait3A_18 : memref<10000xf32, #tpu.memory_space<hbm>>)
      tpu.yield
    }) : () -> ()
    return
  }
}

#map = affine_map<(d0, d1) -> (0)>
module attributes {stable_mosaic.version = 14 : i64} {
  func.func @agg(%arg0: i32, %arg1: i32, %arg2: memref<1280000xi32, #tpu.memory_space<hbm>>, %arg3: memref<320000xi32, #tpu.memory_space<hbm>>, %arg4: memref<320000xi32, #tpu.memory_space<hbm>>, %arg5: memref<2560000xf32, #tpu.memory_space<hbm>>, %arg6: memref<40000xi32, #tpu.memory_space<vmem>>, %arg7: memref<80000xf32, #tpu.memory_space<vmem>>, %arg8: memref<2000xi32, #tpu.memory_space<vmem>>, %arg9: memref<2000xi32, #tpu.memory_space<vmem>>, %arg10: memref<2000xi32, #tpu.memory_space<vmem>>, %arg11: memref<2000xi32, #tpu.memory_space<vmem>>, %arg12: memref<!tpu.dma_semaphore, #tpu.memory_space<semaphore_mem>>, %arg13: memref<!tpu.dma_semaphore, #tpu.memory_space<semaphore_mem>>) attributes {dimension_semantics = [#tpu.dimension_semantics<core_parallel>, #tpu.dimension_semantics<subcore_parallel>], iteration_bounds = array<i64: 2, 16>, scalar_prefetch = 0 : i64, scratch_operands = 8 : i64, tpu.core_type = #tpu.core_type<sc_vector_subcore>, window_params = [{transform_indices = #map}, {transform_indices = #map}, {transform_indices = #map}, {transform_indices = #map}]} {
    %mul3A = arith.constant 2 : i32
    %mul3A_0 = arith.muli %arg1, %mul3A : i32
    %add3A = arith.addi %mul3A_0, %arg0 : i32
    %dma_start3A = arith.constant 0 : i32
    %dma_start3A_1 = tpu.memref_slice %arg3[%dma_start3A] : memref<320000xi32, #tpu.memory_space<hbm>> -> memref<2000xi32, #tpu.memory_space<hbm>>
    %dma_start3A_2 = arith.constant 0 : i32
    %dma_start3A_3 = tpu.memref_slice %arg3[%dma_start3A_2] : memref<320000xi32, #tpu.memory_space<hbm>> -> memref<2000xi32, #tpu.memory_space<hbm>>
    tpu.enqueue_dma source(%dma_start3A_3 : memref<2000xi32, #tpu.memory_space<hbm>>) target(%arg8 : memref<2000xi32, #tpu.memory_space<vmem>>) target_semaphore(%arg12 : memref<!tpu.dma_semaphore, #tpu.memory_space<semaphore_mem>>)
    %dma_start3A_4 = arith.constant 0 : i32
    %dma_start3A_5 = tpu.memref_slice %arg4[%dma_start3A_4] : memref<320000xi32, #tpu.memory_space<hbm>> -> memref<2000xi32, #tpu.memory_space<hbm>>
    %dma_start3A_6 = arith.constant 0 : i32
    %dma_start3A_7 = tpu.memref_slice %arg4[%dma_start3A_6] : memref<320000xi32, #tpu.memory_space<hbm>> -> memref<2000xi32, #tpu.memory_space<hbm>>
    tpu.enqueue_dma source(%dma_start3A_7 : memref<2000xi32, #tpu.memory_space<hbm>>) target(%arg10 : memref<2000xi32, #tpu.memory_space<vmem>>) target_semaphore(%arg12 : memref<!tpu.dma_semaphore, #tpu.memory_space<semaphore_mem>>)
    %mul3A_8 = arith.constant 40000 : i32
    %mul3A_9 = arith.muli %add3A, %mul3A_8 : i32
    "tpu.region"() ({
      %run_scoped3A = tpu.sem_alloc : memref<!tpu.dma_semaphore, #tpu.memory_space<semaphore_mem>>
      %dma_start3A_25 = tpu.memref_slice %arg2[%mul3A_9] : memref<1280000xi32, #tpu.memory_space<hbm>> -> memref<40000xi32, #tpu.memory_space<hbm>>
      %dma_start3A_26 = tpu.memref_slice %arg2[%mul3A_9] : memref<1280000xi32, #tpu.memory_space<hbm>> -> memref<40000xi32, #tpu.memory_space<hbm>>
      tpu.enqueue_dma source(%dma_start3A_26 : memref<40000xi32, #tpu.memory_space<hbm>>) target(%arg6 : memref<40000xi32, #tpu.memory_space<vmem>>) target_semaphore(%run_scoped3A : memref<!tpu.dma_semaphore, #tpu.memory_space<semaphore_mem>>)
      %dma_wait3A = tpu.memref_slice %arg2[%mul3A_9] : memref<1280000xi32, #tpu.memory_space<hbm>> -> memref<40000xi32, #tpu.memory_space<hbm>>
      %dma_wait3A_27 = tpu.memref_slice %arg2[%mul3A_9] : memref<1280000xi32, #tpu.memory_space<hbm>> -> memref<40000xi32, #tpu.memory_space<hbm>>
      tpu.wait_dma2 semaphore(%run_scoped3A : memref<!tpu.dma_semaphore, #tpu.memory_space<semaphore_mem>>) src(%dma_wait3A_27 : memref<40000xi32, #tpu.memory_space<hbm>>) dst(%arg6 : memref<40000xi32, #tpu.memory_space<vmem>>)
      tpu.yield
    }) : () -> ()
    %parallel_loop3A = arith.constant 0 : i32
    %parallel_loop3A_10 = arith.constant 5000 : i32
    %parallel_loop3A_11 = arith.constant 1 : i32
    scf.for %parallel_loop3A_25 = %parallel_loop3A to %parallel_loop3A_10 step %parallel_loop3A_11  : i32 {
      %parallel_loop3A_26 = arith.constant 0.000000e+00 : f32
      %parallel_loop3A_27 = vector.broadcast %parallel_loop3A_26 : f32 to vector<16xf32>
      %parallel_loop3A_28 = arith.constant 16 : i32
      %parallel_loop3A_29 = arith.muli %parallel_loop3A_25, %parallel_loop3A_28 : i32
      %parallel_loop3A_30 = arith.index_cast %parallel_loop3A_29 : i32 to index
      %parallel_loop3A_31 = tpu.vector_load %arg7[%parallel_loop3A_30] {strides = array<i32>} : memref<80000xf32, #tpu.memory_space<vmem>>, vector<16xf32>,
      tpu.vector_store %arg7[%parallel_loop3A_30], %parallel_loop3A_27 {strides = array<i32>} : memref<80000xf32, #tpu.memory_space<vmem>>, vector<16xf32>,
    } {sc.loop_unroll_factor = 8 : i64, sc.parallel_access}
    %scan3A = arith.constant 0 : i32
    %scan3A_12 = arith.constant 0 : i32
    %scan3A_13 = arith.constant 80 : i32
    %scan3A_14 = arith.addi %scan3A_12, %scan3A_13 : i32
    %scan3A_15 = arith.constant 1 : i32
    scf.for %scan3A_25 = %scan3A_12 to %scan3A_14 step %scan3A_15  : i32 {
      %mul3A_26 = arith.constant 2 : i32
      %mul3A_27 = arith.muli %scan3A_25, %mul3A_26 : i32
      %add3A_28 = arith.constant 0 : i32
      %add3A_29 = arith.addi %mul3A_27, %add3A_28 : i32
      %dma_wait3A = arith.constant 0 : i32
      %dma_wait3A_30 = tpu.memref_slice %arg3[%dma_wait3A] : memref<320000xi32, #tpu.memory_space<hbm>> -> memref<2000xi32, #tpu.memory_space<hbm>>
      %dma_wait3A_31 = arith.constant 0 : i32
      %dma_wait3A_32 = tpu.memref_slice %arg3[%dma_wait3A_31] : memref<320000xi32, #tpu.memory_space<hbm>> -> memref<2000xi32, #tpu.memory_space<hbm>>
      tpu.wait_dma2 semaphore(%arg12 : memref<!tpu.dma_semaphore, #tpu.memory_space<semaphore_mem>>) src(%dma_wait3A_32 : memref<2000xi32, #tpu.memory_space<hbm>>) dst(%arg8 : memref<2000xi32, #tpu.memory_space<vmem>>)
      %dma_wait3A_33 = arith.constant 0 : i32
      %dma_wait3A_34 = tpu.memref_slice %arg4[%dma_wait3A_33] : memref<320000xi32, #tpu.memory_space<hbm>> -> memref<2000xi32, #tpu.memory_space<hbm>>
      %dma_wait3A_35 = arith.constant 0 : i32
      %dma_wait3A_36 = tpu.memref_slice %arg4[%dma_wait3A_35] : memref<320000xi32, #tpu.memory_space<hbm>> -> memref<2000xi32, #tpu.memory_space<hbm>>
      tpu.wait_dma2 semaphore(%arg12 : memref<!tpu.dma_semaphore, #tpu.memory_space<semaphore_mem>>) src(%dma_wait3A_36 : memref<2000xi32, #tpu.memory_space<hbm>>) dst(%arg10 : memref<2000xi32, #tpu.memory_space<vmem>>)
      %add3A_37 = arith.constant 1 : i32
      %add3A_38 = arith.addi %add3A_29, %add3A_37 : i32
      %lt3A = arith.constant 160 : i32
      %lt3A_39 = arith.cmpi slt, %add3A_38, %lt3A : i32
      %convert_element_type3A = arith.extui %lt3A_39 : i1 to i32
      %cond3A = arith.constant 0 : i32
      %cond3A_40 = arith.cmpi ne, %convert_element_type3A, %cond3A : i32
      scf.if %cond3A_40 {
        %add3A_66 = arith.constant 1 : i32
        %add3A_67 = arith.addi %add3A_29, %add3A_66 : i32
        %mul3A_68 = arith.constant 2000 : i32
        %mul3A_69 = arith.muli %add3A_67, %mul3A_68 : i32
        %dma_start3A_70 = tpu.memref_slice %arg3[%mul3A_69] : memref<320000xi32, #tpu.memory_space<hbm>> -> memref<2000xi32, #tpu.memory_space<hbm>>
        %dma_start3A_71 = tpu.memref_slice %arg3[%mul3A_69] : memref<320000xi32, #tpu.memory_space<hbm>> -> memref<2000xi32, #tpu.memory_space<hbm>>
        tpu.enqueue_dma source(%dma_start3A_71 : memref<2000xi32, #tpu.memory_space<hbm>>) target(%arg9 : memref<2000xi32, #tpu.memory_space<vmem>>) target_semaphore(%arg13 : memref<!tpu.dma_semaphore, #tpu.memory_space<semaphore_mem>>)
        %mul3A_72 = arith.constant 2000 : i32
        %mul3A_73 = arith.muli %add3A_67, %mul3A_72 : i32
        %dma_start3A_74 = tpu.memref_slice %arg4[%mul3A_73] : memref<320000xi32, #tpu.memory_space<hbm>> -> memref<2000xi32, #tpu.memory_space<hbm>>
        %dma_start3A_75 = tpu.memref_slice %arg4[%mul3A_73] : memref<320000xi32, #tpu.memory_space<hbm>> -> memref<2000xi32, #tpu.memory_space<hbm>>
        tpu.enqueue_dma source(%dma_start3A_75 : memref<2000xi32, #tpu.memory_space<hbm>>) target(%arg11 : memref<2000xi32, #tpu.memory_space<vmem>>) target_semaphore(%arg13 : memref<!tpu.dma_semaphore, #tpu.memory_space<semaphore_mem>>)
      } else {
      }
      %parallel_loop3A_41 = arith.constant 0 : i32
      %parallel_loop3A_42 = arith.constant 125 : i32
      %parallel_loop3A_43 = arith.constant 1 : i32
      scf.for %parallel_loop3A_66 = %parallel_loop3A_41 to %parallel_loop3A_42 step %parallel_loop3A_43  : i32 {
        %parallel_loop3A_67 = arith.constant 16 : i32
        %parallel_loop3A_68 = arith.muli %parallel_loop3A_66, %parallel_loop3A_67 : i32
        %parallel_loop3A_69 = arith.index_cast %parallel_loop3A_68 : i32 to index
        %parallel_loop3A_70 = tpu.vector_load %arg8[%parallel_loop3A_69] {strides = array<i32>} : memref<2000xi32, #tpu.memory_space<vmem>>, vector<16xi32>,
        %parallel_loop3A_71 = arith.constant 16 : i32
        %parallel_loop3A_72 = arith.muli %parallel_loop3A_66, %parallel_loop3A_71 : i32
        %parallel_loop3A_73 = arith.index_cast %parallel_loop3A_72 : i32 to index
        %parallel_loop3A_74 = tpu.vector_load %arg10[%parallel_loop3A_73] {strides = array<i32>} : memref<2000xi32, #tpu.memory_space<vmem>>, vector<16xi32>,
        %parallel_loop3A_75 = arith.constant 0 : i32
        %parallel_loop3A_76 = vector.broadcast %parallel_loop3A_75 : i32 to vector<16xi32>
        %parallel_loop3A_77 = arith.addi %parallel_loop3A_70, %parallel_loop3A_76 : vector<16xi32>
        %parallel_loop3A_78 = tpu.vector_load_idx %arg6[%parallel_loop3A_77] : memref<40000xi32, #tpu.memory_space<vmem>>[vector<16xi32>], vector<16xi32>,
        %parallel_loop3A_79 = vector.bitcast %parallel_loop3A_78 : vector<16xi32> to vector<16xi32>
        %parallel_loop3A_80 = arith.constant 16 : i32
        %parallel_loop3A_81 = vector.broadcast %parallel_loop3A_80 : i32 to vector<16xi32>
        %parallel_loop3A_82 = arith.shli %parallel_loop3A_79, %parallel_loop3A_81 : vector<16xi32>
        %parallel_loop3A_83 = vector.bitcast %parallel_loop3A_82 : vector<16xi32> to vector<16xf32>
        %parallel_loop3A_84 = arith.constant -65536 : i32
        %parallel_loop3A_85 = vector.broadcast %parallel_loop3A_84 : i32 to vector<16xi32>
        %parallel_loop3A_86 = arith.andi %parallel_loop3A_79, %parallel_loop3A_85 : vector<16xi32>
        %parallel_loop3A_87 = vector.bitcast %parallel_loop3A_86 : vector<16xi32> to vector<16xf32>
        %parallel_loop3A_88 = arith.constant 0 : i32
        %parallel_loop3A_89 = vector.broadcast %parallel_loop3A_88 : i32 to vector<16xi32>
        %parallel_loop3A_90 = arith.addi %parallel_loop3A_74, %parallel_loop3A_89 : vector<16xi32>
        tpu.vector_store_idx %arg7[%parallel_loop3A_90], %parallel_loop3A_83 {add = true} : memref<80000xf32, #tpu.memory_space<vmem>>[vector<16xi32>], vector<16xf32>,
        %parallel_loop3A_91 = arith.constant 40000 : i32
        %parallel_loop3A_92 = vector.broadcast %parallel_loop3A_91 : i32 to vector<16xi32>
        %parallel_loop3A_93 = arith.addi %parallel_loop3A_74, %parallel_loop3A_92 : vector<16xi32>
        tpu.vector_store_idx %arg7[%parallel_loop3A_93], %parallel_loop3A_87 {add = true} : memref<80000xf32, #tpu.memory_space<vmem>>[vector<16xi32>], vector<16xf32>,
        %parallel_loop3A_94 = arith.constant 10000 : i32
        %parallel_loop3A_95 = vector.broadcast %parallel_loop3A_94 : i32 to vector<16xi32>
        %parallel_loop3A_96 = arith.addi %parallel_loop3A_70, %parallel_loop3A_95 : vector<16xi32>
        %parallel_loop3A_97 = tpu.vector_load_idx %arg6[%parallel_loop3A_96] : memref<40000xi32, #tpu.memory_space<vmem>>[vector<16xi32>], vector<16xi32>,
        %parallel_loop3A_98 = vector.bitcast %parallel_loop3A_97 : vector<16xi32> to vector<16xi32>
        %parallel_loop3A_99 = arith.constant 16 : i32
        %parallel_loop3A_100 = vector.broadcast %parallel_loop3A_99 : i32 to vector<16xi32>
        %parallel_loop3A_101 = arith.shli %parallel_loop3A_98, %parallel_loop3A_100 : vector<16xi32>
        %parallel_loop3A_102 = vector.bitcast %parallel_loop3A_101 : vector<16xi32> to vector<16xf32>
        %parallel_loop3A_103 = arith.constant -65536 : i32
        %parallel_loop3A_104 = vector.broadcast %parallel_loop3A_103 : i32 to vector<16xi32>
        %parallel_loop3A_105 = arith.andi %parallel_loop3A_98, %parallel_loop3A_104 : vector<16xi32>
        %parallel_loop3A_106 = vector.bitcast %parallel_loop3A_105 : vector<16xi32> to vector<16xf32>
        %parallel_loop3A_107 = arith.constant 10000 : i32
        %parallel_loop3A_108 = vector.broadcast %parallel_loop3A_107 : i32 to vector<16xi32>
        %parallel_loop3A_109 = arith.addi %parallel_loop3A_74, %parallel_loop3A_108 : vector<16xi32>
        tpu.vector_store_idx %arg7[%parallel_loop3A_109], %parallel_loop3A_102 {add = true} : memref<80000xf32, #tpu.memory_space<vmem>>[vector<16xi32>], vector<16xf32>,
        %parallel_loop3A_110 = arith.constant 50000 : i32
        %parallel_loop3A_111 = vector.broadcast %parallel_loop3A_110 : i32 to vector<16xi32>
        %parallel_loop3A_112 = arith.addi %parallel_loop3A_74, %parallel_loop3A_111 : vector<16xi32>
        tpu.vector_store_idx %arg7[%parallel_loop3A_112], %parallel_loop3A_106 {add = true} : memref<80000xf32, #tpu.memory_space<vmem>>[vector<16xi32>], vector<16xf32>,
        %parallel_loop3A_113 = arith.constant 20000 : i32
        %parallel_loop3A_114 = vector.broadcast %parallel_loop3A_113 : i32 to vector<16xi32>
        %parallel_loop3A_115 = arith.addi %parallel_loop3A_70, %parallel_loop3A_114 : vector<16xi32>
        %parallel_loop3A_116 = tpu.vector_load_idx %arg6[%parallel_loop3A_115] : memref<40000xi32, #tpu.memory_space<vmem>>[vector<16xi32>], vector<16xi32>,
        %parallel_loop3A_117 = vector.bitcast %parallel_loop3A_116 : vector<16xi32> to vector<16xi32>
        %parallel_loop3A_118 = arith.constant 16 : i32
        %parallel_loop3A_119 = vector.broadcast %parallel_loop3A_118 : i32 to vector<16xi32>
        %parallel_loop3A_120 = arith.shli %parallel_loop3A_117, %parallel_loop3A_119 : vector<16xi32>
        %parallel_loop3A_121 = vector.bitcast %parallel_loop3A_120 : vector<16xi32> to vector<16xf32>
        %parallel_loop3A_122 = arith.constant -65536 : i32
        %parallel_loop3A_123 = vector.broadcast %parallel_loop3A_122 : i32 to vector<16xi32>
        %parallel_loop3A_124 = arith.andi %parallel_loop3A_117, %parallel_loop3A_123 : vector<16xi32>
        %parallel_loop3A_125 = vector.bitcast %parallel_loop3A_124 : vector<16xi32> to vector<16xf32>
        %parallel_loop3A_126 = arith.constant 20000 : i32
        %parallel_loop3A_127 = vector.broadcast %parallel_loop3A_126 : i32 to vector<16xi32>
        %parallel_loop3A_128 = arith.addi %parallel_loop3A_74, %parallel_loop3A_127 : vector<16xi32>
        tpu.vector_store_idx %arg7[%parallel_loop3A_128], %parallel_loop3A_121 {add = true} : memref<80000xf32, #tpu.memory_space<vmem>>[vector<16xi32>], vector<16xf32>,
        %parallel_loop3A_129 = arith.constant 60000 : i32
        %parallel_loop3A_130 = vector.broadcast %parallel_loop3A_129 : i32 to vector<16xi32>
        %parallel_loop3A_131 = arith.addi %parallel_loop3A_74, %parallel_loop3A_130 : vector<16xi32>
        tpu.vector_store_idx %arg7[%parallel_loop3A_131], %parallel_loop3A_125 {add = true} : memref<80000xf32, #tpu.memory_space<vmem>>[vector<16xi32>], vector<16xf32>,
        %parallel_loop3A_132 = arith.constant 30000 : i32
        %parallel_loop3A_133 = vector.broadcast %parallel_loop3A_132 : i32 to vector<16xi32>
        %parallel_loop3A_134 = arith.addi %parallel_loop3A_70, %parallel_loop3A_133 : vector<16xi32>
        %parallel_loop3A_135 = tpu.vector_load_idx %arg6[%parallel_loop3A_134] : memref<40000xi32, #tpu.memory_space<vmem>>[vector<16xi32>], vector<16xi32>,
        %parallel_loop3A_136 = vector.bitcast %parallel_loop3A_135 : vector<16xi32> to vector<16xi32>
        %parallel_loop3A_137 = arith.constant 16 : i32
        %parallel_loop3A_138 = vector.broadcast %parallel_loop3A_137 : i32 to vector<16xi32>
        %parallel_loop3A_139 = arith.shli %parallel_loop3A_136, %parallel_loop3A_138 : vector<16xi32>
        %parallel_loop3A_140 = vector.bitcast %parallel_loop3A_139 : vector<16xi32> to vector<16xf32>
        %parallel_loop3A_141 = arith.constant -65536 : i32
        %parallel_loop3A_142 = vector.broadcast %parallel_loop3A_141 : i32 to vector<16xi32>
        %parallel_loop3A_143 = arith.andi %parallel_loop3A_136, %parallel_loop3A_142 : vector<16xi32>
        %parallel_loop3A_144 = vector.bitcast %parallel_loop3A_143 : vector<16xi32> to vector<16xf32>
        %parallel_loop3A_145 = arith.constant 30000 : i32
        %parallel_loop3A_146 = vector.broadcast %parallel_loop3A_145 : i32 to vector<16xi32>
        %parallel_loop3A_147 = arith.addi %parallel_loop3A_74, %parallel_loop3A_146 : vector<16xi32>
        tpu.vector_store_idx %arg7[%parallel_loop3A_147], %parallel_loop3A_140 {add = true} : memref<80000xf32, #tpu.memory_space<vmem>>[vector<16xi32>], vector<16xf32>,
        %parallel_loop3A_148 = arith.constant 70000 : i32
        %parallel_loop3A_149 = vector.broadcast %parallel_loop3A_148 : i32 to vector<16xi32>
        %parallel_loop3A_150 = arith.addi %parallel_loop3A_74, %parallel_loop3A_149 : vector<16xi32>
        tpu.vector_store_idx %arg7[%parallel_loop3A_150], %parallel_loop3A_144 {add = true} : memref<80000xf32, #tpu.memory_space<vmem>>[vector<16xi32>], vector<16xf32>,
      } {sc.loop_unroll_factor = 8 : i64, sc.parallel_access}
      %mul3A_44 = arith.constant 2 : i32
      %mul3A_45 = arith.muli %scan3A_25, %mul3A_44 : i32
      %add3A_46 = arith.constant 1 : i32
      %add3A_47 = arith.addi %mul3A_45, %add3A_46 : i32
      %dma_wait3A_48 = arith.constant 0 : i32
      %dma_wait3A_49 = tpu.memref_slice %arg3[%dma_wait3A_48] : memref<320000xi32, #tpu.memory_space<hbm>> -> memref<2000xi32, #tpu.memory_space<hbm>>
      %dma_wait3A_50 = arith.constant 0 : i32
      %dma_wait3A_51 = tpu.memref_slice %arg3[%dma_wait3A_50] : memref<320000xi32, #tpu.memory_space<hbm>> -> memref<2000xi32, #tpu.memory_space<hbm>>
      tpu.wait_dma2 semaphore(%arg13 : memref<!tpu.dma_semaphore, #tpu.memory_space<semaphore_mem>>) src(%dma_wait3A_51 : memref<2000xi32, #tpu.memory_space<hbm>>) dst(%arg9 : memref<2000xi32, #tpu.memory_space<vmem>>)
      %dma_wait3A_52 = arith.constant 0 : i32
      %dma_wait3A_53 = tpu.memref_slice %arg4[%dma_wait3A_52] : memref<320000xi32, #tpu.memory_space<hbm>> -> memref<2000xi32, #tpu.memory_space<hbm>>
      %dma_wait3A_54 = arith.constant 0 : i32
      %dma_wait3A_55 = tpu.memref_slice %arg4[%dma_wait3A_54] : memref<320000xi32, #tpu.memory_space<hbm>> -> memref<2000xi32, #tpu.memory_space<hbm>>
      tpu.wait_dma2 semaphore(%arg13 : memref<!tpu.dma_semaphore, #tpu.memory_space<semaphore_mem>>) src(%dma_wait3A_55 : memref<2000xi32, #tpu.memory_space<hbm>>) dst(%arg11 : memref<2000xi32, #tpu.memory_space<vmem>>)
      %add3A_56 = arith.constant 1 : i32
      %add3A_57 = arith.addi %add3A_47, %add3A_56 : i32
      %lt3A_58 = arith.constant 160 : i32
      %lt3A_59 = arith.cmpi slt, %add3A_57, %lt3A_58 : i32
      %convert_element_type3A_60 = arith.extui %lt3A_59 : i1 to i32
      %cond3A_61 = arith.constant 0 : i32
      %cond3A_62 = arith.cmpi ne, %convert_element_type3A_60, %cond3A_61 : i32
      scf.if %cond3A_62 {
        %add3A_66 = arith.constant 1 : i32
        %add3A_67 = arith.addi %add3A_47, %add3A_66 : i32
        %mul3A_68 = arith.constant 2000 : i32
        %mul3A_69 = arith.muli %add3A_67, %mul3A_68 : i32
        %dma_start3A_70 = tpu.memref_slice %arg3[%mul3A_69] : memref<320000xi32, #tpu.memory_space<hbm>> -> memref<2000xi32, #tpu.memory_space<hbm>>
        %dma_start3A_71 = tpu.memref_slice %arg3[%mul3A_69] : memref<320000xi32, #tpu.memory_space<hbm>> -> memref<2000xi32, #tpu.memory_space<hbm>>
        tpu.enqueue_dma source(%dma_start3A_71 : memref<2000xi32, #tpu.memory_space<hbm>>) target(%arg8 : memref<2000xi32, #tpu.memory_space<vmem>>) target_semaphore(%arg12 : memref<!tpu.dma_semaphore, #tpu.memory_space<semaphore_mem>>)
        %mul3A_72 = arith.constant 2000 : i32
        %mul3A_73 = arith.muli %add3A_67, %mul3A_72 : i32
        %dma_start3A_74 = tpu.memref_slice %arg4[%mul3A_73] : memref<320000xi32, #tpu.memory_space<hbm>> -> memref<2000xi32, #tpu.memory_space<hbm>>
        %dma_start3A_75 = tpu.memref_slice %arg4[%mul3A_73] : memref<320000xi32, #tpu.memory_space<hbm>> -> memref<2000xi32, #tpu.memory_space<hbm>>
        tpu.enqueue_dma source(%dma_start3A_75 : memref<2000xi32, #tpu.memory_space<hbm>>) target(%arg10 : memref<2000xi32, #tpu.memory_space<vmem>>) target_semaphore(%arg12 : memref<!tpu.dma_semaphore, #tpu.memory_space<semaphore_mem>>)
      } else {
      }
      %parallel_loop3A_63 = arith.constant 0 : i32
      %parallel_loop3A_64 = arith.constant 125 : i32
      %parallel_loop3A_65 = arith.constant 1 : i32
      scf.for %parallel_loop3A_66 = %parallel_loop3A_63 to %parallel_loop3A_64 step %parallel_loop3A_65  : i32 {
        %parallel_loop3A_67 = arith.constant 16 : i32
        %parallel_loop3A_68 = arith.muli %parallel_loop3A_66, %parallel_loop3A_67 : i32
        %parallel_loop3A_69 = arith.index_cast %parallel_loop3A_68 : i32 to index
        %parallel_loop3A_70 = tpu.vector_load %arg9[%parallel_loop3A_69] {strides = array<i32>} : memref<2000xi32, #tpu.memory_space<vmem>>, vector<16xi32>,
        %parallel_loop3A_71 = arith.constant 16 : i32
        %parallel_loop3A_72 = arith.muli %parallel_loop3A_66, %parallel_loop3A_71 : i32
        %parallel_loop3A_73 = arith.index_cast %parallel_loop3A_72 : i32 to index
        %parallel_loop3A_74 = tpu.vector_load %arg11[%parallel_loop3A_73] {strides = array<i32>} : memref<2000xi32, #tpu.memory_space<vmem>>, vector<16xi32>,
        %parallel_loop3A_75 = arith.constant 0 : i32
        %parallel_loop3A_76 = vector.broadcast %parallel_loop3A_75 : i32 to vector<16xi32>
        %parallel_loop3A_77 = arith.addi %parallel_loop3A_70, %parallel_loop3A_76 : vector<16xi32>
        %parallel_loop3A_78 = tpu.vector_load_idx %arg6[%parallel_loop3A_77] : memref<40000xi32, #tpu.memory_space<vmem>>[vector<16xi32>], vector<16xi32>,
        %parallel_loop3A_79 = vector.bitcast %parallel_loop3A_78 : vector<16xi32> to vector<16xi32>
        %parallel_loop3A_80 = arith.constant 16 : i32
        %parallel_loop3A_81 = vector.broadcast %parallel_loop3A_80 : i32 to vector<16xi32>
        %parallel_loop3A_82 = arith.shli %parallel_loop3A_79, %parallel_loop3A_81 : vector<16xi32>
        %parallel_loop3A_83 = vector.bitcast %parallel_loop3A_82 : vector<16xi32> to vector<16xf32>
        %parallel_loop3A_84 = arith.constant -65536 : i32
        %parallel_loop3A_85 = vector.broadcast %parallel_loop3A_84 : i32 to vector<16xi32>
        %parallel_loop3A_86 = arith.andi %parallel_loop3A_79, %parallel_loop3A_85 : vector<16xi32>
        %parallel_loop3A_87 = vector.bitcast %parallel_loop3A_86 : vector<16xi32> to vector<16xf32>
        %parallel_loop3A_88 = arith.constant 0 : i32
        %parallel_loop3A_89 = vector.broadcast %parallel_loop3A_88 : i32 to vector<16xi32>
        %parallel_loop3A_90 = arith.addi %parallel_loop3A_74, %parallel_loop3A_89 : vector<16xi32>
        tpu.vector_store_idx %arg7[%parallel_loop3A_90], %parallel_loop3A_83 {add = true} : memref<80000xf32, #tpu.memory_space<vmem>>[vector<16xi32>], vector<16xf32>,
        %parallel_loop3A_91 = arith.constant 40000 : i32
        %parallel_loop3A_92 = vector.broadcast %parallel_loop3A_91 : i32 to vector<16xi32>
        %parallel_loop3A_93 = arith.addi %parallel_loop3A_74, %parallel_loop3A_92 : vector<16xi32>
        tpu.vector_store_idx %arg7[%parallel_loop3A_93], %parallel_loop3A_87 {add = true} : memref<80000xf32, #tpu.memory_space<vmem>>[vector<16xi32>], vector<16xf32>,
        %parallel_loop3A_94 = arith.constant 10000 : i32
        %parallel_loop3A_95 = vector.broadcast %parallel_loop3A_94 : i32 to vector<16xi32>
        %parallel_loop3A_96 = arith.addi %parallel_loop3A_70, %parallel_loop3A_95 : vector<16xi32>
        %parallel_loop3A_97 = tpu.vector_load_idx %arg6[%parallel_loop3A_96] : memref<40000xi32, #tpu.memory_space<vmem>>[vector<16xi32>], vector<16xi32>,
        %parallel_loop3A_98 = vector.bitcast %parallel_loop3A_97 : vector<16xi32> to vector<16xi32>
        %parallel_loop3A_99 = arith.constant 16 : i32
        %parallel_loop3A_100 = vector.broadcast %parallel_loop3A_99 : i32 to vector<16xi32>
        %parallel_loop3A_101 = arith.shli %parallel_loop3A_98, %parallel_loop3A_100 : vector<16xi32>
        %parallel_loop3A_102 = vector.bitcast %parallel_loop3A_101 : vector<16xi32> to vector<16xf32>
        %parallel_loop3A_103 = arith.constant -65536 : i32
        %parallel_loop3A_104 = vector.broadcast %parallel_loop3A_103 : i32 to vector<16xi32>
        %parallel_loop3A_105 = arith.andi %parallel_loop3A_98, %parallel_loop3A_104 : vector<16xi32>
        %parallel_loop3A_106 = vector.bitcast %parallel_loop3A_105 : vector<16xi32> to vector<16xf32>
        %parallel_loop3A_107 = arith.constant 10000 : i32
        %parallel_loop3A_108 = vector.broadcast %parallel_loop3A_107 : i32 to vector<16xi32>
        %parallel_loop3A_109 = arith.addi %parallel_loop3A_74, %parallel_loop3A_108 : vector<16xi32>
        tpu.vector_store_idx %arg7[%parallel_loop3A_109], %parallel_loop3A_102 {add = true} : memref<80000xf32, #tpu.memory_space<vmem>>[vector<16xi32>], vector<16xf32>,
        %parallel_loop3A_110 = arith.constant 50000 : i32
        %parallel_loop3A_111 = vector.broadcast %parallel_loop3A_110 : i32 to vector<16xi32>
        %parallel_loop3A_112 = arith.addi %parallel_loop3A_74, %parallel_loop3A_111 : vector<16xi32>
        tpu.vector_store_idx %arg7[%parallel_loop3A_112], %parallel_loop3A_106 {add = true} : memref<80000xf32, #tpu.memory_space<vmem>>[vector<16xi32>], vector<16xf32>,
        %parallel_loop3A_113 = arith.constant 20000 : i32
        %parallel_loop3A_114 = vector.broadcast %parallel_loop3A_113 : i32 to vector<16xi32>
        %parallel_loop3A_115 = arith.addi %parallel_loop3A_70, %parallel_loop3A_114 : vector<16xi32>
        %parallel_loop3A_116 = tpu.vector_load_idx %arg6[%parallel_loop3A_115] : memref<40000xi32, #tpu.memory_space<vmem>>[vector<16xi32>], vector<16xi32>,
        %parallel_loop3A_117 = vector.bitcast %parallel_loop3A_116 : vector<16xi32> to vector<16xi32>
        %parallel_loop3A_118 = arith.constant 16 : i32
        %parallel_loop3A_119 = vector.broadcast %parallel_loop3A_118 : i32 to vector<16xi32>
        %parallel_loop3A_120 = arith.shli %parallel_loop3A_117, %parallel_loop3A_119 : vector<16xi32>
        %parallel_loop3A_121 = vector.bitcast %parallel_loop3A_120 : vector<16xi32> to vector<16xf32>
        %parallel_loop3A_122 = arith.constant -65536 : i32
        %parallel_loop3A_123 = vector.broadcast %parallel_loop3A_122 : i32 to vector<16xi32>
        %parallel_loop3A_124 = arith.andi %parallel_loop3A_117, %parallel_loop3A_123 : vector<16xi32>
        %parallel_loop3A_125 = vector.bitcast %parallel_loop3A_124 : vector<16xi32> to vector<16xf32>
        %parallel_loop3A_126 = arith.constant 20000 : i32
        %parallel_loop3A_127 = vector.broadcast %parallel_loop3A_126 : i32 to vector<16xi32>
        %parallel_loop3A_128 = arith.addi %parallel_loop3A_74, %parallel_loop3A_127 : vector<16xi32>
        tpu.vector_store_idx %arg7[%parallel_loop3A_128], %parallel_loop3A_121 {add = true} : memref<80000xf32, #tpu.memory_space<vmem>>[vector<16xi32>], vector<16xf32>,
        %parallel_loop3A_129 = arith.constant 60000 : i32
        %parallel_loop3A_130 = vector.broadcast %parallel_loop3A_129 : i32 to vector<16xi32>
        %parallel_loop3A_131 = arith.addi %parallel_loop3A_74, %parallel_loop3A_130 : vector<16xi32>
        tpu.vector_store_idx %arg7[%parallel_loop3A_131], %parallel_loop3A_125 {add = true} : memref<80000xf32, #tpu.memory_space<vmem>>[vector<16xi32>], vector<16xf32>,
        %parallel_loop3A_132 = arith.constant 30000 : i32
        %parallel_loop3A_133 = vector.broadcast %parallel_loop3A_132 : i32 to vector<16xi32>
        %parallel_loop3A_134 = arith.addi %parallel_loop3A_70, %parallel_loop3A_133 : vector<16xi32>
        %parallel_loop3A_135 = tpu.vector_load_idx %arg6[%parallel_loop3A_134] : memref<40000xi32, #tpu.memory_space<vmem>>[vector<16xi32>], vector<16xi32>,
        %parallel_loop3A_136 = vector.bitcast %parallel_loop3A_135 : vector<16xi32> to vector<16xi32>
        %parallel_loop3A_137 = arith.constant 16 : i32
        %parallel_loop3A_138 = vector.broadcast %parallel_loop3A_137 : i32 to vector<16xi32>
        %parallel_loop3A_139 = arith.shli %parallel_loop3A_136, %parallel_loop3A_138 : vector<16xi32>
        %parallel_loop3A_140 = vector.bitcast %parallel_loop3A_139 : vector<16xi32> to vector<16xf32>
        %parallel_loop3A_141 = arith.constant -65536 : i32
        %parallel_loop3A_142 = vector.broadcast %parallel_loop3A_141 : i32 to vector<16xi32>
        %parallel_loop3A_143 = arith.andi %parallel_loop3A_136, %parallel_loop3A_142 : vector<16xi32>
        %parallel_loop3A_144 = vector.bitcast %parallel_loop3A_143 : vector<16xi32> to vector<16xf32>
        %parallel_loop3A_145 = arith.constant 30000 : i32
        %parallel_loop3A_146 = vector.broadcast %parallel_loop3A_145 : i32 to vector<16xi32>
        %parallel_loop3A_147 = arith.addi %parallel_loop3A_74, %parallel_loop3A_146 : vector<16xi32>
        tpu.vector_store_idx %arg7[%parallel_loop3A_147], %parallel_loop3A_140 {add = true} : memref<80000xf32, #tpu.memory_space<vmem>>[vector<16xi32>], vector<16xf32>,
        %parallel_loop3A_148 = arith.constant 70000 : i32
        %parallel_loop3A_149 = vector.broadcast %parallel_loop3A_148 : i32 to vector<16xi32>
        %parallel_loop3A_150 = arith.addi %parallel_loop3A_74, %parallel_loop3A_149 : vector<16xi32>
        tpu.vector_store_idx %arg7[%parallel_loop3A_150], %parallel_loop3A_144 {add = true} : memref<80000xf32, #tpu.memory_space<vmem>>[vector<16xi32>], vector<16xf32>,
      } {sc.loop_unroll_factor = 8 : i64, sc.parallel_access}
    }
    %scan3A_16 = arith.constant 80 : i32
    %mul3A_17 = arith.constant 40000 : i32
    %mul3A_18 = arith.muli %add3A, %mul3A_17 : i32
    "tpu.region"() ({
      %run_scoped3A = tpu.sem_alloc : memref<!tpu.dma_semaphore, #tpu.memory_space<semaphore_mem>>
      %dma_start3A_25 = arith.constant 0 : i32
      %dma_start3A_26 = tpu.memref_slice %arg7[%dma_start3A_25] : memref<80000xf32, #tpu.memory_space<vmem>> -> memref<40000xf32, #tpu.memory_space<vmem>>
      %dma_start3A_27 = tpu.memref_slice %arg5[%mul3A_18] : memref<2560000xf32, #tpu.memory_space<hbm>> -> memref<40000xf32, #tpu.memory_space<hbm>>
      %dma_start3A_28 = tpu.memref_slice %arg5[%mul3A_18] : memref<2560000xf32, #tpu.memory_space<hbm>> -> memref<40000xf32, #tpu.memory_space<hbm>>
      %dma_start3A_29 = arith.constant 0 : i32
      %dma_start3A_30 = tpu.memref_slice %arg7[%dma_start3A_29] : memref<80000xf32, #tpu.memory_space<vmem>> -> memref<40000xf32, #tpu.memory_space<vmem>>
      tpu.enqueue_dma source(%dma_start3A_30 : memref<40000xf32, #tpu.memory_space<vmem>>) target(%dma_start3A_28 : memref<40000xf32, #tpu.memory_space<hbm>>) target_semaphore(%run_scoped3A : memref<!tpu.dma_semaphore, #tpu.memory_space<semaphore_mem>>)
      %dma_wait3A = arith.constant 0 : i32
      %dma_wait3A_31 = tpu.memref_slice %arg7[%dma_wait3A] : memref<80000xf32, #tpu.memory_space<vmem>> -> memref<40000xf32, #tpu.memory_space<vmem>>
      %dma_wait3A_32 = tpu.memref_slice %arg5[%mul3A_18] : memref<2560000xf32, #tpu.memory_space<hbm>> -> memref<40000xf32, #tpu.memory_space<hbm>>
      %dma_wait3A_33 = tpu.memref_slice %arg5[%mul3A_18] : memref<2560000xf32, #tpu.memory_space<hbm>> -> memref<40000xf32, #tpu.memory_space<hbm>>
      %dma_wait3A_34 = arith.constant 0 : i32
      %dma_wait3A_35 = tpu.memref_slice %arg7[%dma_wait3A_34] : memref<80000xf32, #tpu.memory_space<vmem>> -> memref<40000xf32, #tpu.memory_space<vmem>>
      tpu.wait_dma2 semaphore(%run_scoped3A : memref<!tpu.dma_semaphore, #tpu.memory_space<semaphore_mem>>) src(%dma_wait3A_35 : memref<40000xf32, #tpu.memory_space<vmem>>) dst(%dma_wait3A_33 : memref<40000xf32, #tpu.memory_space<hbm>>)
      tpu.yield
    }) : () -> ()
    %mul3A_19 = arith.constant 4 : i32
    %mul3A_20 = arith.muli %add3A, %mul3A_19 : i32
    %add3A_21 = arith.constant 128 : i32
    %add3A_22 = arith.addi %add3A_21, %mul3A_20 : i32
    %mul3A_23 = arith.constant 10000 : i32
    %mul3A_24 = arith.muli %add3A_22, %mul3A_23 : i32
    "tpu.region"() ({
      %run_scoped3A = tpu.sem_alloc : memref<!tpu.dma_semaphore, #tpu.memory_space<semaphore_mem>>
      %dma_start3A_25 = arith.constant 40000 : i32
      %dma_start3A_26 = tpu.memref_slice %arg7[%dma_start3A_25] : memref<80000xf32, #tpu.memory_space<vmem>> -> memref<40000xf32, #tpu.memory_space<vmem>>
      %dma_start3A_27 = tpu.memref_slice %arg5[%mul3A_24] : memref<2560000xf32, #tpu.memory_space<hbm>> -> memref<40000xf32, #tpu.memory_space<hbm>>
      %dma_start3A_28 = tpu.memref_slice %arg5[%mul3A_24] : memref<2560000xf32, #tpu.memory_space<hbm>> -> memref<40000xf32, #tpu.memory_space<hbm>>
      %dma_start3A_29 = arith.constant 40000 : i32
      %dma_start3A_30 = tpu.memref_slice %arg7[%dma_start3A_29] : memref<80000xf32, #tpu.memory_space<vmem>> -> memref<40000xf32, #tpu.memory_space<vmem>>
      tpu.enqueue_dma source(%dma_start3A_30 : memref<40000xf32, #tpu.memory_space<vmem>>) target(%dma_start3A_28 : memref<40000xf32, #tpu.memory_space<hbm>>) target_semaphore(%run_scoped3A : memref<!tpu.dma_semaphore, #tpu.memory_space<semaphore_mem>>)
      %dma_wait3A = arith.constant 40000 : i32
      %dma_wait3A_31 = tpu.memref_slice %arg7[%dma_wait3A] : memref<80000xf32, #tpu.memory_space<vmem>> -> memref<40000xf32, #tpu.memory_space<vmem>>
      %dma_wait3A_32 = tpu.memref_slice %arg5[%mul3A_24] : memref<2560000xf32, #tpu.memory_space<hbm>> -> memref<40000xf32, #tpu.memory_space<hbm>>
      %dma_wait3A_33 = tpu.memref_slice %arg5[%mul3A_24] : memref<2560000xf32, #tpu.memory_space<hbm>> -> memref<40000xf32, #tpu.memory_space<hbm>>
      %dma_wait3A_34 = arith.constant 40000 : i32
      %dma_wait3A_35 = tpu.memref_slice %arg7[%dma_wait3A_34] : memref<80000xf32, #tpu.memory_space<vmem>> -> memref<40000xf32, #tpu.memory_space<vmem>>
      tpu.wait_dma2 semaphore(%run_scoped3A : memref<!tpu.dma_semaphore, #tpu.memory_space<semaphore_mem>>) src(%dma_wait3A_35 : memref<40000xf32, #tpu.memory_space<vmem>>) dst(%dma_wait3A_33 : memref<40000xf32, #tpu.memory_space<hbm>>)
      tpu.yield
    }) : () -> ()
    return
  }
}

module attributes {stable_mosaic.version = 14 : i64} {
  func.func @body(%arg0: memref<128x10000xf32, #tpu.memory_space<vmem>>, %arg1: memref<128x256xf32, #tpu.memory_space<vmem>>, %arg2: memref<256x1xf32, #tpu.memory_space<vmem>>, %arg3: memref<256x10000xf32, #tpu.memory_space<vmem>>) attributes {dimension_semantics = [], scalar_prefetch = 0 : i64, scratch_operands = 0 : i64, tpu.core_type = #tpu.core_type<tc>} {
    %get3A = arith.constant 0 : index
    %get3A_0 = arith.constant 0 : index
    %get3A_1 = vector.load %arg1[%get3A, %get3A_0] : memref<128x256xf32, #tpu.memory_space<vmem>>, vector<128x256xf32>
    %get3A_2 = arith.constant 0 : index
    %get3A_3 = arith.constant 0 : index
    %get3A_4 = vector.load %arg0[%get3A_2, %get3A_3] : memref<128x10000xf32, #tpu.memory_space<vmem>>, vector<128x10000xf32>
    %dot_general3A = arith.constant dense<0.000000e+00> : vector<256x10000xf32>
    %dot_general3A_5 = tpu.matmul %get3A_1, %get3A_4, %dot_general3A {dimension_numbers = #tpu.dot_dimension_numbers<[0], [0], [1], [1], [0, 1, 1, 1], [], []>, transpose_lhs_hint = false} : vector<128x256xf32>, vector<128x10000xf32>, vector<256x10000xf32> -> vector<256x10000xf32>
    %get3A_6 = arith.constant 0 : index
    %get3A_7 = arith.constant 0 : index
    %get3A_8 = vector.load %arg2[%get3A_6, %get3A_7] : memref<256x1xf32, #tpu.memory_space<vmem>>, vector<256x1xf32>
    %add3A = vector.broadcast %get3A_8 : vector<256x1xf32> to vector<256x10000xf32>
    %add3A_9 = arith.addf %dot_general3A_5, %add3A : vector<256x10000xf32>
    %swap3A = arith.constant 0 : index
    %swap3A_10 = arith.constant 0 : index
    %swap3A_11 = vector.load %arg3[%swap3A, %swap3A_10] : memref<256x10000xf32, #tpu.memory_space<vmem>>, vector<256x10000xf32>
    tpu.vector_store %arg3[%swap3A, %swap3A_10], %add3A_9 {strides = array<i32>} : memref<256x10000xf32, #tpu.memory_space<vmem>>, vector<256x10000xf32>,
    return
  }
}

module attributes {stable_mosaic.version = 14 : i64} {
  func.func @body(%arg0: memref<10000x128xf32, #tpu.memory_space<vmem>>, %arg1: memref<128x10000xf32, #tpu.memory_space<vmem>>, %arg2: memref<64x10000xi32, #tpu.memory_space<vmem>>) attributes {dimension_semantics = [], scalar_prefetch = 0 : i64, scratch_operands = 0 : i64, tpu.core_type = #tpu.core_type<tc>} {
    %iota3A = tpu.iota {dimensions = array<i32: 0>} : vector<128x128xi32>
    %iota3A_0 = tpu.iota {dimensions = array<i32: 1>} : vector<128x128xi32>
    %eq3A = arith.cmpi eq, %iota3A, %iota3A_0 : vector<128x128xi32>
    %convert_element_type3A = arith.extui %eq3A : vector<128x128xi1> to vector<128x128xi32>
    %convert_element_type3A_1 = arith.sitofp %convert_element_type3A : vector<128x128xi32> to vector<128x128xf32>
    %get3A = arith.constant 0 : index
    %get3A_2 = arith.constant 0 : index
    %get3A_3 = vector.load %arg0[%get3A, %get3A_2] : memref<10000x128xf32, #tpu.memory_space<vmem>>, vector<10000x128xf32>
    %dot_general3A = arith.constant dense<0.000000e+00> : vector<128x10000xf32>
    %dot_general3A_4 = tpu.matmul %convert_element_type3A_1, %get3A_3, %dot_general3A {dimension_numbers = #tpu.dot_dimension_numbers<[1], [1], [0], [0], [0, 0, 1, 0], [], []>, transpose_lhs_hint = false} : vector<128x128xf32>, vector<10000x128xf32>, vector<128x10000xf32> -> vector<128x10000xf32>
    %swap3A = arith.constant 0 : index
    %swap3A_5 = arith.constant 0 : index
    %swap3A_6 = vector.load %arg1[%swap3A, %swap3A_5] : memref<128x10000xf32, #tpu.memory_space<vmem>>, vector<128x10000xf32>
    tpu.vector_store %arg1[%swap3A, %swap3A_5], %dot_general3A_4 {strides = array<i32>} : memref<128x10000xf32, #tpu.memory_space<vmem>>, vector<128x10000xf32>,
    %bitcast_convert_type3A = tpu.bitcast %dot_general3A_4 : vector<128x10000xf32> -> vector<128x10000xi32>
    %add3A = arith.constant 32767 : i32
    %add3A_7 = vector.broadcast %add3A : i32 to vector<128x10000xi32>
    %add3A_8 = arith.addi %bitcast_convert_type3A, %add3A_7 : vector<128x10000xi32>
    %shift_right_logical3A = arith.constant 16 : i32
    %shift_right_logical3A_9 = vector.broadcast %shift_right_logical3A : i32 to vector<128x10000xi32>
    %shift_right_logical3A_10 = arith.shrui %bitcast_convert_type3A, %shift_right_logical3A_9 : vector<128x10000xi32>
    %and3A = arith.constant 1 : i32
    %and3A_11 = vector.broadcast %and3A : i32 to vector<128x10000xi32>
    %and3A_12 = arith.andi %shift_right_logical3A_10, %and3A_11 : vector<128x10000xi32>
    %add3A_13 = arith.addi %add3A_8, %and3A_12 : vector<128x10000xi32>
    %slice3A = vector.extract_strided_slice %add3A_13 {offsets = [0, 0], sizes = [64, 10000], strides = [1, 1]} : vector<128x10000xi32> to vector<64x10000xi32>
    %slice3A_14 = vector.extract_strided_slice %add3A_13 {offsets = [64, 0], sizes = [64, 10000], strides = [1, 1]} : vector<128x10000xi32> to vector<64x10000xi32>
    %and3A_15 = arith.constant -65536 : i32
    %and3A_16 = vector.broadcast %and3A_15 : i32 to vector<64x10000xi32>
    %and3A_17 = arith.andi %slice3A_14, %and3A_16 : vector<64x10000xi32>
    %shift_right_logical3A_18 = arith.constant 16 : i32
    %shift_right_logical3A_19 = vector.broadcast %shift_right_logical3A_18 : i32 to vector<64x10000xi32>
    %shift_right_logical3A_20 = arith.shrui %slice3A, %shift_right_logical3A_19 : vector<64x10000xi32>
    %or3A = arith.ori %and3A_17, %shift_right_logical3A_20 : vector<64x10000xi32>
    %bitcast_convert_type3A_21 = tpu.bitcast %or3A : vector<64x10000xi32> -> vector<64x10000xi32>
    %swap3A_22 = arith.constant 0 : index
    %swap3A_23 = arith.constant 0 : index
    %swap3A_24 = vector.load %arg2[%swap3A_22, %swap3A_23] : memref<64x10000xi32, #tpu.memory_space<vmem>>, vector<64x10000xi32>
    tpu.vector_store %arg2[%swap3A_22, %swap3A_23], %bitcast_convert_type3A_21 {strides = array<i32>} : memref<64x10000xi32, #tpu.memory_space<vmem>>, vector<64x10000xi32>,
    return
  }
}

module attributes {stable_mosaic.version = 14 : i64} {
  func.func @body(%arg0: memref<128x10000xf32, #tpu.memory_space<vmem>>, %arg1: memref<256x10000xf32, #tpu.memory_space<vmem>>, %arg2: memref<32x10000xf32, #tpu.memory_space<vmem>>, %arg3: memref<128x256xf32, #tpu.memory_space<vmem>>, %arg4: memref<256x10000xf32, #tpu.memory_space<vmem>>, %arg5: memref<128x10000xi32, #tpu.memory_space<vmem>>, %arg6: memref<1x10000xf32, #tpu.memory_space<vmem>>) attributes {dimension_semantics = [], scalar_prefetch = 0 : i64, scratch_operands = 0 : i64, tpu.core_type = #tpu.core_type<tc>} {
    %get3A = arith.constant 0 : index
    %get3A_0 = arith.constant 0 : index
    %get3A_1 = vector.load %arg2[%get3A, %get3A_0] : memref<32x10000xf32, #tpu.memory_space<vmem>>, vector<32x10000xf32>
    %reduce_sum3A = arith.constant dense<0.000000e+00> : vector<10000xf32>
    %reduce_sum3A_2 = vector.multi_reduction <add>, %get3A_1, %reduce_sum3A [0] : vector<32x10000xf32> to vector<10000xf32>
    %broadcast_in_dim3A = vector.shape_cast %reduce_sum3A_2 : vector<10000xf32> to vector<1x10000xf32>
    %max3A = arith.constant 1.000000e+00 : f32
    %max3A_3 = vector.broadcast %max3A : f32 to vector<1x10000xf32>
    %max3A_4 = arith.maximumf %broadcast_in_dim3A, %max3A_3 : vector<1x10000xf32>
    %div3A = arith.constant 1.000000e+00 : f32
    %div3A_5 = vector.broadcast %div3A : f32 to vector<1x10000xf32>
    %div3A_6 = arith.divf %div3A_5, %max3A_4 : vector<1x10000xf32>
    %swap3A = arith.constant 0 : index
    %swap3A_7 = arith.constant 0 : index
    %swap3A_8 = vector.load %arg6[%swap3A, %swap3A_7] : memref<1x10000xf32, #tpu.memory_space<vmem>>, vector<1x10000xf32>
    tpu.vector_store %arg6[%swap3A, %swap3A_7], %div3A_6 {strides = array<i32>} : memref<1x10000xf32, #tpu.memory_space<vmem>>, vector<1x10000xf32>,
    %get3A_9 = arith.constant 0 : index
    %get3A_10 = arith.constant 0 : index
    %get3A_11 = vector.load %arg0[%get3A_9, %get3A_10] : memref<128x10000xf32, #tpu.memory_space<vmem>>, vector<128x10000xf32>
    %mul3A = vector.broadcast %div3A_6 : vector<1x10000xf32> to vector<128x10000xf32>
    %mul3A_12 = arith.mulf %get3A_11, %mul3A : vector<128x10000xf32>
    %get3A_13 = arith.constant 0 : index
    %get3A_14 = arith.constant 0 : index
    %get3A_15 = vector.load %arg3[%get3A_13, %get3A_14] : memref<128x256xf32, #tpu.memory_space<vmem>>, vector<128x256xf32>
    %dot_general3A = arith.constant dense<0.000000e+00> : vector<256x10000xf32>
    %dot_general3A_16 = tpu.matmul %get3A_15, %mul3A_12, %dot_general3A {dimension_numbers = #tpu.dot_dimension_numbers<[0], [0], [1], [1], [0, 1, 1, 1], [], []>, transpose_lhs_hint = false} : vector<128x256xf32>, vector<128x10000xf32>, vector<256x10000xf32> -> vector<256x10000xf32>
    %get3A_17 = arith.constant 0 : index
    %get3A_18 = arith.constant 0 : index
    %get3A_19 = vector.load %arg1[%get3A_17, %get3A_18] : memref<256x10000xf32, #tpu.memory_space<vmem>>, vector<256x10000xf32>
    %add3A = arith.addf %dot_general3A_16, %get3A_19 : vector<256x10000xf32>
    %max3A_20 = arith.constant 0.000000e+00 : f32
    %max3A_21 = vector.broadcast %max3A_20 : f32 to vector<256x10000xf32>
    %max3A_22 = arith.maximumf %add3A, %max3A_21 : vector<256x10000xf32>
    %swap3A_23 = arith.constant 0 : index
    %swap3A_24 = arith.constant 0 : index
    %swap3A_25 = vector.load %arg4[%swap3A_23, %swap3A_24] : memref<256x10000xf32, #tpu.memory_space<vmem>>, vector<256x10000xf32>
    tpu.vector_store %arg4[%swap3A_23, %swap3A_24], %max3A_22 {strides = array<i32>} : memref<256x10000xf32, #tpu.memory_space<vmem>>, vector<256x10000xf32>,
    %bitcast_convert_type3A = tpu.bitcast %max3A_22 : vector<256x10000xf32> -> vector<256x10000xi32>
    %add3A_26 = arith.constant 32767 : i32
    %add3A_27 = vector.broadcast %add3A_26 : i32 to vector<256x10000xi32>
    %add3A_28 = arith.addi %bitcast_convert_type3A, %add3A_27 : vector<256x10000xi32>
    %shift_right_logical3A = arith.constant 16 : i32
    %shift_right_logical3A_29 = vector.broadcast %shift_right_logical3A : i32 to vector<256x10000xi32>
    %shift_right_logical3A_30 = arith.shrui %bitcast_convert_type3A, %shift_right_logical3A_29 : vector<256x10000xi32>
    %and3A = arith.constant 1 : i32
    %and3A_31 = vector.broadcast %and3A : i32 to vector<256x10000xi32>
    %and3A_32 = arith.andi %shift_right_logical3A_30, %and3A_31 : vector<256x10000xi32>
    %add3A_33 = arith.addi %add3A_28, %and3A_32 : vector<256x10000xi32>
    %slice3A = vector.extract_strided_slice %add3A_33 {offsets = [0, 0], sizes = [128, 10000], strides = [1, 1]} : vector<256x10000xi32> to vector<128x10000xi32>
    %slice3A_34 = vector.extract_strided_slice %add3A_33 {offsets = [128, 0], sizes = [128, 10000], strides = [1, 1]} : vector<256x10000xi32> to vector<128x10000xi32>
    %and3A_35 = arith.constant -65536 : i32
    %and3A_36 = vector.broadcast %and3A_35 : i32 to vector<128x10000xi32>
    %and3A_37 = arith.andi %slice3A_34, %and3A_36 : vector<128x10000xi32>
    %shift_right_logical3A_38 = arith.constant 16 : i32
    %shift_right_logical3A_39 = vector.broadcast %shift_right_logical3A_38 : i32 to vector<128x10000xi32>
    %shift_right_logical3A_40 = arith.shrui %slice3A, %shift_right_logical3A_39 : vector<128x10000xi32>
    %or3A = arith.ori %and3A_37, %shift_right_logical3A_40 : vector<128x10000xi32>
    %bitcast_convert_type3A_41 = tpu.bitcast %or3A : vector<128x10000xi32> -> vector<128x10000xi32>
    %swap3A_42 = arith.constant 0 : index
    %swap3A_43 = arith.constant 0 : index
    %swap3A_44 = vector.load %arg5[%swap3A_42, %swap3A_43] : memref<128x10000xi32, #tpu.memory_space<vmem>>, vector<128x10000xi32>
    tpu.vector_store %arg5[%swap3A_42, %swap3A_43], %bitcast_convert_type3A_41 {strides = array<i32>} : memref<128x10000xi32, #tpu.memory_space<vmem>>, vector<128x10000xi32>,
    return
  }
}

module attributes {stable_mosaic.version = 14 : i64} {
  func.func @body(%arg0: memref<256x10000xf32, #tpu.memory_space<vmem>>, %arg1: memref<256x256xf32, #tpu.memory_space<vmem>>, %arg2: memref<256x1xf32, #tpu.memory_space<vmem>>, %arg3: memref<256x10000xf32, #tpu.memory_space<vmem>>) attributes {dimension_semantics = [], scalar_prefetch = 0 : i64, scratch_operands = 0 : i64, tpu.core_type = #tpu.core_type<tc>} {
    %get3A = arith.constant 0 : index
    %get3A_0 = arith.constant 0 : index
    %get3A_1 = vector.load %arg1[%get3A, %get3A_0] : memref<256x256xf32, #tpu.memory_space<vmem>>, vector<256x256xf32>
    %get3A_2 = arith.constant 0 : index
    %get3A_3 = arith.constant 0 : index
    %get3A_4 = vector.load %arg0[%get3A_2, %get3A_3] : memref<256x10000xf32, #tpu.memory_space<vmem>>, vector<256x10000xf32>
    %dot_general3A = arith.constant dense<0.000000e+00> : vector<256x10000xf32>
    %dot_general3A_5 = tpu.matmul %get3A_1, %get3A_4, %dot_general3A {dimension_numbers = #tpu.dot_dimension_numbers<[0], [0], [1], [1], [0, 1, 1, 1], [], []>, transpose_lhs_hint = false} : vector<256x256xf32>, vector<256x10000xf32>, vector<256x10000xf32> -> vector<256x10000xf32>
    %get3A_6 = arith.constant 0 : index
    %get3A_7 = arith.constant 0 : index
    %get3A_8 = vector.load %arg2[%get3A_6, %get3A_7] : memref<256x1xf32, #tpu.memory_space<vmem>>, vector<256x1xf32>
    %add3A = vector.broadcast %get3A_8 : vector<256x1xf32> to vector<256x10000xf32>
    %add3A_9 = arith.addf %dot_general3A_5, %add3A : vector<256x10000xf32>
    %swap3A = arith.constant 0 : index
    %swap3A_10 = arith.constant 0 : index
    %swap3A_11 = vector.load %arg3[%swap3A, %swap3A_10] : memref<256x10000xf32, #tpu.memory_space<vmem>>, vector<256x10000xf32>
    tpu.vector_store %arg3[%swap3A, %swap3A_10], %add3A_9 {strides = array<i32>} : memref<256x10000xf32, #tpu.memory_space<vmem>>, vector<256x10000xf32>,
    return
  }
}

module attributes {stable_mosaic.version = 14 : i64} {
  func.func @body(%arg0: memref<256x10000xf32, #tpu.memory_space<vmem>>, %arg1: memref<256x10000xf32, #tpu.memory_space<vmem>>, %arg2: memref<1x10000xf32, #tpu.memory_space<vmem>>, %arg3: memref<256x256xf32, #tpu.memory_space<vmem>>, %arg4: memref<256x10000xf32, #tpu.memory_space<vmem>>, %arg5: memref<128x10000xi32, #tpu.memory_space<vmem>>) attributes {dimension_semantics = [], scalar_prefetch = 0 : i64, scratch_operands = 0 : i64, tpu.core_type = #tpu.core_type<tc>} {
    %get3A = arith.constant 0 : index
    %get3A_0 = arith.constant 0 : index
    %get3A_1 = vector.load %arg0[%get3A, %get3A_0] : memref<256x10000xf32, #tpu.memory_space<vmem>>, vector<256x10000xf32>
    %get3A_2 = arith.constant 0 : index
    %get3A_3 = arith.constant 0 : index
    %get3A_4 = vector.load %arg2[%get3A_2, %get3A_3] : memref<1x10000xf32, #tpu.memory_space<vmem>>, vector<1x10000xf32>
    %mul3A = vector.broadcast %get3A_4 : vector<1x10000xf32> to vector<256x10000xf32>
    %mul3A_5 = arith.mulf %get3A_1, %mul3A : vector<256x10000xf32>
    %get3A_6 = arith.constant 0 : index
    %get3A_7 = arith.constant 0 : index
    %get3A_8 = vector.load %arg3[%get3A_6, %get3A_7] : memref<256x256xf32, #tpu.memory_space<vmem>>, vector<256x256xf32>
    %dot_general3A = arith.constant dense<0.000000e+00> : vector<256x10000xf32>
    %dot_general3A_9 = tpu.matmul %get3A_8, %mul3A_5, %dot_general3A {dimension_numbers = #tpu.dot_dimension_numbers<[0], [0], [1], [1], [0, 1, 1, 1], [], []>, transpose_lhs_hint = false} : vector<256x256xf32>, vector<256x10000xf32>, vector<256x10000xf32> -> vector<256x10000xf32>
    %get3A_10 = arith.constant 0 : index
    %get3A_11 = arith.constant 0 : index
    %get3A_12 = vector.load %arg1[%get3A_10, %get3A_11] : memref<256x10000xf32, #tpu.memory_space<vmem>>, vector<256x10000xf32>
    %add3A = arith.addf %dot_general3A_9, %get3A_12 : vector<256x10000xf32>
    %max3A = arith.constant 0.000000e+00 : f32
    %max3A_13 = vector.broadcast %max3A : f32 to vector<256x10000xf32>
    %max3A_14 = arith.maximumf %add3A, %max3A_13 : vector<256x10000xf32>
    %swap3A = arith.constant 0 : index
    %swap3A_15 = arith.constant 0 : index
    %swap3A_16 = vector.load %arg4[%swap3A, %swap3A_15] : memref<256x10000xf32, #tpu.memory_space<vmem>>, vector<256x10000xf32>
    tpu.vector_store %arg4[%swap3A, %swap3A_15], %max3A_14 {strides = array<i32>} : memref<256x10000xf32, #tpu.memory_space<vmem>>, vector<256x10000xf32>,
    %bitcast_convert_type3A = tpu.bitcast %max3A_14 : vector<256x10000xf32> -> vector<256x10000xi32>
    %add3A_17 = arith.constant 32767 : i32
    %add3A_18 = vector.broadcast %add3A_17 : i32 to vector<256x10000xi32>
    %add3A_19 = arith.addi %bitcast_convert_type3A, %add3A_18 : vector<256x10000xi32>
    %shift_right_logical3A = arith.constant 16 : i32
    %shift_right_logical3A_20 = vector.broadcast %shift_right_logical3A : i32 to vector<256x10000xi32>
    %shift_right_logical3A_21 = arith.shrui %bitcast_convert_type3A, %shift_right_logical3A_20 : vector<256x10000xi32>
    %and3A = arith.constant 1 : i32
    %and3A_22 = vector.broadcast %and3A : i32 to vector<256x10000xi32>
    %and3A_23 = arith.andi %shift_right_logical3A_21, %and3A_22 : vector<256x10000xi32>
    %add3A_24 = arith.addi %add3A_19, %and3A_23 : vector<256x10000xi32>
    %slice3A = vector.extract_strided_slice %add3A_24 {offsets = [0, 0], sizes = [128, 10000], strides = [1, 1]} : vector<256x10000xi32> to vector<128x10000xi32>
    %slice3A_25 = vector.extract_strided_slice %add3A_24 {offsets = [128, 0], sizes = [128, 10000], strides = [1, 1]} : vector<256x10000xi32> to vector<128x10000xi32>
    %and3A_26 = arith.constant -65536 : i32
    %and3A_27 = vector.broadcast %and3A_26 : i32 to vector<128x10000xi32>
    %and3A_28 = arith.andi %slice3A_25, %and3A_27 : vector<128x10000xi32>
    %shift_right_logical3A_29 = arith.constant 16 : i32
    %shift_right_logical3A_30 = vector.broadcast %shift_right_logical3A_29 : i32 to vector<128x10000xi32>
    %shift_right_logical3A_31 = arith.shrui %slice3A, %shift_right_logical3A_30 : vector<128x10000xi32>
    %or3A = arith.ori %and3A_28, %shift_right_logical3A_31 : vector<128x10000xi32>
    %bitcast_convert_type3A_32 = tpu.bitcast %or3A : vector<128x10000xi32> -> vector<128x10000xi32>
    %swap3A_33 = arith.constant 0 : index
    %swap3A_34 = arith.constant 0 : index
    %swap3A_35 = vector.load %arg5[%swap3A_33, %swap3A_34] : memref<128x10000xi32, #tpu.memory_space<vmem>>, vector<128x10000xi32>
    tpu.vector_store %arg5[%swap3A_33, %swap3A_34], %bitcast_convert_type3A_32 {strides = array<i32>} : memref<128x10000xi32, #tpu.memory_space<vmem>>, vector<128x10000xi32>,
    return
  }
}

module attributes {stable_mosaic.version = 14 : i64} {
  func.func @body(%arg0: memref<256x10000xf32, #tpu.memory_space<vmem>>, %arg1: memref<256x10000xf32, #tpu.memory_space<vmem>>, %arg2: memref<1x10000xf32, #tpu.memory_space<vmem>>, %arg3: memref<256x256xf32, #tpu.memory_space<vmem>>, %arg4: memref<1x10000xi32, #tpu.memory_space<vmem>>, %arg5: memref<256x128xf32, #tpu.memory_space<vmem>>, %arg6: memref<128x1xf32, #tpu.memory_space<vmem>>, %arg7: memref<128x1xf32, #tpu.memory_space<vmem>>, %arg8: memref<1x1xf32, #tpu.memory_space<vmem>>, %arg9: memref<1x64xf32, #tpu.memory_space<vmem>>) attributes {dimension_semantics = [], scalar_prefetch = 0 : i64, scratch_operands = 0 : i64, tpu.core_type = #tpu.core_type<tc>} {
    %get3A = arith.constant 0 : index
    %get3A_0 = arith.constant 0 : index
    %get3A_1 = vector.load %arg0[%get3A, %get3A_0] : memref<256x10000xf32, #tpu.memory_space<vmem>>, vector<256x10000xf32>
    %get3A_2 = arith.constant 0 : index
    %get3A_3 = arith.constant 0 : index
    %get3A_4 = vector.load %arg2[%get3A_2, %get3A_3] : memref<1x10000xf32, #tpu.memory_space<vmem>>, vector<1x10000xf32>
    %mul3A = vector.broadcast %get3A_4 : vector<1x10000xf32> to vector<256x10000xf32>
    %mul3A_5 = arith.mulf %get3A_1, %mul3A : vector<256x10000xf32>
    %get3A_6 = arith.constant 0 : index
    %get3A_7 = arith.constant 0 : index
    %get3A_8 = vector.load %arg3[%get3A_6, %get3A_7] : memref<256x256xf32, #tpu.memory_space<vmem>>, vector<256x256xf32>
    %dot_general3A = arith.constant dense<0.000000e+00> : vector<256x10000xf32>
    %dot_general3A_9 = tpu.matmul %get3A_8, %mul3A_5, %dot_general3A {dimension_numbers = #tpu.dot_dimension_numbers<[0], [0], [1], [1], [0, 1, 1, 1], [], []>, transpose_lhs_hint = false} : vector<256x256xf32>, vector<256x10000xf32>, vector<256x10000xf32> -> vector<256x10000xf32>
    %get3A_10 = arith.constant 0 : index
    %get3A_11 = arith.constant 0 : index
    %get3A_12 = vector.load %arg1[%get3A_10, %get3A_11] : memref<256x10000xf32, #tpu.memory_space<vmem>>, vector<256x10000xf32>
    %add3A = arith.addf %dot_general3A_9, %get3A_12 : vector<256x10000xf32>
    %max3A = arith.constant 0.000000e+00 : f32
    %max3A_13 = vector.broadcast %max3A : f32 to vector<256x10000xf32>
    %max3A_14 = arith.maximumf %add3A, %max3A_13 : vector<256x10000xf32>
    %iota3A = tpu.iota {dimensions = array<i32: 0>} : vector<64x10000xi32>
    %get3A_15 = arith.constant 0 : index
    %get3A_16 = arith.constant 0 : index
    %get3A_17 = vector.load %arg4[%get3A_15, %get3A_16] : memref<1x10000xi32, #tpu.memory_space<vmem>>, vector<1x10000xi32>
    %eq3A = vector.broadcast %get3A_17 : vector<1x10000xi32> to vector<64x10000xi32>
    %eq3A_18 = arith.cmpi eq, %eq3A, %iota3A : vector<64x10000xi32>
    %convert_element_type3A = arith.extui %eq3A_18 : vector<64x10000xi1> to vector<64x10000xi32>
    %convert_element_type3A_19 = arith.sitofp %convert_element_type3A : vector<64x10000xi32> to vector<64x10000xf32>
    %dot_general3A_20 = arith.constant dense<0.000000e+00> : vector<256x64xf32>
    %dot_general3A_21 = tpu.matmul %max3A_14, %convert_element_type3A_19, %dot_general3A_20 {dimension_numbers = #tpu.dot_dimension_numbers<[1], [1], [0], [0], [0, 0, 1, 0], [], []>, transpose_lhs_hint = false} : vector<256x10000xf32>, vector<64x10000xf32>, vector<256x64xf32> -> vector<256x64xf32>
    %broadcast_in_dim3A = arith.constant 1.000000e+00 : f32
    %broadcast_in_dim3A_22 = vector.broadcast %broadcast_in_dim3A : f32 to vector<1x10000xf32>
    %dot_general3A_23 = arith.constant dense<0.000000e+00> : vector<1x64xf32>
    %dot_general3A_24 = tpu.matmul %broadcast_in_dim3A_22, %convert_element_type3A_19, %dot_general3A_23 {dimension_numbers = #tpu.dot_dimension_numbers<[1], [1], [0], [0], [0, 0, 1, 0], [], []>, transpose_lhs_hint = false} : vector<1x10000xf32>, vector<64x10000xf32>, vector<1x64xf32> -> vector<1x64xf32>
    %max3A_25 = arith.constant 1.000000e+00 : f32
    %max3A_26 = vector.broadcast %max3A_25 : f32 to vector<1x64xf32>
    %max3A_27 = arith.maximumf %dot_general3A_24, %max3A_26 : vector<1x64xf32>
    %div3A = vector.broadcast %max3A_27 : vector<1x64xf32> to vector<256x64xf32>
    %div3A_28 = arith.divf %dot_general3A_21, %div3A : vector<256x64xf32>
    %get3A_29 = arith.constant 0 : index
    %get3A_30 = arith.constant 0 : index
    %get3A_31 = vector.load %arg5[%get3A_29, %get3A_30] : memref<256x128xf32, #tpu.memory_space<vmem>>, vector<256x128xf32>
    %dot_general3A_32 = arith.constant dense<0.000000e+00> : vector<128x64xf32>
    %dot_general3A_33 = tpu.matmul %get3A_31, %div3A_28, %dot_general3A_32 {dimension_numbers = #tpu.dot_dimension_numbers<[0], [0], [1], [1], [0, 1, 1, 1], [], []>, transpose_lhs_hint = false} : vector<256x128xf32>, vector<256x64xf32>, vector<128x64xf32> -> vector<128x64xf32>
    %get3A_34 = arith.constant 0 : index
    %get3A_35 = arith.constant 0 : index
    %get3A_36 = vector.load %arg6[%get3A_34, %get3A_35] : memref<128x1xf32, #tpu.memory_space<vmem>>, vector<128x1xf32>
    %add3A_37 = vector.broadcast %get3A_36 : vector<128x1xf32> to vector<128x64xf32>
    %add3A_38 = arith.addf %dot_general3A_33, %add3A_37 : vector<128x64xf32>
    %max3A_39 = arith.constant 0.000000e+00 : f32
    %max3A_40 = vector.broadcast %max3A_39 : f32 to vector<128x64xf32>
    %max3A_41 = arith.maximumf %add3A_38, %max3A_40 : vector<128x64xf32>
    %get3A_42 = arith.constant 0 : index
    %get3A_43 = arith.constant 0 : index
    %get3A_44 = vector.load %arg7[%get3A_42, %get3A_43] : memref<128x1xf32, #tpu.memory_space<vmem>>, vector<128x1xf32>
    %dot_general3A_45 = arith.constant dense<0.000000e+00> : vector<1x64xf32>
    %dot_general3A_46 = tpu.matmul %get3A_44, %max3A_41, %dot_general3A_45 {dimension_numbers = #tpu.dot_dimension_numbers<[0], [0], [1], [1], [0, 1, 1, 1], [], []>, transpose_lhs_hint = false} : vector<128x1xf32>, vector<128x64xf32>, vector<1x64xf32> -> vector<1x64xf32>
    %get3A_47 = arith.constant 0 : index
    %get3A_48 = arith.constant 0 : index
    %get3A_49 = vector.load %arg8[%get3A_47, %get3A_48] : memref<1x1xf32, #tpu.memory_space<vmem>>, vector<1x1xf32>
    %add3A_50 = vector.broadcast %get3A_49 : vector<1x1xf32> to vector<1x64xf32>
    %add3A_51 = arith.addf %dot_general3A_46, %add3A_50 : vector<1x64xf32>
    %neg3A = arith.constant 0.000000e+00 : f32
    %neg3A_52 = vector.broadcast %neg3A : f32 to vector<1x64xf32>
    %neg3A_53 = arith.subf %neg3A_52, %add3A_51 : vector<1x64xf32>
    %exp3A = math.exp %neg3A_53 : vector<1x64xf32>
    %add3A_54 = arith.constant 1.000000e+00 : f32
    %add3A_55 = vector.broadcast %add3A_54 : f32 to vector<1x64xf32>
    %add3A_56 = arith.addf %add3A_55, %exp3A : vector<1x64xf32>
    %div3A_57 = arith.constant 1.000000e+00 : f32
    %div3A_58 = vector.broadcast %div3A_57 : f32 to vector<1x64xf32>
    %div3A_59 = arith.divf %div3A_58, %add3A_56 : vector<1x64xf32>
    %swap3A = arith.constant 0 : index
    %swap3A_60 = arith.constant 0 : index
    %swap3A_61 = vector.load %arg9[%swap3A, %swap3A_60] : memref<1x64xf32, #tpu.memory_space<vmem>>, vector<1x64xf32>
    tpu.vector_store %arg9[%swap3A, %swap3A_60], %div3A_59 {strides = array<i32>} : memref<1x64xf32, #tpu.memory_space<vmem>>, vector<1x64xf32>,
    return
  }
}

</mosaic_0001>

<sc_bundles>
// kernel: kernel.13.cloned.1.call-start
scs
__scs_entry_jumppad:
0x0: {  	(pc) =	sbr.rel $0x88, $3  }
0x1: {  	(tag) =	ssettag $0x0;
	lr =	simm.s32 $0x1  }
0x2: {  	[smem:$0x3F91] =	sst lr;
	_ =	strace $0xD0000000  }
0x3: {  	_ = 	snop  }
0x4: {  	_ = 	snop  }
0x5: {  	_ = 	snop  }
0x6: {  	_ = 	snop  }
0x7: {  	_ = 	snop  }
__scs_overlays_trampoline_lowered:
0x8: {  	[smem:$0x3FA0] =	sst s0  }
0x9: {  	[smem:$0x3FA1] =	sst s1  }
0xa: {  	[smem:$0x3FA2] =	sst s2  }
0xb: {  	[smem:$0x3FA3] =	sst s3  }
0xc: {  	[smem:$0x3FA4] =	sst s4  }
0xd: {  	[smem:$0x3FA5] =	sst s5  }
0xe: {  	[smem:$0x3FA6] =	sst s6  }
0xf: {  	[smem:$0x3FA7] =	sst s7  }
0x10: {  	[smem:$0x3FA8] =	sst s8  }
0x11: {  	[smem:$0x3FA9] =	sst s9;
	s0 =	simm.s32 @!p0 $0x0  }
0x12: {  	s1 =	sld [smem:$0x3F8F];
	s0 =	simm.s32 @p0 $0x1  }
0x13: {  	[smem:$0x3FAA] =	sst s0;
	s0 =	simm.s32 @!p1 $0x0  }
0x14: {  	s2 =	sld [smem:$0x3F8E];
	s0 =	simm.s32 @p1 $0x1  }
0x15: {  	[smem:$0x3FAB] =	sst s0;
	s0 =	simm.s32 @!p2 $0x0  }
0x16: {  	s3 =	sld [smem:$0x3FDB];
	s0 =	simm.s32 @p2 $0x1  }
0x17: {  	s4 =	simm.s32 $0x1BF5;
	[smem:$0x3FAD] =	sst s0  }
0x18: {  	s0 =	sld [smem:$0x3F90];
	_ =	swait.ge [sflag:s4], $0x0  }
0x19: {  	s7 =	sld [smem:$0x3F91]  }
0x1a: {  	s8 =	sadd.s32 $0xFFFFE003, lr  }
0x1b: {  	s9 =	sadd.s32 $0xFFFFFEF7, lr;
	s5 =	simm.s32 $0xFFFFFFFF;
	p2 =	slt.u32 s8, $0xFFFFF086  }
0x1c: {  	p1 =	slt.u32 s9, $0xF7A;
	s5 =	simm.s32 @!p2 $0x0  }
0x1d: {  	s5 =	simm.s32 @p1 $0x1;
	p0 =	seq.s32 s7, s2  }
0x1e: {  	s7 =	smul.u32 @!p0 $0xF7A, s2;
	p2 =	seq.s32 @!p0 s5, $0x0  }
0x1f: {  	s9 =	smul.u32 $0xF7A, s1;
	s8 =	simm.s32 @!p0 $0x1BF5;
	p2 =	por !p2, p0  }
0x20: {  	[sflag:s8] =	ssyncset.s32 @!p0 $0xFFFFF086;
	s6 =	sadd.s32 @!p0 s3, s7;
	s7 =	simm.s32 @!p0 $0x108  }
0x21: {  	s3 =	sadd.s32 s3, s9;
	s6 =	sadd.s32 @!p0 $0x88, s6;
	s7 =	simm.s32 @p2 $0x1082  }
0x22: {  	[simem:s7], [sflag:s8] =	dma.local @!p0 [hbm:s6], $0xF7A  }
0x23: {  	s9 =	sor.u32 $0xD0000000, s2;
	s6 =	simm.s32 $0x108;
	_ =	swait.ge @!p0 [sflag:s8], $0x0  }
0x24: {  	s3 =	sadd.s32 $0x88, s3;
	s6 =	simm.s32 @!p1 $0x1082;
	[sflag:s4] =	ssyncset.s32 $0xFFFFF086  }
0x25: {  	[simem:s6], [sflag:s4] =	dma.local [hbm:s3], $0xF7A  }
0x26: {  	[smem:$0x3F91] =	sst s1;
	(tag) =	ssettag s2;
	_ =	strace s9  }
0x27: {  	s1 =	sld [smem:$0x3FA1]  }
0x28: {  	s2 =	sld [smem:$0x3FA2]  }
0x29: {  	s4 =	sld [smem:$0x3FA4]  }
0x2a: {  	p0 =	seq.s32 s5, $0x0;
	s5 =	sld [smem:$0x3FA5]  }
0x2b: {  	s6 =	sld [smem:$0x3FA6]  }
0x2c: {  	s7 =	sld [smem:$0x3FA7]  }
0x2d: {  	s3 =	simm.s32 $0x108;
	s8 =	sld [smem:$0x3FA8]  }
0x2e: {  	s3 =	simm.s32 @!p0 $0x1082;
	s9 =	sld [smem:$0x3FA9]  }
0x2f: {  	lr =	sadd.s32 s0, s3;
	s0 =	sld [smem:$0x3FA0]  }
0x30: {  	s3 =	sld [smem:$0x3FA3]  }
0x31: {  	[smem:$0x3FAC] =	sst s10  }
0x32: {  	s10 =	sld [smem:$0x3FAA];
	_ =	sdelay $0x3  }
0x33: {  	p0 =	seq.s32 s10, $0x1;
	s10 =	sld [smem:$0x3FAC];
	_ =	sdelay $0x3  }
0x34: {  	[smem:$0x3FAC] =	sst s10  }
0x35: {  	s10 =	sld [smem:$0x3FAB];
	_ =	sdelay $0x3  }
0x36: {  	p1 =	seq.s32 s10, $0x1;
	s10 =	sld [smem:$0x3FAC];
	_ =	sdelay $0x3  }
0x37: {  	[smem:$0x3FAC] =	sst s10  }
0x38: {  	s10 =	sld [smem:$0x3FAD]  }
0x39: {  	_ = 	snop;
	(pc) =	sbr.ind lr, $3  }
0x3a: {  	_ = 	snop  }
0x3b: {  	_ = 	snop  }
0x3c: {  	p2 =	seq.s32 s10, $0x1;
	s10 =	sld [smem:$0x3FAC]  }
0x3d: {  	_ =	shalt  }
0x3e: {  	_ =	shalt  }
0x3f: {  	_ =	shalt  }
0x40: {  	_ =	shalt  }
0x41: {  	_ =	shalt  }
0x42: {  	_ =	shalt  }
0x43: {  	_ =	shalt  }
0x44: {  	_ =	shalt  }
0x45: {  	_ =	shalt  }
0x46: {  	_ =	shalt  }
0x47: {  	_ =	shalt  }
0x48: {  	_ =	shalt  }
0x49: {  	_ =	shalt  }
0x4a: {  	_ =	shalt  }
0x4b: {  	_ =	shalt  }
0x4c: {  	_ =	shalt  }
0x4d: {  	_ =	shalt  }
0x4e: {  	_ =	shalt  }
0x4f: {  	_ =	shalt  }
0x50: {  	_ =	shalt  }
0x51: {  	_ =	shalt  }
0x52: {  	_ =	shalt  }
0x53: {  	_ =	shalt  }
0x54: {  	_ =	shalt  }
0x55: {  	_ =	shalt  }
0x56: {  	_ =	shalt  }
0x57: {  	_ =	shalt  }
0x58: {  	_ =	shalt  }
0x59: {  	_ =	shalt  }
0x5a: {  	_ =	shalt  }
0x5b: {  	_ =	shalt  }
0x5c: {  	_ =	shalt  }
0x5d: {  	_ =	shalt  }
0x5e: {  	_ =	shalt  }
0x5f: {  	_ =	shalt  }
0x60: {  	_ =	shalt  }
0x61: {  	_ =	shalt  }
0x62: {  	_ =	shalt  }
0x63: {  	_ =	shalt  }
0x64: {  	_ =	shalt  }
0x65: {  	_ =	shalt  }
0x66: {  	_ =	shalt  }
0x67: {  	_ =	shalt  }
0x68: {  	_ =	shalt  }
0x69: {  	_ =	shalt  }
0x6a: {  	_ =	shalt  }
0x6b: {  	_ =	shalt  }
0x6c: {  	_ =	shalt  }
0x6d: {  	_ =	shalt  }
0x6e: {  	_ =	shalt  }
0x6f: {  	_ =	shalt  }
0x70: {  	_ =	shalt  }
0x71: {  	_ =	shalt  }
0x72: {  	_ =	shalt  }
0x73: {  	_ =	shalt  }
0x74: {  	_ =	shalt  }
0x75: {  	_ =	shalt  }
0x76: {  	_ =	shalt  }
0x77: {  	_ =	shalt  }
0x78: {  	_ =	shalt  }
0x79: {  	_ =	shalt  }
0x7a: {  	_ =	shalt  }
0x7b: {  	_ =	shalt  }
0x7c: {  	_ =	shalt  }
0x7d: {  	_ =	shalt  }
0x7e: {  	_ =	shalt  }
0x7f: {  	_ =	shalt  }
0x80: {  	_ =	shalt  }
0x81: {  	_ =	shalt  }
0x82: {  	_ =	shalt  }
0x83: {  	_ =	shalt  }
0x84: {  	_ =	shalt  }
0x85: {  	_ =	shalt  }
0x86: {  	_ =	shalt  }
0x87: {  	_ =	shalt  }
.Lfunc_end0:
.L_simem_size_0:
called_computation_lowered:
.L_overlay_start_0:
0x88: {  	s2 =	sld [smem:$0x3FD9]  }
0x89: {  	s3 =	sld [smem:$0x3FFE];
	_ =	sdelay $0x1  }
0x8a: {  	s1 =	srdreg.scid  }
0x8b: {  	s0 =	sand.u32 $0x1, s1  }
0x8c: {  	s17 =	sshll.u32 s0, $0xA;
	s2 =	sadd.s32 s3, s2  }
0x8d: {  	s2 =	sadd.s32 s2, s17  }
0x8e: {  	[smem:$0x3FB8] =	sst s2  }
0x8f: {  	_ = 	snop  }
0x90: {  	(tm) =	ssettm $0x1  }
0x91: {  	s18 =	sld [smem:$0x3FFB];
	_ =	sdelay $0x3  }
0x92: {  	_ =	strace s18  }
0x93: {  	s2 =	sld [smem:$0x3FFC];
	_ =	sdelay $0x3  }
0x94: {  	_ =	strace s2  }
0x95: {  	s2 =	sld [smem:$0x3FFD];
	_ =	sdelay $0x3  }
0x96: {  	_ =	strace s2  }
0x97: {  	_ =	strace $0x8FFFFFFF  }
0x98: {  	s19 =	sld [smem:$0x3FDB];
	_ =	sdelay $0x1  }
0x99: {  	s20 =	simm.s32 $_scs_section_size  }
0x9a: {  	s4 =	simm.s32 $_size__tile_overlayer_lowered;
	s5 =	simm.s32 $_tile_overlayer_lowered  }
0x9b: {  	s6 =	simm.s32 $0x1BFF;
	s21 =	sshll.u32 s5, $0x1;
	s3 =	sadd.s32 s20, s19  }
0x9c: {  	s22 =	simm.s32 $0x0;
	s4 =	sshll.u32 s4, $0x1;
	s5 =	sadd.s32 s21, s3  }
0x9d: {  	[timem:s22], [sflag:s6] =	dma.local [hbm:s5], s4  }
0x9e: {  	_ =	swait.ge [sflag:s6], s4  }
0x9f: {  	s4 =	ssub.s32 $0x0, s4;
	[sflag:s6] =	ssyncset.done $0x0  }
0xa0: {  	[sflag:s6] =	ssyncadd.s32 s4;
	_ =	sdelay $0x1  }
0xa1: {  	s23 =	simm.s32 $0x1B8B  }
0xa2: {  	_ =	swait.ge [sflag:s23], $0x1  }
0xa3: {  	[sflag:s23] =	ssyncset.done $0x0  }
0xa4: {  	[sflag:s23] =	ssyncadd.s32 $0xFFFFFFFF  }
0xa5: {  	s4 =	sld [smem:$0x0]  }
0xa6: {  	s5 =	sand.u32 $0xFFFFFFFE, s1  }
0xa7: {  	p0 =	sne.s32 s1, s5  }
0xa8: {  	s5 =	sshll.u32 @p0 s5, $0xE  }
0xa9: {  	s5 =	sadd.s32 @p0 $0x11B8D, s5;
	s6 =	sshll.u32 @p0 s4, $0x11  }
0xaa: {  	s5 =	sor.u32 @p0 s6, s5  }
0xab: {  	[sflag:s5] =	ssyncadd.remote.s32 @p0 $0x1;
	_ =	sdelay $0x1  }
0xac: {  	s5 =	simm.s32 @p0 $0x1B8D  }
0xad: {  	_ =	swait.eq @p0 [sflag:s5], $0x1  }
0xae: {  	[sflag:s5] =	ssyncadd.s32 @p0 $0xFFFFFFFF  }
0xaf: {  	s6 =	sshll.u32 @!p0 s1, $0xE  }
0xb0: {  	s6 =	sor.u32 @!p0 $0x4000, s6;
	s5 =	simm.s32 @!p0 $0x1B8D  }
0xb1: {  	s4 =	sshll.u32 @!p0 s4, $0x11;
	s6 =	sadd.s32 @!p0 $0x11B8D, s6;
	_ =	swait.eq @!p0 [sflag:s5], $0x1  }
0xb2: {  	s4 =	sor.u32 @!p0 s4, s6;
	[sflag:s5] =	ssyncadd.s32 @!p0 $0xFFFFFFFF  }
0xb3: {  	s25 =	simm.s32 $0x1B8E;
	s24 =	sld [smem:$0x3FFE];
	[sflag:s4] =	ssyncadd.remote.s32 @!p0 $0x1  }
0xb4: {  	s26 =	simm.s32 $execute0_lowered;
	[smem:$0x3FD2] =	sst s25  }
0xb5: {  	s5 =	sshll.u32 s26, $0x1;
	_ =	strace $0x80000049;
	[dreg:$0x1] =	wrdreg $0xFFFFFFFF  }
0xb6: {  	s28 =	simm.s32 $_size_execute0_lowered;
	s3 =	sadd.s32 s3, s5;
	[dreg:$0x0] =	wrdreg $0x0  }
0xb7: {  	s5 =	sshll.u32 s28, $0x1;
	[dreg:$0x2] =	wrdreg s3  }
0xb8: {  	[dreg:$0x3] =	wrdreg s5  }
0xb9: {  	[dreg:$0x4] =	wrdreg $0xC0  }
0xba: {  	_ =	task [dreg:s22], $0x5FFFF  }
0xbb: {  	[dreg:$0x1] =	wrdreg $0xFFFFFFFF  }
0xbc: {  	[dreg:$0x0] =	wrdreg $0x60  }
0xbd: {  	[dreg:$0x2] =	wrdreg s24  }
0xbe: {  	[dreg:$0x3] =	wrdreg $0x9  }
0xbf: {  	_ =	task.clear_ibuf [dreg:s22], $0x4FFFF;
	_ =	strace $0x90000049  }
0xc0: {  	s29 =	simm.s32 $0x9;
	_ =	strace $0x8000004B  }
0xc1: {  	_ =	swait.ge [sflag:s29], $0x1  }
0xc2: {  	[sflag:s29] =	ssyncadd.s32 $0xFFFFFFFF  }
0xc3: {  	_ =	strace $0x9000004B  }
0xc4: {  	_ =	sfence  }
0xc5: {  	s30 =	sld [smem:$0x0];
	_ =	sdelay $0x2  }
0xc6: {  	s31 =	sshll.u32 s1, $0xD;
	s1 =	sshrl.u32 s1, $0x2  }
0xc7: {  	s4 =	sand.u32 $0x4000, s31;
	s1 =	sadd.s32 s1, s30  }
0xc8: {  	s0 =	sor.u32 s4, s0;
	s1 =	sshll.u32 s1, $0x11  }
0xc9: {  	s0 =	sor.u32 s1, s0  }
0xca: {  	s0 =	sadd.s32 $0x8F2B, s0  }
0xcb: {  	[sflag:s0] =	ssyncadd.remote.s32 $0x1  }
0xcc: {  	_ =	sfence.sel $0xFFFF  }
0xcd: {  	[dreg:$0x0] =	wrdreg $0xFFFFFFFF;
	(pc) =	sbr.abs _section_cstart, $3  }
0xce: {  	[dreg:$0x1] =	wrdreg $0xFFFFFFFF  }
0xcf: {  	_ =	task.clear_ibuf [dreg:s22], $0x2FFFF;
	_ =	strace $0x9FFFFFFF  }
0xd0: {  	(tm) =	ssettm $0x7FFFFFFF  }
0xd1: {  	_ =	shalt  }
tec
execute0_lowered:
.L_overlay_start_1:
0x0: {  	(tag) =	ssettag $0x1  }
0x1: {  	s1 =	srdreg.scid  }
0x2: {  	s0 =	stileid.u32;
	s5 =	rddreg [dreg:$0x0]  }
0x3: {  	s2 =	simm.s32 $0x0;
	s8 =	simm.s32 $0x80;
	s9 =	simm.s32 $0x400  }
0x4: {  	s10 =	simm.s32 $0x0;
	s3 =	sand.u32 $0x1, s1;
	s29 =	sshll.u32 s0, $0x1  }
0x5: {  	s30 =	sshrl.u32 s0, $0x2;
	s1 =	rddreg [dreg:$0x1];
	s4 =	sor.u32 s3, s29  }
0x6: {  	[smem:$0x7FF] =	sst s2;
	s6 =	smul.u32 $0x13C00, s30;
	s7 =	sshll.u32 s4, $0x7  }
0x7: {  	s3 =	ssub.s32 $0x2, s3;
	s4 =	smul.u32 $0x4E2, s4;
	s7 =	sand.u32 $0x380, s7  }
0x8: {  	_ =	strace $0x8000004A;
	s31 =	sshrl.u32 s3, $0x1;
	s6 =	sor.u32 s6, s7  }
0x9: {  	s4 =	sadd.s32 s4, s5;
	s7 =	simm.s32 $0x1;
	s6 =	sshrl.u32 s6, $0x3  }
0xa: {  	s5 =	sadd.s32 s6, s5;
	s6 =	ssub.s32 s3, s31;
	s3 =	sadd.s32 $0x3E00, s4  }
0xb: {  	v0 =	vimm.f32 $0.0e+00;
	v1 =	vimm.f32 $1.000000000e+00;
	s4 =	sadd.s32 $0x52600, s5;
	s5 =	smax.u32 s6, $0x1;
	s6 =	simm.s32 $0x2780  }
.LBB2_1:
0xc: {  	s11 =	simm.s32 $0x40  }
0xd: {  	[tilespmem:s11+$0xFFFFFFC0] =	vst v0  }
0xe: {  	[tilespmem:s11+$0x30] =	vst v0  }
0xf: {  	[tilespmem:s11+$0x20] =	vst v0  }
0x10: {  	[tilespmem:s11+$0x10] =	vst v0  }
0x11: {  	[tilespmem:s11+$0x0] =	vst v0  }
0x12: {  	[tilespmem:s11+$0xFFFFFFF0] =	vst v0  }
0x13: {  	s12 =	simm.s32 $0x0;
	[tilespmem:s11+$0xFFFFFFE0] =	vst v0  }
.LBB2_2:
0x14: {  	s12 =	sadd.s32 $0x8, s12;
	[tilespmem:s11+$0xFFFFFFD0] =	vst v0;
	s11 =	sadd.s32 $0x80, s11  }
0x15: {  	[tilespmem:s11+$0xFFFFFFC0] =	vst v0;
	p0 =	slt.u32 s12, $0x268  }
0x16: {  	[tilespmem:s11+$0x30] =	vst v0  }
.Ltmp0:
0x17: {  	[tilespmem:s11+$0x20] =	vst v0;
	(pc) =	sbr.rel @p0 .LBB2_2-.Ltmp0, $4  }
0x18: {  	[tilespmem:s11+$0x10] =	vst v0  }
0x19: {  	[tilespmem:s11+$0x0] =	vst v0  }
0x1a: {  	[tilespmem:s11+$0xFFFFFFF0] =	vst v0  }
0x1b: {  	[tilespmem:s11+$0xFFFFFFE0] =	vst v0  }
0x1c: {  	[tilespmem:s11+$0xFFFFFFD0] =	vst v0  }
0x1d: {  	[tilespmem:$0x2700] =	vst v0  }
0x1e: {  	[tilespmem:s6], [sflag:$0x1] =	stream.linear.gather [hbm4b:s3+s2], $0x2710, $0x38;
	[tilespmem:$0x4F00] =	vst v63  }
0x1f: {  	_ =	swait.ge [sflag:s7], $0x2710  }
0x20: {  	[sflag:s7] =	ssyncset.done $0x0  }
0x21: {  	s11 =	simm.s32 $0x27C0;
	[sflag:s7] =	ssyncadd.s32 $0xFFFFD8F0  }
0x22: {  	v3 =	vld [tilespmem:s11+$0xFFFFFFC0]  }
0x23: {  	v4 =	vld [tilespmem:s11+$0x30]  }
0x24: {  	v5 =	vld [tilespmem:s11+$0x20]  }
0x25: {  	v6 =	vld [tilespmem:s11+$0x10]  }
0x26: {  	v7 =	vld [tilespmem:s11+$0x0]  }
0x27: {  	v8 =	vld [tilespmem:s11+$0xFFFFFFF0]  }
0x28: {  	v9 =	vld [tilespmem:s11+$0xFFFFFFE0]  }
0x29: {  	v2 =	vld [tilespmem:s11+$0xFFFFFFD0]  }
0x2a: {  	[tilespmem:v3+s2+$0x0] =	vst.idx.add.f32.msk $0xffff, v1  }
0x2b: {  	[tilespmem:v4+s2+$0x0] =	vst.idx.add.f32.msk $0xffff, v1  }
0x2c: {  	[tilespmem:v5+s2+$0x0] =	vst.idx.add.f32.msk $0xffff, v1  }
0x2d: {  	[tilespmem:v6+s2+$0x0] =	vst.idx.add.f32.msk $0xffff, v1  }
0x2e: {  	[tilespmem:v7+s2+$0x0] =	vst.idx.add.f32.msk $0xffff, v1  }
0x2f: {  	[tilespmem:v8+s2+$0x0] =	vst.idx.add.f32.msk $0xffff, v1  }
0x30: {  	s12 =	simm.s32 $0x0;
	[tilespmem:v9+s2+$0x0] =	vst.idx.add.f32.msk $0xffff, v1  }
.LBB2_4:
0x31: {  	s12 =	sadd.s32 $0x8, s12;
	[tilespmem:v2+s2+$0x0] =	vst.idx.add.f32.msk $0xffff, v1;
	s11 =	sadd.s32 $0x80, s11  }
0x32: {  	v3 =	vld [tilespmem:s11+$0xFFFFFFC0];
	p0 =	slt.u32 s12, $0x268  }
0x33: {  	v4 =	vld [tilespmem:s11+$0x30]  }
0x34: {  	v5 =	vld [tilespmem:s11+$0x20]  }
0x35: {  	v6 =	vld [tilespmem:s11+$0x10]  }
0x36: {  	v7 =	vld [tilespmem:s11+$0x0]  }
0x37: {  	v8 =	vld [tilespmem:s11+$0xFFFFFFF0]  }
0x38: {  	v9 =	vld [tilespmem:s11+$0xFFFFFFE0]  }
0x39: {  	v2 =	vld [tilespmem:s11+$0xFFFFFFD0]  }
0x3a: {  	[tilespmem:v3+s2+$0x0] =	vst.idx.add.f32.msk $0xffff, v1  }
0x3b: {  	[tilespmem:v4+s2+$0x0] =	vst.idx.add.f32.msk $0xffff, v1  }
.Ltmp1:
0x3c: {  	[tilespmem:v5+s2+$0x0] =	vst.idx.add.f32.msk $0xffff, v1;
	(pc) =	sbr.rel @p0 .LBB2_4-.Ltmp1, $4  }
0x3d: {  	[tilespmem:v6+s2+$0x0] =	vst.idx.add.f32.msk $0xffff, v1  }
0x3e: {  	[tilespmem:v7+s2+$0x0] =	vst.idx.add.f32.msk $0xffff, v1  }
0x3f: {  	[tilespmem:v8+s2+$0x0] =	vst.idx.add.f32.msk $0xffff, v1  }
0x40: {  	[tilespmem:v9+s2+$0x0] =	vst.idx.add.f32.msk $0xffff, v1  }
0x41: {  	_ =	sdelay $0x3  }
0x42: {  	[tilespmem:v2+s2+$0x0] =	vst.idx.add.f32.msk $0xffff, v1  }
0x43: {  	v2 =	vld [tilespmem:$0x4E80];
	_ =	sdelay $0x5  }
0x44: {  	s10 =	sadd.s32 $0x1, s10  }
0x45: {  	p0 =	sne.s32 s10, s5  }
.Ltmp2:
0x46: {  	[tilespmem:v2+s2+$0x0] =	vst.idx.add.f32.msk $0xffff, v1;
	(pc) =	sbr.rel @p0 .LBB2_1-.Ltmp2, $4  }
0x47: {  	[hbm4b:s4+s8] =	stream.strided.scatter [tilespmem:s2], [sflag:$0x1], $0x2780, s9, s8, $0x38;
	[tilespmem:$0x4F00] =	vst v63  }
0x48: {  	_ =	swait.ge [sflag:s7], $0x2780  }
0x49: {  	[sflag:s7] =	ssyncset.done $0x0  }
0x4a: {  	[sflag:s7] =	ssyncadd.s32 $0xFFFFD880  }
0x4b: {  	_ =	sfence.sel $0x180000  }
0x4c: {  	[bflag:$0x0] =	sbarrier.arrive $0xFFFF  }
0x4d: {  	p0 =	sne.s32 s0, $0x0;
	_ =	strace $0x9000004A  }
0x4e: {  	s0 =	sadd.s32 @!p0 $0x100000, s1;
	[bflag:$0x2] =	sbarrier.arrive $0xFFFF  }
0x4f: {  	[sflag:s0] =	ssyncadd.tile.s32 @!p0 $0x1;
	_ =	shalt  }
.Lfunc_end2:
_tile_overlayer_lowered:
.L_overlay_start_2:
0x50: {  	(tag) =	ssettag $0x2  }
0x51: {  	s0 =	rddreg [dreg:$0x0];
	s2 =	stileid.u32  }
0x52: {  	s1 =	rddreg [dreg:$0x1];
	p0 =	sne.s32 s2, $0x0  }
0x53: {  	s3 =	rddreg [dreg:$0x2];
	[bflag:$0x3] =	sbarrier.arrive $0xFFFF;
	s2 =	simm.s32 @!p0 $0x1C01  }
0x54: {  	[timem:s3], [sflag:s2] =	dma.local @!p0 [hbm:s0], s1  }
0x55: {  	s0 =	simm.s32 @!p0 $0x1  }
0x56: {  	_ =	swait.ge @!p0 [sflag:s0], s1  }
0x57: {  	s1 =	ssub.s32 @!p0 $0x0, s1;
	[sflag:s0] =	ssyncset.done @!p0 $0x0  }
0x58: {  	[sflag:s0] =	ssyncadd.s32 @!p0 s1  }
0x59: {  	[bflag:$0x3] =	sbarrier.arrive $0xFFFF  }
0x5a: {  	_ =	shalt  }

// kernel: kernel.16.cloned.1.call-start
scs
__scs_entry_jumppad:
0x0: {  	(pc) =	sbr.rel $0x88, $3  }
0x1: {  	(tag) =	ssettag $0x0;
	lr =	simm.s32 $0x1  }
0x2: {  	[smem:$0x3F91] =	sst lr;
	_ =	strace $0xD0000000  }
0x3: {  	_ = 	snop  }
0x4: {  	_ = 	snop  }
0x5: {  	_ = 	snop  }
0x6: {  	_ = 	snop  }
0x7: {  	_ = 	snop  }
__scs_overlays_trampoline_lowered:
0x8: {  	[smem:$0x3FA0] =	sst s0  }
0x9: {  	[smem:$0x3FA1] =	sst s1  }
0xa: {  	[smem:$0x3FA2] =	sst s2  }
0xb: {  	[smem:$0x3FA3] =	sst s3  }
0xc: {  	[smem:$0x3FA4] =	sst s4  }
0xd: {  	[smem:$0x3FA5] =	sst s5  }
0xe: {  	[smem:$0x3FA6] =	sst s6  }
0xf: {  	[smem:$0x3FA7] =	sst s7  }
0x10: {  	[smem:$0x3FA8] =	sst s8  }
0x11: {  	[smem:$0x3FA9] =	sst s9;
	s0 =	simm.s32 @!p0 $0x0  }
0x12: {  	s1 =	sld [smem:$0x3F8F];
	s0 =	simm.s32 @p0 $0x1  }
0x13: {  	[smem:$0x3FAA] =	sst s0;
	s0 =	simm.s32 @!p1 $0x0  }
0x14: {  	s2 =	sld [smem:$0x3F8E];
	s0 =	simm.s32 @p1 $0x1  }
0x15: {  	[smem:$0x3FAB] =	sst s0;
	s0 =	simm.s32 @!p2 $0x0  }
0x16: {  	s3 =	sld [smem:$0x3FDB];
	s0 =	simm.s32 @p2 $0x1  }
0x17: {  	s4 =	simm.s32 $0x1BF5;
	[smem:$0x3FAD] =	sst s0  }
0x18: {  	s0 =	sld [smem:$0x3F90];
	_ =	swait.ge [sflag:s4], $0x0  }
0x19: {  	s7 =	sld [smem:$0x3F91]  }
0x1a: {  	s8 =	sadd.s32 $0xFFFFE003, lr  }
0x1b: {  	s9 =	sadd.s32 $0xFFFFFEF7, lr;
	s5 =	simm.s32 $0xFFFFFFFF;
	p2 =	slt.u32 s8, $0xFFFFF086  }
0x1c: {  	p1 =	slt.u32 s9, $0xF7A;
	s5 =	simm.s32 @!p2 $0x0  }
0x1d: {  	s5 =	simm.s32 @p1 $0x1;
	p0 =	seq.s32 s7, s2  }
0x1e: {  	s7 =	smul.u32 @!p0 $0xF7A, s2;
	p2 =	seq.s32 @!p0 s5, $0x0  }
0x1f: {  	s9 =	smul.u32 $0xF7A, s1;
	s8 =	simm.s32 @!p0 $0x1BF5;
	p2 =	por !p2, p0  }
0x20: {  	[sflag:s8] =	ssyncset.s32 @!p0 $0xFFFFF086;
	s6 =	sadd.s32 @!p0 s3, s7;
	s7 =	simm.s32 @!p0 $0x108  }
0x21: {  	s3 =	sadd.s32 s3, s9;
	s6 =	sadd.s32 @!p0 $0x88, s6;
	s7 =	simm.s32 @p2 $0x1082  }
0x22: {  	[simem:s7], [sflag:s8] =	dma.local @!p0 [hbm:s6], $0xF7A  }
0x23: {  	s9 =	sor.u32 $0xD0000000, s2;
	s6 =	simm.s32 $0x108;
	_ =	swait.ge @!p0 [sflag:s8], $0x0  }
0x24: {  	s3 =	sadd.s32 $0x88, s3;
	s6 =	simm.s32 @!p1 $0x1082;
	[sflag:s4] =	ssyncset.s32 $0xFFFFF086  }
0x25: {  	[simem:s6], [sflag:s4] =	dma.local [hbm:s3], $0xF7A  }
0x26: {  	[smem:$0x3F91] =	sst s1;
	(tag) =	ssettag s2;
	_ =	strace s9  }
0x27: {  	s1 =	sld [smem:$0x3FA1]  }
0x28: {  	s2 =	sld [smem:$0x3FA2]  }
0x29: {  	s4 =	sld [smem:$0x3FA4]  }
0x2a: {  	p0 =	seq.s32 s5, $0x0;
	s5 =	sld [smem:$0x3FA5]  }
0x2b: {  	s6 =	sld [smem:$0x3FA6]  }
0x2c: {  	s7 =	sld [smem:$0x3FA7]  }
0x2d: {  	s3 =	simm.s32 $0x108;
	s8 =	sld [smem:$0x3FA8]  }
0x2e: {  	s3 =	simm.s32 @!p0 $0x1082;
	s9 =	sld [smem:$0x3FA9]  }
0x2f: {  	lr =	sadd.s32 s0, s3;
	s0 =	sld [smem:$0x3FA0]  }
0x30: {  	s3 =	sld [smem:$0x3FA3]  }
0x31: {  	[smem:$0x3FAC] =	sst s10  }
0x32: {  	s10 =	sld [smem:$0x3FAA];
	_ =	sdelay $0x3  }
0x33: {  	p0 =	seq.s32 s10, $0x1;
	s10 =	sld [smem:$0x3FAC];
	_ =	sdelay $0x3  }
0x34: {  	[smem:$0x3FAC] =	sst s10  }
0x35: {  	s10 =	sld [smem:$0x3FAB];
	_ =	sdelay $0x3  }
0x36: {  	p1 =	seq.s32 s10, $0x1;
	s10 =	sld [smem:$0x3FAC];
	_ =	sdelay $0x3  }
0x37: {  	[smem:$0x3FAC] =	sst s10  }
0x38: {  	s10 =	sld [smem:$0x3FAD]  }
0x39: {  	_ = 	snop;
	(pc) =	sbr.ind lr, $3  }
0x3a: {  	_ = 	snop  }
0x3b: {  	_ = 	snop  }
0x3c: {  	p2 =	seq.s32 s10, $0x1;
	s10 =	sld [smem:$0x3FAC]  }
0x3d: {  	_ =	shalt  }
0x3e: {  	_ =	shalt  }
0x3f: {  	_ =	shalt  }
0x40: {  	_ =	shalt  }
0x41: {  	_ =	shalt  }
0x42: {  	_ =	shalt  }
0x43: {  	_ =	shalt  }
0x44: {  	_ =	shalt  }
0x45: {  	_ =	shalt  }
0x46: {  	_ =	shalt  }
0x47: {  	_ =	shalt  }
0x48: {  	_ =	shalt  }
0x49: {  	_ =	shalt  }
0x4a: {  	_ =	shalt  }
0x4b: {  	_ =	shalt  }
0x4c: {  	_ =	shalt  }
0x4d: {  	_ =	shalt  }
0x4e: {  	_ =	shalt  }
0x4f: {  	_ =	shalt  }
0x50: {  	_ =	shalt  }
0x51: {  	_ =	shalt  }
0x52: {  	_ =	shalt  }
0x53: {  	_ =	shalt  }
0x54: {  	_ =	shalt  }
0x55: {  	_ =	shalt  }
0x56: {  	_ =	shalt  }
0x57: {  	_ =	shalt  }
0x58: {  	_ =	shalt  }
0x59: {  	_ =	shalt  }
0x5a: {  	_ =	shalt  }
0x5b: {  	_ =	shalt  }
0x5c: {  	_ =	shalt  }
0x5d: {  	_ =	shalt  }
0x5e: {  	_ =	shalt  }
0x5f: {  	_ =	shalt  }
0x60: {  	_ =	shalt  }
0x61: {  	_ =	shalt  }
0x62: {  	_ =	shalt  }
0x63: {  	_ =	shalt  }
0x64: {  	_ =	shalt  }
0x65: {  	_ =	shalt  }
0x66: {  	_ =	shalt  }
0x67: {  	_ =	shalt  }
0x68: {  	_ =	shalt  }
0x69: {  	_ =	shalt  }
0x6a: {  	_ =	shalt  }
0x6b: {  	_ =	shalt  }
0x6c: {  	_ =	shalt  }
0x6d: {  	_ =	shalt  }
0x6e: {  	_ =	shalt  }
0x6f: {  	_ =	shalt  }
0x70: {  	_ =	shalt  }
0x71: {  	_ =	shalt  }
0x72: {  	_ =	shalt  }
0x73: {  	_ =	shalt  }
0x74: {  	_ =	shalt  }
0x75: {  	_ =	shalt  }
0x76: {  	_ =	shalt  }
0x77: {  	_ =	shalt  }
0x78: {  	_ =	shalt  }
0x79: {  	_ =	shalt  }
0x7a: {  	_ =	shalt  }
0x7b: {  	_ =	shalt  }
0x7c: {  	_ =	shalt  }
0x7d: {  	_ =	shalt  }
0x7e: {  	_ =	shalt  }
0x7f: {  	_ =	shalt  }
0x80: {  	_ =	shalt  }
0x81: {  	_ =	shalt  }
0x82: {  	_ =	shalt  }
0x83: {  	_ =	shalt  }
0x84: {  	_ =	shalt  }
0x85: {  	_ =	shalt  }
0x86: {  	_ =	shalt  }
0x87: {  	_ =	shalt  }
.Lfunc_end0:
.L_simem_size_0:
called_computation.1_lowered:
.L_overlay_start_0:
0x88: {  	s2 =	sld [smem:$0x3FD9]  }
0x89: {  	s3 =	sld [smem:$0x3FFE];
	_ =	sdelay $0x1  }
0x8a: {  	s1 =	srdreg.scid  }
0x8b: {  	s0 =	sand.u32 $0x1, s1  }
0x8c: {  	s16 =	sshll.u32 s0, $0xA;
	s2 =	sadd.s32 s3, s2  }
0x8d: {  	s2 =	sadd.s32 s2, s16  }
0x8e: {  	[smem:$0x3FB8] =	sst s2  }
0x8f: {  	_ = 	snop  }
0x90: {  	(tm) =	ssettm $0x1  }
0x91: {  	s17 =	sld [smem:$0x3FFB];
	_ =	sdelay $0x3  }
0x92: {  	_ =	strace s17  }
0x93: {  	s2 =	sld [smem:$0x3FFC];
	_ =	sdelay $0x3  }
0x94: {  	_ =	strace s2  }
0x95: {  	s2 =	sld [smem:$0x3FFD];
	_ =	sdelay $0x3  }
0x96: {  	_ =	strace s2  }
0x97: {  	_ =	strace $0x8FFFFFFF  }
0x98: {  	s18 =	sld [smem:$0x3FDB];
	_ =	sdelay $0x1  }
0x99: {  	s19 =	simm.s32 $_scs_section_size  }
0x9a: {  	s4 =	simm.s32 $_size__tile_overlayer_lowered;
	s5 =	simm.s32 $_tile_overlayer_lowered  }
0x9b: {  	s22 =	simm.s32 $0x1BFF;
	s21 =	sshll.u32 s5, $0x1;
	s2 =	sadd.s32 s19, s18  }
0x9c: {  	s6 =	simm.s32 $0x0;
	s20 =	sshll.u32 s4, $0x1;
	s4 =	sadd.s32 s21, s2  }
0x9d: {  	[timem:s6], [sflag:s22] =	dma.local [hbm:s4], s20  }
0x9e: {  	_ =	swait.ge [sflag:s22], s20  }
0x9f: {  	s3 =	ssub.s32 $0x0, s20;
	[sflag:s22] =	ssyncset.done $0x0  }
0xa0: {  	[sflag:s22] =	ssyncadd.s32 s3;
	_ =	sdelay $0x1  }
0xa1: {  	s23 =	simm.s32 $0x1B8B  }
0xa2: {  	_ =	swait.ge [sflag:s23], $0x1  }
0xa3: {  	[sflag:s23] =	ssyncset.done $0x0  }
0xa4: {  	s25 =	simm.s32 $0x1B8E;
	s24 =	sld [smem:$0x3FFE];
	[sflag:s23] =	ssyncadd.s32 $0xFFFFFFFF  }
0xa5: {  	s26 =	simm.s32 $execute0_lowered;
	[smem:$0x3FD2] =	sst s25  }
0xa6: {  	s4 =	sshll.u32 s26, $0x1;
	_ =	strace $0x80000046;
	[dreg:$0x1] =	wrdreg $0xFFFFFFFF  }
0xa7: {  	s28 =	simm.s32 $_size_execute0_lowered;
	s2 =	sadd.s32 s2, s4;
	[dreg:$0x0] =	wrdreg $0x0  }
0xa8: {  	s4 =	sshll.u32 s28, $0x1;
	[dreg:$0x2] =	wrdreg s2  }
0xa9: {  	[dreg:$0x3] =	wrdreg s4  }
0xaa: {  	[dreg:$0x4] =	wrdreg $0xC0  }
0xab: {  	_ =	task [dreg:s6], $0x5FFFF  }
0xac: {  	[dreg:$0x1] =	wrdreg $0xFFFFFFFF  }
0xad: {  	[dreg:$0x0] =	wrdreg $0x60  }
0xae: {  	[dreg:$0x2] =	wrdreg s24  }
0xaf: {  	[dreg:$0x3] =	wrdreg $0xA  }
0xb0: {  	_ =	task.clear_ibuf [dreg:s6], $0x4FFFF;
	_ =	strace $0x90000046  }
0xb1: {  	s29 =	simm.s32 $0xA;
	_ =	strace $0x80000048  }
0xb2: {  	_ =	swait.ge [sflag:s29], $0x1  }
0xb3: {  	[sflag:s29] =	ssyncadd.s32 $0xFFFFFFFF  }
0xb4: {  	_ =	strace $0x90000048  }
0xb5: {  	_ =	sfence  }
0xb6: {  	s30 =	sld [smem:$0x0];
	_ =	sdelay $0x2  }
0xb7: {  	s31 =	sshll.u32 s1, $0xD;
	s1 =	sshrl.u32 s1, $0x2  }
0xb8: {  	s3 =	sand.u32 $0x4000, s31;
	s1 =	sadd.s32 s1, s30  }
0xb9: {  	s0 =	sor.u32 s3, s0;
	s1 =	sshll.u32 s1, $0x11  }
0xba: {  	s0 =	sor.u32 s1, s0  }
0xbb: {  	s0 =	sadd.s32 $0x8F2B, s0  }
0xbc: {  	[sflag:s0] =	ssyncadd.remote.s32 $0x1  }
0xbd: {  	_ =	sfence.sel $0xFFFF  }
0xbe: {  	[dreg:$0x0] =	wrdreg $0xFFFFFFFF;
	(pc) =	sbr.abs _section_cstart, $3  }
0xbf: {  	[dreg:$0x1] =	wrdreg $0xFFFFFFFF  }
0xc0: {  	_ =	task.clear_ibuf [dreg:s6], $0x2FFFF;
	_ =	strace $0x9FFFFFFF  }
0xc1: {  	(tm) =	ssettm $0x7FFFFFFF  }
tec
execute0_lowered:
.L_overlay_start_1:
0x0: {  	(tag) =	ssettag $0x1  }
0x1: {  	s1 =	srdreg.scid;
	s0 =	stileid.u32  }
0x2: {  	s5 =	rddreg [dreg:$0x0];
	s2 =	simm.s32 $0x0;
	s12 =	simm.s32 $0x1  }
0x3: {  	s13 =	simm.s32 $0x10A80;
	s14 =	simm.s32 $0x14980;
	s15 =	simm.s32 $0x4E80  }
0x4: {  	s16 =	simm.s32 $0x2;
	s17 =	simm.s32 $0x9CA0;
	s18 =	simm.s32 $0x0  }
0x5: {  	s3 =	sand.u32 $0x1, s1;
	s4 =	sshll.u32 s0, $0x1;
	s1 =	rddreg [dreg:$0x1]  }
0x6: {  	[smem:$0x7FF] =	sst s2;
	s11 =	sadd.s32 $0x2B400, s5;
	s4 =	sor.u32 s3, s4  }
0x7: {  	_ =	strace $0x80000047;
	s8 =	ssub.s32 $0x2, s3;
	s6 =	smul.u32 $0x9C4, s4  }
0x8: {  	s3 =	sadd.s32 $0xDC00, s5;
	s9 =	smul.u32 $0x4E20, s4;
	s10 =	sshrl.u32 s8, $0x1  }
0x9: {  	s4 =	sadd.s32 $0x3E00, s5;
	s8 =	ssub.s32 s8, s10;
	s10 =	simm.s32 $0x12A00  }
0xa: {  	s7 =	sadd.s32 s6, s5;
	s9 =	sshrl.u32 s9, $0x3;
	s6 =	sadd.s32 s11, s6  }
0xb: {  	s8 =	smax.u32 s8, $0x1;
	s5 =	sadd.s32 $0x17A00, s7;
	s31 =	sadd.s32 s11, s9  }
0xc: {  	v0 =	vimm.f32 $0.0e+00;
	s9 =	simm.s32 $0xEB00;
	s11 =	simm.s32 $0x3;
	s7 =	sadd.s32 $0x13880, s31  }
.LBB2_1:
0xd: {  	[tilespmem:s9], [sflag:$0x1] =	stream.linear.gather [hbm4b:s3+s2], $0x1F40, $0x38;
	[tilespmem:$0x16900] =	vst v63  }
0xe: {  	_ = 	snop  }
0xf: {  	[tilespmem:s10], [sflag:$0x1] =	stream.linear.gather [hbm4b:s4+s2], $0x1F40, $0x38;
	[tilespmem:$0x16900] =	vst v63  }
0x10: {  	_ = 	snop  }
0x11: {  	[tilespmem:s2], [sflag:$0x3] =	stream.linear.gather [hbm4b:s5+s2], $0x4E20, $0x38;
	[tilespmem:$0x16900] =	vst v63  }
0x12: {  	_ =	swait.ge [sflag:s11], $0x4E20  }
0x13: {  	[sflag:s11] =	ssyncset.done $0x0  }
0x14: {  	s19 =	simm.s32 $0x4EC0;
	[sflag:s11] =	ssyncadd.s32 $0xFFFFB1E0  }
0x15: {  	[tilespmem:s19+$0xFFFFFFC0] =	vst v0  }
0x16: {  	[tilespmem:s19+$0x30] =	vst v0  }
0x17: {  	[tilespmem:s19+$0x20] =	vst v0  }
0x18: {  	[tilespmem:s19+$0x10] =	vst v0  }
0x19: {  	[tilespmem:s19+$0x0] =	vst v0  }
0x1a: {  	[tilespmem:s19+$0xFFFFFFF0] =	vst v0  }
0x1b: {  	s20 =	simm.s32 $0x0;
	[tilespmem:s19+$0xFFFFFFE0] =	vst v0  }
.LBB2_2:
0x1c: {  	s20 =	sadd.s32 $0x8, s20;
	[tilespmem:s19+$0xFFFFFFD0] =	vst v0;
	s19 =	sadd.s32 $0x80, s19  }
0x1d: {  	[tilespmem:s19+$0xFFFFFFC0] =	vst v0;
	p0 =	slt.u32 s20, $0x9B8  }
0x1e: {  	[tilespmem:s19+$0x30] =	vst v0  }
.Ltmp0:
0x1f: {  	[tilespmem:s19+$0x20] =	vst v0;
	(pc) =	sbr.rel @p0 .LBB2_2-.Ltmp0, $4  }
0x20: {  	[tilespmem:s19+$0x10] =	vst v0  }
0x21: {  	[tilespmem:s19+$0x0] =	vst v0  }
0x22: {  	[tilespmem:s19+$0xFFFFFFF0] =	vst v0  }
0x23: {  	[tilespmem:s19+$0xFFFFFFE0] =	vst v0  }
0x24: {  	[tilespmem:s19+$0xFFFFFFD0] =	vst v0;
	s19 =	simm.s32 $0x0;
	s20 =	simm.s32 $0x0  }
.LBB2_4:
0x25: {  	p0 =	sne.s32 s20, $0xC0  }
.Ltmp1:
0x26: {  	_ = 	snop;
	(pc) =	sbr.rel @p0 .LBB2_4-.Ltmp1, $3  }
0x27: {  	_ =	sdelay $0x1  }
0x28: {  	s21 =	sshra.s32 s20, $0x2  }
0x29: {  	s20 =	sadd.s32 $0x40, s20;
	[tilespmem:s21+$0xEA80] =	vst v0  }
.LBB2_5:
0x2a: {  	_ =	swait.ge [sflag:s12], $0x1F40  }
0x2b: {  	s20 =	smul.u32 $0x3E80, s19;
	[sflag:s12] =	ssyncset.done $0x0  }
0x2c: {  	[sflag:s12] =	ssyncadd.s32 $0xFFFFE0C0  }
0x2d: {  	s21 =	sshrl.u32 s20, $0x3;
	_ =	swait.ge [sflag:s12], $0x1F40  }
0x2e: {  	s21 =	sadd.s32 $0x3E8, s21;
	[sflag:s12] =	ssyncset.done $0x0  }
0x2f: {  	s22 =	sadd.s32 s3, s21;
	[sflag:s12] =	ssyncadd.s32 $0xFFFFE0C0  }
0x30: {  	[tilespmem:s13], [sflag:$0x2] =	stream.linear.gather [hbm4b:s22+s2], $0x1F40, $0x38;
	[tilespmem:$0x16900] =	vst v63  }
0x31: {  	s23 =	simm.s32 $0xEB40;
	s21 =	sadd.s32 s4, s21  }
0x32: {  	[tilespmem:s14], [sflag:$0x2] =	stream.linear.gather [hbm4b:s21+s2], $0x1F40, $0x38;
	[tilespmem:$0x16900] =	vst v63  }
0x33: {  	v1 =	vld [tilespmem:s23+$0x30]  }
0x34: {  	v2 =	vld [tilespmem:s23+$0xFFFFFFD0]  }
0x35: {  	v3 =	vld [tilespmem:s23+$0xFFFFFFE0]  }
0x36: {  	v4 =	vld [tilespmem:s23+$0xFFFFFFF0]  }
0x37: {  	v5 =	vld [tilespmem:s23+$0x0]  }
0x38: {  	s22 =	simm.s32 $0x12A40;
	v6 =	vld [tilespmem:s23+$0x10]  }
0x39: {  	v7 =	vld [tilespmem:s22+$0x30]  }
0x3a: {  	v8 =	vld [tilespmem:s23+$0x20]  }
0x3b: {  	v10 =	vld [tilespmem:s23+$0xFFFFFFC0]  }
0x3c: {  	v18 =	vld [tilespmem:s22+$0xFFFFFFC0]  }
0x3d: {  	v19 =	vld [tilespmem:s22+$0xFFFFFFD0]  }
0x3e: {  	v20 =	vld [tilespmem:s22+$0xFFFFFFE0]  }
0x3f: {  	v21 =	vld [tilespmem:s22+$0xFFFFFFF0]  }
0x40: {  	v29 =	vld [tilespmem:s22+$0x10]  }
0x41: {  	s21 =	simm.s32 $0x0;
	v24 =	vld [tilespmem:s22+$0x20]  }
0x42: {  	v9 =	vld.idx.msk [tilespmem:v1+s21+$0x0], $0xffff  }
0x43: {  	v11 =	vld.idx.msk [tilespmem:v2+s21+$0x0], $0xffff  }
0x44: {  	v12 =	vld.idx.msk [tilespmem:v3+s21+$0x0], $0xffff  }
0x45: {  	v60 =	vld.idx.msk [tilespmem:v10+s21+$0x0], $0xffff  }
0x46: {  	v14 =	vld.idx.msk [tilespmem:v4+s21+$0x0], $0xffff  }
0x47: {  	v15 =	vld.idx.msk [tilespmem:v5+s21+$0x0], $0xffff  }
0x48: {  	v16 =	vld.idx.msk [tilespmem:v6+s21+$0x0], $0xffff  }
0x49: {  	v61 =	vld.idx.msk [tilespmem:v8+s21+$0x0], $0xffff;
	v17 =	vshll.u32 v9, $0x10  }
0x4a: {  	v23 =	vshll.u32 v60, $0x10;
	[tilespmem:v7+s15+$0x0] =	vst.idx.add.f32.msk $0xffff, v17  }
0x4b: {  	v30 =	vshll.u32 v11, $0x10;
	[tilespmem:v18+s15+$0x0] =	vst.idx.add.f32.msk $0xffff, v23  }
0x4c: {  	v13 =	vadd.s32 $0x4E20, v7;
	v33 =	vshll.u32 v12, $0x10;
	[tilespmem:v19+s15+$0x0] =	vst.idx.add.f32.msk $0xffff, v30  }
0x4d: {  	v28 =	vadd.s32 $0x4E20, v19;
	v36 =	vshll.u32 v14, $0x10;
	[tilespmem:v20+s15+$0x0] =	vst.idx.add.f32.msk $0xffff, v33  }
0x4e: {  	v25 =	vadd.s32 $0x4E20, v20;
	v42 =	vshll.u32 v16, $0x10;
	[tilespmem:v21+s15+$0x0] =	vst.idx.add.f32.msk $0xffff, v36  }
0x4f: {  	v32 =	vadd.s32 $0x4E20, v21;
	v44 =	vshll.u32 v61, $0x10;
	[tilespmem:v29+s15+$0x0] =	vst.idx.add.f32.msk $0xffff, v42  }
0x50: {  	v38 =	vadd.s32 $0x4E20, v29;
	v9 =	vand.u32 $0xFFFF0000, v9;
	[tilespmem:v24+s15+$0x0] =	vst.idx.add.f32.msk $0xffff, v44  }
0x51: {  	v1 =	vadd.s32 $0x2710, v1;
	v31 =	vand.u32 $0xFFFF0000, v11;
	[tilespmem:v13+s15+$0x0] =	vst.idx.add.f32.msk $0xffff, v9  }
0x52: {  	v41 =	vadd.s32 $0x4E20, v24;
	v34 =	vand.u32 $0xFFFF0000, v12;
	[tilespmem:v28+s15+$0x0] =	vst.idx.add.f32.msk $0xffff, v31  }
0x53: {  	v63 =	vadd.s32 $0x4E20, v18;
	v37 =	vand.u32 $0xFFFF0000, v14;
	[tilespmem:v25+s15+$0x0] =	vst.idx.add.f32.msk $0xffff, v34  }
0x54: {  	v2 =	vadd.s32 $0x2710, v2;
	v43 =	vand.u32 $0xFFFF0000, v16;
	[tilespmem:v32+s15+$0x0] =	vst.idx.add.f32.msk $0xffff, v37  }
0x55: {  	v3 =	vadd.s32 $0x2710, v3;
	[tilespmem:v38+s15+$0x0] =	vst.idx.add.f32.msk $0xffff, v43  }
0x56: {  	v4 =	vadd.s32 $0x2710, v4;
	v45 =	vand.u32 $0xFFFF0000, v61;
	v1 =	vld.idx.msk [tilespmem:v1+s21+$0x0], $0xffff  }
0x57: {  	v62 =	vadd.s32 $0x2710, v7;
	v9 =	vand.u32 $0xFFFF0000, v60;
	[tilespmem:v41+s15+$0x0] =	vst.idx.add.f32.msk $0xffff, v45  }
0x58: {  	v7 =	vadd.s32 $0x7530, v7;
	[tilespmem:v63+s15+$0x0] =	vst.idx.add.f32.msk $0xffff, v9  }
0x59: {  	v2 =	vld.idx.msk [tilespmem:v2+s21+$0x0], $0xffff  }
0x5a: {  	v10 =	vadd.s32 $0x2710, v10;
	v3 =	vld.idx.msk [tilespmem:v3+s21+$0x0], $0xffff  }
0x5b: {  	v6 =	vadd.s32 $0x2710, v6;
	v4 =	vld.idx.msk [tilespmem:v4+s21+$0x0], $0xffff;
	v22 =	vshll.u32 v1, $0x10  }
0x5c: {  	v8 =	vadd.s32 $0x2710, v8;
	v1 =	vand.u32 $0xFFFF0000, v1;
	[tilespmem:v62+s15+$0x0] =	vst.idx.add.f32.msk $0xffff, v22  }
0x5d: {  	v49 =	vadd.s32 $0x2710, v19;
	[tilespmem:v7+s15+$0x0] =	vst.idx.add.f32.msk $0xffff, v1  }
0x5e: {  	v51 =	vadd.s32 $0x2710, v20;
	v1 =	vld [tilespmem:s22+$0x0]  }
0x5f: {  	v54 =	vadd.s32 $0x2710, v21;
	v46 =	vld.idx.msk [tilespmem:v10+s21+$0x0], $0xffff  }
0x60: {  	v47 =	vadd.s32 $0x2710, v18;
	v6 =	vld.idx.msk [tilespmem:v6+s21+$0x0], $0xffff  }
0x61: {  	v50 =	vadd.s32 $0x7530, v19;
	v8 =	vld.idx.msk [tilespmem:v8+s21+$0x0], $0xffff;
	v55 =	vshll.u32 v2, $0x10  }
0x62: {  	v58 =	vshll.u32 v3, $0x10;
	[tilespmem:v49+s15+$0x0] =	vst.idx.add.f32.msk $0xffff, v55  }
0x63: {  	v59 =	vshll.u32 v4, $0x10;
	[tilespmem:v51+s15+$0x0] =	vst.idx.add.f32.msk $0xffff, v58;
	v35 =	vadd.s32 $0x4E20, v1  }
0x64: {  	v5 =	vadd.s32 $0x2710, v5;
	v52 =	vshll.u32 v46, $0x10;
	[tilespmem:v54+s15+$0x0] =	vst.idx.add.f32.msk $0xffff, v59  }
0x65: {  	v56 =	vadd.s32 $0x7530, v21;
	v2 =	vand.u32 $0xFFFF0000, v2;
	[tilespmem:v47+s15+$0x0] =	vst.idx.add.f32.msk $0xffff, v52  }
0x66: {  	v48 =	vadd.s32 $0x7530, v18;
	v39 =	vshll.u32 v15, $0x10;
	[tilespmem:v50+s15+$0x0] =	vst.idx.add.f32.msk $0xffff, v2  }
0x67: {  	v53 =	vadd.s32 $0x7530, v20;
	v40 =	vand.u32 $0xFFFF0000, v15;
	[tilespmem:v1+s15+$0x0] =	vst.idx.add.f32.msk $0xffff, v39  }
0x68: {  	v2 =	vand.u32 $0xFFFF0000, v3;
	v3 =	vadd.s32 $0x2710, v29;
	[tilespmem:v35+s15+$0x0] =	vst.idx.add.f32.msk $0xffff, v40  }
0x69: {  	v60 =	vadd.s32 $0x2710, v24;
	v4 =	vand.u32 $0xFFFF0000, v4;
	v5 =	vld.idx.msk [tilespmem:v5+s21+$0x0], $0xffff  }
0x6a: {  	v7 =	vand.u32 $0xFFFF0000, v46;
	[tilespmem:v56+s15+$0x0] =	vst.idx.add.f32.msk $0xffff, v4;
	v57 =	vadd.s32 $0x2710, v1  }
0x6b: {  	[tilespmem:v48+s15+$0x0] =	vst.idx.add.f32.msk $0xffff, v7;
	v1 =	vadd.s32 $0x7530, v1  }
0x6c: {  	v63 =	vshll.u32 v6, $0x10;
	[tilespmem:v53+s15+$0x0] =	vst.idx.add.f32.msk $0xffff, v2;
	v2 =	vadd.s32 $0x7530, v29  }
0x6d: {  	v62 =	vadd.s32 $0x7530, v24;
	[tilespmem:v3+s15+$0x0] =	vst.idx.add.f32.msk $0xffff, v63;
	v3 =	vshll.u32 v8, $0x10  }
0x6e: {  	[tilespmem:v60+s15+$0x0] =	vst.idx.add.f32.msk $0xffff, v3;
	v61 =	vshll.u32 v5, $0x10  }
0x6f: {  	v5 =	vand.u32 $0xFFFF0000, v5;
	[tilespmem:v57+s15+$0x0] =	vst.idx.add.f32.msk $0xffff, v61  }
0x70: {  	[tilespmem:v1+s15+$0x0] =	vst.idx.add.f32.msk $0xffff, v5;
	v1 =	vand.u32 $0xFFFF0000, v6  }
0x71: {  	[tilespmem:v2+s15+$0x0] =	vst.idx.add.f32.msk $0xffff, v1;
	v1 =	vand.u32 $0xFFFF0000, v8  }
0x72: {  	s24 =	simm.s32 $0xEBC0;
	s23 =	simm.s32 $0x0;
	[tilespmem:v62+s15+$0x0] =	vst.idx.add.f32.msk $0xffff, v1  }
.LBB2_6:
0x73: {  	v1 =	vld [tilespmem:s24+$0x30]  }
0x74: {  	v2 =	vld [tilespmem:s24+$0xFFFFFFD0]  }
0x75: {  	s23 =	sadd.s32 $0x8, s23;
	v3 =	vld [tilespmem:s24+$0xFFFFFFE0]  }
0x76: {  	p0 =	slt.u32 s23, $0x1E8;
	v4 =	vld [tilespmem:s24+$0xFFFFFFF0]  }
0x77: {  	v5 =	vld [tilespmem:s24+$0x0]  }
0x78: {  	s22 =	sadd.s32 $0x80, s22;
	v6 =	vld [tilespmem:s24+$0x10]  }
0x79: {  	v7 =	vadd.s32 $0x2710, v2;
	v8 =	vld [tilespmem:s22+$0x30]  }
0x7a: {  	v9 =	vadd.s32 $0x2710, v3;
	v10 =	vld [tilespmem:s24+$0x20]  }
0x7b: {  	v11 =	vadd.s32 $0x2710, v4;
	v12 =	vld.idx.msk [tilespmem:v1+s21+$0x0], $0xffff  }
0x7c: {  	v13 =	vld [tilespmem:s24+$0xFFFFFFC0];
	v14 =	vadd.s32 $0x2710, v5  }
0x7d: {  	v2 =	vld.idx.msk [tilespmem:v2+s21+$0x0], $0xffff;
	v15 =	vadd.s32 $0x2710, v6  }
0x7e: {  	v3 =	vld.idx.msk [tilespmem:v3+s21+$0x0], $0xffff;
	v16 =	vadd.s32 $0x4E20, v8  }
0x7f: {  	v1 =	vadd.s32 $0x2710, v1;
	v4 =	vld.idx.msk [tilespmem:v4+s21+$0x0], $0xffff;
	v17 =	vadd.s32 $0x2710, v10  }
0x80: {  	v5 =	vld.idx.msk [tilespmem:v5+s21+$0x0], $0xffff  }
0x81: {  	v19 =	vshll.u32 v12, $0x10;
	v18 =	vadd.s32 $0x2710, v13;
	v6 =	vld.idx.msk [tilespmem:v6+s21+$0x0], $0xffff  }
0x82: {  	v12 =	vand.u32 $0xFFFF0000, v12;
	[tilespmem:v8+s15+$0x0] =	vst.idx.add.f32.msk $0xffff, v19  }
0x83: {  	v19 =	vshll.u32 v2, $0x10;
	v2 =	vand.u32 $0xFFFF0000, v2;
	[tilespmem:v16+s15+$0x0] =	vst.idx.add.f32.msk $0xffff, v12  }
0x84: {  	v12 =	vshll.u32 v3, $0x10;
	v3 =	vand.u32 $0xFFFF0000, v3;
	v1 =	vld.idx.msk [tilespmem:v1+s21+$0x0], $0xffff  }
0x85: {  	v16 =	vshll.u32 v4, $0x10;
	v4 =	vand.u32 $0xFFFF0000, v4;
	v13 =	vld.idx.msk [tilespmem:v13+s21+$0x0], $0xffff  }
0x86: {  	v21 =	vadd.s32 $0x2710, v8;
	v20 =	vshll.u32 v5, $0x10;
	v5 =	vand.u32 $0xFFFF0000, v5;
	v10 =	vld.idx.msk [tilespmem:v10+s21+$0x0], $0xffff  }
0x87: {  	v8 =	vadd.s32 $0x7530, v8;
	v23 =	vshll.u32 v6, $0x10;
	v6 =	vand.u32 $0xFFFF0000, v6;
	v22 =	vld [tilespmem:s22+$0xFFFFFFC0]  }
0x88: {  	v24 =	vld [tilespmem:s22+$0xFFFFFFD0]  }
0x89: {  	v25 =	vld [tilespmem:s22+$0xFFFFFFE0]  }
0x8a: {  	v27 =	vshll.u32 v1, $0x10;
	v26 =	vld [tilespmem:s22+$0xFFFFFFF0]  }
0x8b: {  	v1 =	vand.u32 $0xFFFF0000, v1;
	v28 =	vshll.u32 v13, $0x10;
	v13 =	vand.u32 $0xFFFF0000, v13;
	[tilespmem:v21+s15+$0x0] =	vst.idx.add.f32.msk $0xffff, v27  }
0x8c: {  	v27 =	vshll.u32 v10, $0x10;
	v10 =	vand.u32 $0xFFFF0000, v10;
	v21 =	vadd.s32 $0x4E20, v22;
	[tilespmem:v8+s15+$0x0] =	vst.idx.add.f32.msk $0xffff, v1  }
0x8d: {  	v1 =	vadd.s32 $0x2710, v22;
	v8 =	vadd.s32 $0x7530, v22;
	v29 =	vadd.s32 $0x4E20, v24;
	v30 =	vld [tilespmem:s22+$0x0]  }
0x8e: {  	v31 =	vadd.s32 $0x2710, v24;
	v32 =	vadd.s32 $0x7530, v24;
	v33 =	vadd.s32 $0x4E20, v25;
	v34 =	vld [tilespmem:s22+$0x10]  }
0x8f: {  	v35 =	vadd.s32 $0x2710, v25;
	v36 =	vadd.s32 $0x7530, v25;
	v37 =	vadd.s32 $0x4E20, v26;
	v38 =	vld [tilespmem:s22+$0x20]  }
0x90: {  	[tilespmem:v22+s15+$0x0] =	vst.idx.add.f32.msk $0xffff, v28;
	v22 =	vadd.s32 $0x2710, v26;
	v28 =	vadd.s32 $0x7530, v26  }
0x91: {  	[tilespmem:v21+s15+$0x0] =	vst.idx.add.f32.msk $0xffff, v13  }
0x92: {  	[tilespmem:v24+s15+$0x0] =	vst.idx.add.f32.msk $0xffff, v19;
	v13 =	vadd.s32 $0x4E20, v30;
	v19 =	vadd.s32 $0x2710, v30;
	v21 =	vadd.s32 $0x7530, v30  }
0x93: {  	[tilespmem:v29+s15+$0x0] =	vst.idx.add.f32.msk $0xffff, v2;
	v2 =	vadd.s32 $0x4E20, v34;
	v24 =	vadd.s32 $0x2710, v34;
	v29 =	vadd.s32 $0x7530, v34  }
0x94: {  	[tilespmem:v25+s15+$0x0] =	vst.idx.add.f32.msk $0xffff, v12;
	v12 =	vadd.s32 $0x4E20, v38;
	v25 =	vadd.s32 $0x2710, v38;
	v39 =	vadd.s32 $0x7530, v38  }
0x95: {  	[tilespmem:v33+s15+$0x0] =	vst.idx.add.f32.msk $0xffff, v3  }
0x96: {  	[tilespmem:v26+s15+$0x0] =	vst.idx.add.f32.msk $0xffff, v16  }
0x97: {  	[tilespmem:v37+s15+$0x0] =	vst.idx.add.f32.msk $0xffff, v4  }
0x98: {  	[tilespmem:v30+s15+$0x0] =	vst.idx.add.f32.msk $0xffff, v20  }
0x99: {  	[tilespmem:v13+s15+$0x0] =	vst.idx.add.f32.msk $0xffff, v5  }
0x9a: {  	[tilespmem:v34+s15+$0x0] =	vst.idx.add.f32.msk $0xffff, v23  }
0x9b: {  	[tilespmem:v2+s15+$0x0] =	vst.idx.add.f32.msk $0xffff, v6  }
0x9c: {  	[tilespmem:v38+s15+$0x0] =	vst.idx.add.f32.msk $0xffff, v27  }
0x9d: {  	[tilespmem:v12+s15+$0x0] =	vst.idx.add.f32.msk $0xffff, v10  }
0x9e: {  	v2 =	vld.idx.msk [tilespmem:v18+s21+$0x0], $0xffff  }
0x9f: {  	v3 =	vld.idx.msk [tilespmem:v7+s21+$0x0], $0xffff  }
0xa0: {  	v4 =	vld.idx.msk [tilespmem:v9+s21+$0x0], $0xffff  }
0xa1: {  	v5 =	vld.idx.msk [tilespmem:v11+s21+$0x0], $0xffff  }
0xa2: {  	v6 =	vld.idx.msk [tilespmem:v14+s21+$0x0], $0xffff  }
0xa3: {  	v7 =	vld.idx.msk [tilespmem:v15+s21+$0x0], $0xffff  }
0xa4: {  	v9 =	vshll.u32 v2, $0x10;
	v2 =	vand.u32 $0xFFFF0000, v2;
	v10 =	vld.idx.msk [tilespmem:v17+s21+$0x0], $0xffff  }
0xa5: {  	[tilespmem:v1+s15+$0x0] =	vst.idx.add.f32.msk $0xffff, v9;
	v1 =	vshll.u32 v3, $0x10;
	v3 =	vand.u32 $0xFFFF0000, v3  }
0xa6: {  	[tilespmem:v8+s15+$0x0] =	vst.idx.add.f32.msk $0xffff, v2;
	v2 =	vshll.u32 v4, $0x10;
	v4 =	vand.u32 $0xFFFF0000, v4  }
0xa7: {  	[tilespmem:v31+s15+$0x0] =	vst.idx.add.f32.msk $0xffff, v1;
	v1 =	vshll.u32 v5, $0x10;
	v5 =	vand.u32 $0xFFFF0000, v5  }
0xa8: {  	[tilespmem:v32+s15+$0x0] =	vst.idx.add.f32.msk $0xffff, v3;
	v3 =	vshll.u32 v6, $0x10;
	v6 =	vand.u32 $0xFFFF0000, v6  }
0xa9: {  	[tilespmem:v35+s15+$0x0] =	vst.idx.add.f32.msk $0xffff, v2;
	v2 =	vshll.u32 v7, $0x10;
	v7 =	vand.u32 $0xFFFF0000, v7  }
0xaa: {  	v8 =	vand.u32 $0xFFFF0000, v10;
	[tilespmem:v36+s15+$0x0] =	vst.idx.add.f32.msk $0xffff, v4;
	v4 =	vshll.u32 v10, $0x10  }
0xab: {  	[tilespmem:v22+s15+$0x0] =	vst.idx.add.f32.msk $0xffff, v1  }
0xac: {  	[tilespmem:v28+s15+$0x0] =	vst.idx.add.f32.msk $0xffff, v5  }
0xad: {  	[tilespmem:v19+s15+$0x0] =	vst.idx.add.f32.msk $0xffff, v3  }
.Ltmp2:
0xae: {  	[tilespmem:v21+s15+$0x0] =	vst.idx.add.f32.msk $0xffff, v6;
	(pc) =	sbr.rel @p0 .LBB2_6-.Ltmp2, $4  }
0xaf: {  	[tilespmem:v24+s15+$0x0] =	vst.idx.add.f32.msk $0xffff, v2  }
0xb0: {  	[tilespmem:v29+s15+$0x0] =	vst.idx.add.f32.msk $0xffff, v7  }
0xb1: {  	[tilespmem:v25+s15+$0x0] =	vst.idx.add.f32.msk $0xffff, v4  }
0xb2: {  	s24 =	sadd.s32 $0x80, s24;
	[tilespmem:v39+s15+$0x0] =	vst.idx.add.f32.msk $0xffff, v8  }
.LBB2_7:
0xb3: {  	s22 =	sshra.s32 s21, $0x2  }
0xb4: {  	v1 =	vld [tilespmem:s22+$0x10A00];
	_ =	sdelay $0x4  }
0xb5: {  	v2 =	vld [tilespmem:s22+$0x14900];
	_ =	sdelay $0x2  }
0xb6: {  	v3 =	vld.idx.msk [tilespmem:v1+s2+$0x0], $0xffff;
	_ =	sdelay $0x1  }
0xb7: {  	v4 =	vadd.s32 $0x4E20, v2  }
0xb8: {  	v1 =	vadd.s32 $0x2710, v1;
	_ =	sdelay $0x1  }
0xb9: {  	v5 =	vshll.u32 v3, $0x10  }
0xba: {  	v3 =	vand.u32 $0xFFFF0000, v3;
	[tilespmem:v2+s15+$0x0] =	vst.idx.add.f32.msk $0xffff, v5  }
0xbb: {  	[tilespmem:v4+s15+$0x0] =	vst.idx.add.f32.msk $0xffff, v3  }
0xbc: {  	v1 =	vld.idx.msk [tilespmem:v1+s2+$0x0], $0xffff  }
0xbd: {  	v3 =	vadd.s32 $0x2710, v2  }
0xbe: {  	p0 =	sne.s32 s21, $0xC0;
	v2 =	vadd.s32 $0x7530, v2  }
.Ltmp3:
0xbf: {  	_ = 	snop;
	(pc) =	sbr.rel @p0 .LBB2_7-.Ltmp3, $4  }
0xc0: {  	_ = 	snop  }
0xc1: {  	v63 =	vshll.u32 v1, $0x10  }
0xc2: {  	v1 =	vand.u32 $0xFFFF0000, v1;
	[tilespmem:v3+s15+$0x0] =	vst.idx.add.f32.msk $0xffff, v63  }
0xc3: {  	s21 =	sadd.s32 $0x40, s21;
	[tilespmem:v2+s15+$0x0] =	vst.idx.add.f32.msk $0xffff, v1  }
0xc4: {  	_ =	swait.ge [sflag:s16], $0x1F40  }
0xc5: {  	[sflag:s16] =	ssyncset.done $0x0  }
0xc6: {  	p0 =	seq.s32 s19, $0x13;
	[sflag:s16] =	ssyncadd.s32 $0xFFFFE0C0  }
0xc7: {  	s20 =	sshrl.u32 @!p0 s20, $0x3;
	_ =	swait.ge [sflag:s16], $0x1F40  }
0xc8: {  	s22 =	simm.s32 @!p0 $0x0;
	s20 =	sadd.s32 @!p0 $0x7D0, s20;
	[sflag:s16] =	ssyncset.done $0x0  }
0xc9: {  	s23 =	simm.s32 @!p0 $0xEB00;
	s21 =	sadd.s32 @!p0 s3, s20;
	[sflag:s16] =	ssyncadd.s32 $0xFFFFE0C0  }
0xca: {  	[tilespmem:s23], [sflag:$0x1] =	stream.linear.gather @!p0 [hbm4b:s21+s22], $0x1F40, $0x38;
	[tilespmem:$0x16900] =	vst v63  }
0xcb: {  	s31 =	simm.s32 $0x10AC0;
	s20 =	sadd.s32 @!p0 s4, s20;
	s21 =	simm.s32 @!p0 $0x12A00  }
0xcc: {  	[tilespmem:s21], [sflag:$0x1] =	stream.linear.gather @!p0 [hbm4b:s20+s22], $0x1F40, $0x38;
	[tilespmem:$0x16900] =	vst v63  }
0xcd: {  	v1 =	vld [tilespmem:s31+$0x30]  }
0xce: {  	v2 =	vld [tilespmem:s31+$0xFFFFFFD0]  }
0xcf: {  	v3 =	vld [tilespmem:s31+$0xFFFFFFE0]  }
0xd0: {  	v4 =	vld [tilespmem:s31+$0xFFFFFFF0]  }
0xd1: {  	v5 =	vld [tilespmem:s31+$0x0]  }
0xd2: {  	s21 =	simm.s32 $0x149C0;
	v6 =	vld [tilespmem:s31+$0x10]  }
0xd3: {  	v7 =	vld [tilespmem:s21+$0x30]  }
0xd4: {  	v8 =	vld [tilespmem:s31+$0x20]  }
0xd5: {  	v10 =	vld [tilespmem:s31+$0xFFFFFFC0]  }
0xd6: {  	v18 =	vld [tilespmem:s21+$0xFFFFFFC0]  }
0xd7: {  	v19 =	vld [tilespmem:s21+$0xFFFFFFD0]  }
0xd8: {  	v20 =	vld [tilespmem:s21+$0xFFFFFFE0]  }
0xd9: {  	v21 =	vld [tilespmem:s21+$0xFFFFFFF0]  }
0xda: {  	v29 =	vld [tilespmem:s21+$0x10]  }
0xdb: {  	s20 =	simm.s32 $0x0;
	v24 =	vld [tilespmem:s21+$0x20]  }
0xdc: {  	v9 =	vld.idx.msk [tilespmem:v1+s20+$0x0], $0xffff  }
0xdd: {  	v11 =	vld.idx.msk [tilespmem:v2+s20+$0x0], $0xffff  }
0xde: {  	v12 =	vld.idx.msk [tilespmem:v3+s20+$0x0], $0xffff  }
0xdf: {  	v60 =	vld.idx.msk [tilespmem:v10+s20+$0x0], $0xffff  }
0xe0: {  	v14 =	vld.idx.msk [tilespmem:v4+s20+$0x0], $0xffff  }
0xe1: {  	v15 =	vld.idx.msk [tilespmem:v5+s20+$0x0], $0xffff  }
0xe2: {  	v16 =	vld.idx.msk [tilespmem:v6+s20+$0x0], $0xffff  }
0xe3: {  	v61 =	vld.idx.msk [tilespmem:v8+s20+$0x0], $0xffff;
	v17 =	vshll.u32 v9, $0x10  }
0xe4: {  	v23 =	vshll.u32 v60, $0x10;
	[tilespmem:v7+s15+$0x0] =	vst.idx.add.f32.msk $0xffff, v17  }
0xe5: {  	v30 =	vshll.u32 v11, $0x10;
	[tilespmem:v18+s15+$0x0] =	vst.idx.add.f32.msk $0xffff, v23  }
0xe6: {  	v13 =	vadd.s32 $0x4E20, v7;
	v33 =	vshll.u32 v12, $0x10;
	[tilespmem:v19+s15+$0x0] =	vst.idx.add.f32.msk $0xffff, v30  }
0xe7: {  	v28 =	vadd.s32 $0x4E20, v19;
	v36 =	vshll.u32 v14, $0x10;
	[tilespmem:v20+s15+$0x0] =	vst.idx.add.f32.msk $0xffff, v33  }
0xe8: {  	v25 =	vadd.s32 $0x4E20, v20;
	v42 =	vshll.u32 v16, $0x10;
	[tilespmem:v21+s15+$0x0] =	vst.idx.add.f32.msk $0xffff, v36  }
0xe9: {  	v32 =	vadd.s32 $0x4E20, v21;
	v44 =	vshll.u32 v61, $0x10;
	[tilespmem:v29+s15+$0x0] =	vst.idx.add.f32.msk $0xffff, v42  }
0xea: {  	v38 =	vadd.s32 $0x4E20, v29;
	v9 =	vand.u32 $0xFFFF0000, v9;
	[tilespmem:v24+s15+$0x0] =	vst.idx.add.f32.msk $0xffff, v44  }
0xeb: {  	v1 =	vadd.s32 $0x2710, v1;
	v31 =	vand.u32 $0xFFFF0000, v11;
	[tilespmem:v13+s15+$0x0] =	vst.idx.add.f32.msk $0xffff, v9  }
0xec: {  	v41 =	vadd.s32 $0x4E20, v24;
	v34 =	vand.u32 $0xFFFF0000, v12;
	[tilespmem:v28+s15+$0x0] =	vst.idx.add.f32.msk $0xffff, v31  }
0xed: {  	v63 =	vadd.s32 $0x4E20, v18;
	v37 =	vand.u32 $0xFFFF0000, v14;
	[tilespmem:v25+s15+$0x0] =	vst.idx.add.f32.msk $0xffff, v34  }
0xee: {  	v2 =	vadd.s32 $0x2710, v2;
	v43 =	vand.u32 $0xFFFF0000, v16;
	[tilespmem:v32+s15+$0x0] =	vst.idx.add.f32.msk $0xffff, v37  }
0xef: {  	v3 =	vadd.s32 $0x2710, v3;
	[tilespmem:v38+s15+$0x0] =	vst.idx.add.f32.msk $0xffff, v43  }
0xf0: {  	v4 =	vadd.s32 $0x2710, v4;
	v45 =	vand.u32 $0xFFFF0000, v61;
	v1 =	vld.idx.msk [tilespmem:v1+s20+$0x0], $0xffff  }
0xf1: {  	v62 =	vadd.s32 $0x2710, v7;
	v9 =	vand.u32 $0xFFFF0000, v60;
	[tilespmem:v41+s15+$0x0] =	vst.idx.add.f32.msk $0xffff, v45  }
0xf2: {  	v7 =	vadd.s32 $0x7530, v7;
	[tilespmem:v63+s15+$0x0] =	vst.idx.add.f32.msk $0xffff, v9  }
0xf3: {  	v2 =	vld.idx.msk [tilespmem:v2+s20+$0x0], $0xffff  }
0xf4: {  	v10 =	vadd.s32 $0x2710, v10;
	v3 =	vld.idx.msk [tilespmem:v3+s20+$0x0], $0xffff  }
0xf5: {  	v6 =	vadd.s32 $0x2710, v6;
	v4 =	vld.idx.msk [tilespmem:v4+s20+$0x0], $0xffff;
	v22 =	vshll.u32 v1, $0x10  }
0xf6: {  	v8 =	vadd.s32 $0x2710, v8;
	v1 =	vand.u32 $0xFFFF0000, v1;
	[tilespmem:v62+s15+$0x0] =	vst.idx.add.f32.msk $0xffff, v22  }
0xf7: {  	v49 =	vadd.s32 $0x2710, v19;
	[tilespmem:v7+s15+$0x0] =	vst.idx.add.f32.msk $0xffff, v1  }
0xf8: {  	v51 =	vadd.s32 $0x2710, v20;
	v1 =	vld [tilespmem:s21+$0x0]  }
0xf9: {  	v54 =	vadd.s32 $0x2710, v21;
	v46 =	vld.idx.msk [tilespmem:v10+s20+$0x0], $0xffff  }
0xfa: {  	v47 =	vadd.s32 $0x2710, v18;
	v6 =	vld.idx.msk [tilespmem:v6+s20+$0x0], $0xffff  }
0xfb: {  	v50 =	vadd.s32 $0x7530, v19;
	v8 =	vld.idx.msk [tilespmem:v8+s20+$0x0], $0xffff;
	v55 =	vshll.u32 v2, $0x10  }
0xfc: {  	v58 =	vshll.u32 v3, $0x10;
	[tilespmem:v49+s15+$0x0] =	vst.idx.add.f32.msk $0xffff, v55  }
0xfd: {  	v59 =	vshll.u32 v4, $0x10;
	[tilespmem:v51+s15+$0x0] =	vst.idx.add.f32.msk $0xffff, v58;
	v35 =	vadd.s32 $0x4E20, v1  }
0xfe: {  	v5 =	vadd.s32 $0x2710, v5;
	v52 =	vshll.u32 v46, $0x10;
	[tilespmem:v54+s15+$0x0] =	vst.idx.add.f32.msk $0xffff, v59  }
0xff: {  	v56 =	vadd.s32 $0x7530, v21;
	v2 =	vand.u32 $0xFFFF0000, v2;
	[tilespmem:v47+s15+$0x0] =	vst.idx.add.f32.msk $0xffff, v52  }
0x100: {  	v48 =	vadd.s32 $0x7530, v18;
	v39 =	vshll.u32 v15, $0x10;
	[tilespmem:v50+s15+$0x0] =	vst.idx.add.f32.msk $0xffff, v2  }
0x101: {  	v53 =	vadd.s32 $0x7530, v20;
	v40 =	vand.u32 $0xFFFF0000, v15;
	[tilespmem:v1+s15+$0x0] =	vst.idx.add.f32.msk $0xffff, v39  }
0x102: {  	v2 =	vand.u32 $0xFFFF0000, v3;
	v3 =	vadd.s32 $0x2710, v29;
	[tilespmem:v35+s15+$0x0] =	vst.idx.add.f32.msk $0xffff, v40  }
0x103: {  	v60 =	vadd.s32 $0x2710, v24;
	v4 =	vand.u32 $0xFFFF0000, v4;
	v5 =	vld.idx.msk [tilespmem:v5+s20+$0x0], $0xffff  }
0x104: {  	v7 =	vand.u32 $0xFFFF0000, v46;
	[tilespmem:v56+s15+$0x0] =	vst.idx.add.f32.msk $0xffff, v4;
	v57 =	vadd.s32 $0x2710, v1  }
0x105: {  	[tilespmem:v48+s15+$0x0] =	vst.idx.add.f32.msk $0xffff, v7;
	v1 =	vadd.s32 $0x7530, v1  }
0x106: {  	v63 =	vshll.u32 v6, $0x10;
	[tilespmem:v53+s15+$0x0] =	vst.idx.add.f32.msk $0xffff, v2;
	v2 =	vadd.s32 $0x7530, v29  }
0x107: {  	v62 =	vadd.s32 $0x7530, v24;
	[tilespmem:v3+s15+$0x0] =	vst.idx.add.f32.msk $0xffff, v63;
	v3 =	vshll.u32 v8, $0x10  }
0x108: {  	[tilespmem:v60+s15+$0x0] =	vst.idx.add.f32.msk $0xffff, v3;
	v61 =	vshll.u32 v5, $0x10  }
0x109: {  	v5 =	vand.u32 $0xFFFF0000, v5;
	[tilespmem:v57+s15+$0x0] =	vst.idx.add.f32.msk $0xffff, v61  }
0x10a: {  	[tilespmem:v1+s15+$0x0] =	vst.idx.add.f32.msk $0xffff, v5;
	v1 =	vand.u32 $0xFFFF0000, v6  }
0x10b: {  	[tilespmem:v2+s15+$0x0] =	vst.idx.add.f32.msk $0xffff, v1;
	v1 =	vand.u32 $0xFFFF0000, v8  }
0x10c: {  	s23 =	simm.s32 $0x10B40;
	s22 =	simm.s32 $0x0;
	[tilespmem:v62+s15+$0x0] =	vst.idx.add.f32.msk $0xffff, v1  }
.LBB2_9:
0x10d: {  	v1 =	vld [tilespmem:s23+$0x30]  }
0x10e: {  	v2 =	vld [tilespmem:s23+$0xFFFFFFD0]  }
0x10f: {  	s22 =	sadd.s32 $0x8, s22;
	v3 =	vld [tilespmem:s23+$0xFFFFFFE0]  }
0x110: {  	p0 =	slt.u32 s22, $0x1E8;
	v4 =	vld [tilespmem:s23+$0xFFFFFFF0]  }
0x111: {  	v5 =	vld [tilespmem:s23+$0x0]  }
0x112: {  	s21 =	sadd.s32 $0x80, s21;
	v6 =	vld [tilespmem:s23+$0x10]  }
0x113: {  	v7 =	vadd.s32 $0x2710, v2;
	v8 =	vld [tilespmem:s21+$0x30]  }
0x114: {  	v9 =	vadd.s32 $0x2710, v3;
	v10 =	vld [tilespmem:s23+$0x20]  }
0x115: {  	v11 =	vadd.s32 $0x2710, v4;
	v12 =	vld.idx.msk [tilespmem:v1+s20+$0x0], $0xffff  }
0x116: {  	v13 =	vld [tilespmem:s23+$0xFFFFFFC0];
	v14 =	vadd.s32 $0x2710, v5  }
0x117: {  	v2 =	vld.idx.msk [tilespmem:v2+s20+$0x0], $0xffff;
	v15 =	vadd.s32 $0x2710, v6  }
0x118: {  	v3 =	vld.idx.msk [tilespmem:v3+s20+$0x0], $0xffff;
	v16 =	vadd.s32 $0x4E20, v8  }
0x119: {  	v1 =	vadd.s32 $0x2710, v1;
	v4 =	vld.idx.msk [tilespmem:v4+s20+$0x0], $0xffff;
	v17 =	vadd.s32 $0x2710, v10  }
0x11a: {  	v5 =	vld.idx.msk [tilespmem:v5+s20+$0x0], $0xffff  }
0x11b: {  	v19 =	vshll.u32 v12, $0x10;
	v18 =	vadd.s32 $0x2710, v13;
	v6 =	vld.idx.msk [tilespmem:v6+s20+$0x0], $0xffff  }
0x11c: {  	v12 =	vand.u32 $0xFFFF0000, v12;
	[tilespmem:v8+s15+$0x0] =	vst.idx.add.f32.msk $0xffff, v19  }
0x11d: {  	v19 =	vshll.u32 v2, $0x10;
	v2 =	vand.u32 $0xFFFF0000, v2;
	[tilespmem:v16+s15+$0x0] =	vst.idx.add.f32.msk $0xffff, v12  }
0x11e: {  	v12 =	vshll.u32 v3, $0x10;
	v3 =	vand.u32 $0xFFFF0000, v3;
	v1 =	vld.idx.msk [tilespmem:v1+s20+$0x0], $0xffff  }
0x11f: {  	v16 =	vshll.u32 v4, $0x10;
	v4 =	vand.u32 $0xFFFF0000, v4;
	v13 =	vld.idx.msk [tilespmem:v13+s20+$0x0], $0xffff  }
0x120: {  	v21 =	vadd.s32 $0x2710, v8;
	v20 =	vshll.u32 v5, $0x10;
	v5 =	vand.u32 $0xFFFF0000, v5;
	v10 =	vld.idx.msk [tilespmem:v10+s20+$0x0], $0xffff  }
0x121: {  	v8 =	vadd.s32 $0x7530, v8;
	v23 =	vshll.u32 v6, $0x10;
	v6 =	vand.u32 $0xFFFF0000, v6;
	v22 =	vld [tilespmem:s21+$0xFFFFFFC0]  }
0x122: {  	v24 =	vld [tilespmem:s21+$0xFFFFFFD0]  }
0x123: {  	v25 =	vld [tilespmem:s21+$0xFFFFFFE0]  }
0x124: {  	v27 =	vshll.u32 v1, $0x10;
	v26 =	vld [tilespmem:s21+$0xFFFFFFF0]  }
0x125: {  	v1 =	vand.u32 $0xFFFF0000, v1;
	v28 =	vshll.u32 v13, $0x10;
	v13 =	vand.u32 $0xFFFF0000, v13;
	[tilespmem:v21+s15+$0x0] =	vst.idx.add.f32.msk $0xffff, v27  }
0x126: {  	v27 =	vshll.u32 v10, $0x10;
	v10 =	vand.u32 $0xFFFF0000, v10;
	v21 =	vadd.s32 $0x4E20, v22;
	[tilespmem:v8+s15+$0x0] =	vst.idx.add.f32.msk $0xffff, v1  }
0x127: {  	v1 =	vadd.s32 $0x2710, v22;
	v8 =	vadd.s32 $0x7530, v22;
	v29 =	vadd.s32 $0x4E20, v24;
	v30 =	vld [tilespmem:s21+$0x0]  }
0x128: {  	v31 =	vadd.s32 $0x2710, v24;
	v32 =	vadd.s32 $0x7530, v24;
	v33 =	vadd.s32 $0x4E20, v25;
	v34 =	vld [tilespmem:s21+$0x10]  }
0x129: {  	v35 =	vadd.s32 $0x2710, v25;
	v36 =	vadd.s32 $0x7530, v25;
	v37 =	vadd.s32 $0x4E20, v26;
	v38 =	vld [tilespmem:s21+$0x20]  }
0x12a: {  	[tilespmem:v22+s15+$0x0] =	vst.idx.add.f32.msk $0xffff, v28;
	v22 =	vadd.s32 $0x2710, v26;
	v28 =	vadd.s32 $0x7530, v26  }
0x12b: {  	[tilespmem:v21+s15+$0x0] =	vst.idx.add.f32.msk $0xffff, v13  }
0x12c: {  	[tilespmem:v24+s15+$0x0] =	vst.idx.add.f32.msk $0xffff, v19;
	v13 =	vadd.s32 $0x4E20, v30;
	v19 =	vadd.s32 $0x2710, v30;
	v21 =	vadd.s32 $0x7530, v30  }
0x12d: {  	[tilespmem:v29+s15+$0x0] =	vst.idx.add.f32.msk $0xffff, v2;
	v2 =	vadd.s32 $0x4E20, v34;
	v24 =	vadd.s32 $0x2710, v34;
	v29 =	vadd.s32 $0x7530, v34  }
0x12e: {  	[tilespmem:v25+s15+$0x0] =	vst.idx.add.f32.msk $0xffff, v12;
	v12 =	vadd.s32 $0x4E20, v38;
	v25 =	vadd.s32 $0x2710, v38;
	v39 =	vadd.s32 $0x7530, v38  }
0x12f: {  	[tilespmem:v33+s15+$0x0] =	vst.idx.add.f32.msk $0xffff, v3  }
0x130: {  	[tilespmem:v26+s15+$0x0] =	vst.idx.add.f32.msk $0xffff, v16  }
0x131: {  	[tilespmem:v37+s15+$0x0] =	vst.idx.add.f32.msk $0xffff, v4  }
0x132: {  	[tilespmem:v30+s15+$0x0] =	vst.idx.add.f32.msk $0xffff, v20  }
0x133: {  	[tilespmem:v13+s15+$0x0] =	vst.idx.add.f32.msk $0xffff, v5  }
0x134: {  	[tilespmem:v34+s15+$0x0] =	vst.idx.add.f32.msk $0xffff, v23  }
0x135: {  	[tilespmem:v2+s15+$0x0] =	vst.idx.add.f32.msk $0xffff, v6  }
0x136: {  	[tilespmem:v38+s15+$0x0] =	vst.idx.add.f32.msk $0xffff, v27  }
0x137: {  	[tilespmem:v12+s15+$0x0] =	vst.idx.add.f32.msk $0xffff, v10  }
0x138: {  	v2 =	vld.idx.msk [tilespmem:v18+s20+$0x0], $0xffff  }
0x139: {  	v3 =	vld.idx.msk [tilespmem:v7+s20+$0x0], $0xffff  }
0x13a: {  	v4 =	vld.idx.msk [tilespmem:v9+s20+$0x0], $0xffff  }
0x13b: {  	v5 =	vld.idx.msk [tilespmem:v11+s20+$0x0], $0xffff  }
0x13c: {  	v6 =	vld.idx.msk [tilespmem:v14+s20+$0x0], $0xffff  }
0x13d: {  	v7 =	vld.idx.msk [tilespmem:v15+s20+$0x0], $0xffff  }
0x13e: {  	v9 =	vshll.u32 v2, $0x10;
	v2 =	vand.u32 $0xFFFF0000, v2;
	v10 =	vld.idx.msk [tilespmem:v17+s20+$0x0], $0xffff  }
0x13f: {  	[tilespmem:v1+s15+$0x0] =	vst.idx.add.f32.msk $0xffff, v9;
	v1 =	vshll.u32 v3, $0x10;
	v3 =	vand.u32 $0xFFFF0000, v3  }
0x140: {  	[tilespmem:v8+s15+$0x0] =	vst.idx.add.f32.msk $0xffff, v2;
	v2 =	vshll.u32 v4, $0x10;
	v4 =	vand.u32 $0xFFFF0000, v4  }
0x141: {  	[tilespmem:v31+s15+$0x0] =	vst.idx.add.f32.msk $0xffff, v1;
	v1 =	vshll.u32 v5, $0x10;
	v5 =	vand.u32 $0xFFFF0000, v5  }
0x142: {  	[tilespmem:v32+s15+$0x0] =	vst.idx.add.f32.msk $0xffff, v3;
	v3 =	vshll.u32 v6, $0x10;
	v6 =	vand.u32 $0xFFFF0000, v6  }
0x143: {  	[tilespmem:v35+s15+$0x0] =	vst.idx.add.f32.msk $0xffff, v2;
	v2 =	vshll.u32 v7, $0x10;
	v7 =	vand.u32 $0xFFFF0000, v7  }
0x144: {  	v8 =	vand.u32 $0xFFFF0000, v10;
	[tilespmem:v36+s15+$0x0] =	vst.idx.add.f32.msk $0xffff, v4;
	v4 =	vshll.u32 v10, $0x10  }
0x145: {  	[tilespmem:v22+s15+$0x0] =	vst.idx.add.f32.msk $0xffff, v1  }
0x146: {  	[tilespmem:v28+s15+$0x0] =	vst.idx.add.f32.msk $0xffff, v5  }
0x147: {  	[tilespmem:v19+s15+$0x0] =	vst.idx.add.f32.msk $0xffff, v3  }
.Ltmp4:
0x148: {  	[tilespmem:v21+s15+$0x0] =	vst.idx.add.f32.msk $0xffff, v6;
	(pc) =	sbr.rel @p0 .LBB2_9-.Ltmp4, $4  }
0x149: {  	[tilespmem:v24+s15+$0x0] =	vst.idx.add.f32.msk $0xffff, v2  }
0x14a: {  	[tilespmem:v29+s15+$0x0] =	vst.idx.add.f32.msk $0xffff, v7  }
0x14b: {  	[tilespmem:v25+s15+$0x0] =	vst.idx.add.f32.msk $0xffff, v4  }
0x14c: {  	s23 =	sadd.s32 $0x80, s23;
	[tilespmem:v39+s15+$0x0] =	vst.idx.add.f32.msk $0xffff, v8  }
.LBB2_10:
0x14d: {  	s21 =	sshra.s32 s20, $0x2  }
0x14e: {  	v1 =	vld [tilespmem:s21+$0x12980];
	_ =	sdelay $0x4  }
0x14f: {  	v2 =	vld [tilespmem:s21+$0x16880];
	_ =	sdelay $0x2  }
0x150: {  	v3 =	vld.idx.msk [tilespmem:v1+s2+$0x0], $0xffff;
	_ =	sdelay $0x1  }
0x151: {  	v4 =	vadd.s32 $0x4E20, v2  }
0x152: {  	v1 =	vadd.s32 $0x2710, v1;
	_ =	sdelay $0x1  }
0x153: {  	v5 =	vshll.u32 v3, $0x10  }
0x154: {  	v3 =	vand.u32 $0xFFFF0000, v3;
	[tilespmem:v2+s15+$0x0] =	vst.idx.add.f32.msk $0xffff, v5  }
0x155: {  	[tilespmem:v4+s15+$0x0] =	vst.idx.add.f32.msk $0xffff, v3  }
0x156: {  	v1 =	vld.idx.msk [tilespmem:v1+s2+$0x0], $0xffff  }
0x157: {  	v3 =	vadd.s32 $0x2710, v2  }
0x158: {  	p0 =	sne.s32 s20, $0xC0;
	v2 =	vadd.s32 $0x7530, v2  }
.Ltmp5:
0x159: {  	_ = 	snop;
	(pc) =	sbr.rel @p0 .LBB2_10-.Ltmp5, $4  }
0x15a: {  	_ = 	snop  }
0x15b: {  	v63 =	vshll.u32 v1, $0x10  }
0x15c: {  	v1 =	vand.u32 $0xFFFF0000, v1;
	[tilespmem:v3+s15+$0x0] =	vst.idx.add.f32.msk $0xffff, v63  }
0x15d: {  	s20 =	sadd.s32 $0x40, s20;
	[tilespmem:v2+s15+$0x0] =	vst.idx.add.f32.msk $0xffff, v1  }
0x15e: {  	s19 =	sadd.s32 $0x1, s19  }
0x15f: {  	p0 =	sne.s32 s19, $0x14  }
.Ltmp6:
0x160: {  	_ = 	snop;
	(pc) =	sbr.rel @p0 .LBB2_5-.Ltmp6, $1  }
0x161: {  	_ =	sdelay $0x3  }
0x162: {  	[hbm4b:s6+s2] =	stream.linear.scatter [tilespmem:s15], [sflag:$0x3], $0x4E20, $0x38;
	[tilespmem:$0x16900] =	vst v63  }
0x163: {  	s18 =	sadd.s32 $0x1, s18;
	_ =	swait.ge [sflag:s11], $0x4E20  }
0x164: {  	p0 =	sne.s32 s18, s8;
	[sflag:s11] =	ssyncset.done $0x0  }
.Ltmp7:
0x165: {  	[sflag:s11] =	ssyncadd.s32 $0xFFFFB1E0;
	(pc) =	sbr.rel @p0 .LBB2_1-.Ltmp7, $4  }
0x166: {  	[hbm4b:s7+s2] =	stream.linear.scatter [tilespmem:s17], [sflag:$0x3], $0x4E20, $0x38;
	[tilespmem:$0x16900] =	vst v63  }
0x167: {  	_ =	swait.ge [sflag:s11], $0x4E20  }
0x168: {  	[sflag:s11] =	ssyncset.done $0x0  }
0x169: {  	[sflag:s11] =	ssyncadd.s32 $0xFFFFB1E0  }
0x16a: {  	_ =	sfence.sel $0x180000  }
0x16b: {  	[bflag:$0x0] =	sbarrier.arrive $0xFFFF  }
0x16c: {  	p0 =	sne.s32 s0, $0x0;
	_ =	strace $0x90000047  }
0x16d: {  	s0 =	sadd.s32 @!p0 $0x100000, s1;
	[bflag:$0x2] =	sbarrier.arrive $0xFFFF  }
0x16e: {  	[sflag:s0] =	ssyncadd.tile.s32 @!p0 $0x1;
	_ =	shalt  }
.Lfunc_end2:
_tile_overlayer_lowered:
.L_overlay_start_2:
0x16f: {  	(tag) =	ssettag $0x2  }
0x170: {  	s0 =	rddreg [dreg:$0x0];
	s2 =	stileid.u32  }
0x171: {  	s1 =	rddreg [dreg:$0x1];
	p0 =	sne.s32 s2, $0x0  }
0x172: {  	s3 =	rddreg [dreg:$0x2];
	[bflag:$0x3] =	sbarrier.arrive $0xFFFF;
	s2 =	simm.s32 @!p0 $0x1C03  }
0x173: {  	[timem:s3], [sflag:s2] =	dma.local @!p0 [hbm:s0], s1  }
0x174: {  	s0 =	simm.s32 @!p0 $0x3  }
0x175: {  	_ =	swait.ge @!p0 [sflag:s0], s1  }
0x176: {  	s1 =	ssub.s32 @!p0 $0x0, s1;
	[sflag:s0] =	ssyncset.done @!p0 $0x0  }
0x177: {  	[sflag:s0] =	ssyncadd.s32 @!p0 s1  }
0x178: {  	[bflag:$0x3] =	sbarrier.arrive $0xFFFF  }
0x179: {  	_ =	shalt  }

// kernel: kernel.19.cloned.1.call-start
scs
__scs_entry_jumppad:
0x0: {  	(pc) =	sbr.rel $0x88, $3  }
0x1: {  	(tag) =	ssettag $0x0;
	lr =	simm.s32 $0x1  }
0x2: {  	[smem:$0x3F91] =	sst lr;
	_ =	strace $0xD0000000  }
0x3: {  	_ = 	snop  }
0x4: {  	_ = 	snop  }
0x5: {  	_ = 	snop  }
0x6: {  	_ = 	snop  }
0x7: {  	_ = 	snop  }
__scs_overlays_trampoline_lowered:
0x8: {  	[smem:$0x3FA0] =	sst s0  }
0x9: {  	[smem:$0x3FA1] =	sst s1  }
0xa: {  	[smem:$0x3FA2] =	sst s2  }
0xb: {  	[smem:$0x3FA3] =	sst s3  }
0xc: {  	[smem:$0x3FA4] =	sst s4  }
0xd: {  	[smem:$0x3FA5] =	sst s5  }
0xe: {  	[smem:$0x3FA6] =	sst s6  }
0xf: {  	[smem:$0x3FA7] =	sst s7  }
0x10: {  	[smem:$0x3FA8] =	sst s8  }
0x11: {  	[smem:$0x3FA9] =	sst s9;
	s0 =	simm.s32 @!p0 $0x0  }
0x12: {  	s1 =	sld [smem:$0x3F8F];
	s0 =	simm.s32 @p0 $0x1  }
0x13: {  	[smem:$0x3FAA] =	sst s0;
	s0 =	simm.s32 @!p1 $0x0  }
0x14: {  	s2 =	sld [smem:$0x3F8E];
	s0 =	simm.s32 @p1 $0x1  }
0x15: {  	[smem:$0x3FAB] =	sst s0;
	s0 =	simm.s32 @!p2 $0x0  }
0x16: {  	s3 =	sld [smem:$0x3FDB];
	s0 =	simm.s32 @p2 $0x1  }
0x17: {  	s4 =	simm.s32 $0x1BF5;
	[smem:$0x3FAD] =	sst s0  }
0x18: {  	s0 =	sld [smem:$0x3F90];
	_ =	swait.ge [sflag:s4], $0x0  }
0x19: {  	s7 =	sld [smem:$0x3F91]  }
0x1a: {  	s8 =	sadd.s32 $0xFFFFE003, lr  }
0x1b: {  	s9 =	sadd.s32 $0xFFFFFEF7, lr;
	s5 =	simm.s32 $0xFFFFFFFF;
	p2 =	slt.u32 s8, $0xFFFFF086  }
0x1c: {  	p1 =	slt.u32 s9, $0xF7A;
	s5 =	simm.s32 @!p2 $0x0  }
0x1d: {  	s5 =	simm.s32 @p1 $0x1;
	p0 =	seq.s32 s7, s2  }
0x1e: {  	s7 =	smul.u32 @!p0 $0xF7A, s2;
	p2 =	seq.s32 @!p0 s5, $0x0  }
0x1f: {  	s9 =	smul.u32 $0xF7A, s1;
	s8 =	simm.s32 @!p0 $0x1BF5;
	p2 =	por !p2, p0  }
0x20: {  	[sflag:s8] =	ssyncset.s32 @!p0 $0xFFFFF086;
	s6 =	sadd.s32 @!p0 s3, s7;
	s7 =	simm.s32 @!p0 $0x108  }
0x21: {  	s3 =	sadd.s32 s3, s9;
	s6 =	sadd.s32 @!p0 $0x88, s6;
	s7 =	simm.s32 @p2 $0x1082  }
0x22: {  	[simem:s7], [sflag:s8] =	dma.local @!p0 [hbm:s6], $0xF7A  }
0x23: {  	s9 =	sor.u32 $0xD0000000, s2;
	s6 =	simm.s32 $0x108;
	_ =	swait.ge @!p0 [sflag:s8], $0x0  }
0x24: {  	s3 =	sadd.s32 $0x88, s3;
	s6 =	simm.s32 @!p1 $0x1082;
	[sflag:s4] =	ssyncset.s32 $0xFFFFF086  }
0x25: {  	[simem:s6], [sflag:s4] =	dma.local [hbm:s3], $0xF7A  }
0x26: {  	[smem:$0x3F91] =	sst s1;
	(tag) =	ssettag s2;
	_ =	strace s9  }
0x27: {  	s1 =	sld [smem:$0x3FA1]  }
0x28: {  	s2 =	sld [smem:$0x3FA2]  }
0x29: {  	s4 =	sld [smem:$0x3FA4]  }
0x2a: {  	p0 =	seq.s32 s5, $0x0;
	s5 =	sld [smem:$0x3FA5]  }
0x2b: {  	s6 =	sld [smem:$0x3FA6]  }
0x2c: {  	s7 =	sld [smem:$0x3FA7]  }
0x2d: {  	s3 =	simm.s32 $0x108;
	s8 =	sld [smem:$0x3FA8]  }
0x2e: {  	s3 =	simm.s32 @!p0 $0x1082;
	s9 =	sld [smem:$0x3FA9]  }
0x2f: {  	lr =	sadd.s32 s0, s3;
	s0 =	sld [smem:$0x3FA0]  }
0x30: {  	s3 =	sld [smem:$0x3FA3]  }
0x31: {  	[smem:$0x3FAC] =	sst s10  }
0x32: {  	s10 =	sld [smem:$0x3FAA];
	_ =	sdelay $0x3  }
0x33: {  	p0 =	seq.s32 s10, $0x1;
	s10 =	sld [smem:$0x3FAC];
	_ =	sdelay $0x3  }
0x34: {  	[smem:$0x3FAC] =	sst s10  }
0x35: {  	s10 =	sld [smem:$0x3FAB];
	_ =	sdelay $0x3  }
0x36: {  	p1 =	seq.s32 s10, $0x1;
	s10 =	sld [smem:$0x3FAC];
	_ =	sdelay $0x3  }
0x37: {  	[smem:$0x3FAC] =	sst s10  }
0x38: {  	s10 =	sld [smem:$0x3FAD]  }
0x39: {  	_ = 	snop;
	(pc) =	sbr.ind lr, $3  }
0x3a: {  	_ = 	snop  }
0x3b: {  	_ = 	snop  }
0x3c: {  	p2 =	seq.s32 s10, $0x1;
	s10 =	sld [smem:$0x3FAC]  }
0x3d: {  	_ =	shalt  }
0x3e: {  	_ =	shalt  }
0x3f: {  	_ =	shalt  }
0x40: {  	_ =	shalt  }
0x41: {  	_ =	shalt  }
0x42: {  	_ =	shalt  }
0x43: {  	_ =	shalt  }
0x44: {  	_ =	shalt  }
0x45: {  	_ =	shalt  }
0x46: {  	_ =	shalt  }
0x47: {  	_ =	shalt  }
0x48: {  	_ =	shalt  }
0x49: {  	_ =	shalt  }
0x4a: {  	_ =	shalt  }
0x4b: {  	_ =	shalt  }
0x4c: {  	_ =	shalt  }
0x4d: {  	_ =	shalt  }
0x4e: {  	_ =	shalt  }
0x4f: {  	_ =	shalt  }
0x50: {  	_ =	shalt  }
0x51: {  	_ =	shalt  }
0x52: {  	_ =	shalt  }
0x53: {  	_ =	shalt  }
0x54: {  	_ =	shalt  }
0x55: {  	_ =	shalt  }
0x56: {  	_ =	shalt  }
0x57: {  	_ =	shalt  }
0x58: {  	_ =	shalt  }
0x59: {  	_ =	shalt  }
0x5a: {  	_ =	shalt  }
0x5b: {  	_ =	shalt  }
0x5c: {  	_ =	shalt  }
0x5d: {  	_ =	shalt  }
0x5e: {  	_ =	shalt  }
0x5f: {  	_ =	shalt  }
0x60: {  	_ =	shalt  }
0x61: {  	_ =	shalt  }
0x62: {  	_ =	shalt  }
0x63: {  	_ =	shalt  }
0x64: {  	_ =	shalt  }
0x65: {  	_ =	shalt  }
0x66: {  	_ =	shalt  }
0x67: {  	_ =	shalt  }
0x68: {  	_ =	shalt  }
0x69: {  	_ =	shalt  }
0x6a: {  	_ =	shalt  }
0x6b: {  	_ =	shalt  }
0x6c: {  	_ =	shalt  }
0x6d: {  	_ =	shalt  }
0x6e: {  	_ =	shalt  }
0x6f: {  	_ =	shalt  }
0x70: {  	_ =	shalt  }
0x71: {  	_ =	shalt  }
0x72: {  	_ =	shalt  }
0x73: {  	_ =	shalt  }
0x74: {  	_ =	shalt  }
0x75: {  	_ =	shalt  }
0x76: {  	_ =	shalt  }
0x77: {  	_ =	shalt  }
0x78: {  	_ =	shalt  }
0x79: {  	_ =	shalt  }
0x7a: {  	_ =	shalt  }
0x7b: {  	_ =	shalt  }
0x7c: {  	_ =	shalt  }
0x7d: {  	_ =	shalt  }
0x7e: {  	_ =	shalt  }
0x7f: {  	_ =	shalt  }
0x80: {  	_ =	shalt  }
0x81: {  	_ =	shalt  }
0x82: {  	_ =	shalt  }
0x83: {  	_ =	shalt  }
0x84: {  	_ =	shalt  }
0x85: {  	_ =	shalt  }
0x86: {  	_ =	shalt  }
0x87: {  	_ =	shalt  }
.Lfunc_end0:
.L_simem_size_0:
called_computation.2_lowered:
.L_overlay_start_0:
0x88: {  	s2 =	sld [smem:$0x3FD9]  }
0x89: {  	s3 =	sld [smem:$0x3FFE];
	_ =	sdelay $0x1  }
0x8a: {  	s1 =	srdreg.scid  }
0x8b: {  	s0 =	sand.u32 $0x1, s1  }
0x8c: {  	s16 =	sshll.u32 s0, $0xA;
	s2 =	sadd.s32 s3, s2  }
0x8d: {  	s2 =	sadd.s32 s2, s16  }
0x8e: {  	[smem:$0x3FB8] =	sst s2  }
0x8f: {  	_ = 	snop  }
0x90: {  	(tm) =	ssettm $0x1  }
0x91: {  	s17 =	sld [smem:$0x3FFB];
	_ =	sdelay $0x3  }
0x92: {  	_ =	strace s17  }
0x93: {  	s2 =	sld [smem:$0x3FFC];
	_ =	sdelay $0x3  }
0x94: {  	_ =	strace s2  }
0x95: {  	s2 =	sld [smem:$0x3FFD];
	_ =	sdelay $0x3  }
0x96: {  	_ =	strace s2  }
0x97: {  	_ =	strace $0x8FFFFFFF  }
0x98: {  	s18 =	sld [smem:$0x3FDB];
	_ =	sdelay $0x1  }
0x99: {  	s19 =	simm.s32 $_scs_section_size  }
0x9a: {  	s4 =	simm.s32 $_size__tile_overlayer_lowered;
	s5 =	simm.s32 $_tile_overlayer_lowered  }
0x9b: {  	s22 =	simm.s32 $0x1BFF;
	s21 =	sshll.u32 s5, $0x1;
	s2 =	sadd.s32 s19, s18  }
0x9c: {  	s6 =	simm.s32 $0x0;
	s20 =	sshll.u32 s4, $0x1;
	s4 =	sadd.s32 s21, s2  }
0x9d: {  	[timem:s6], [sflag:s22] =	dma.local [hbm:s4], s20  }
0x9e: {  	_ =	swait.ge [sflag:s22], s20  }
0x9f: {  	s3 =	ssub.s32 $0x0, s20;
	[sflag:s22] =	ssyncset.done $0x0  }
0xa0: {  	[sflag:s22] =	ssyncadd.s32 s3;
	_ =	sdelay $0x1  }
0xa1: {  	s23 =	simm.s32 $0x1B8B  }
0xa2: {  	_ =	swait.ge [sflag:s23], $0x1  }
0xa3: {  	[sflag:s23] =	ssyncset.done $0x0  }
0xa4: {  	s25 =	simm.s32 $0x1B8E;
	s24 =	sld [smem:$0x3FFE];
	[sflag:s23] =	ssyncadd.s32 $0xFFFFFFFF  }
0xa5: {  	s26 =	simm.s32 $execute0_lowered;
	[smem:$0x3FD2] =	sst s25  }
0xa6: {  	s4 =	sshll.u32 s26, $0x1;
	_ =	strace $0x8000004C;
	[dreg:$0x1] =	wrdreg $0xFFFFFFFF  }
0xa7: {  	s28 =	simm.s32 $_size_execute0_lowered;
	s2 =	sadd.s32 s2, s4;
	[dreg:$0x0] =	wrdreg $0x0  }
0xa8: {  	s4 =	sshll.u32 s28, $0x1;
	[dreg:$0x2] =	wrdreg s2  }
0xa9: {  	[dreg:$0x3] =	wrdreg s4  }
0xaa: {  	[dreg:$0x4] =	wrdreg $0xC0  }
0xab: {  	_ =	task [dreg:s6], $0x5FFFF  }
0xac: {  	[dreg:$0x1] =	wrdreg $0xFFFFFFFF  }
0xad: {  	[dreg:$0x0] =	wrdreg $0x60  }
0xae: {  	[dreg:$0x2] =	wrdreg s24  }
0xaf: {  	[dreg:$0x3] =	wrdreg $0x9  }
0xb0: {  	_ =	task.clear_ibuf [dreg:s6], $0x4FFFF;
	_ =	strace $0x9000004C  }
0xb1: {  	s29 =	simm.s32 $0x9;
	_ =	strace $0x8000004E  }
0xb2: {  	_ =	swait.ge [sflag:s29], $0x1  }
0xb3: {  	[sflag:s29] =	ssyncadd.s32 $0xFFFFFFFF  }
0xb4: {  	_ =	strace $0x9000004E  }
0xb5: {  	_ =	sfence  }
0xb6: {  	s30 =	sld [smem:$0x0];
	_ =	sdelay $0x2  }
0xb7: {  	s31 =	sshll.u32 s1, $0xD;
	s1 =	sshrl.u32 s1, $0x2  }
0xb8: {  	s3 =	sand.u32 $0x4000, s31;
	s1 =	sadd.s32 s1, s30  }
0xb9: {  	s0 =	sor.u32 s3, s0;
	s1 =	sshll.u32 s1, $0x11  }
0xba: {  	s0 =	sor.u32 s1, s0  }
0xbb: {  	s0 =	sadd.s32 $0x8F2B, s0  }
0xbc: {  	[sflag:s0] =	ssyncadd.remote.s32 $0x1  }
0xbd: {  	_ =	sfence.sel $0xFFFF  }
0xbe: {  	[dreg:$0x0] =	wrdreg $0xFFFFFFFF;
	(pc) =	sbr.abs _section_cstart, $3  }
0xbf: {  	[dreg:$0x1] =	wrdreg $0xFFFFFFFF  }
0xc0: {  	_ =	task.clear_ibuf [dreg:s6], $0x2FFFF;
	_ =	strace $0x9FFFFFFF  }
0xc1: {  	(tm) =	ssettm $0x7FFFFFFF  }
tec
execute0_lowered:
.L_overlay_start_1:
0x0: {  	(tag) =	ssettag $0x1  }
0x1: {  	s1 =	srdreg.scid;
	s0 =	stileid.u32  }
0x2: {  	s5 =	rddreg [dreg:$0x0];
	s2 =	simm.s32 $0x0;
	s12 =	simm.s32 $0x1  }
0x3: {  	s13 =	simm.s32 $0x1DD00;
	s14 =	simm.s32 $0x1ED00;
	s15 =	simm.s32 $0x9C80  }
0x4: {  	s16 =	simm.s32 $0x2;
	s17 =	simm.s32 $0x138C0;
	s18 =	simm.s32 $0x0  }
0x5: {  	s3 =	sand.u32 $0x1, s1;
	s4 =	sshll.u32 s0, $0x1;
	s1 =	rddreg [dreg:$0x1]  }
0x6: {  	[smem:$0x7FF] =	sst s2;
	s11 =	sadd.s32 $0x3EC00, s5;
	s4 =	sor.u32 s3, s4  }
0x7: {  	_ =	strace $0x8000004D;
	s8 =	ssub.s32 $0x2, s3;
	s6 =	smul.u32 $0x1388, s4  }
0x8: {  	s3 =	sadd.s32 $0xDC00, s5;
	s9 =	smul.u32 $0x9C40, s4;
	s10 =	sshrl.u32 s8, $0x1  }
0x9: {  	s4 =	sadd.s32 $0x3E00, s5;
	s8 =	ssub.s32 s8, s10;
	s10 =	simm.s32 $0x1E500  }
0xa: {  	s7 =	sadd.s32 s6, s5;
	s9 =	sshrl.u32 s9, $0x3;
	s6 =	sadd.s32 s11, s6  }
0xb: {  	s8 =	smax.u32 s8, $0x1;
	s5 =	sadd.s32 $0x17A00, s7;
	s31 =	sadd.s32 s11, s9  }
0xc: {  	v0 =	vimm.f32 $0.0e+00;
	s9 =	simm.s32 $0x1D500;
	s11 =	simm.s32 $0x3;
	s7 =	sadd.s32 $0x27100, s31  }
.LBB2_1:
0xd: {  	[tilespmem:s9], [sflag:$0x1] =	stream.linear.gather [hbm4b:s3+s2], $0x7D0, $0x38;
	[tilespmem:$0x1F500] =	vst v63  }
0xe: {  	_ = 	snop  }
0xf: {  	[tilespmem:s10], [sflag:$0x1] =	stream.linear.gather [hbm4b:s4+s2], $0x7D0, $0x38;
	[tilespmem:$0x1F500] =	vst v63  }
0x10: {  	_ = 	snop  }
0x11: {  	[tilespmem:s2], [sflag:$0x3] =	stream.linear.gather [hbm4b:s5+s2], $0x9C40, $0x38;
	[tilespmem:$0x1F500] =	vst v63  }
0x12: {  	_ =	swait.ge [sflag:s11], $0x9C40  }
0x13: {  	[sflag:s11] =	ssyncset.done $0x0  }
0x14: {  	s19 =	simm.s32 $0x9CC0;
	[sflag:s11] =	ssyncadd.s32 $0xFFFF63C0  }
0x15: {  	[tilespmem:s19+$0xFFFFFFC0] =	vst v0  }
0x16: {  	[tilespmem:s19+$0x30] =	vst v0  }
0x17: {  	[tilespmem:s19+$0x20] =	vst v0  }
0x18: {  	[tilespmem:s19+$0x10] =	vst v0  }
0x19: {  	[tilespmem:s19+$0x0] =	vst v0  }
0x1a: {  	[tilespmem:s19+$0xFFFFFFF0] =	vst v0  }
0x1b: {  	s20 =	simm.s32 $0x0;
	[tilespmem:s19+$0xFFFFFFE0] =	vst v0  }
.LBB2_2:
0x1c: {  	s20 =	sadd.s32 $0x8, s20;
	[tilespmem:s19+$0xFFFFFFD0] =	vst v0;
	s19 =	sadd.s32 $0x80, s19  }
0x1d: {  	[tilespmem:s19+$0xFFFFFFC0] =	vst v0;
	p0 =	slt.u32 s20, $0x1380  }
0x1e: {  	[tilespmem:s19+$0x30] =	vst v0  }
.Ltmp0:
0x1f: {  	[tilespmem:s19+$0x20] =	vst v0;
	(pc) =	sbr.rel @p0 .LBB2_2-.Ltmp0, $4  }
0x20: {  	[tilespmem:s19+$0x10] =	vst v0  }
0x21: {  	[tilespmem:s19+$0x0] =	vst v0  }
0x22: {  	[tilespmem:s19+$0xFFFFFFF0] =	vst v0  }
0x23: {  	[tilespmem:s19+$0xFFFFFFE0] =	vst v0  }
0x24: {  	[tilespmem:s19+$0xFFFFFFD0] =	vst v0;
	s19 =	simm.s32 $0x0;
	s20 =	simm.s32 $0x0  }
.LBB2_4:
0x25: {  	_ =	swait.ge [sflag:s12], $0x7D0  }
0x26: {  	s21 =	smul.u32 $0xFA0, s20;
	[sflag:s12] =	ssyncset.done $0x0  }
0x27: {  	[sflag:s12] =	ssyncadd.s32 $0xFFFFF830  }
0x28: {  	s22 =	sshrl.u32 s21, $0x3;
	_ =	swait.ge [sflag:s12], $0x7D0  }
0x29: {  	s22 =	sadd.s32 $0xFA, s22;
	[sflag:s12] =	ssyncset.done $0x0  }
0x2a: {  	s23 =	sadd.s32 s3, s22;
	[sflag:s12] =	ssyncadd.s32 $0xFFFFF830  }
0x2b: {  	[tilespmem:s13], [sflag:$0x2] =	stream.linear.gather [hbm4b:s23+s2], $0x7D0, $0x38;
	[tilespmem:$0x1F500] =	vst v63  }
0x2c: {  	s31 =	simm.s32 $0x1D540;
	s22 =	sadd.s32 s4, s22  }
0x2d: {  	[tilespmem:s14], [sflag:$0x2] =	stream.linear.gather [hbm4b:s22+s2], $0x7D0, $0x38;
	[tilespmem:$0x1F500] =	vst v63  }
0x2e: {  	v9 =	vld [tilespmem:s31+$0x30]  }
0x2f: {  	v7 =	vld [tilespmem:s31+$0xFFFFFFD0]  }
0x30: {  	s22 =	simm.s32 $0x1E540;
	v5 =	vld [tilespmem:s31+$0xFFFFFFE0]  }
0x31: {  	v15 =	vld [tilespmem:s22+$0x30]  }
0x32: {  	v4 =	vld [tilespmem:s31+$0xFFFFFFF0]  }
0x33: {  	v3 =	vld [tilespmem:s31+$0x0]  }
0x34: {  	v2 =	vld [tilespmem:s31+$0x10]  }
0x35: {  	v1 =	vld [tilespmem:s31+$0x20]  }
0x36: {  	v14 =	vld [tilespmem:s31+$0xFFFFFFC0]  }
0x37: {  	v6 =	vld.idx.msk [tilespmem:v9+s19+$0x0], $0xffff  }
0x38: {  	v11 =	vld.idx.msk [tilespmem:v7+s19+$0x0], $0xffff  }
0x39: {  	v16 =	vld.idx.msk [tilespmem:v5+s19+$0x0], $0xffff  }
0x3a: {  	v17 =	vld.idx.msk [tilespmem:v4+s19+$0x0], $0xffff  }
0x3b: {  	v18 =	vld.idx.msk [tilespmem:v3+s19+$0x0], $0xffff  }
0x3c: {  	v8 =	vadd.s32 $0x9C40, v15;
	v19 =	vld.idx.msk [tilespmem:v2+s19+$0x0], $0xffff  }
0x3d: {  	v10 =	vadd.s32 $0x2710, v9;
	v13 =	vadd.s32 $0x4E20, v9;
	v50 =	vadd.s32 $0x7530, v9;
	v9 =	vld [tilespmem:s22+$0x10]  }
0x3e: {  	v20 =	vld.idx.msk [tilespmem:v14+s19+$0x0], $0xffff;
	v12 =	vshll.u32 v6, $0x10  }
0x3f: {  	[tilespmem:v15+s15+$0x0] =	vst.idx.add.f32.msk $0xffff, v12  }
0x40: {  	v6 =	vand.u32 $0xFFFF0000, v6;
	v12 =	vld [tilespmem:s22+$0xFFFFFFC0]  }
0x41: {  	[tilespmem:v8+s15+$0x0] =	vst.idx.add.f32.msk $0xffff, v6  }
0x42: {  	v0 =	vadd.s32 $0x9C40, v9;
	v6 =	vld.idx.msk [tilespmem:v10+s19+$0x0], $0xffff  }
0x43: {  	v44 =	vadd.s32 $0x2710, v15;
	v63 =	vld.idx.msk [tilespmem:v1+s19+$0x0], $0xffff  }
0x44: {  	v8 =	vld [tilespmem:s22+$0x0]  }
0x45: {  	v45 =	vadd.s32 $0xC350, v15;
	v25 =	vshll.u32 v19, $0x10;
	v10 =	vld [tilespmem:s22+$0xFFFFFFE0]  }
0x46: {  	v19 =	vand.u32 $0xFFFF0000, v19;
	[tilespmem:v9+s15+$0x0] =	vst.idx.add.f32.msk $0xffff, v25  }
0x47: {  	[tilespmem:v0+s15+$0x0] =	vst.idx.add.f32.msk $0xffff, v19;
	v21 =	vshll.u32 v6, $0x10  }
0x48: {  	v47 =	vshll.u32 v20, $0x10;
	[tilespmem:v44+s15+$0x0] =	vst.idx.add.f32.msk $0xffff, v21  }
0x49: {  	v6 =	vand.u32 $0xFFFF0000, v6;
	[tilespmem:v12+s15+$0x0] =	vst.idx.add.f32.msk $0xffff, v47  }
0x4a: {  	v46 =	vadd.s32 $0x9C40, v12;
	[tilespmem:v45+s15+$0x0] =	vst.idx.add.f32.msk $0xffff, v6  }
0x4b: {  	v62 =	vshll.u32 v18, $0x10;
	v6 =	vld [tilespmem:s22+$0xFFFFFFF0]  }
0x4c: {  	v59 =	vadd.s32 $0x9C40, v8;
	[tilespmem:v8+s15+$0x0] =	vst.idx.add.f32.msk $0xffff, v62  }
0x4d: {  	v61 =	vadd.s32 $0x2710, v14;
	v21 =	vld.idx.msk [tilespmem:v13+s19+$0x0], $0xffff  }
0x4e: {  	v20 =	vand.u32 $0xFFFF0000, v20;
	v53 =	vadd.s32 $0x9C40, v10;
	v13 =	vld [tilespmem:s22+$0xFFFFFFD0]  }
0x4f: {  	v29 =	vadd.s32 $0x2710, v5;
	v54 =	vshll.u32 v16, $0x10;
	[tilespmem:v46+s15+$0x0] =	vst.idx.add.f32.msk $0xffff, v20  }
0x50: {  	v22 =	vadd.s32 $0x4E20, v15;
	v18 =	vand.u32 $0xFFFF0000, v18;
	[tilespmem:v10+s15+$0x0] =	vst.idx.add.f32.msk $0xffff, v54  }
0x51: {  	v23 =	vadd.s32 $0xEA60, v15;
	[tilespmem:v59+s15+$0x0] =	vst.idx.add.f32.msk $0xffff, v18  }
0x52: {  	v16 =	vand.u32 $0xFFFF0000, v16;
	v27 =	vld.idx.msk [tilespmem:v61+s19+$0x0], $0xffff  }
0x53: {  	v28 =	vadd.s32 $0x2710, v12;
	[tilespmem:v53+s15+$0x0] =	vst.idx.add.f32.msk $0xffff, v16  }
0x54: {  	v16 =	vld.idx.msk [tilespmem:v29+s19+$0x0], $0xffff;
	v48 =	vshll.u32 v21, $0x10  }
0x55: {  	v51 =	vand.u32 $0xFFFF0000, v21;
	[tilespmem:v22+s15+$0x0] =	vst.idx.add.f32.msk $0xffff, v48  }
0x56: {  	v58 =	vshll.u32 v17, $0x10;
	v31 =	vadd.s32 $0xC350, v12;
	[tilespmem:v23+s15+$0x0] =	vst.idx.add.f32.msk $0xffff, v51  }
0x57: {  	v42 =	vadd.s32 $0x2710, v2;
	v34 =	vshll.u32 v27, $0x10;
	[tilespmem:v6+s15+$0x0] =	vst.idx.add.f32.msk $0xffff, v58  }
0x58: {  	v52 =	vshll.u32 v11, $0x10;
	v55 =	vadd.s32 $0x9C40, v6;
	[tilespmem:v28+s15+$0x0] =	vst.idx.add.f32.msk $0xffff, v34  }
0x59: {  	v36 =	vadd.s32 $0x2710, v3;
	[tilespmem:v13+s15+$0x0] =	vst.idx.add.f32.msk $0xffff, v52  }
0x5a: {  	v37 =	vadd.s32 $0x2710, v10;
	v18 =	vand.u32 $0xFFFF0000, v27;
	v56 =	vld.idx.msk [tilespmem:v50+s19+$0x0], $0xffff  }
0x5b: {  	v49 =	vadd.s32 $0x9C40, v13;
	[tilespmem:v31+s15+$0x0] =	vst.idx.add.f32.msk $0xffff, v18  }
0x5c: {  	v17 =	vand.u32 $0xFFFF0000, v17;
	v50 =	vld.idx.msk [tilespmem:v42+s19+$0x0], $0xffff  }
0x5d: {  	v32 =	vadd.s32 $0x2710, v4;
	[tilespmem:v55+s15+$0x0] =	vst.idx.add.f32.msk $0xffff, v17  }
0x5e: {  	v38 =	vadd.s32 $0xC350, v10;
	v44 =	vshll.u32 v16, $0x10;
	v17 =	vld.idx.msk [tilespmem:v36+s19+$0x0], $0xffff  }
0x5f: {  	v57 =	vadd.s32 $0x7530, v15;
	v11 =	vand.u32 $0xFFFF0000, v11;
	[tilespmem:v37+s15+$0x0] =	vst.idx.add.f32.msk $0xffff, v44  }
0x60: {  	v51 =	vadd.s32 $0x2710, v9;
	[tilespmem:v49+s15+$0x0] =	vst.idx.add.f32.msk $0xffff, v11  }
0x61: {  	v15 =	vadd.s32 $0x11170, v15;
	v11 =	vld [tilespmem:s22+$0x20]  }
0x62: {  	v24 =	vadd.s32 $0x2710, v7;
	v16 =	vand.u32 $0xFFFF0000, v16;
	v39 =	vld.idx.msk [tilespmem:v32+s19+$0x0], $0xffff  }
0x63: {  	v45 =	vadd.s32 $0x2710, v8;
	[tilespmem:v38+s15+$0x0] =	vst.idx.add.f32.msk $0xffff, v16;
	v60 =	vshll.u32 v56, $0x10  }
0x64: {  	v49 =	vadd.s32 $0x4E20, v14;
	v58 =	vshll.u32 v50, $0x10;
	[tilespmem:v57+s15+$0x0] =	vst.idx.add.f32.msk $0xffff, v60  }
0x65: {  	v41 =	vadd.s32 $0x2710, v6;
	v21 =	vand.u32 $0xFFFF0000, v56;
	[tilespmem:v51+s15+$0x0] =	vst.idx.add.f32.msk $0xffff, v58  }
0x66: {  	v48 =	vadd.s32 $0xC350, v8;
	[tilespmem:v15+s15+$0x0] =	vst.idx.add.f32.msk $0xffff, v21  }
0x67: {  	v53 =	vadd.s32 $0xC350, v9;
	v52 =	vshll.u32 v17, $0x10;
	v15 =	vld.idx.msk [tilespmem:v24+s19+$0x0], $0xffff  }
0x68: {  	v43 =	vadd.s32 $0xC350, v6;
	[tilespmem:v45+s15+$0x0] =	vst.idx.add.f32.msk $0xffff, v52  }
0x69: {  	v47 =	vshll.u32 v39, $0x10;
	v16 =	vld.idx.msk [tilespmem:v49+s19+$0x0], $0xffff  }
0x6a: {  	v0 =	vadd.s32 $0x4E20, v4;
	v17 =	vand.u32 $0xFFFF0000, v17;
	[tilespmem:v41+s15+$0x0] =	vst.idx.add.f32.msk $0xffff, v47  }
0x6b: {  	v60 =	vadd.s32 $0x4E20, v5;
	v21 =	vand.u32 $0xFFFF0000, v50;
	[tilespmem:v48+s15+$0x0] =	vst.idx.add.f32.msk $0xffff, v17  }
0x6c: {  	v26 =	vadd.s32 $0x9C40, v11;
	v19 =	vand.u32 $0xFFFF0000, v39;
	[tilespmem:v53+s15+$0x0] =	vst.idx.add.f32.msk $0xffff, v21  }
0x6d: {  	v30 =	vshll.u32 v63, $0x10;
	v33 =	vadd.s32 $0x2710, v13;
	[tilespmem:v43+s15+$0x0] =	vst.idx.add.f32.msk $0xffff, v19  }
0x6e: {  	v46 =	vadd.s32 $0x2710, v1;
	[tilespmem:v11+s15+$0x0] =	vst.idx.add.f32.msk $0xffff, v30  }
0x6f: {  	v59 =	vadd.s32 $0x4E20, v12;
	v32 =	vld.idx.msk [tilespmem:v0+s19+$0x0], $0xffff  }
0x70: {  	v35 =	vadd.s32 $0xC350, v13;
	v22 =	vand.u32 $0xFFFF0000, v63;
	v27 =	vld.idx.msk [tilespmem:v60+s19+$0x0], $0xffff  }
0x71: {  	v61 =	vadd.s32 $0xEA60, v12;
	[tilespmem:v26+s15+$0x0] =	vst.idx.add.f32.msk $0xffff, v22;
	v40 =	vshll.u32 v15, $0x10  }
0x72: {  	v31 =	vadd.s32 $0x4E20, v2;
	[tilespmem:v33+s15+$0x0] =	vst.idx.add.f32.msk $0xffff, v40  }
0x73: {  	v54 =	vadd.s32 $0x4E20, v7;
	v24 =	vshll.u32 v16, $0x10;
	v55 =	vld.idx.msk [tilespmem:v46+s19+$0x0], $0xffff  }
0x74: {  	v14 =	vadd.s32 $0x7530, v14;
	v15 =	vand.u32 $0xFFFF0000, v15;
	[tilespmem:v59+s15+$0x0] =	vst.idx.add.f32.msk $0xffff, v24  }
0x75: {  	v26 =	vadd.s32 $0x4E20, v3;
	v16 =	vand.u32 $0xFFFF0000, v16;
	[tilespmem:v35+s15+$0x0] =	vst.idx.add.f32.msk $0xffff, v15  }
0x76: {  	v28 =	vadd.s32 $0x4E20, v10;
	[tilespmem:v61+s15+$0x0] =	vst.idx.add.f32.msk $0xffff, v16  }
0x77: {  	v30 =	vadd.s32 $0xEA60, v10;
	v16 =	vld.idx.msk [tilespmem:v31+s19+$0x0], $0xffff  }
0x78: {  	v33 =	vadd.s32 $0x4E20, v6;
	v15 =	vld.idx.msk [tilespmem:v54+s19+$0x0], $0xffff  }
0x79: {  	v56 =	vadd.s32 $0x2710, v11;
	v14 =	vld.idx.msk [tilespmem:v14+s19+$0x0], $0xffff  }
0x7a: {  	v34 =	vadd.s32 $0xEA60, v6;
	v35 =	vshll.u32 v27, $0x10;
	v17 =	vld.idx.msk [tilespmem:v26+s19+$0x0], $0xffff  }
0x7b: {  	v5 =	vadd.s32 $0x7530, v5;
	v18 =	vand.u32 $0xFFFF0000, v27;
	[tilespmem:v28+s15+$0x0] =	vst.idx.add.f32.msk $0xffff, v35  }
0x7c: {  	v57 =	vadd.s32 $0xC350, v11;
	v39 =	vshll.u32 v32, $0x10;
	[tilespmem:v30+s15+$0x0] =	vst.idx.add.f32.msk $0xffff, v18  }
0x7d: {  	v40 =	vadd.s32 $0x4E20, v9;
	v62 =	vshll.u32 v55, $0x10;
	[tilespmem:v33+s15+$0x0] =	vst.idx.add.f32.msk $0xffff, v39  }
0x7e: {  	v4 =	vadd.s32 $0x7530, v4;
	v21 =	vand.u32 $0xFFFF0000, v32;
	[tilespmem:v56+s15+$0x0] =	vst.idx.add.f32.msk $0xffff, v62  }
0x7f: {  	v63 =	vadd.s32 $0x4E20, v13;
	[tilespmem:v34+s15+$0x0] =	vst.idx.add.f32.msk $0xffff, v21  }
0x80: {  	v37 =	vadd.s32 $0x4E20, v1;
	v20 =	vand.u32 $0xFFFF0000, v55;
	v5 =	vld.idx.msk [tilespmem:v5+s19+$0x0], $0xffff  }
0x81: {  	v42 =	vadd.s32 $0xEA60, v9;
	v45 =	vshll.u32 v16, $0x10;
	[tilespmem:v57+s15+$0x0] =	vst.idx.add.f32.msk $0xffff, v20  }
0x82: {  	v47 =	vadd.s32 $0x7530, v12;
	[tilespmem:v40+s15+$0x0] =	vst.idx.add.f32.msk $0xffff, v45  }
0x83: {  	v25 =	vadd.s32 $0xEA60, v13;
	v29 =	vshll.u32 v15, $0x10;
	v4 =	vld.idx.msk [tilespmem:v4+s19+$0x0], $0xffff  }
0x84: {  	v12 =	vadd.s32 $0x11170, v12;
	[tilespmem:v63+s15+$0x0] =	vst.idx.add.f32.msk $0xffff, v29  }
0x85: {  	v2 =	vadd.s32 $0x7530, v2;
	v16 =	vand.u32 $0xFFFF0000, v16;
	v43 =	vld.idx.msk [tilespmem:v37+s19+$0x0], $0xffff  }
0x86: {  	v36 =	vadd.s32 $0x4E20, v8;
	v51 =	vshll.u32 v14, $0x10;
	[tilespmem:v42+s15+$0x0] =	vst.idx.add.f32.msk $0xffff, v16  }
0x87: {  	v7 =	vadd.s32 $0x7530, v7;
	v15 =	vand.u32 $0xFFFF0000, v15;
	[tilespmem:v47+s15+$0x0] =	vst.idx.add.f32.msk $0xffff, v51  }
0x88: {  	v38 =	vadd.s32 $0xEA60, v8;
	v14 =	vand.u32 $0xFFFF0000, v14;
	[tilespmem:v25+s15+$0x0] =	vst.idx.add.f32.msk $0xffff, v15  }
0x89: {  	v52 =	vadd.s32 $0x7530, v10;
	[tilespmem:v12+s15+$0x0] =	vst.idx.add.f32.msk $0xffff, v14  }
0x8a: {  	v3 =	vadd.s32 $0x7530, v3;
	v41 =	vshll.u32 v17, $0x10;
	v2 =	vld.idx.msk [tilespmem:v2+s19+$0x0], $0xffff  }
0x8b: {  	v10 =	vadd.s32 $0x11170, v10;
	[tilespmem:v36+s15+$0x0] =	vst.idx.add.f32.msk $0xffff, v41  }
0x8c: {  	v54 =	vadd.s32 $0x7530, v6;
	v17 =	vand.u32 $0xFFFF0000, v17;
	v7 =	vld.idx.msk [tilespmem:v7+s19+$0x0], $0xffff  }
0x8d: {  	v44 =	vadd.s32 $0x4E20, v11;
	[tilespmem:v38+s15+$0x0] =	vst.idx.add.f32.msk $0xffff, v17;
	v55 =	vshll.u32 v5, $0x10  }
0x8e: {  	v6 =	vadd.s32 $0x11170, v6;
	[tilespmem:v52+s15+$0x0] =	vst.idx.add.f32.msk $0xffff, v55  }
0x8f: {  	v46 =	vadd.s32 $0xEA60, v11;
	v5 =	vand.u32 $0xFFFF0000, v5;
	v3 =	vld.idx.msk [tilespmem:v3+s19+$0x0], $0xffff  }
0x90: {  	v58 =	vadd.s32 $0x7530, v9;
	v57 =	vshll.u32 v4, $0x10;
	[tilespmem:v10+s15+$0x0] =	vst.idx.add.f32.msk $0xffff, v5  }
0x91: {  	v1 =	vadd.s32 $0x7530, v1;
	v48 =	vshll.u32 v43, $0x10;
	[tilespmem:v54+s15+$0x0] =	vst.idx.add.f32.msk $0xffff, v57  }
0x92: {  	v49 =	vadd.s32 $0x7530, v13;
	v4 =	vand.u32 $0xFFFF0000, v4;
	[tilespmem:v44+s15+$0x0] =	vst.idx.add.f32.msk $0xffff, v48  }
0x93: {  	v9 =	vadd.s32 $0x11170, v9;
	v50 =	vand.u32 $0xFFFF0000, v43;
	[tilespmem:v6+s15+$0x0] =	vst.idx.add.f32.msk $0xffff, v4  }
0x94: {  	v13 =	vadd.s32 $0x11170, v13;
	v62 =	vshll.u32 v2, $0x10;
	[tilespmem:v46+s15+$0x0] =	vst.idx.add.f32.msk $0xffff, v50  }
0x95: {  	v56 =	vadd.s32 $0x7530, v8;
	[tilespmem:v58+s15+$0x0] =	vst.idx.add.f32.msk $0xffff, v62  }
0x96: {  	v8 =	vadd.s32 $0x11170, v8;
	v53 =	vshll.u32 v7, $0x10;
	v1 =	vld.idx.msk [tilespmem:v1+s19+$0x0], $0xffff  }
0x97: {  	v59 =	vadd.s32 $0x7530, v11;
	v2 =	vand.u32 $0xFFFF0000, v2;
	[tilespmem:v49+s15+$0x0] =	vst.idx.add.f32.msk $0xffff, v53  }
0x98: {  	v61 =	vadd.s32 $0x11170, v11;
	v7 =	vand.u32 $0xFFFF0000, v7;
	[tilespmem:v9+s15+$0x0] =	vst.idx.add.f32.msk $0xffff, v2  }
0x99: {  	[tilespmem:v13+s15+$0x0] =	vst.idx.add.f32.msk $0xffff, v7;
	v60 =	vshll.u32 v3, $0x10  }
0x9a: {  	v3 =	vand.u32 $0xFFFF0000, v3;
	[tilespmem:v56+s15+$0x0] =	vst.idx.add.f32.msk $0xffff, v60  }
0x9b: {  	[tilespmem:v8+s15+$0x0] =	vst.idx.add.f32.msk $0xffff, v3;
	v63 =	vshll.u32 v1, $0x10  }
0x9c: {  	v1 =	vand.u32 $0xFFFF0000, v1;
	[tilespmem:v59+s15+$0x0] =	vst.idx.add.f32.msk $0xffff, v63  }
0x9d: {  	s24 =	simm.s32 $0x0;
	s25 =	simm.s32 $0x1D5C0;
	[tilespmem:v61+s15+$0x0] =	vst.idx.add.f32.msk $0xffff, v1  }
.LBB2_5:
0x9e: {  	v21 =	vld [tilespmem:s25+$0x30]  }
0x9f: {  	v5 =	vld [tilespmem:s25+$0xFFFFFFD0]  }
0xa0: {  	v6 =	vld [tilespmem:s25+$0xFFFFFFE0]  }
0xa1: {  	v7 =	vld [tilespmem:s25+$0xFFFFFFF0]  }
0xa2: {  	v14 =	vld [tilespmem:s25+$0x0]  }
0xa3: {  	v22 =	vld [tilespmem:s25+$0x10]  }
0xa4: {  	v23 =	vld [tilespmem:s25+$0x20]  }
0xa5: {  	s22 =	sadd.s32 $0x80, s22;
	v25 =	vld [tilespmem:s25+$0xFFFFFFC0]  }
0xa6: {  	v20 =	vld [tilespmem:s22+$0x30]  }
0xa7: {  	v54 =	vld [tilespmem:s22+$0xFFFFFFD0]  }
0xa8: {  	v55 =	vld [tilespmem:s22+$0xFFFFFFE0]  }
0xa9: {  	v56 =	vld [tilespmem:s22+$0xFFFFFFF0]  }
0xaa: {  	v63 =	vld [tilespmem:s22+$0x0];
	v34 =	vadd.s32 $0x7530, v6  }
0xab: {  	s23 =	simm.s32 $0x0;
	[tilespmem:$0x1FFB0] =	vst v34;
	v34 =	vld [tilespmem:s22+$0xFFFFFFC0]  }
0xac: {  	v24 =	vld.idx.msk [tilespmem:v21+s23+$0x0], $0xffff  }
0xad: {  	v26 =	vld.idx.msk [tilespmem:v5+s23+$0x0], $0xffff  }
0xae: {  	v32 =	vadd.s32 $0x7530, v5;
	v18 =	vadd.s32 $0x2710, v14;
	v27 =	vld.idx.msk [tilespmem:v6+s23+$0x0], $0xffff  }
0xaf: {  	v11 =	vadd.s32 $0x4E20, v14;
	v37 =	vadd.s32 $0x7530, v14;
	v39 =	vadd.s32 $0x7530, v23;
	[tilespmem:$0x1FFA0] =	vst v32;
	v32 =	vld.idx.msk [tilespmem:v14+s23+$0x0], $0xffff  }
0xb0: {  	v40 =	vadd.s32 $0x7530, v25;
	[tilespmem:$0x1FFF0] =	vst v39;
	v39 =	vadd.s32 $0x2710, v25;
	v14 =	vadd.s32 $0x4E20, v25;
	v25 =	vld.idx.msk [tilespmem:v25+s23+$0x0], $0xffff  }
0xb1: {  	v0 =	vadd.s32 $0x4E20, v5;
	v33 =	vadd.s32 $0x4E20, v6;
	v30 =	vld.idx.msk [tilespmem:v7+s23+$0x0], $0xffff  }
0xb2: {  	v19 =	vadd.s32 $0x2710, v22;
	v12 =	vadd.s32 $0x4E20, v22;
	v38 =	vadd.s32 $0x7530, v22;
	[tilespmem:$0x1FF60] =	vst v0;
	v22 =	vld.idx.msk [tilespmem:v22+s23+$0x0], $0xffff  }
0xb3: {  	v29 =	vadd.s32 $0x2710, v23;
	v13 =	vadd.s32 $0x4E20, v23;
	[tilespmem:$0x1FF70] =	vst v33;
	v23 =	vld.idx.msk [tilespmem:v23+s23+$0x0], $0xffff  }
0xb4: {  	[tilespmem:$0x1FFD0] =	vst v37;
	v33 =	vshll.u32 v24, $0x10;
	v43 =	vshll.u32 v27, $0x10;
	v44 =	vand.u32 $0xFFFF0000, v27;
	v27 =	vld [tilespmem:s22+$0x20]  }
0xb5: {  	v28 =	vadd.s32 $0x9C40, v20;
	v37 =	vshll.u32 v25, $0x10;
	[tilespmem:v20+s15+$0x0] =	vst.idx.add.f32.msk $0xffff, v33  }
0xb6: {  	[tilespmem:v34+s15+$0x0] =	vst.idx.add.f32.msk $0xffff, v37  }
0xb7: {  	v0 =	vadd.s32 $0x9C40, v56;
	v47 =	vshll.u32 v30, $0x10;
	[tilespmem:v55+s15+$0x0] =	vst.idx.add.f32.msk $0xffff, v43  }
0xb8: {  	v31 =	vadd.s32 $0x2710, v21;
	v50 =	vshll.u32 v32, $0x10;
	[tilespmem:v56+s15+$0x0] =	vst.idx.add.f32.msk $0xffff, v47  }
0xb9: {  	v46 =	vadd.s32 $0x9C40, v34;
	v24 =	vand.u32 $0xFFFF0000, v24;
	[tilespmem:v63+s15+$0x0] =	vst.idx.add.f32.msk $0xffff, v50  }
0xba: {  	v33 =	vshll.u32 v26, $0x10;
	[tilespmem:v28+s15+$0x0] =	vst.idx.add.f32.msk $0xffff, v24  }
0xbb: {  	v17 =	vadd.s32 $0x2710, v7;
	v30 =	vand.u32 $0xFFFF0000, v30;
	[tilespmem:v54+s15+$0x0] =	vst.idx.add.f32.msk $0xffff, v33  }
0xbc: {  	v52 =	vshll.u32 v22, $0x10;
	v53 =	vand.u32 $0xFFFF0000, v22;
	v22 =	vadd.s32 $0x9C40, v54;
	[tilespmem:v0+s15+$0x0] =	vst.idx.add.f32.msk $0xffff, v30  }
0xbd: {  	v15 =	vadd.s32 $0x2710, v5;
	v25 =	vand.u32 $0xFFFF0000, v25;
	v28 =	vld.idx.msk [tilespmem:v31+s23+$0x0], $0xffff  }
0xbe: {  	[tilespmem:v46+s15+$0x0] =	vst.idx.add.f32.msk $0xffff, v25;
	v25 =	vadd.s32 $0x9C40, v63  }
0xbf: {  	v31 =	vld [tilespmem:s22+$0x10]  }
0xc0: {  	v42 =	vand.u32 $0xFFFF0000, v26;
	v17 =	vld.idx.msk [tilespmem:v17+s23+$0x0], $0xffff  }
0xc1: {  	v36 =	vadd.s32 $0x7530, v7;
	v41 =	vadd.s32 $0x2710, v20;
	[tilespmem:v22+s15+$0x0] =	vst.idx.add.f32.msk $0xffff, v42  }
0xc2: {  	[tilespmem:$0x1FFC0] =	vst v36;
	v51 =	vand.u32 $0xFFFF0000, v32;
	v15 =	vld.idx.msk [tilespmem:v15+s23+$0x0], $0xffff  }
0xc3: {  	v45 =	vadd.s32 $0xC350, v20;
	v57 =	vshll.u32 v23, $0x10;
	[tilespmem:v25+s15+$0x0] =	vst.idx.add.f32.msk $0xffff, v51  }
0xc4: {  	v35 =	vadd.s32 $0x4E20, v7;
	v26 =	vadd.s32 $0x9C40, v27;
	[tilespmem:v27+s15+$0x0] =	vst.idx.add.f32.msk $0xffff, v57  }
0xc5: {  	[tilespmem:$0x1FF80] =	vst v35;
	v35 =	vadd.s32 $0x4E20, v21;
	v36 =	vshll.u32 v28, $0x10;
	v51 =	vld [tilespmem:$0x1FFC0]  }
0xc6: {  	[tilespmem:v41+s15+$0x0] =	vst.idx.add.f32.msk $0xffff, v36  }
0xc7: {  	v28 =	vand.u32 $0xFFFF0000, v28;
	v18 =	vld.idx.msk [tilespmem:v18+s23+$0x0], $0xffff  }
0xc8: {  	v61 =	vadd.s32 $0x2710, v54;
	v58 =	vand.u32 $0xFFFF0000, v23;
	[tilespmem:v45+s15+$0x0] =	vst.idx.add.f32.msk $0xffff, v28  }
0xc9: {  	[tilespmem:v26+s15+$0x0] =	vst.idx.add.f32.msk $0xffff, v58  }
0xca: {  	v24 =	vadd.s32 $0x9C40, v31;
	v48 =	vld.idx.msk [tilespmem:v35+s23+$0x0], $0xffff  }
0xcb: {  	[tilespmem:v31+s15+$0x0] =	vst.idx.add.f32.msk $0xffff, v52  }
0xcc: {  	v62 =	vadd.s32 $0xC350, v54;
	v57 =	vshll.u32 v15, $0x10;
	v52 =	vld [tilespmem:$0x1FFD0]  }
0xcd: {  	[tilespmem:v61+s15+$0x0] =	vst.idx.add.f32.msk $0xffff, v57  }
0xce: {  	v28 =	vadd.s32 $0x9C40, v55;
	v57 =	vld [tilespmem:$0x1FFF0]  }
0xcf: {  	v16 =	vadd.s32 $0x2710, v6;
	[tilespmem:v24+s15+$0x0] =	vst.idx.add.f32.msk $0xffff, v53  }
0xd0: {  	[tilespmem:$0x1FF90] =	vst v40;
	v40 =	vadd.s32 $0x4E20, v20;
	v15 =	vand.u32 $0xFFFF0000, v15;
	v53 =	vld.idx.msk [tilespmem:v39+s23+$0x0], $0xffff  }
0xd1: {  	v41 =	vadd.s32 $0xEA60, v20;
	[tilespmem:v62+s15+$0x0] =	vst.idx.add.f32.msk $0xffff, v15  }
0xd2: {  	v21 =	vadd.s32 $0x7530, v21;
	v19 =	vld.idx.msk [tilespmem:v19+s23+$0x0], $0xffff  }
0xd3: {  	v3 =	vadd.s32 $0x2710, v31;
	[tilespmem:v28+s15+$0x0] =	vst.idx.add.f32.msk $0xffff, v44  }
0xd4: {  	v4 =	vadd.s32 $0xC350, v31;
	v49 =	vshll.u32 v48, $0x10;
	v16 =	vld.idx.msk [tilespmem:v16+s23+$0x0], $0xffff  }
0xd5: {  	v23 =	vand.u32 $0xFFFF0000, v48;
	[tilespmem:v40+s15+$0x0] =	vst.idx.add.f32.msk $0xffff, v49  }
0xd6: {  	v9 =	vadd.s32 $0x2710, v55;
	[tilespmem:v41+s15+$0x0] =	vst.idx.add.f32.msk $0xffff, v23  }
0xd7: {  	v8 =	vadd.s32 $0xC350, v55;
	v10 =	vadd.s32 $0x2710, v56;
	v21 =	vld.idx.msk [tilespmem:v21+s23+$0x0], $0xffff;
	v61 =	vshll.u32 v19, $0x10  }
0xd8: {  	v7 =	vadd.s32 $0xC350, v56;
	v59 =	vadd.s32 $0x2710, v34;
	v19 =	vand.u32 $0xFFFF0000, v19;
	[tilespmem:v3+s15+$0x0] =	vst.idx.add.f32.msk $0xffff, v61  }
0xd9: {  	v60 =	vadd.s32 $0xC350, v34;
	v30 =	vadd.s32 $0x7530, v55;
	v22 =	vadd.s32 $0x7530, v20;
	[tilespmem:v4+s15+$0x0] =	vst.idx.add.f32.msk $0xffff, v19  }
0xda: {  	v1 =	vadd.s32 $0x2710, v27;
	v2 =	vadd.s32 $0xC350, v27;
	v58 =	vshll.u32 v16, $0x10;
	v19 =	vld [tilespmem:$0x1FF70]  }
0xdb: {  	v42 =	vadd.s32 $0x4E20, v56;
	v47 =	vadd.s32 $0xEA60, v27;
	v28 =	vadd.s32 $0x11170, v20;
	[tilespmem:v9+s15+$0x0] =	vst.idx.add.f32.msk $0xffff, v58  }
0xdc: {  	v25 =	vadd.s32 $0x7530, v27;
	v45 =	vadd.s32 $0x4E20, v55;
	v16 =	vand.u32 $0xFFFF0000, v16;
	v26 =	vld.idx.msk [tilespmem:v12+s23+$0x0], $0xffff  }
0xdd: {  	v20 =	vadd.s32 $0x11170, v56;
	v48 =	vadd.s32 $0xEA60, v55;
	[tilespmem:v8+s15+$0x0] =	vst.idx.add.f32.msk $0xffff, v16;
	v50 =	vshll.u32 v21, $0x10  }
0xde: {  	v40 =	vadd.s32 $0xEA60, v56;
	v49 =	vadd.s32 $0x4E20, v27;
	v23 =	vadd.s32 $0x11170, v55;
	[tilespmem:v22+s15+$0x0] =	vst.idx.add.f32.msk $0xffff, v50  }
0xdf: {  	[tilespmem:$0x1FFE0] =	vst v38;
	v55 =	vadd.s32 $0x7530, v56;
	v56 =	vand.u32 $0xFFFF0000, v21;
	v22 =	vadd.s32 $0x11170, v27;
	v27 =	vld.idx.msk [tilespmem:v29+s23+$0x0], $0xffff  }
0xe0: {  	[tilespmem:v28+s15+$0x0] =	vst.idx.add.f32.msk $0xffff, v56  }
0xe1: {  	v46 =	vadd.s32 $0x4E20, v31;
	v24 =	vand.u32 $0xFFFF0000, v53;
	v56 =	vshll.u32 v53, $0x10;
	v53 =	vld [tilespmem:$0x1FFE0]  }
0xe2: {  	[tilespmem:v59+s15+$0x0] =	vst.idx.add.f32.msk $0xffff, v56  }
0xe3: {  	v6 =	vadd.s32 $0x2710, v63;
	v59 =	vshll.u32 v17, $0x10;
	[tilespmem:v60+s15+$0x0] =	vst.idx.add.f32.msk $0xffff, v24  }
0xe4: {  	[tilespmem:v10+s15+$0x0] =	vst.idx.add.f32.msk $0xffff, v59  }
0xe5: {  	v39 =	vshll.u32 v26, $0x10;
	v24 =	vld [tilespmem:$0x1FF80]  }
0xe6: {  	v5 =	vadd.s32 $0xC350, v63;
	v17 =	vand.u32 $0xFFFF0000, v17;
	[tilespmem:v46+s15+$0x0] =	vst.idx.add.f32.msk $0xffff, v39  }
0xe7: {  	v60 =	vshll.u32 v18, $0x10;
	[tilespmem:v7+s15+$0x0] =	vst.idx.add.f32.msk $0xffff, v17  }
0xe8: {  	v44 =	vadd.s32 $0xEA60, v31;
	[tilespmem:v6+s15+$0x0] =	vst.idx.add.f32.msk $0xffff, v60  }
0xe9: {  	v17 =	vld.idx.msk [tilespmem:v14+s23+$0x0], $0xffff  }
0xea: {  	v18 =	vand.u32 $0xFFFF0000, v18;
	v3 =	vld.idx.msk [tilespmem:v19+s23+$0x0], $0xffff  }
0xeb: {  	[tilespmem:v5+s15+$0x0] =	vst.idx.add.f32.msk $0xffff, v18  }
0xec: {  	v6 =	vand.u32 $0xFFFF0000, v26;
	v18 =	vld [tilespmem:$0x1FF60]  }
0xed: {  	v62 =	vshll.u32 v27, $0x10;
	[tilespmem:v44+s15+$0x0] =	vst.idx.add.f32.msk $0xffff, v6  }
0xee: {  	v37 =	vadd.s32 $0x4E20, v34;
	v43 =	vadd.s32 $0x4E20, v63;
	v0 =	vadd.s32 $0x7530, v63;
	[tilespmem:v1+s15+$0x0] =	vst.idx.add.f32.msk $0xffff, v62  }
0xef: {  	v41 =	vadd.s32 $0xEA60, v63;
	v50 =	vadd.s32 $0x11170, v63;
	v63 =	vand.u32 $0xFFFF0000, v27;
	v5 =	vld.idx.msk [tilespmem:v11+s23+$0x0], $0xffff  }
0xf0: {  	[tilespmem:v2+s15+$0x0] =	vst.idx.add.f32.msk $0xffff, v63  }
0xf1: {  	v38 =	vadd.s32 $0xEA60, v34;
	v8 =	vld.idx.msk [tilespmem:v13+s23+$0x0], $0xffff  }
0xf2: {  	v27 =	vshll.u32 v17, $0x10;
	v6 =	vld.idx.msk [tilespmem:v53+s23+$0x0], $0xffff  }
0xf3: {  	v21 =	vadd.s32 $0x7530, v31;
	v28 =	vadd.s32 $0x11170, v31;
	v31 =	vshll.u32 v3, $0x10;
	[tilespmem:v37+s15+$0x0] =	vst.idx.add.f32.msk $0xffff, v27  }
0xf4: {  	[tilespmem:v45+s15+$0x0] =	vst.idx.add.f32.msk $0xffff, v31  }
0xf5: {  	v1 =	vand.u32 $0xFFFF0000, v17;
	v4 =	vld.idx.msk [tilespmem:v24+s23+$0x0], $0xffff  }
0xf6: {  	v3 =	vand.u32 $0xFFFF0000, v3;
	[tilespmem:v38+s15+$0x0] =	vst.idx.add.f32.msk $0xffff, v1  }
0xf7: {  	[tilespmem:v48+s15+$0x0] =	vst.idx.add.f32.msk $0xffff, v3  }
0xf8: {  	v38 =	vshll.u32 v5, $0x10;
	v48 =	vld [tilespmem:$0x1FFA0]  }
0xf9: {  	[tilespmem:v43+s15+$0x0] =	vst.idx.add.f32.msk $0xffff, v38  }
0xfa: {  	v5 =	vand.u32 $0xFFFF0000, v5;
	v2 =	vld.idx.msk [tilespmem:v18+s23+$0x0], $0xffff  }
0xfb: {  	v45 =	vshll.u32 v8, $0x10;
	[tilespmem:v41+s15+$0x0] =	vst.idx.add.f32.msk $0xffff, v5  }
0xfc: {  	[tilespmem:v49+s15+$0x0] =	vst.idx.add.f32.msk $0xffff, v45  }
0xfd: {  	v49 =	vld [tilespmem:$0x1FFB0]  }
0xfe: {  	v8 =	vand.u32 $0xFFFF0000, v8;
	v5 =	vld.idx.msk [tilespmem:v52+s23+$0x0], $0xffff  }
0xff: {  	[tilespmem:v47+s15+$0x0] =	vst.idx.add.f32.msk $0xffff, v8  }
0x100: {  	v62 =	vshll.u32 v6, $0x10;
	v47 =	vld [tilespmem:$0x1FF90]  }
0x101: {  	v36 =	vadd.s32 $0x4E20, v54;
	[tilespmem:v21+s15+$0x0] =	vst.idx.add.f32.msk $0xffff, v62  }
0x102: {  	v6 =	vand.u32 $0xFFFF0000, v6;
	v8 =	vld.idx.msk [tilespmem:v57+s23+$0x0], $0xffff  }
0x103: {  	v35 =	vadd.s32 $0xEA60, v54;
	v37 =	vshll.u32 v4, $0x10;
	[tilespmem:v28+s15+$0x0] =	vst.idx.add.f32.msk $0xffff, v6  }
0x104: {  	v4 =	vand.u32 $0xFFFF0000, v4;
	[tilespmem:v42+s15+$0x0] =	vst.idx.add.f32.msk $0xffff, v37  }
0x105: {  	v29 =	vshll.u32 v2, $0x10;
	[tilespmem:v40+s15+$0x0] =	vst.idx.add.f32.msk $0xffff, v4  }
0x106: {  	[tilespmem:v36+s15+$0x0] =	vst.idx.add.f32.msk $0xffff, v29  }
0x107: {  	v2 =	vand.u32 $0xFFFF0000, v2;
	v4 =	vld.idx.msk [tilespmem:v51+s23+$0x0], $0xffff  }
0x108: {  	v61 =	vshll.u32 v5, $0x10;
	[tilespmem:v35+s15+$0x0] =	vst.idx.add.f32.msk $0xffff, v2  }
0x109: {  	[tilespmem:v0+s15+$0x0] =	vst.idx.add.f32.msk $0xffff, v61  }
0x10a: {  	v5 =	vand.u32 $0xFFFF0000, v5;
	v2 =	vld.idx.msk [tilespmem:v48+s23+$0x0], $0xffff  }
0x10b: {  	[tilespmem:v50+s15+$0x0] =	vst.idx.add.f32.msk $0xffff, v5  }
0x10c: {  	v63 =	vshll.u32 v8, $0x10;
	v3 =	vld.idx.msk [tilespmem:v49+s23+$0x0], $0xffff  }
0x10d: {  	v32 =	vadd.s32 $0x7530, v54;
	[tilespmem:v25+s15+$0x0] =	vst.idx.add.f32.msk $0xffff, v63  }
0x10e: {  	v54 =	vadd.s32 $0x11170, v54;
	v8 =	vand.u32 $0xFFFF0000, v8;
	v1 =	vld.idx.msk [tilespmem:v47+s23+$0x0], $0xffff  }
0x10f: {  	[tilespmem:v22+s15+$0x0] =	vst.idx.add.f32.msk $0xffff, v8;
	v60 =	vshll.u32 v4, $0x10  }
0x110: {  	v33 =	vadd.s32 $0x7530, v34;
	v4 =	vand.u32 $0xFFFF0000, v4;
	[tilespmem:v55+s15+$0x0] =	vst.idx.add.f32.msk $0xffff, v60  }
0x111: {  	s24 =	sadd.s32 $0x8, s24;
	v58 =	vshll.u32 v2, $0x10;
	[tilespmem:v20+s15+$0x0] =	vst.idx.add.f32.msk $0xffff, v4  }
0x112: {  	p0 =	slt.u32 s24, $0x70;
	v34 =	vadd.s32 $0x11170, v34;
	v2 =	vand.u32 $0xFFFF0000, v2;
	[tilespmem:v32+s15+$0x0] =	vst.idx.add.f32.msk $0xffff, v58  }
.Ltmp1:
0x113: {  	v59 =	vshll.u32 v3, $0x10;
	[tilespmem:v54+s15+$0x0] =	vst.idx.add.f32.msk $0xffff, v2;
	(pc) =	sbr.rel @p0 .LBB2_5-.Ltmp1, $4  }
0x114: {  	v56 =	vshll.u32 v1, $0x10;
	[tilespmem:v30+s15+$0x0] =	vst.idx.add.f32.msk $0xffff, v59  }
0x115: {  	v3 =	vand.u32 $0xFFFF0000, v3;
	[tilespmem:v33+s15+$0x0] =	vst.idx.add.f32.msk $0xffff, v56  }
0x116: {  	v1 =	vand.u32 $0xFFFF0000, v1;
	[tilespmem:v23+s15+$0x0] =	vst.idx.add.f32.msk $0xffff, v3  }
0x117: {  	s25 =	sadd.s32 $0x80, s25;
	[tilespmem:v34+s15+$0x0] =	vst.idx.add.f32.msk $0xffff, v1  }
.LBB2_6:
0x118: {  	s22 =	sshra.s32 s23, $0x2  }
0x119: {  	v0 =	vld [tilespmem:s22+$0x1DC80];
	_ =	sdelay $0x4  }
0x11a: {  	v1 =	vld [tilespmem:s22+$0x1EC80];
	_ =	sdelay $0x2  }
0x11b: {  	v2 =	vld.idx.msk [tilespmem:v0+s2+$0x0], $0xffff;
	_ =	sdelay $0x1  }
0x11c: {  	v3 =	vadd.s32 $0x9C40, v1  }
0x11d: {  	v4 =	vadd.s32 $0x2710, v0;
	_ =	sdelay $0x1  }
0x11e: {  	v5 =	vshll.u32 v2, $0x10  }
0x11f: {  	v2 =	vand.u32 $0xFFFF0000, v2;
	[tilespmem:v1+s15+$0x0] =	vst.idx.add.f32.msk $0xffff, v5  }
0x120: {  	[tilespmem:v3+s15+$0x0] =	vst.idx.add.f32.msk $0xffff, v2  }
0x121: {  	v2 =	vld.idx.msk [tilespmem:v4+s2+$0x0], $0xffff  }
0x122: {  	v57 =	vadd.s32 $0x2710, v1  }
0x123: {  	v58 =	vadd.s32 $0xC350, v1  }
0x124: {  	v59 =	vadd.s32 $0x4E20, v0;
	_ =	sdelay $0x1  }
0x125: {  	v6 =	vshll.u32 v2, $0x10  }
0x126: {  	v2 =	vand.u32 $0xFFFF0000, v2;
	[tilespmem:v57+s15+$0x0] =	vst.idx.add.f32.msk $0xffff, v6  }
0x127: {  	[tilespmem:v58+s15+$0x0] =	vst.idx.add.f32.msk $0xffff, v2  }
0x128: {  	v2 =	vld.idx.msk [tilespmem:v59+s2+$0x0], $0xffff  }
0x129: {  	v60 =	vadd.s32 $0x4E20, v1  }
0x12a: {  	v61 =	vadd.s32 $0xEA60, v1  }
0x12b: {  	v0 =	vadd.s32 $0x7530, v0;
	_ =	sdelay $0x1  }
0x12c: {  	v5 =	vshll.u32 v2, $0x10  }
0x12d: {  	v2 =	vand.u32 $0xFFFF0000, v2;
	[tilespmem:v60+s15+$0x0] =	vst.idx.add.f32.msk $0xffff, v5  }
0x12e: {  	[tilespmem:v61+s15+$0x0] =	vst.idx.add.f32.msk $0xffff, v2  }
0x12f: {  	v0 =	vld.idx.msk [tilespmem:v0+s2+$0x0], $0xffff  }
0x130: {  	v62 =	vadd.s32 $0x7530, v1  }
0x131: {  	p0 =	sne.s32 s23, $0x100;
	v1 =	vadd.s32 $0x11170, v1  }
.Ltmp2:
0x132: {  	_ = 	snop;
	(pc) =	sbr.rel @p0 .LBB2_6-.Ltmp2, $4  }
0x133: {  	_ = 	snop  }
0x134: {  	v63 =	vshll.u32 v0, $0x10  }
0x135: {  	v0 =	vand.u32 $0xFFFF0000, v0;
	[tilespmem:v62+s15+$0x0] =	vst.idx.add.f32.msk $0xffff, v63  }
0x136: {  	s23 =	sadd.s32 $0x40, s23;
	[tilespmem:v1+s15+$0x0] =	vst.idx.add.f32.msk $0xffff, v0  }
0x137: {  	_ =	swait.ge [sflag:s16], $0x7D0  }
0x138: {  	[sflag:s16] =	ssyncset.done $0x0  }
0x139: {  	p0 =	seq.s32 s20, $0x4F;
	[sflag:s16] =	ssyncadd.s32 $0xFFFFF830  }
0x13a: {  	s21 =	sshrl.u32 @!p0 s21, $0x3;
	_ =	swait.ge [sflag:s16], $0x7D0  }
0x13b: {  	s23 =	simm.s32 @!p0 $0x0;
	s21 =	sadd.s32 @!p0 $0x1F4, s21;
	[sflag:s16] =	ssyncset.done $0x0  }
0x13c: {  	s24 =	simm.s32 @!p0 $0x1D500;
	s22 =	sadd.s32 @!p0 s3, s21;
	[sflag:s16] =	ssyncadd.s32 $0xFFFFF830  }
0x13d: {  	[tilespmem:s24], [sflag:$0x1] =	stream.linear.gather @!p0 [hbm4b:s22+s23], $0x7D0, $0x38;
	[tilespmem:$0x1F500] =	vst v63  }
0x13e: {  	s31 =	simm.s32 $0x1DD40;
	s21 =	sadd.s32 @!p0 s4, s21;
	s22 =	simm.s32 @!p0 $0x1E500  }
0x13f: {  	[tilespmem:s22], [sflag:$0x1] =	stream.linear.gather @!p0 [hbm4b:s21+s23], $0x7D0, $0x38;
	[tilespmem:$0x1F500] =	vst v63  }
0x140: {  	v0 =	vld [tilespmem:s31+$0x30]  }
0x141: {  	v6 =	vld [tilespmem:s31+$0xFFFFFFD0]  }
0x142: {  	s22 =	simm.s32 $0x1ED40;
	v5 =	vld [tilespmem:s31+$0xFFFFFFE0]  }
0x143: {  	v15 =	vld [tilespmem:s22+$0x30]  }
0x144: {  	v4 =	vld [tilespmem:s31+$0xFFFFFFF0]  }
0x145: {  	v3 =	vld [tilespmem:s31+$0x0]  }
0x146: {  	v2 =	vld [tilespmem:s31+$0x10]  }
0x147: {  	v14 =	vld [tilespmem:s31+$0xFFFFFFC0]  }
0x148: {  	v1 =	vld [tilespmem:s31+$0x20]  }
0x149: {  	s21 =	simm.s32 $0x0;
	v12 =	vld [tilespmem:s22+$0xFFFFFFC0]  }
0x14a: {  	v7 =	vld.idx.msk [tilespmem:v0+s21+$0x0], $0xffff  }
0x14b: {  	v11 =	vld.idx.msk [tilespmem:v6+s21+$0x0], $0xffff  }
0x14c: {  	v16 =	vld.idx.msk [tilespmem:v5+s21+$0x0], $0xffff  }
0x14d: {  	v17 =	vld.idx.msk [tilespmem:v4+s21+$0x0], $0xffff  }
0x14e: {  	v8 =	vadd.s32 $0x9C40, v15;
	v18 =	vld.idx.msk [tilespmem:v3+s21+$0x0], $0xffff  }
0x14f: {  	v9 =	vadd.s32 $0x2710, v0;
	v20 =	vld.idx.msk [tilespmem:v14+s21+$0x0], $0xffff  }
0x150: {  	v19 =	vld.idx.msk [tilespmem:v2+s21+$0x0], $0xffff;
	v10 =	vshll.u32 v7, $0x10  }
0x151: {  	v38 =	vadd.s32 $0x9C40, v12;
	[tilespmem:v15+s15+$0x0] =	vst.idx.add.f32.msk $0xffff, v10  }
0x152: {  	v50 =	vadd.s32 $0x2710, v14;
	v7 =	vand.u32 $0xFFFF0000, v7;
	v10 =	vld [tilespmem:s22+$0xFFFFFFE0]  }
0x153: {  	[tilespmem:v8+s15+$0x0] =	vst.idx.add.f32.msk $0xffff, v7  }
0x154: {  	v39 =	vshll.u32 v20, $0x10;
	v7 =	vld.idx.msk [tilespmem:v9+s21+$0x0], $0xffff  }
0x155: {  	v35 =	vadd.s32 $0x2710, v15;
	v20 =	vand.u32 $0xFFFF0000, v20;
	[tilespmem:v12+s15+$0x0] =	vst.idx.add.f32.msk $0xffff, v39  }
0x156: {  	[tilespmem:v38+s15+$0x0] =	vst.idx.add.f32.msk $0xffff, v20  }
0x157: {  	v58 =	vld.idx.msk [tilespmem:v50+s21+$0x0], $0xffff  }
0x158: {  	v60 =	vadd.s32 $0x2710, v12;
	v52 =	vld.idx.msk [tilespmem:v1+s21+$0x0], $0xffff  }
0x159: {  	v36 =	vadd.s32 $0xC350, v15;
	v8 =	vld [tilespmem:s22+$0x0];
	v13 =	vshll.u32 v7, $0x10  }
0x15a: {  	v37 =	vadd.s32 $0x4E20, v0;
	[tilespmem:v35+s15+$0x0] =	vst.idx.add.f32.msk $0xffff, v13  }
0x15b: {  	v44 =	vshll.u32 v16, $0x10;
	v13 =	vld [tilespmem:s22+$0xFFFFFFD0]  }
0x15c: {  	v26 =	vshll.u32 v58, $0x10;
	[tilespmem:v10+s15+$0x0] =	vst.idx.add.f32.msk $0xffff, v44  }
0x15d: {  	v43 =	vadd.s32 $0x9C40, v10;
	v7 =	vand.u32 $0xFFFF0000, v7;
	[tilespmem:v60+s15+$0x0] =	vst.idx.add.f32.msk $0xffff, v26  }
0x15e: {  	v48 =	vadd.s32 $0x9C40, v8;
	[tilespmem:v36+s15+$0x0] =	vst.idx.add.f32.msk $0xffff, v7  }
0x15f: {  	v28 =	vadd.s32 $0x2710, v3;
	v9 =	vld.idx.msk [tilespmem:v37+s21+$0x0], $0xffff  }
0x160: {  	v21 =	vadd.s32 $0x4E20, v15;
	v51 =	vshll.u32 v18, $0x10;
	v7 =	vld [tilespmem:s22+$0xFFFFFFF0]  }
0x161: {  	v16 =	vand.u32 $0xFFFF0000, v16;
	[tilespmem:v8+s15+$0x0] =	vst.idx.add.f32.msk $0xffff, v51  }
0x162: {  	v22 =	vadd.s32 $0xEA60, v15;
	v54 =	vand.u32 $0xFFFF0000, v18;
	[tilespmem:v43+s15+$0x0] =	vst.idx.add.f32.msk $0xffff, v16  }
0x163: {  	[tilespmem:v48+s15+$0x0] =	vst.idx.add.f32.msk $0xffff, v54  }
0x164: {  	v16 =	vld.idx.msk [tilespmem:v28+s21+$0x0], $0xffff;
	v40 =	vshll.u32 v9, $0x10  }
0x165: {  	v42 =	vshll.u32 v11, $0x10;
	v41 =	vadd.s32 $0x9C40, v13;
	[tilespmem:v21+s15+$0x0] =	vst.idx.add.f32.msk $0xffff, v40  }
0x166: {  	v0 =	vadd.s32 $0x7530, v0;
	v9 =	vand.u32 $0xFFFF0000, v9;
	[tilespmem:v13+s15+$0x0] =	vst.idx.add.f32.msk $0xffff, v42  }
0x167: {  	[tilespmem:v22+s15+$0x0] =	vst.idx.add.f32.msk $0xffff, v9  }
0x168: {  	v47 =	vshll.u32 v17, $0x10;
	v37 =	vadd.s32 $0x2710, v8;
	v9 =	vld [tilespmem:s22+$0x10]  }
0x169: {  	v11 =	vand.u32 $0xFFFF0000, v11;
	v45 =	vadd.s32 $0x9C40, v7;
	[tilespmem:v7+s15+$0x0] =	vst.idx.add.f32.msk $0xffff, v47  }
0x16a: {  	v63 =	vadd.s32 $0xC350, v12;
	[tilespmem:v41+s15+$0x0] =	vst.idx.add.f32.msk $0xffff, v11  }
0x16b: {  	v24 =	vadd.s32 $0x2710, v4;
	v0 =	vld.idx.msk [tilespmem:v0+s21+$0x0], $0xffff  }
0x16c: {  	v40 =	vadd.s32 $0xC350, v8;
	v44 =	vshll.u32 v16, $0x10;
	v11 =	vld [tilespmem:s22+$0x20]  }
0x16d: {  	v46 =	vadd.s32 $0x7530, v15;
	v17 =	vand.u32 $0xFFFF0000, v17;
	[tilespmem:v37+s15+$0x0] =	vst.idx.add.f32.msk $0xffff, v44  }
0x16e: {  	v15 =	vadd.s32 $0x11170, v15;
	[tilespmem:v45+s15+$0x0] =	vst.idx.add.f32.msk $0xffff, v17;
	v17 =	vand.u32 $0xFFFF0000, v58  }
0x16f: {  	[tilespmem:v63+s15+$0x0] =	vst.idx.add.f32.msk $0xffff, v17  }
0x170: {  	v55 =	vadd.s32 $0x2710, v6;
	v16 =	vand.u32 $0xFFFF0000, v16;
	v31 =	vld.idx.msk [tilespmem:v24+s21+$0x0], $0xffff  }
0x171: {  	v61 =	vadd.s32 $0x2710, v5;
	[tilespmem:v40+s15+$0x0] =	vst.idx.add.f32.msk $0xffff, v16;
	v49 =	vshll.u32 v0, $0x10  }
0x172: {  	v0 =	vand.u32 $0xFFFF0000, v0;
	[tilespmem:v46+s15+$0x0] =	vst.idx.add.f32.msk $0xffff, v49  }
0x173: {  	v56 =	vshll.u32 v19, $0x10;
	v33 =	vadd.s32 $0x2710, v7;
	[tilespmem:v15+s15+$0x0] =	vst.idx.add.f32.msk $0xffff, v0  }
0x174: {  	v53 =	vadd.s32 $0x9C40, v9;
	[tilespmem:v9+s15+$0x0] =	vst.idx.add.f32.msk $0xffff, v56  }
0x175: {  	v35 =	vadd.s32 $0xC350, v7;
	v0 =	vld.idx.msk [tilespmem:v55+s21+$0x0], $0xffff  }
0x176: {  	v62 =	vshll.u32 v52, $0x10;
	v57 =	vadd.s32 $0x9C40, v11;
	v15 =	vld.idx.msk [tilespmem:v61+s21+$0x0], $0xffff  }
0x177: {  	v34 =	vadd.s32 $0x2710, v2;
	v39 =	vshll.u32 v31, $0x10;
	[tilespmem:v11+s15+$0x0] =	vst.idx.add.f32.msk $0xffff, v62  }
0x178: {  	v59 =	vand.u32 $0xFFFF0000, v19;
	v38 =	vadd.s32 $0x2710, v1;
	[tilespmem:v33+s15+$0x0] =	vst.idx.add.f32.msk $0xffff, v39  }
0x179: {  	v25 =	vadd.s32 $0x2710, v13;
	v18 =	vand.u32 $0xFFFF0000, v31;
	[tilespmem:v53+s15+$0x0] =	vst.idx.add.f32.msk $0xffff, v59  }
0x17a: {  	v29 =	vadd.s32 $0x2710, v10;
	v21 =	vand.u32 $0xFFFF0000, v52;
	[tilespmem:v35+s15+$0x0] =	vst.idx.add.f32.msk $0xffff, v18  }
0x17b: {  	v56 =	vadd.s32 $0x4E20, v4;
	[tilespmem:v57+s15+$0x0] =	vst.idx.add.f32.msk $0xffff, v21  }
0x17c: {  	v27 =	vadd.s32 $0xC350, v13;
	v42 =	vld.idx.msk [tilespmem:v34+s21+$0x0], $0xffff  }
0x17d: {  	v30 =	vadd.s32 $0xC350, v10;
	v47 =	vld.idx.msk [tilespmem:v38+s21+$0x0], $0xffff;
	v32 =	vshll.u32 v0, $0x10  }
0x17e: {  	v41 =	vadd.s32 $0x4E20, v14;
	v36 =	vshll.u32 v15, $0x10;
	[tilespmem:v25+s15+$0x0] =	vst.idx.add.f32.msk $0xffff, v32  }
0x17f: {  	v59 =	vadd.s32 $0x4E20, v3;
	[tilespmem:v29+s15+$0x0] =	vst.idx.add.f32.msk $0xffff, v36  }
0x180: {  	v46 =	vadd.s32 $0x4E20, v6;
	v0 =	vand.u32 $0xFFFF0000, v0;
	v25 =	vld.idx.msk [tilespmem:v56+s21+$0x0], $0xffff  }
0x181: {  	v52 =	vadd.s32 $0x4E20, v5;
	v15 =	vand.u32 $0xFFFF0000, v15;
	[tilespmem:v27+s15+$0x0] =	vst.idx.add.f32.msk $0xffff, v0  }
0x182: {  	v43 =	vadd.s32 $0x2710, v9;
	[tilespmem:v30+s15+$0x0] =	vst.idx.add.f32.msk $0xffff, v15  }
0x183: {  	v45 =	vadd.s32 $0xC350, v9;
	v15 =	vld.idx.msk [tilespmem:v41+s21+$0x0], $0xffff  }
0x184: {  	v48 =	vadd.s32 $0x2710, v11;
	v16 =	vld.idx.msk [tilespmem:v59+s21+$0x0], $0xffff  }
0x185: {  	v49 =	vadd.s32 $0xC350, v11;
	v0 =	vld.idx.msk [tilespmem:v46+s21+$0x0], $0xffff  }
0x186: {  	v26 =	vadd.s32 $0x4E20, v7;
	v50 =	vshll.u32 v42, $0x10;
	v60 =	vld.idx.msk [tilespmem:v52+s21+$0x0], $0xffff  }
0x187: {  	v30 =	vadd.s32 $0x4E20, v1;
	v20 =	vand.u32 $0xFFFF0000, v42;
	[tilespmem:v43+s15+$0x0] =	vst.idx.add.f32.msk $0xffff, v50  }
0x188: {  	v51 =	vadd.s32 $0x4E20, v12;
	v54 =	vshll.u32 v47, $0x10;
	[tilespmem:v45+s15+$0x0] =	vst.idx.add.f32.msk $0xffff, v20  }
0x189: {  	v27 =	vadd.s32 $0xEA60, v7;
	v19 =	vand.u32 $0xFFFF0000, v47;
	[tilespmem:v48+s15+$0x0] =	vst.idx.add.f32.msk $0xffff, v54  }
0x18a: {  	v29 =	vadd.s32 $0x4E20, v8;
	[tilespmem:v49+s15+$0x0] =	vst.idx.add.f32.msk $0xffff, v19;
	v32 =	vshll.u32 v25, $0x10  }
0x18b: {  	v53 =	vadd.s32 $0xEA60, v12;
	[tilespmem:v26+s15+$0x0] =	vst.idx.add.f32.msk $0xffff, v32  }
0x18c: {  	v55 =	vadd.s32 $0x4E20, v13;
	v57 =	vshll.u32 v15, $0x10;
	v37 =	vld.idx.msk [tilespmem:v30+s21+$0x0], $0xffff  }
0x18d: {  	v61 =	vadd.s32 $0x4E20, v10;
	v20 =	vand.u32 $0xFFFF0000, v25;
	[tilespmem:v51+s15+$0x0] =	vst.idx.add.f32.msk $0xffff, v57  }
0x18e: {  	v24 =	vadd.s32 $0x4E20, v2;
	v35 =	vshll.u32 v16, $0x10;
	[tilespmem:v27+s15+$0x0] =	vst.idx.add.f32.msk $0xffff, v20  }
0x18f: {  	v31 =	vadd.s32 $0xEA60, v8;
	v15 =	vand.u32 $0xFFFF0000, v15;
	[tilespmem:v29+s15+$0x0] =	vst.idx.add.f32.msk $0xffff, v35  }
0x190: {  	v4 =	vadd.s32 $0x7530, v4;
	v62 =	vshll.u32 v0, $0x10;
	[tilespmem:v53+s15+$0x0] =	vst.idx.add.f32.msk $0xffff, v15  }
0x191: {  	v58 =	vadd.s32 $0xEA60, v13;
	v28 =	vshll.u32 v60, $0x10;
	[tilespmem:v55+s15+$0x0] =	vst.idx.add.f32.msk $0xffff, v62  }
0x192: {  	v63 =	vadd.s32 $0xEA60, v10;
	[tilespmem:v61+s15+$0x0] =	vst.idx.add.f32.msk $0xffff, v28  }
0x193: {  	v34 =	vadd.s32 $0x7530, v14;
	v16 =	vand.u32 $0xFFFF0000, v16;
	v15 =	vld.idx.msk [tilespmem:v24+s21+$0x0], $0xffff  }
0x194: {  	v6 =	vadd.s32 $0x7530, v6;
	[tilespmem:v31+s15+$0x0] =	vst.idx.add.f32.msk $0xffff, v16  }
0x195: {  	v5 =	vadd.s32 $0x7530, v5;
	v0 =	vand.u32 $0xFFFF0000, v0;
	v4 =	vld.idx.msk [tilespmem:v4+s21+$0x0], $0xffff  }
0x196: {  	v38 =	vadd.s32 $0x4E20, v11;
	v17 =	vand.u32 $0xFFFF0000, v60;
	[tilespmem:v58+s15+$0x0] =	vst.idx.add.f32.msk $0xffff, v0  }
0x197: {  	v40 =	vadd.s32 $0xEA60, v11;
	[tilespmem:v63+s15+$0x0] =	vst.idx.add.f32.msk $0xffff, v17  }
0x198: {  	v33 =	vadd.s32 $0x4E20, v9;
	v0 =	vld.idx.msk [tilespmem:v34+s21+$0x0], $0xffff  }
0x199: {  	v50 =	vadd.s32 $0x7530, v7;
	v6 =	vld.idx.msk [tilespmem:v6+s21+$0x0], $0xffff  }
0x19a: {  	v1 =	vadd.s32 $0x7530, v1;
	v5 =	vld.idx.msk [tilespmem:v5+s21+$0x0], $0xffff;
	v42 =	vshll.u32 v37, $0x10  }
0x19b: {  	v36 =	vadd.s32 $0xEA60, v9;
	v44 =	vand.u32 $0xFFFF0000, v37;
	[tilespmem:v38+s15+$0x0] =	vst.idx.add.f32.msk $0xffff, v42  }
0x19c: {  	v41 =	vadd.s32 $0x7530, v12;
	v39 =	vshll.u32 v15, $0x10;
	[tilespmem:v40+s15+$0x0] =	vst.idx.add.f32.msk $0xffff, v44  }
0x19d: {  	v7 =	vadd.s32 $0x11170, v7;
	v54 =	vshll.u32 v4, $0x10;
	[tilespmem:v33+s15+$0x0] =	vst.idx.add.f32.msk $0xffff, v39  }
0x19e: {  	v12 =	vadd.s32 $0x11170, v12;
	[tilespmem:v50+s15+$0x0] =	vst.idx.add.f32.msk $0xffff, v54  }
0x19f: {  	v43 =	vadd.s32 $0x7530, v13;
	v15 =	vand.u32 $0xFFFF0000, v15;
	v1 =	vld.idx.msk [tilespmem:v1+s21+$0x0], $0xffff  }
0x1a0: {  	v46 =	vadd.s32 $0x7530, v10;
	v45 =	vshll.u32 v0, $0x10;
	[tilespmem:v36+s15+$0x0] =	vst.idx.add.f32.msk $0xffff, v15  }
0x1a1: {  	v47 =	vadd.s32 $0x7530, v3;
	v4 =	vand.u32 $0xFFFF0000, v4;
	[tilespmem:v41+s15+$0x0] =	vst.idx.add.f32.msk $0xffff, v45  }
0x1a2: {  	v2 =	vadd.s32 $0x7530, v2;
	v0 =	vand.u32 $0xFFFF0000, v0;
	[tilespmem:v7+s15+$0x0] =	vst.idx.add.f32.msk $0xffff, v4  }
0x1a3: {  	v13 =	vadd.s32 $0x11170, v13;
	v48 =	vshll.u32 v6, $0x10;
	[tilespmem:v12+s15+$0x0] =	vst.idx.add.f32.msk $0xffff, v0  }
0x1a4: {  	v49 =	vadd.s32 $0x11170, v10;
	v51 =	vshll.u32 v5, $0x10;
	[tilespmem:v43+s15+$0x0] =	vst.idx.add.f32.msk $0xffff, v48  }
0x1a5: {  	v57 =	vadd.s32 $0x7530, v11;
	[tilespmem:v46+s15+$0x0] =	vst.idx.add.f32.msk $0xffff, v51  }
0x1a6: {  	v59 =	vadd.s32 $0x11170, v11;
	v0 =	vld.idx.msk [tilespmem:v47+s21+$0x0], $0xffff  }
0x1a7: {  	v52 =	vadd.s32 $0x7530, v8;
	v6 =	vand.u32 $0xFFFF0000, v6;
	v2 =	vld.idx.msk [tilespmem:v2+s21+$0x0], $0xffff  }
0x1a8: {  	v55 =	vadd.s32 $0x7530, v9;
	v5 =	vand.u32 $0xFFFF0000, v5;
	[tilespmem:v13+s15+$0x0] =	vst.idx.add.f32.msk $0xffff, v6  }
0x1a9: {  	v53 =	vadd.s32 $0x11170, v8;
	[tilespmem:v49+s15+$0x0] =	vst.idx.add.f32.msk $0xffff, v5;
	v62 =	vshll.u32 v1, $0x10  }
0x1aa: {  	v56 =	vadd.s32 $0x11170, v9;
	v63 =	vand.u32 $0xFFFF0000, v1;
	[tilespmem:v57+s15+$0x0] =	vst.idx.add.f32.msk $0xffff, v62  }
0x1ab: {  	v58 =	vshll.u32 v0, $0x10;
	[tilespmem:v59+s15+$0x0] =	vst.idx.add.f32.msk $0xffff, v63  }
0x1ac: {  	v60 =	vshll.u32 v2, $0x10;
	[tilespmem:v52+s15+$0x0] =	vst.idx.add.f32.msk $0xffff, v58  }
0x1ad: {  	v0 =	vand.u32 $0xFFFF0000, v0;
	[tilespmem:v55+s15+$0x0] =	vst.idx.add.f32.msk $0xffff, v60  }
0x1ae: {  	v61 =	vand.u32 $0xFFFF0000, v2;
	[tilespmem:v53+s15+$0x0] =	vst.idx.add.f32.msk $0xffff, v0  }
0x1af: {  	s24 =	simm.s32 $0x1DDC0;
	s23 =	simm.s32 $0x0;
	[tilespmem:v56+s15+$0x0] =	vst.idx.add.f32.msk $0xffff, v61  }
.LBB2_8:
0x1b0: {  	v0 =	vld [tilespmem:s24+$0x30]  }
0x1b1: {  	v5 =	vld [tilespmem:s24+$0xFFFFFFD0]  }
0x1b2: {  	v6 =	vld [tilespmem:s24+$0xFFFFFFE0]  }
0x1b3: {  	v7 =	vld [tilespmem:s24+$0xFFFFFFF0]  }
0x1b4: {  	v14 =	vld [tilespmem:s24+$0x0]  }
0x1b5: {  	v21 =	vld [tilespmem:s24+$0x10]  }
0x1b6: {  	v22 =	vld [tilespmem:s24+$0x20]  }
0x1b7: {  	s22 =	sadd.s32 $0x80, s22;
	v24 =	vld [tilespmem:s24+$0xFFFFFFC0]  }
0x1b8: {  	v20 =	vld [tilespmem:s22+$0x30]  }
0x1b9: {  	v54 =	vld [tilespmem:s22+$0xFFFFFFD0]  }
0x1ba: {  	v55 =	vld [tilespmem:s22+$0xFFFFFFE0]  }
0x1bb: {  	v56 =	vld [tilespmem:s22+$0xFFFFFFF0]  }
0x1bc: {  	v63 =	vld [tilespmem:s22+$0x0];
	v34 =	vadd.s32 $0x7530, v6  }
0x1bd: {  	[tilespmem:$0x1FF10] =	vst v34;
	v34 =	vld [tilespmem:s22+$0xFFFFFFC0]  }
0x1be: {  	v23 =	vld.idx.msk [tilespmem:v0+s21+$0x0], $0xffff  }
0x1bf: {  	v25 =	vld.idx.msk [tilespmem:v5+s21+$0x0], $0xffff  }
0x1c0: {  	v18 =	vadd.s32 $0x2710, v14;
	v26 =	vld.idx.msk [tilespmem:v6+s21+$0x0], $0xffff  }
0x1c1: {  	v37 =	vadd.s32 $0x4E20, v14;
	v38 =	vadd.s32 $0x7530, v14;
	v39 =	vadd.s32 $0x7530, v21;
	v31 =	vld.idx.msk [tilespmem:v14+s21+$0x0], $0xffff  }
0x1c2: {  	v41 =	vadd.s32 $0x7530, v24;
	[tilespmem:$0x1FF40] =	vst v39;
	v39 =	vadd.s32 $0x2710, v24;
	v14 =	vadd.s32 $0x4E20, v24;
	v24 =	vld.idx.msk [tilespmem:v24+s21+$0x0], $0xffff  }
0x1c3: {  	v32 =	vadd.s32 $0x7530, v5;
	v28 =	vld.idx.msk [tilespmem:v7+s21+$0x0], $0xffff  }
0x1c4: {  	v36 =	vadd.s32 $0x7530, v7;
	v19 =	vadd.s32 $0x2710, v21;
	v12 =	vadd.s32 $0x4E20, v21;
	v21 =	vld.idx.msk [tilespmem:v21+s21+$0x0], $0xffff  }
0x1c5: {  	v29 =	vadd.s32 $0x2710, v22;
	v13 =	vadd.s32 $0x4E20, v22;
	v40 =	vadd.s32 $0x7530, v22;
	[tilespmem:$0x1FF00] =	vst v32;
	v22 =	vld.idx.msk [tilespmem:v22+s21+$0x0], $0xffff  }
0x1c6: {  	[tilespmem:$0x1FF20] =	vst v36;
	v32 =	vshll.u32 v23, $0x10;
	v43 =	vshll.u32 v26, $0x10;
	v44 =	vand.u32 $0xFFFF0000, v26;
	v26 =	vld [tilespmem:s22+$0x20]  }
0x1c7: {  	v27 =	vadd.s32 $0x9C40, v20;
	v36 =	vshll.u32 v24, $0x10;
	[tilespmem:v20+s15+$0x0] =	vst.idx.add.f32.msk $0xffff, v32  }
0x1c8: {  	v46 =	vadd.s32 $0x9C40, v34;
	[tilespmem:v34+s15+$0x0] =	vst.idx.add.f32.msk $0xffff, v36  }
0x1c9: {  	v47 =	vshll.u32 v28, $0x10;
	[tilespmem:v55+s15+$0x0] =	vst.idx.add.f32.msk $0xffff, v43  }
0x1ca: {  	v30 =	vadd.s32 $0x2710, v0;
	v50 =	vshll.u32 v31, $0x10;
	[tilespmem:v56+s15+$0x0] =	vst.idx.add.f32.msk $0xffff, v47  }
0x1cb: {  	v23 =	vand.u32 $0xFFFF0000, v23;
	v52 =	vshll.u32 v21, $0x10;
	[tilespmem:v63+s15+$0x0] =	vst.idx.add.f32.msk $0xffff, v50  }
0x1cc: {  	v53 =	vand.u32 $0xFFFF0000, v21;
	v24 =	vand.u32 $0xFFFF0000, v24;
	v21 =	vadd.s32 $0x9C40, v54;
	[tilespmem:v27+s15+$0x0] =	vst.idx.add.f32.msk $0xffff, v23  }
0x1cd: {  	v32 =	vshll.u32 v25, $0x10;
	[tilespmem:v46+s15+$0x0] =	vst.idx.add.f32.msk $0xffff, v24;
	v24 =	vadd.s32 $0x9C40, v63  }
0x1ce: {  	v1 =	vadd.s32 $0x4E20, v5;
	[tilespmem:v54+s15+$0x0] =	vst.idx.add.f32.msk $0xffff, v32  }
0x1cf: {  	v33 =	vadd.s32 $0x4E20, v6;
	[tilespmem:$0x1FEB0] =	vst v1;
	v27 =	vld.idx.msk [tilespmem:v30+s21+$0x0], $0xffff  }
0x1d0: {  	[tilespmem:$0x1FEC0] =	vst v33;
	v42 =	vadd.s32 $0x2710, v20;
	v25 =	vand.u32 $0xFFFF0000, v25;
	v30 =	vld [tilespmem:s22+$0x10]  }
0x1d1: {  	v45 =	vadd.s32 $0xC350, v20;
	v51 =	vand.u32 $0xFFFF0000, v31;
	[tilespmem:v21+s15+$0x0] =	vst.idx.add.f32.msk $0xffff, v25  }
0x1d2: {  	v57 =	vshll.u32 v22, $0x10;
	v23 =	vadd.s32 $0x9C40, v26;
	[tilespmem:v24+s15+$0x0] =	vst.idx.add.f32.msk $0xffff, v51  }
0x1d3: {  	v15 =	vadd.s32 $0x2710, v5;
	v35 =	vadd.s32 $0x4E20, v7;
	[tilespmem:v26+s15+$0x0] =	vst.idx.add.f32.msk $0xffff, v57  }
0x1d4: {  	[tilespmem:$0x1FED0] =	vst v35;
	v33 =	vadd.s32 $0x4E20, v0;
	v35 =	vshll.u32 v27, $0x10;
	v57 =	vld.idx.msk [tilespmem:v39+s21+$0x0], $0xffff  }
0x1d5: {  	v27 =	vand.u32 $0xFFFF0000, v27;
	[tilespmem:v42+s15+$0x0] =	vst.idx.add.f32.msk $0xffff, v35  }
0x1d6: {  	v58 =	vand.u32 $0xFFFF0000, v22;
	[tilespmem:v45+s15+$0x0] =	vst.idx.add.f32.msk $0xffff, v27  }
0x1d7: {  	v1 =	vadd.s32 $0x9C40, v30;
	[tilespmem:v23+s15+$0x0] =	vst.idx.add.f32.msk $0xffff, v58  }
0x1d8: {  	v58 =	vld.idx.msk [tilespmem:v15+s21+$0x0], $0xffff  }
0x1d9: {  	v59 =	vadd.s32 $0x2710, v34;
	v48 =	vld.idx.msk [tilespmem:v33+s21+$0x0], $0xffff  }
0x1da: {  	[tilespmem:v30+s15+$0x0] =	vst.idx.add.f32.msk $0xffff, v52  }
0x1db: {  	[tilespmem:$0x1FF50] =	vst v40;
	v52 =	vld.idx.msk [tilespmem:v29+s21+$0x0], $0xffff  }
0x1dc: {  	v27 =	vadd.s32 $0x9C40, v55;
	[tilespmem:v1+s15+$0x0] =	vst.idx.add.f32.msk $0xffff, v53  }
0x1dd: {  	[tilespmem:$0x1FEF0] =	vst v41;
	v40 =	vadd.s32 $0x4E20, v20;
	v51 =	vshll.u32 v57, $0x10;
	v39 =	vld.idx.msk [tilespmem:v19+s21+$0x0], $0xffff  }
0x1de: {  	v41 =	vadd.s32 $0xEA60, v20;
	[tilespmem:v59+s15+$0x0] =	vst.idx.add.f32.msk $0xffff, v51  }
0x1df: {  	[tilespmem:$0x1FF30] =	vst v38;
	v0 =	vadd.s32 $0x7530, v0;
	v19 =	vld [tilespmem:$0x1FED0]  }
0x1e0: {  	v33 =	vadd.s32 $0x9C40, v56;
	v51 =	vld [tilespmem:$0x1FF30]  }
0x1e1: {  	v61 =	vadd.s32 $0x2710, v54;
	[tilespmem:v27+s15+$0x0] =	vst.idx.add.f32.msk $0xffff, v44;
	v49 =	vshll.u32 v48, $0x10  }
0x1e2: {  	v62 =	vadd.s32 $0xC350, v54;
	v22 =	vand.u32 $0xFFFF0000, v48;
	[tilespmem:v40+s15+$0x0] =	vst.idx.add.f32.msk $0xffff, v49  }
0x1e3: {  	v16 =	vadd.s32 $0x2710, v6;
	[tilespmem:v41+s15+$0x0] =	vst.idx.add.f32.msk $0xffff, v22  }
0x1e4: {  	v17 =	vadd.s32 $0x2710, v7;
	v28 =	vand.u32 $0xFFFF0000, v28;
	v22 =	vadd.s32 $0x2710, v26;
	v0 =	vld.idx.msk [tilespmem:v0+s21+$0x0], $0xffff  }
0x1e5: {  	v6 =	vadd.s32 $0x2710, v63;
	v21 =	vadd.s32 $0x7530, v20;
	v53 =	vshll.u32 v58, $0x10;
	[tilespmem:v33+s15+$0x0] =	vst.idx.add.f32.msk $0xffff, v28  }
0x1e6: {  	v5 =	vadd.s32 $0xC350, v63;
	v60 =	vadd.s32 $0xC350, v34;
	v1 =	vand.u32 $0xFFFF0000, v58;
	[tilespmem:v61+s15+$0x0] =	vst.idx.add.f32.msk $0xffff, v53  }
0x1e7: {  	v43 =	vadd.s32 $0x4E20, v63;
	v2 =	vadd.s32 $0xC350, v26;
	v25 =	vadd.s32 $0x11170, v63;
	[tilespmem:v62+s15+$0x0] =	vst.idx.add.f32.msk $0xffff, v1  }
0x1e8: {  	v27 =	vadd.s32 $0x7530, v63;
	v62 =	vshll.u32 v52, $0x10;
	v41 =	vadd.s32 $0xEA60, v63;
	v63 =	vld.idx.msk [tilespmem:v16+s21+$0x0], $0xffff  }
0x1e9: {  	v20 =	vadd.s32 $0x11170, v20;
	v47 =	vadd.s32 $0xEA60, v26;
	[tilespmem:v22+s15+$0x0] =	vst.idx.add.f32.msk $0xffff, v62;
	v50 =	vshll.u32 v0, $0x10  }
0x1ea: {  	v3 =	vadd.s32 $0x2710, v30;
	v4 =	vadd.s32 $0xC350, v30;
	v46 =	vadd.s32 $0x4E20, v30;
	[tilespmem:v21+s15+$0x0] =	vst.idx.add.f32.msk $0xffff, v50  }
0x1eb: {  	v24 =	vadd.s32 $0x11170, v26;
	v49 =	vadd.s32 $0x4E20, v26;
	v50 =	vadd.s32 $0x7530, v26;
	v26 =	vld.idx.msk [tilespmem:v17+s21+$0x0], $0xffff  }
0x1ec: {  	v44 =	vadd.s32 $0xEA60, v30;
	v28 =	vadd.s32 $0x11170, v30;
	v21 =	vadd.s32 $0x7530, v30;
	v30 =	vld.idx.msk [tilespmem:v18+s21+$0x0], $0xffff  }
0x1ed: {  	[tilespmem:$0x1FEE0] =	vst v37;
	v9 =	vadd.s32 $0x2710, v55;
	v0 =	vand.u32 $0xFFFF0000, v0;
	v18 =	vld [tilespmem:$0x1FEC0]  }
0x1ee: {  	[tilespmem:v20+s15+$0x0] =	vst.idx.add.f32.msk $0xffff, v0  }
0x1ef: {  	v8 =	vadd.s32 $0xC350, v55;
	v15 =	vand.u32 $0xFFFF0000, v63;
	v20 =	vld [tilespmem:$0x1FEE0]  }
0x1f0: {  	v0 =	vand.u32 $0xFFFF0000, v57;
	v57 =	vshll.u32 v63, $0x10;
	v63 =	vand.u32 $0xFFFF0000, v52;
	v52 =	vld [tilespmem:$0x1FF40]  }
0x1f1: {  	[tilespmem:v60+s15+$0x0] =	vst.idx.add.f32.msk $0xffff, v0  }
0x1f2: {  	[tilespmem:v9+s15+$0x0] =	vst.idx.add.f32.msk $0xffff, v57  }
0x1f3: {  	[tilespmem:v2+s15+$0x0] =	vst.idx.add.f32.msk $0xffff, v63  }
0x1f4: {  	v57 =	vld [tilespmem:$0x1FF50]  }
0x1f5: {  	v10 =	vadd.s32 $0x2710, v56;
	v60 =	vshll.u32 v39, $0x10;
	[tilespmem:v8+s15+$0x0] =	vst.idx.add.f32.msk $0xffff, v15  }
0x1f6: {  	v61 =	vand.u32 $0xFFFF0000, v39;
	[tilespmem:v3+s15+$0x0] =	vst.idx.add.f32.msk $0xffff, v60  }
0x1f7: {  	v7 =	vadd.s32 $0xC350, v56;
	[tilespmem:v4+s15+$0x0] =	vst.idx.add.f32.msk $0xffff, v61  }
0x1f8: {  	v22 =	vld.idx.msk [tilespmem:v12+s21+$0x0], $0xffff  }
0x1f9: {  	v58 =	vshll.u32 v26, $0x10;
	v16 =	vand.u32 $0xFFFF0000, v26;
	v26 =	vld.idx.msk [tilespmem:v13+s21+$0x0], $0xffff  }
0x1fa: {  	v59 =	vshll.u32 v30, $0x10;
	[tilespmem:v10+s15+$0x0] =	vst.idx.add.f32.msk $0xffff, v58  }
0x1fb: {  	[tilespmem:v6+s15+$0x0] =	vst.idx.add.f32.msk $0xffff, v59  }
0x1fc: {  	v17 =	vand.u32 $0xFFFF0000, v30;
	[tilespmem:v7+s15+$0x0] =	vst.idx.add.f32.msk $0xffff, v16  }
0x1fd: {  	[tilespmem:v5+s15+$0x0] =	vst.idx.add.f32.msk $0xffff, v17  }
0x1fe: {  	v16 =	vld.idx.msk [tilespmem:v14+s21+$0x0], $0xffff  }
0x1ff: {  	v17 =	vld [tilespmem:$0x1FEB0]  }
0x200: {  	v2 =	vld.idx.msk [tilespmem:v18+s21+$0x0], $0xffff  }
0x201: {  	v37 =	vadd.s32 $0x4E20, v34;
	v3 =	vld.idx.msk [tilespmem:v19+s21+$0x0], $0xffff  }
0x202: {  	v4 =	vld.idx.msk [tilespmem:v20+s21+$0x0], $0xffff;
	v39 =	vshll.u32 v22, $0x10  }
0x203: {  	v38 =	vadd.s32 $0xEA60, v34;
	[tilespmem:v46+s15+$0x0] =	vst.idx.add.f32.msk $0xffff, v39  }
0x204: {  	v45 =	vadd.s32 $0x4E20, v55;
	v5 =	vand.u32 $0xFFFF0000, v22;
	v46 =	vld [tilespmem:$0x1FEF0]  }
0x205: {  	v42 =	vadd.s32 $0x4E20, v56;
	v23 =	vshll.u32 v16, $0x10;
	[tilespmem:v44+s15+$0x0] =	vst.idx.add.f32.msk $0xffff, v5  }
0x206: {  	[tilespmem:v37+s15+$0x0] =	vst.idx.add.f32.msk $0xffff, v23  }
0x207: {  	v48 =	vadd.s32 $0xEA60, v55;
	v0 =	vand.u32 $0xFFFF0000, v16;
	v5 =	vld.idx.msk [tilespmem:v52+s21+$0x0], $0xffff  }
0x208: {  	v40 =	vadd.s32 $0xEA60, v56;
	v30 =	vshll.u32 v2, $0x10;
	[tilespmem:v38+s15+$0x0] =	vst.idx.add.f32.msk $0xffff, v0  }
0x209: {  	v37 =	vshll.u32 v3, $0x10;
	[tilespmem:v45+s15+$0x0] =	vst.idx.add.f32.msk $0xffff, v30  }
0x20a: {  	[tilespmem:v42+s15+$0x0] =	vst.idx.add.f32.msk $0xffff, v37  }
0x20b: {  	v2 =	vand.u32 $0xFFFF0000, v2;
	v1 =	vld.idx.msk [tilespmem:v17+s21+$0x0], $0xffff  }
0x20c: {  	v3 =	vand.u32 $0xFFFF0000, v3;
	[tilespmem:v48+s15+$0x0] =	vst.idx.add.f32.msk $0xffff, v2  }
0x20d: {  	v38 =	vshll.u32 v4, $0x10;
	[tilespmem:v40+s15+$0x0] =	vst.idx.add.f32.msk $0xffff, v3  }
0x20e: {  	v45 =	vshll.u32 v26, $0x10;
	[tilespmem:v43+s15+$0x0] =	vst.idx.add.f32.msk $0xffff, v38  }
0x20f: {  	[tilespmem:v49+s15+$0x0] =	vst.idx.add.f32.msk $0xffff, v45  }
0x210: {  	v48 =	vld [tilespmem:$0x1FF10]  }
0x211: {  	v4 =	vand.u32 $0xFFFF0000, v4;
	v49 =	vld [tilespmem:$0x1FF20]  }
0x212: {  	v7 =	vand.u32 $0xFFFF0000, v26;
	[tilespmem:v41+s15+$0x0] =	vst.idx.add.f32.msk $0xffff, v4  }
0x213: {  	[tilespmem:v47+s15+$0x0] =	vst.idx.add.f32.msk $0xffff, v7  }
0x214: {  	v47 =	vld [tilespmem:$0x1FF00]  }
0x215: {  	v36 =	vadd.s32 $0x4E20, v54;
	v4 =	vld.idx.msk [tilespmem:v51+s21+$0x0], $0xffff  }
0x216: {  	v35 =	vadd.s32 $0xEA60, v54;
	v7 =	vld.idx.msk [tilespmem:v57+s21+$0x0], $0xffff  }
0x217: {  	v62 =	vshll.u32 v5, $0x10;
	v0 =	vld.idx.msk [tilespmem:v46+s21+$0x0], $0xffff  }
0x218: {  	v5 =	vand.u32 $0xFFFF0000, v5;
	[tilespmem:v21+s15+$0x0] =	vst.idx.add.f32.msk $0xffff, v62  }
0x219: {  	v29 =	vshll.u32 v1, $0x10;
	[tilespmem:v28+s15+$0x0] =	vst.idx.add.f32.msk $0xffff, v5  }
0x21a: {  	v1 =	vand.u32 $0xFFFF0000, v1;
	[tilespmem:v36+s15+$0x0] =	vst.idx.add.f32.msk $0xffff, v29  }
0x21b: {  	[tilespmem:v35+s15+$0x0] =	vst.idx.add.f32.msk $0xffff, v1  }
0x21c: {  	v2 =	vld.idx.msk [tilespmem:v48+s21+$0x0], $0xffff  }
0x21d: {  	v61 =	vshll.u32 v4, $0x10;
	v3 =	vld.idx.msk [tilespmem:v49+s21+$0x0], $0xffff  }
0x21e: {  	v11 =	vadd.s32 $0x7530, v34;
	v63 =	vshll.u32 v7, $0x10;
	[tilespmem:v27+s15+$0x0] =	vst.idx.add.f32.msk $0xffff, v61  }
0x21f: {  	v34 =	vadd.s32 $0x11170, v34;
	[tilespmem:v50+s15+$0x0] =	vst.idx.add.f32.msk $0xffff, v63  }
0x220: {  	v31 =	vadd.s32 $0x11170, v54;
	v33 =	vadd.s32 $0x7530, v55;
	v4 =	vand.u32 $0xFFFF0000, v4;
	v1 =	vld.idx.msk [tilespmem:v47+s21+$0x0], $0xffff  }
0x221: {  	v32 =	vadd.s32 $0x7530, v54;
	v54 =	vadd.s32 $0x7530, v56;
	v7 =	vand.u32 $0xFFFF0000, v7;
	[tilespmem:v25+s15+$0x0] =	vst.idx.add.f32.msk $0xffff, v4  }
0x222: {  	v53 =	vshll.u32 v0, $0x10;
	[tilespmem:v24+s15+$0x0] =	vst.idx.add.f32.msk $0xffff, v7  }
0x223: {  	v55 =	vadd.s32 $0x11170, v55;
	v0 =	vand.u32 $0xFFFF0000, v0;
	[tilespmem:v11+s15+$0x0] =	vst.idx.add.f32.msk $0xffff, v53  }
0x224: {  	s23 =	sadd.s32 $0x8, s23;
	v56 =	vadd.s32 $0x11170, v56;
	[tilespmem:v34+s15+$0x0] =	vst.idx.add.f32.msk $0xffff, v0;
	v59 =	vshll.u32 v2, $0x10  }
0x225: {  	p0 =	slt.u32 s23, $0x70;
	v60 =	vshll.u32 v3, $0x10;
	[tilespmem:v33+s15+$0x0] =	vst.idx.add.f32.msk $0xffff, v59  }
.Ltmp3:
0x226: {  	v58 =	vshll.u32 v1, $0x10;
	[tilespmem:v54+s15+$0x0] =	vst.idx.add.f32.msk $0xffff, v60;
	(pc) =	sbr.rel @p0 .LBB2_8-.Ltmp3, $4  }
0x227: {  	v2 =	vand.u32 $0xFFFF0000, v2;
	[tilespmem:v32+s15+$0x0] =	vst.idx.add.f32.msk $0xffff, v58  }
0x228: {  	v3 =	vand.u32 $0xFFFF0000, v3;
	[tilespmem:v55+s15+$0x0] =	vst.idx.add.f32.msk $0xffff, v2  }
0x229: {  	v1 =	vand.u32 $0xFFFF0000, v1;
	[tilespmem:v56+s15+$0x0] =	vst.idx.add.f32.msk $0xffff, v3  }
0x22a: {  	s24 =	sadd.s32 $0x80, s24;
	[tilespmem:v31+s15+$0x0] =	vst.idx.add.f32.msk $0xffff, v1  }
.LBB2_9:
0x22b: {  	s22 =	sshra.s32 s21, $0x2  }
0x22c: {  	v0 =	vld [tilespmem:s22+$0x1E480];
	_ =	sdelay $0x4  }
0x22d: {  	v1 =	vld [tilespmem:s22+$0x1F480];
	_ =	sdelay $0x2  }
0x22e: {  	v2 =	vld.idx.msk [tilespmem:v0+s2+$0x0], $0xffff;
	_ =	sdelay $0x1  }
0x22f: {  	v3 =	vadd.s32 $0x9C40, v1  }
0x230: {  	v4 =	vadd.s32 $0x2710, v0;
	_ =	sdelay $0x1  }
0x231: {  	v5 =	vshll.u32 v2, $0x10  }
0x232: {  	v2 =	vand.u32 $0xFFFF0000, v2;
	[tilespmem:v1+s15+$0x0] =	vst.idx.add.f32.msk $0xffff, v5  }
0x233: {  	[tilespmem:v3+s15+$0x0] =	vst.idx.add.f32.msk $0xffff, v2  }
0x234: {  	v2 =	vld.idx.msk [tilespmem:v4+s2+$0x0], $0xffff  }
0x235: {  	v57 =	vadd.s32 $0x2710, v1  }
0x236: {  	v58 =	vadd.s32 $0xC350, v1  }
0x237: {  	v59 =	vadd.s32 $0x4E20, v0;
	_ =	sdelay $0x1  }
0x238: {  	v6 =	vshll.u32 v2, $0x10  }
0x239: {  	v2 =	vand.u32 $0xFFFF0000, v2;
	[tilespmem:v57+s15+$0x0] =	vst.idx.add.f32.msk $0xffff, v6  }
0x23a: {  	[tilespmem:v58+s15+$0x0] =	vst.idx.add.f32.msk $0xffff, v2  }
0x23b: {  	v2 =	vld.idx.msk [tilespmem:v59+s2+$0x0], $0xffff  }
0x23c: {  	v60 =	vadd.s32 $0x4E20, v1  }
0x23d: {  	v61 =	vadd.s32 $0xEA60, v1  }
0x23e: {  	v0 =	vadd.s32 $0x7530, v0;
	_ =	sdelay $0x1  }
0x23f: {  	v5 =	vshll.u32 v2, $0x10  }
0x240: {  	v2 =	vand.u32 $0xFFFF0000, v2;
	[tilespmem:v60+s15+$0x0] =	vst.idx.add.f32.msk $0xffff, v5  }
0x241: {  	[tilespmem:v61+s15+$0x0] =	vst.idx.add.f32.msk $0xffff, v2  }
0x242: {  	v0 =	vld.idx.msk [tilespmem:v0+s2+$0x0], $0xffff  }
0x243: {  	v62 =	vadd.s32 $0x7530, v1  }
0x244: {  	p0 =	sne.s32 s21, $0x100;
	v1 =	vadd.s32 $0x11170, v1  }
.Ltmp4:
0x245: {  	_ = 	snop;
	(pc) =	sbr.rel @p0 .LBB2_9-.Ltmp4, $4  }
0x246: {  	_ = 	snop  }
0x247: {  	v63 =	vshll.u32 v0, $0x10  }
0x248: {  	v0 =	vand.u32 $0xFFFF0000, v0;
	[tilespmem:v62+s15+$0x0] =	vst.idx.add.f32.msk $0xffff, v63  }
0x249: {  	s21 =	sadd.s32 $0x40, s21;
	[tilespmem:v1+s15+$0x0] =	vst.idx.add.f32.msk $0xffff, v0  }
0x24a: {  	s20 =	sadd.s32 $0x1, s20  }
0x24b: {  	p0 =	sne.s32 s20, $0x50  }
.Ltmp5:
0x24c: {  	_ = 	snop;
	(pc) =	sbr.rel @p0 .LBB2_4-.Ltmp5, $1  }
0x24d: {  	_ =	sdelay $0x3  }
0x24e: {  	[hbm4b:s6+s2] =	stream.linear.scatter [tilespmem:s15], [sflag:$0x3], $0x9C40, $0x38;
	[tilespmem:$0x1F500] =	vst v63  }
0x24f: {  	s18 =	sadd.s32 $0x1, s18;
	_ =	swait.ge [sflag:s11], $0x9C40  }
0x250: {  	p0 =	sne.s32 s18, s8;
	[sflag:s11] =	ssyncset.done $0x0  }
.Ltmp6:
0x251: {  	[sflag:s11] =	ssyncadd.s32 $0xFFFF63C0;
	(pc) =	sbr.rel @p0 .LBB2_1-.Ltmp6, $4  }
0x252: {  	[hbm4b:s7+s2] =	stream.linear.scatter [tilespmem:s17], [sflag:$0x3], $0x9C40, $0x38;
	[tilespmem:$0x1F500] =	vst v63  }
0x253: {  	_ =	swait.ge [sflag:s11], $0x9C40  }
0x254: {  	[sflag:s11] =	ssyncset.done $0x0  }
0x255: {  	v0 =	vimm.f32 $0.0e+00;
	[sflag:s11] =	ssyncadd.s32 $0xFFFF63C0  }
0x256: {  	_ =	sfence.sel $0x180000  }
0x257: {  	[bflag:$0x0] =	sbarrier.arrive $0xFFFF  }
0x258: {  	p0 =	sne.s32 s0, $0x0;
	_ =	strace $0x9000004D  }
0x259: {  	s0 =	sadd.s32 @!p0 $0x100000, s1;
	[bflag:$0x2] =	sbarrier.arrive $0xFFFF  }
0x25a: {  	[sflag:s0] =	ssyncadd.tile.s32 @!p0 $0x1;
	_ =	shalt  }
.Lfunc_end2:
_tile_overlayer_lowered:
.L_overlay_start_2:
0x25b: {  	(tag) =	ssettag $0x2  }
0x25c: {  	s0 =	rddreg [dreg:$0x0];
	s2 =	stileid.u32  }
0x25d: {  	s1 =	rddreg [dreg:$0x1];
	p0 =	sne.s32 s2, $0x0  }
0x25e: {  	s3 =	rddreg [dreg:$0x2];
	[bflag:$0x3] =	sbarrier.arrive $0xFFFF;
	s2 =	simm.s32 @!p0 $0x1C03  }
0x25f: {  	[timem:s3], [sflag:s2] =	dma.local @!p0 [hbm:s0], s1  }
0x260: {  	s0 =	simm.s32 @!p0 $0x3  }
0x261: {  	_ =	swait.ge @!p0 [sflag:s0], s1  }
0x262: {  	s1 =	ssub.s32 @!p0 $0x0, s1;
	[sflag:s0] =	ssyncset.done @!p0 $0x0  }
0x263: {  	[sflag:s0] =	ssyncadd.s32 @!p0 s1  }
0x264: {  	[bflag:$0x3] =	sbarrier.arrive $0xFFFF  }
0x265: {  	_ =	shalt  }

// kernel: kernel.22.cloned.1.call-start
scs
__scs_entry_jumppad:
0x0: {  	(pc) =	sbr.rel $0x88, $3  }
0x1: {  	(tag) =	ssettag $0x0;
	lr =	simm.s32 $0x1  }
0x2: {  	[smem:$0x3F91] =	sst lr;
	_ =	strace $0xD0000000  }
0x3: {  	_ = 	snop  }
0x4: {  	_ = 	snop  }
0x5: {  	_ = 	snop  }
0x6: {  	_ = 	snop  }
0x7: {  	_ = 	snop  }
__scs_overlays_trampoline_lowered:
0x8: {  	[smem:$0x3FA0] =	sst s0  }
0x9: {  	[smem:$0x3FA1] =	sst s1  }
0xa: {  	[smem:$0x3FA2] =	sst s2  }
0xb: {  	[smem:$0x3FA3] =	sst s3  }
0xc: {  	[smem:$0x3FA4] =	sst s4  }
0xd: {  	[smem:$0x3FA5] =	sst s5  }
0xe: {  	[smem:$0x3FA6] =	sst s6  }
0xf: {  	[smem:$0x3FA7] =	sst s7  }
0x10: {  	[smem:$0x3FA8] =	sst s8  }
0x11: {  	[smem:$0x3FA9] =	sst s9;
	s0 =	simm.s32 @!p0 $0x0  }
0x12: {  	s1 =	sld [smem:$0x3F8F];
	s0 =	simm.s32 @p0 $0x1  }
0x13: {  	[smem:$0x3FAA] =	sst s0;
	s0 =	simm.s32 @!p1 $0x0  }
0x14: {  	s2 =	sld [smem:$0x3F8E];
	s0 =	simm.s32 @p1 $0x1  }
0x15: {  	[smem:$0x3FAB] =	sst s0;
	s0 =	simm.s32 @!p2 $0x0  }
0x16: {  	s3 =	sld [smem:$0x3FDB];
	s0 =	simm.s32 @p2 $0x1  }
0x17: {  	s4 =	simm.s32 $0x1BF5;
	[smem:$0x3FAD] =	sst s0  }
0x18: {  	s0 =	sld [smem:$0x3F90];
	_ =	swait.ge [sflag:s4], $0x0  }
0x19: {  	s7 =	sld [smem:$0x3F91]  }
0x1a: {  	s8 =	sadd.s32 $0xFFFFE003, lr  }
0x1b: {  	s9 =	sadd.s32 $0xFFFFFEF7, lr;
	s5 =	simm.s32 $0xFFFFFFFF;
	p2 =	slt.u32 s8, $0xFFFFF086  }
0x1c: {  	p1 =	slt.u32 s9, $0xF7A;
	s5 =	simm.s32 @!p2 $0x0  }
0x1d: {  	s5 =	simm.s32 @p1 $0x1;
	p0 =	seq.s32 s7, s2  }
0x1e: {  	s7 =	smul.u32 @!p0 $0xF7A, s2;
	p2 =	seq.s32 @!p0 s5, $0x0  }
0x1f: {  	s9 =	smul.u32 $0xF7A, s1;
	s8 =	simm.s32 @!p0 $0x1BF5;
	p2 =	por !p2, p0  }
0x20: {  	[sflag:s8] =	ssyncset.s32 @!p0 $0xFFFFF086;
	s6 =	sadd.s32 @!p0 s3, s7;
	s7 =	simm.s32 @!p0 $0x108  }
0x21: {  	s3 =	sadd.s32 s3, s9;
	s6 =	sadd.s32 @!p0 $0x88, s6;
	s7 =	simm.s32 @p2 $0x1082  }
0x22: {  	[simem:s7], [sflag:s8] =	dma.local @!p0 [hbm:s6], $0xF7A  }
0x23: {  	s9 =	sor.u32 $0xD0000000, s2;
	s6 =	simm.s32 $0x108;
	_ =	swait.ge @!p0 [sflag:s8], $0x0  }
0x24: {  	s3 =	sadd.s32 $0x88, s3;
	s6 =	simm.s32 @!p1 $0x1082;
	[sflag:s4] =	ssyncset.s32 $0xFFFFF086  }
0x25: {  	[simem:s6], [sflag:s4] =	dma.local [hbm:s3], $0xF7A  }
0x26: {  	[smem:$0x3F91] =	sst s1;
	(tag) =	ssettag s2;
	_ =	strace s9  }
0x27: {  	s1 =	sld [smem:$0x3FA1]  }
0x28: {  	s2 =	sld [smem:$0x3FA2]  }
0x29: {  	s4 =	sld [smem:$0x3FA4]  }
0x2a: {  	p0 =	seq.s32 s5, $0x0;
	s5 =	sld [smem:$0x3FA5]  }
0x2b: {  	s6 =	sld [smem:$0x3FA6]  }
0x2c: {  	s7 =	sld [smem:$0x3FA7]  }
0x2d: {  	s3 =	simm.s32 $0x108;
	s8 =	sld [smem:$0x3FA8]  }
0x2e: {  	s3 =	simm.s32 @!p0 $0x1082;
	s9 =	sld [smem:$0x3FA9]  }
0x2f: {  	lr =	sadd.s32 s0, s3;
	s0 =	sld [smem:$0x3FA0]  }
0x30: {  	s3 =	sld [smem:$0x3FA3]  }
0x31: {  	[smem:$0x3FAC] =	sst s10  }
0x32: {  	s10 =	sld [smem:$0x3FAA];
	_ =	sdelay $0x3  }
0x33: {  	p0 =	seq.s32 s10, $0x1;
	s10 =	sld [smem:$0x3FAC];
	_ =	sdelay $0x3  }
0x34: {  	[smem:$0x3FAC] =	sst s10  }
0x35: {  	s10 =	sld [smem:$0x3FAB];
	_ =	sdelay $0x3  }
0x36: {  	p1 =	seq.s32 s10, $0x1;
	s10 =	sld [smem:$0x3FAC];
	_ =	sdelay $0x3  }
0x37: {  	[smem:$0x3FAC] =	sst s10  }
0x38: {  	s10 =	sld [smem:$0x3FAD]  }
0x39: {  	_ = 	snop;
	(pc) =	sbr.ind lr, $3  }
0x3a: {  	_ = 	snop  }
0x3b: {  	_ = 	snop  }
0x3c: {  	p2 =	seq.s32 s10, $0x1;
	s10 =	sld [smem:$0x3FAC]  }
0x3d: {  	_ =	shalt  }
0x3e: {  	_ =	shalt  }
0x3f: {  	_ =	shalt  }
0x40: {  	_ =	shalt  }
0x41: {  	_ =	shalt  }
0x42: {  	_ =	shalt  }
0x43: {  	_ =	shalt  }
0x44: {  	_ =	shalt  }
0x45: {  	_ =	shalt  }
0x46: {  	_ =	shalt  }
0x47: {  	_ =	shalt  }
0x48: {  	_ =	shalt  }
0x49: {  	_ =	shalt  }
0x4a: {  	_ =	shalt  }
0x4b: {  	_ =	shalt  }
0x4c: {  	_ =	shalt  }
0x4d: {  	_ =	shalt  }
0x4e: {  	_ =	shalt  }
0x4f: {  	_ =	shalt  }
0x50: {  	_ =	shalt  }
0x51: {  	_ =	shalt  }
0x52: {  	_ =	shalt  }
0x53: {  	_ =	shalt  }
0x54: {  	_ =	shalt  }
0x55: {  	_ =	shalt  }
0x56: {  	_ =	shalt  }
0x57: {  	_ =	shalt  }
0x58: {  	_ =	shalt  }
0x59: {  	_ =	shalt  }
0x5a: {  	_ =	shalt  }
0x5b: {  	_ =	shalt  }
0x5c: {  	_ =	shalt  }
0x5d: {  	_ =	shalt  }
0x5e: {  	_ =	shalt  }
0x5f: {  	_ =	shalt  }
0x60: {  	_ =	shalt  }
0x61: {  	_ =	shalt  }
0x62: {  	_ =	shalt  }
0x63: {  	_ =	shalt  }
0x64: {  	_ =	shalt  }
0x65: {  	_ =	shalt  }
0x66: {  	_ =	shalt  }
0x67: {  	_ =	shalt  }
0x68: {  	_ =	shalt  }
0x69: {  	_ =	shalt  }
0x6a: {  	_ =	shalt  }
0x6b: {  	_ =	shalt  }
0x6c: {  	_ =	shalt  }
0x6d: {  	_ =	shalt  }
0x6e: {  	_ =	shalt  }
0x6f: {  	_ =	shalt  }
0x70: {  	_ =	shalt  }
0x71: {  	_ =	shalt  }
0x72: {  	_ =	shalt  }
0x73: {  	_ =	shalt  }
0x74: {  	_ =	shalt  }
0x75: {  	_ =	shalt  }
0x76: {  	_ =	shalt  }
0x77: {  	_ =	shalt  }
0x78: {  	_ =	shalt  }
0x79: {  	_ =	shalt  }
0x7a: {  	_ =	shalt  }
0x7b: {  	_ =	shalt  }
0x7c: {  	_ =	shalt  }
0x7d: {  	_ =	shalt  }
0x7e: {  	_ =	shalt  }
0x7f: {  	_ =	shalt  }
0x80: {  	_ =	shalt  }
0x81: {  	_ =	shalt  }
0x82: {  	_ =	shalt  }
0x83: {  	_ =	shalt  }
0x84: {  	_ =	shalt  }
0x85: {  	_ =	shalt  }
0x86: {  	_ =	shalt  }
0x87: {  	_ =	shalt  }
.Lfunc_end0:
.L_simem_size_0:
called_computation.3_lowered:
.L_overlay_start_0:
0x88: {  	s2 =	sld [smem:$0x3FD9]  }
0x89: {  	s3 =	sld [smem:$0x3FFE];
	_ =	sdelay $0x1  }
0x8a: {  	s1 =	srdreg.scid  }
0x8b: {  	s0 =	sand.u32 $0x1, s1  }
0x8c: {  	s16 =	sshll.u32 s0, $0xA;
	s2 =	sadd.s32 s3, s2  }
0x8d: {  	s2 =	sadd.s32 s2, s16  }
0x8e: {  	[smem:$0x3FB8] =	sst s2  }
0x8f: {  	_ = 	snop  }
0x90: {  	(tm) =	ssettm $0x1  }
0x91: {  	s17 =	sld [smem:$0x3FFB];
	_ =	sdelay $0x3  }
0x92: {  	_ =	strace s17  }
0x93: {  	s2 =	sld [smem:$0x3FFC];
	_ =	sdelay $0x3  }
0x94: {  	_ =	strace s2  }
0x95: {  	s2 =	sld [smem:$0x3FFD];
	_ =	sdelay $0x3  }
0x96: {  	_ =	strace s2  }
0x97: {  	_ =	strace $0x8FFFFFFF  }
0x98: {  	s18 =	sld [smem:$0x3FDB];
	_ =	sdelay $0x1  }
0x99: {  	s19 =	simm.s32 $_scs_section_size  }
0x9a: {  	s4 =	simm.s32 $_size__tile_overlayer_lowered;
	s5 =	simm.s32 $_tile_overlayer_lowered  }
0x9b: {  	s22 =	simm.s32 $0x1BFF;
	s21 =	sshll.u32 s5, $0x1;
	s2 =	sadd.s32 s19, s18  }
0x9c: {  	s6 =	simm.s32 $0x0;
	s20 =	sshll.u32 s4, $0x1;
	s4 =	sadd.s32 s21, s2  }
0x9d: {  	[timem:s6], [sflag:s22] =	dma.local [hbm:s4], s20  }
0x9e: {  	_ =	swait.ge [sflag:s22], s20  }
0x9f: {  	s3 =	ssub.s32 $0x0, s20;
	[sflag:s22] =	ssyncset.done $0x0  }
0xa0: {  	[sflag:s22] =	ssyncadd.s32 s3;
	_ =	sdelay $0x1  }
0xa1: {  	s23 =	simm.s32 $0x1B8B  }
0xa2: {  	_ =	swait.ge [sflag:s23], $0x1  }
0xa3: {  	[sflag:s23] =	ssyncset.done $0x0  }
0xa4: {  	s25 =	simm.s32 $0x1B8E;
	s24 =	sld [smem:$0x3FFE];
	[sflag:s23] =	ssyncadd.s32 $0xFFFFFFFF  }
0xa5: {  	s26 =	simm.s32 $execute0_lowered;
	[smem:$0x3FD2] =	sst s25  }
0xa6: {  	s4 =	sshll.u32 s26, $0x1;
	_ =	strace $0x8000004F;
	[dreg:$0x1] =	wrdreg $0xFFFFFFFF  }
0xa7: {  	s28 =	simm.s32 $_size_execute0_lowered;
	s2 =	sadd.s32 s2, s4;
	[dreg:$0x0] =	wrdreg $0x0  }
0xa8: {  	s4 =	sshll.u32 s28, $0x1;
	[dreg:$0x2] =	wrdreg s2  }
0xa9: {  	[dreg:$0x3] =	wrdreg s4  }
0xaa: {  	[dreg:$0x4] =	wrdreg $0xC0  }
0xab: {  	_ =	task [dreg:s6], $0x5FFFF  }
0xac: {  	[dreg:$0x1] =	wrdreg $0xFFFFFFFF  }
0xad: {  	[dreg:$0x0] =	wrdreg $0x60  }
0xae: {  	[dreg:$0x2] =	wrdreg s24  }
0xaf: {  	[dreg:$0x3] =	wrdreg $0x9  }
0xb0: {  	_ =	task.clear_ibuf [dreg:s6], $0x4FFFF;
	_ =	strace $0x9000004F  }
0xb1: {  	s29 =	simm.s32 $0x9;
	_ =	strace $0x80000051  }
0xb2: {  	_ =	swait.ge [sflag:s29], $0x1  }
0xb3: {  	[sflag:s29] =	ssyncadd.s32 $0xFFFFFFFF  }
0xb4: {  	_ =	strace $0x90000051  }
0xb5: {  	_ =	sfence  }
0xb6: {  	s30 =	sld [smem:$0x0];
	_ =	sdelay $0x2  }
0xb7: {  	s31 =	sshll.u32 s1, $0xD;
	s1 =	sshrl.u32 s1, $0x2  }
0xb8: {  	s3 =	sand.u32 $0x4000, s31;
	s1 =	sadd.s32 s1, s30  }
0xb9: {  	s0 =	sor.u32 s3, s0;
	s1 =	sshll.u32 s1, $0x11  }
0xba: {  	s0 =	sor.u32 s1, s0  }
0xbb: {  	s0 =	sadd.s32 $0x8F2B, s0  }
0xbc: {  	[sflag:s0] =	ssyncadd.remote.s32 $0x1  }
0xbd: {  	_ =	sfence.sel $0xFFFF  }
0xbe: {  	[dreg:$0x0] =	wrdreg $0xFFFFFFFF;
	(pc) =	sbr.abs _section_cstart, $3  }
0xbf: {  	[dreg:$0x1] =	wrdreg $0xFFFFFFFF  }
0xc0: {  	_ =	task.clear_ibuf [dreg:s6], $0x2FFFF;
	_ =	strace $0x9FFFFFFF  }
0xc1: {  	(tm) =	ssettm $0x7FFFFFFF  }
tec
execute0_lowered:
.L_overlay_start_1:
0x0: {  	(tag) =	ssettag $0x1  }
0x1: {  	s1 =	srdreg.scid;
	s0 =	stileid.u32  }
0x2: {  	s5 =	rddreg [dreg:$0x0];
	s2 =	simm.s32 $0x0;
	s12 =	simm.s32 $0x1  }
0x3: {  	s13 =	simm.s32 $0x1DD00;
	s14 =	simm.s32 $0x1ED00;
	s15 =	simm.s32 $0x9C80  }
0x4: {  	s16 =	simm.s32 $0x2;
	s17 =	simm.s32 $0x138C0;
	s18 =	simm.s32 $0x0  }
0x5: {  	s3 =	sand.u32 $0x1, s1;
	s4 =	sshll.u32 s0, $0x1;
	s1 =	rddreg [dreg:$0x1]  }
0x6: {  	[smem:$0x7FF] =	sst s2;
	s11 =	sadd.s32 $0x8DC00, s5;
	s4 =	sor.u32 s3, s4  }
0x7: {  	_ =	strace $0x80000050;
	s8 =	ssub.s32 $0x2, s3;
	s6 =	smul.u32 $0x1388, s4  }
0x8: {  	s3 =	sadd.s32 $0xDC00, s5;
	s9 =	smul.u32 $0x9C40, s4;
	s10 =	sshrl.u32 s8, $0x1  }
0x9: {  	s4 =	sadd.s32 $0x3E00, s5;
	s8 =	ssub.s32 s8, s10;
	s10 =	simm.s32 $0x1E500  }
0xa: {  	s7 =	sadd.s32 s6, s5;
	s9 =	sshrl.u32 s9, $0x3;
	s6 =	sadd.s32 s11, s6  }
0xb: {  	s8 =	smax.u32 s8, $0x1;
	s5 =	sadd.s32 $0x66A00, s7;
	s31 =	sadd.s32 s11, s9  }
0xc: {  	v0 =	vimm.f32 $0.0e+00;
	s9 =	simm.s32 $0x1D500;
	s11 =	simm.s32 $0x3;
	s7 =	sadd.s32 $0x27100, s31  }
.LBB2_1:
0xd: {  	[tilespmem:s9], [sflag:$0x1] =	stream.linear.gather [hbm4b:s3+s2], $0x7D0, $0x38;
	[tilespmem:$0x1F500] =	vst v63  }
0xe: {  	_ = 	snop  }
0xf: {  	[tilespmem:s10], [sflag:$0x1] =	stream.linear.gather [hbm4b:s4+s2], $0x7D0, $0x38;
	[tilespmem:$0x1F500] =	vst v63  }
0x10: {  	_ = 	snop  }
0x11: {  	[tilespmem:s2], [sflag:$0x3] =	stream.linear.gather [hbm4b:s5+s2], $0x9C40, $0x38;
	[tilespmem:$0x1F500] =	vst v63  }
0x12: {  	_ =	swait.ge [sflag:s11], $0x9C40  }
0x13: {  	[sflag:s11] =	ssyncset.done $0x0  }
0x14: {  	s19 =	simm.s32 $0x9CC0;
	[sflag:s11] =	ssyncadd.s32 $0xFFFF63C0  }
0x15: {  	[tilespmem:s19+$0xFFFFFFC0] =	vst v0  }
0x16: {  	[tilespmem:s19+$0x30] =	vst v0  }
0x17: {  	[tilespmem:s19+$0x20] =	vst v0  }
0x18: {  	[tilespmem:s19+$0x10] =	vst v0  }
0x19: {  	[tilespmem:s19+$0x0] =	vst v0  }
0x1a: {  	[tilespmem:s19+$0xFFFFFFF0] =	vst v0  }
0x1b: {  	s20 =	simm.s32 $0x0;
	[tilespmem:s19+$0xFFFFFFE0] =	vst v0  }
.LBB2_2:
0x1c: {  	s20 =	sadd.s32 $0x8, s20;
	[tilespmem:s19+$0xFFFFFFD0] =	vst v0;
	s19 =	sadd.s32 $0x80, s19  }
0x1d: {  	[tilespmem:s19+$0xFFFFFFC0] =	vst v0;
	p0 =	slt.u32 s20, $0x1380  }
0x1e: {  	[tilespmem:s19+$0x30] =	vst v0  }
.Ltmp0:
0x1f: {  	[tilespmem:s19+$0x20] =	vst v0;
	(pc) =	sbr.rel @p0 .LBB2_2-.Ltmp0, $4  }
0x20: {  	[tilespmem:s19+$0x10] =	vst v0  }
0x21: {  	[tilespmem:s19+$0x0] =	vst v0  }
0x22: {  	[tilespmem:s19+$0xFFFFFFF0] =	vst v0  }
0x23: {  	[tilespmem:s19+$0xFFFFFFE0] =	vst v0  }
0x24: {  	[tilespmem:s19+$0xFFFFFFD0] =	vst v0;
	s19 =	simm.s32 $0x0;
	s20 =	simm.s32 $0x0  }
.LBB2_4:
0x25: {  	_ =	swait.ge [sflag:s12], $0x7D0  }
0x26: {  	s21 =	smul.u32 $0xFA0, s20;
	[sflag:s12] =	ssyncset.done $0x0  }
0x27: {  	[sflag:s12] =	ssyncadd.s32 $0xFFFFF830  }
0x28: {  	s22 =	sshrl.u32 s21, $0x3;
	_ =	swait.ge [sflag:s12], $0x7D0  }
0x29: {  	s22 =	sadd.s32 $0xFA, s22;
	[sflag:s12] =	ssyncset.done $0x0  }
0x2a: {  	s23 =	sadd.s32 s3, s22;
	[sflag:s12] =	ssyncadd.s32 $0xFFFFF830  }
0x2b: {  	[tilespmem:s13], [sflag:$0x2] =	stream.linear.gather [hbm4b:s23+s2], $0x7D0, $0x38;
	[tilespmem:$0x1F500] =	vst v63  }
0x2c: {  	s31 =	simm.s32 $0x1D540;
	s22 =	sadd.s32 s4, s22  }
0x2d: {  	[tilespmem:s14], [sflag:$0x2] =	stream.linear.gather [hbm4b:s22+s2], $0x7D0, $0x38;
	[tilespmem:$0x1F500] =	vst v63  }
0x2e: {  	v9 =	vld [tilespmem:s31+$0x30]  }
0x2f: {  	v7 =	vld [tilespmem:s31+$0xFFFFFFD0]  }
0x30: {  	s22 =	simm.s32 $0x1E540;
	v5 =	vld [tilespmem:s31+$0xFFFFFFE0]  }
0x31: {  	v15 =	vld [tilespmem:s22+$0x30]  }
0x32: {  	v4 =	vld [tilespmem:s31+$0xFFFFFFF0]  }
0x33: {  	v3 =	vld [tilespmem:s31+$0x0]  }
0x34: {  	v2 =	vld [tilespmem:s31+$0x10]  }
0x35: {  	v1 =	vld [tilespmem:s31+$0x20]  }
0x36: {  	v14 =	vld [tilespmem:s31+$0xFFFFFFC0]  }
0x37: {  	v6 =	vld.idx.msk [tilespmem:v9+s19+$0x0], $0xffff  }
0x38: {  	v11 =	vld.idx.msk [tilespmem:v7+s19+$0x0], $0xffff  }
0x39: {  	v16 =	vld.idx.msk [tilespmem:v5+s19+$0x0], $0xffff  }
0x3a: {  	v17 =	vld.idx.msk [tilespmem:v4+s19+$0x0], $0xffff  }
0x3b: {  	v18 =	vld.idx.msk [tilespmem:v3+s19+$0x0], $0xffff  }
0x3c: {  	v8 =	vadd.s32 $0x9C40, v15;
	v19 =	vld.idx.msk [tilespmem:v2+s19+$0x0], $0xffff  }
0x3d: {  	v10 =	vadd.s32 $0x2710, v9;
	v13 =	vadd.s32 $0x4E20, v9;
	v50 =	vadd.s32 $0x7530, v9;
	v9 =	vld [tilespmem:s22+$0x10]  }
0x3e: {  	v20 =	vld.idx.msk [tilespmem:v14+s19+$0x0], $0xffff;
	v12 =	vshll.u32 v6, $0x10  }
0x3f: {  	[tilespmem:v15+s15+$0x0] =	vst.idx.add.f32.msk $0xffff, v12  }
0x40: {  	v6 =	vand.u32 $0xFFFF0000, v6;
	v12 =	vld [tilespmem:s22+$0xFFFFFFC0]  }
0x41: {  	[tilespmem:v8+s15+$0x0] =	vst.idx.add.f32.msk $0xffff, v6  }
0x42: {  	v0 =	vadd.s32 $0x9C40, v9;
	v6 =	vld.idx.msk [tilespmem:v10+s19+$0x0], $0xffff  }
0x43: {  	v44 =	vadd.s32 $0x2710, v15;
	v63 =	vld.idx.msk [tilespmem:v1+s19+$0x0], $0xffff  }
0x44: {  	v8 =	vld [tilespmem:s22+$0x0]  }
0x45: {  	v45 =	vadd.s32 $0xC350, v15;
	v25 =	vshll.u32 v19, $0x10;
	v10 =	vld [tilespmem:s22+$0xFFFFFFE0]  }
0x46: {  	v19 =	vand.u32 $0xFFFF0000, v19;
	[tilespmem:v9+s15+$0x0] =	vst.idx.add.f32.msk $0xffff, v25  }
0x47: {  	[tilespmem:v0+s15+$0x0] =	vst.idx.add.f32.msk $0xffff, v19;
	v21 =	vshll.u32 v6, $0x10  }
0x48: {  	v47 =	vshll.u32 v20, $0x10;
	[tilespmem:v44+s15+$0x0] =	vst.idx.add.f32.msk $0xffff, v21  }
0x49: {  	v6 =	vand.u32 $0xFFFF0000, v6;
	[tilespmem:v12+s15+$0x0] =	vst.idx.add.f32.msk $0xffff, v47  }
0x4a: {  	v46 =	vadd.s32 $0x9C40, v12;
	[tilespmem:v45+s15+$0x0] =	vst.idx.add.f32.msk $0xffff, v6  }
0x4b: {  	v62 =	vshll.u32 v18, $0x10;
	v6 =	vld [tilespmem:s22+$0xFFFFFFF0]  }
0x4c: {  	v59 =	vadd.s32 $0x9C40, v8;
	[tilespmem:v8+s15+$0x0] =	vst.idx.add.f32.msk $0xffff, v62  }
0x4d: {  	v61 =	vadd.s32 $0x2710, v14;
	v21 =	vld.idx.msk [tilespmem:v13+s19+$0x0], $0xffff  }
0x4e: {  	v20 =	vand.u32 $0xFFFF0000, v20;
	v53 =	vadd.s32 $0x9C40, v10;
	v13 =	vld [tilespmem:s22+$0xFFFFFFD0]  }
0x4f: {  	v29 =	vadd.s32 $0x2710, v5;
	v54 =	vshll.u32 v16, $0x10;
	[tilespmem:v46+s15+$0x0] =	vst.idx.add.f32.msk $0xffff, v20  }
0x50: {  	v22 =	vadd.s32 $0x4E20, v15;
	v18 =	vand.u32 $0xFFFF0000, v18;
	[tilespmem:v10+s15+$0x0] =	vst.idx.add.f32.msk $0xffff, v54  }
0x51: {  	v23 =	vadd.s32 $0xEA60, v15;
	[tilespmem:v59+s15+$0x0] =	vst.idx.add.f32.msk $0xffff, v18  }
0x52: {  	v16 =	vand.u32 $0xFFFF0000, v16;
	v27 =	vld.idx.msk [tilespmem:v61+s19+$0x0], $0xffff  }
0x53: {  	v28 =	vadd.s32 $0x2710, v12;
	[tilespmem:v53+s15+$0x0] =	vst.idx.add.f32.msk $0xffff, v16  }
0x54: {  	v16 =	vld.idx.msk [tilespmem:v29+s19+$0x0], $0xffff;
	v48 =	vshll.u32 v21, $0x10  }
0x55: {  	v51 =	vand.u32 $0xFFFF0000, v21;
	[tilespmem:v22+s15+$0x0] =	vst.idx.add.f32.msk $0xffff, v48  }
0x56: {  	v58 =	vshll.u32 v17, $0x10;
	v31 =	vadd.s32 $0xC350, v12;
	[tilespmem:v23+s15+$0x0] =	vst.idx.add.f32.msk $0xffff, v51  }
0x57: {  	v42 =	vadd.s32 $0x2710, v2;
	v34 =	vshll.u32 v27, $0x10;
	[tilespmem:v6+s15+$0x0] =	vst.idx.add.f32.msk $0xffff, v58  }
0x58: {  	v52 =	vshll.u32 v11, $0x10;
	v55 =	vadd.s32 $0x9C40, v6;
	[tilespmem:v28+s15+$0x0] =	vst.idx.add.f32.msk $0xffff, v34  }
0x59: {  	v36 =	vadd.s32 $0x2710, v3;
	[tilespmem:v13+s15+$0x0] =	vst.idx.add.f32.msk $0xffff, v52  }
0x5a: {  	v37 =	vadd.s32 $0x2710, v10;
	v18 =	vand.u32 $0xFFFF0000, v27;
	v56 =	vld.idx.msk [tilespmem:v50+s19+$0x0], $0xffff  }
0x5b: {  	v49 =	vadd.s32 $0x9C40, v13;
	[tilespmem:v31+s15+$0x0] =	vst.idx.add.f32.msk $0xffff, v18  }
0x5c: {  	v17 =	vand.u32 $0xFFFF0000, v17;
	v50 =	vld.idx.msk [tilespmem:v42+s19+$0x0], $0xffff  }
0x5d: {  	v32 =	vadd.s32 $0x2710, v4;
	[tilespmem:v55+s15+$0x0] =	vst.idx.add.f32.msk $0xffff, v17  }
0x5e: {  	v38 =	vadd.s32 $0xC350, v10;
	v44 =	vshll.u32 v16, $0x10;
	v17 =	vld.idx.msk [tilespmem:v36+s19+$0x0], $0xffff  }
0x5f: {  	v57 =	vadd.s32 $0x7530, v15;
	v11 =	vand.u32 $0xFFFF0000, v11;
	[tilespmem:v37+s15+$0x0] =	vst.idx.add.f32.msk $0xffff, v44  }
0x60: {  	v51 =	vadd.s32 $0x2710, v9;
	[tilespmem:v49+s15+$0x0] =	vst.idx.add.f32.msk $0xffff, v11  }
0x61: {  	v15 =	vadd.s32 $0x11170, v15;
	v11 =	vld [tilespmem:s22+$0x20]  }
0x62: {  	v24 =	vadd.s32 $0x2710, v7;
	v16 =	vand.u32 $0xFFFF0000, v16;
	v39 =	vld.idx.msk [tilespmem:v32+s19+$0x0], $0xffff  }
0x63: {  	v45 =	vadd.s32 $0x2710, v8;
	[tilespmem:v38+s15+$0x0] =	vst.idx.add.f32.msk $0xffff, v16;
	v60 =	vshll.u32 v56, $0x10  }
0x64: {  	v49 =	vadd.s32 $0x4E20, v14;
	v58 =	vshll.u32 v50, $0x10;
	[tilespmem:v57+s15+$0x0] =	vst.idx.add.f32.msk $0xffff, v60  }
0x65: {  	v41 =	vadd.s32 $0x2710, v6;
	v21 =	vand.u32 $0xFFFF0000, v56;
	[tilespmem:v51+s15+$0x0] =	vst.idx.add.f32.msk $0xffff, v58  }
0x66: {  	v48 =	vadd.s32 $0xC350, v8;
	[tilespmem:v15+s15+$0x0] =	vst.idx.add.f32.msk $0xffff, v21  }
0x67: {  	v53 =	vadd.s32 $0xC350, v9;
	v52 =	vshll.u32 v17, $0x10;
	v15 =	vld.idx.msk [tilespmem:v24+s19+$0x0], $0xffff  }
0x68: {  	v43 =	vadd.s32 $0xC350, v6;
	[tilespmem:v45+s15+$0x0] =	vst.idx.add.f32.msk $0xffff, v52  }
0x69: {  	v47 =	vshll.u32 v39, $0x10;
	v16 =	vld.idx.msk [tilespmem:v49+s19+$0x0], $0xffff  }
0x6a: {  	v0 =	vadd.s32 $0x4E20, v4;
	v17 =	vand.u32 $0xFFFF0000, v17;
	[tilespmem:v41+s15+$0x0] =	vst.idx.add.f32.msk $0xffff, v47  }
0x6b: {  	v60 =	vadd.s32 $0x4E20, v5;
	v21 =	vand.u32 $0xFFFF0000, v50;
	[tilespmem:v48+s15+$0x0] =	vst.idx.add.f32.msk $0xffff, v17  }
0x6c: {  	v26 =	vadd.s32 $0x9C40, v11;
	v19 =	vand.u32 $0xFFFF0000, v39;
	[tilespmem:v53+s15+$0x0] =	vst.idx.add.f32.msk $0xffff, v21  }
0x6d: {  	v30 =	vshll.u32 v63, $0x10;
	v33 =	vadd.s32 $0x2710, v13;
	[tilespmem:v43+s15+$0x0] =	vst.idx.add.f32.msk $0xffff, v19  }
0x6e: {  	v46 =	vadd.s32 $0x2710, v1;
	[tilespmem:v11+s15+$0x0] =	vst.idx.add.f32.msk $0xffff, v30  }
0x6f: {  	v59 =	vadd.s32 $0x4E20, v12;
	v32 =	vld.idx.msk [tilespmem:v0+s19+$0x0], $0xffff  }
0x70: {  	v35 =	vadd.s32 $0xC350, v13;
	v22 =	vand.u32 $0xFFFF0000, v63;
	v27 =	vld.idx.msk [tilespmem:v60+s19+$0x0], $0xffff  }
0x71: {  	v61 =	vadd.s32 $0xEA60, v12;
	[tilespmem:v26+s15+$0x0] =	vst.idx.add.f32.msk $0xffff, v22;
	v40 =	vshll.u32 v15, $0x10  }
0x72: {  	v31 =	vadd.s32 $0x4E20, v2;
	[tilespmem:v33+s15+$0x0] =	vst.idx.add.f32.msk $0xffff, v40  }
0x73: {  	v54 =	vadd.s32 $0x4E20, v7;
	v24 =	vshll.u32 v16, $0x10;
	v55 =	vld.idx.msk [tilespmem:v46+s19+$0x0], $0xffff  }
0x74: {  	v14 =	vadd.s32 $0x7530, v14;
	v15 =	vand.u32 $0xFFFF0000, v15;
	[tilespmem:v59+s15+$0x0] =	vst.idx.add.f32.msk $0xffff, v24  }
0x75: {  	v26 =	vadd.s32 $0x4E20, v3;
	v16 =	vand.u32 $0xFFFF0000, v16;
	[tilespmem:v35+s15+$0x0] =	vst.idx.add.f32.msk $0xffff, v15  }
0x76: {  	v28 =	vadd.s32 $0x4E20, v10;
	[tilespmem:v61+s15+$0x0] =	vst.idx.add.f32.msk $0xffff, v16  }
0x77: {  	v30 =	vadd.s32 $0xEA60, v10;
	v16 =	vld.idx.msk [tilespmem:v31+s19+$0x0], $0xffff  }
0x78: {  	v33 =	vadd.s32 $0x4E20, v6;
	v15 =	vld.idx.msk [tilespmem:v54+s19+$0x0], $0xffff  }
0x79: {  	v56 =	vadd.s32 $0x2710, v11;
	v14 =	vld.idx.msk [tilespmem:v14+s19+$0x0], $0xffff  }
0x7a: {  	v34 =	vadd.s32 $0xEA60, v6;
	v35 =	vshll.u32 v27, $0x10;
	v17 =	vld.idx.msk [tilespmem:v26+s19+$0x0], $0xffff  }
0x7b: {  	v5 =	vadd.s32 $0x7530, v5;
	v18 =	vand.u32 $0xFFFF0000, v27;
	[tilespmem:v28+s15+$0x0] =	vst.idx.add.f32.msk $0xffff, v35  }
0x7c: {  	v57 =	vadd.s32 $0xC350, v11;
	v39 =	vshll.u32 v32, $0x10;
	[tilespmem:v30+s15+$0x0] =	vst.idx.add.f32.msk $0xffff, v18  }
0x7d: {  	v40 =	vadd.s32 $0x4E20, v9;
	v62 =	vshll.u32 v55, $0x10;
	[tilespmem:v33+s15+$0x0] =	vst.idx.add.f32.msk $0xffff, v39  }
0x7e: {  	v4 =	vadd.s32 $0x7530, v4;
	v21 =	vand.u32 $0xFFFF0000, v32;
	[tilespmem:v56+s15+$0x0] =	vst.idx.add.f32.msk $0xffff, v62  }
0x7f: {  	v63 =	vadd.s32 $0x4E20, v13;
	[tilespmem:v34+s15+$0x0] =	vst.idx.add.f32.msk $0xffff, v21  }
0x80: {  	v37 =	vadd.s32 $0x4E20, v1;
	v20 =	vand.u32 $0xFFFF0000, v55;
	v5 =	vld.idx.msk [tilespmem:v5+s19+$0x0], $0xffff  }
0x81: {  	v42 =	vadd.s32 $0xEA60, v9;
	v45 =	vshll.u32 v16, $0x10;
	[tilespmem:v57+s15+$0x0] =	vst.idx.add.f32.msk $0xffff, v20  }
0x82: {  	v47 =	vadd.s32 $0x7530, v12;
	[tilespmem:v40+s15+$0x0] =	vst.idx.add.f32.msk $0xffff, v45  }
0x83: {  	v25 =	vadd.s32 $0xEA60, v13;
	v29 =	vshll.u32 v15, $0x10;
	v4 =	vld.idx.msk [tilespmem:v4+s19+$0x0], $0xffff  }
0x84: {  	v12 =	vadd.s32 $0x11170, v12;
	[tilespmem:v63+s15+$0x0] =	vst.idx.add.f32.msk $0xffff, v29  }
0x85: {  	v2 =	vadd.s32 $0x7530, v2;
	v16 =	vand.u32 $0xFFFF0000, v16;
	v43 =	vld.idx.msk [tilespmem:v37+s19+$0x0], $0xffff  }
0x86: {  	v36 =	vadd.s32 $0x4E20, v8;
	v51 =	vshll.u32 v14, $0x10;
	[tilespmem:v42+s15+$0x0] =	vst.idx.add.f32.msk $0xffff, v16  }
0x87: {  	v7 =	vadd.s32 $0x7530, v7;
	v15 =	vand.u32 $0xFFFF0000, v15;
	[tilespmem:v47+s15+$0x0] =	vst.idx.add.f32.msk $0xffff, v51  }
0x88: {  	v38 =	vadd.s32 $0xEA60, v8;
	v14 =	vand.u32 $0xFFFF0000, v14;
	[tilespmem:v25+s15+$0x0] =	vst.idx.add.f32.msk $0xffff, v15  }
0x89: {  	v52 =	vadd.s32 $0x7530, v10;
	[tilespmem:v12+s15+$0x0] =	vst.idx.add.f32.msk $0xffff, v14  }
0x8a: {  	v3 =	vadd.s32 $0x7530, v3;
	v41 =	vshll.u32 v17, $0x10;
	v2 =	vld.idx.msk [tilespmem:v2+s19+$0x0], $0xffff  }
0x8b: {  	v10 =	vadd.s32 $0x11170, v10;
	[tilespmem:v36+s15+$0x0] =	vst.idx.add.f32.msk $0xffff, v41  }
0x8c: {  	v54 =	vadd.s32 $0x7530, v6;
	v17 =	vand.u32 $0xFFFF0000, v17;
	v7 =	vld.idx.msk [tilespmem:v7+s19+$0x0], $0xffff  }
0x8d: {  	v44 =	vadd.s32 $0x4E20, v11;
	[tilespmem:v38+s15+$0x0] =	vst.idx.add.f32.msk $0xffff, v17;
	v55 =	vshll.u32 v5, $0x10  }
0x8e: {  	v6 =	vadd.s32 $0x11170, v6;
	[tilespmem:v52+s15+$0x0] =	vst.idx.add.f32.msk $0xffff, v55  }
0x8f: {  	v46 =	vadd.s32 $0xEA60, v11;
	v5 =	vand.u32 $0xFFFF0000, v5;
	v3 =	vld.idx.msk [tilespmem:v3+s19+$0x0], $0xffff  }
0x90: {  	v58 =	vadd.s32 $0x7530, v9;
	v57 =	vshll.u32 v4, $0x10;
	[tilespmem:v10+s15+$0x0] =	vst.idx.add.f32.msk $0xffff, v5  }
0x91: {  	v1 =	vadd.s32 $0x7530, v1;
	v48 =	vshll.u32 v43, $0x10;
	[tilespmem:v54+s15+$0x0] =	vst.idx.add.f32.msk $0xffff, v57  }
0x92: {  	v49 =	vadd.s32 $0x7530, v13;
	v4 =	vand.u32 $0xFFFF0000, v4;
	[tilespmem:v44+s15+$0x0] =	vst.idx.add.f32.msk $0xffff, v48  }
0x93: {  	v9 =	vadd.s32 $0x11170, v9;
	v50 =	vand.u32 $0xFFFF0000, v43;
	[tilespmem:v6+s15+$0x0] =	vst.idx.add.f32.msk $0xffff, v4  }
0x94: {  	v13 =	vadd.s32 $0x11170, v13;
	v62 =	vshll.u32 v2, $0x10;
	[tilespmem:v46+s15+$0x0] =	vst.idx.add.f32.msk $0xffff, v50  }
0x95: {  	v56 =	vadd.s32 $0x7530, v8;
	[tilespmem:v58+s15+$0x0] =	vst.idx.add.f32.msk $0xffff, v62  }
0x96: {  	v8 =	vadd.s32 $0x11170, v8;
	v53 =	vshll.u32 v7, $0x10;
	v1 =	vld.idx.msk [tilespmem:v1+s19+$0x0], $0xffff  }
0x97: {  	v59 =	vadd.s32 $0x7530, v11;
	v2 =	vand.u32 $0xFFFF0000, v2;
	[tilespmem:v49+s15+$0x0] =	vst.idx.add.f32.msk $0xffff, v53  }
0x98: {  	v61 =	vadd.s32 $0x11170, v11;
	v7 =	vand.u32 $0xFFFF0000, v7;
	[tilespmem:v9+s15+$0x0] =	vst.idx.add.f32.msk $0xffff, v2  }
0x99: {  	[tilespmem:v13+s15+$0x0] =	vst.idx.add.f32.msk $0xffff, v7;
	v60 =	vshll.u32 v3, $0x10  }
0x9a: {  	v3 =	vand.u32 $0xFFFF0000, v3;
	[tilespmem:v56+s15+$0x0] =	vst.idx.add.f32.msk $0xffff, v60  }
0x9b: {  	[tilespmem:v8+s15+$0x0] =	vst.idx.add.f32.msk $0xffff, v3;
	v63 =	vshll.u32 v1, $0x10  }
0x9c: {  	v1 =	vand.u32 $0xFFFF0000, v1;
	[tilespmem:v59+s15+$0x0] =	vst.idx.add.f32.msk $0xffff, v63  }
0x9d: {  	s24 =	simm.s32 $0x0;
	s25 =	simm.s32 $0x1D5C0;
	[tilespmem:v61+s15+$0x0] =	vst.idx.add.f32.msk $0xffff, v1  }
.LBB2_5:
0x9e: {  	v21 =	vld [tilespmem:s25+$0x30]  }
0x9f: {  	v5 =	vld [tilespmem:s25+$0xFFFFFFD0]  }
0xa0: {  	v6 =	vld [tilespmem:s25+$0xFFFFFFE0]  }
0xa1: {  	v7 =	vld [tilespmem:s25+$0xFFFFFFF0]  }
0xa2: {  	v14 =	vld [tilespmem:s25+$0x0]  }
0xa3: {  	v22 =	vld [tilespmem:s25+$0x10]  }
0xa4: {  	v23 =	vld [tilespmem:s25+$0x20]  }
0xa5: {  	s22 =	sadd.s32 $0x80, s22;
	v25 =	vld [tilespmem:s25+$0xFFFFFFC0]  }
0xa6: {  	v20 =	vld [tilespmem:s22+$0x30]  }
0xa7: {  	v54 =	vld [tilespmem:s22+$0xFFFFFFD0]  }
0xa8: {  	v55 =	vld [tilespmem:s22+$0xFFFFFFE0]  }
0xa9: {  	v56 =	vld [tilespmem:s22+$0xFFFFFFF0]  }
0xaa: {  	v63 =	vld [tilespmem:s22+$0x0];
	v34 =	vadd.s32 $0x7530, v6  }
0xab: {  	s23 =	simm.s32 $0x0;
	[tilespmem:$0x1FFB0] =	vst v34;
	v34 =	vld [tilespmem:s22+$0xFFFFFFC0]  }
0xac: {  	v24 =	vld.idx.msk [tilespmem:v21+s23+$0x0], $0xffff  }
0xad: {  	v26 =	vld.idx.msk [tilespmem:v5+s23+$0x0], $0xffff  }
0xae: {  	v32 =	vadd.s32 $0x7530, v5;
	v18 =	vadd.s32 $0x2710, v14;
	v27 =	vld.idx.msk [tilespmem:v6+s23+$0x0], $0xffff  }
0xaf: {  	v11 =	vadd.s32 $0x4E20, v14;
	v37 =	vadd.s32 $0x7530, v14;
	v39 =	vadd.s32 $0x7530, v23;
	[tilespmem:$0x1FFA0] =	vst v32;
	v32 =	vld.idx.msk [tilespmem:v14+s23+$0x0], $0xffff  }
0xb0: {  	v40 =	vadd.s32 $0x7530, v25;
	[tilespmem:$0x1FFF0] =	vst v39;
	v39 =	vadd.s32 $0x2710, v25;
	v14 =	vadd.s32 $0x4E20, v25;
	v25 =	vld.idx.msk [tilespmem:v25+s23+$0x0], $0xffff  }
0xb1: {  	v0 =	vadd.s32 $0x4E20, v5;
	v33 =	vadd.s32 $0x4E20, v6;
	v30 =	vld.idx.msk [tilespmem:v7+s23+$0x0], $0xffff  }
0xb2: {  	v19 =	vadd.s32 $0x2710, v22;
	v12 =	vadd.s32 $0x4E20, v22;
	v38 =	vadd.s32 $0x7530, v22;
	[tilespmem:$0x1FF60] =	vst v0;
	v22 =	vld.idx.msk [tilespmem:v22+s23+$0x0], $0xffff  }
0xb3: {  	v29 =	vadd.s32 $0x2710, v23;
	v13 =	vadd.s32 $0x4E20, v23;
	[tilespmem:$0x1FF70] =	vst v33;
	v23 =	vld.idx.msk [tilespmem:v23+s23+$0x0], $0xffff  }
0xb4: {  	[tilespmem:$0x1FFD0] =	vst v37;
	v33 =	vshll.u32 v24, $0x10;
	v43 =	vshll.u32 v27, $0x10;
	v44 =	vand.u32 $0xFFFF0000, v27;
	v27 =	vld [tilespmem:s22+$0x20]  }
0xb5: {  	v28 =	vadd.s32 $0x9C40, v20;
	v37 =	vshll.u32 v25, $0x10;
	[tilespmem:v20+s15+$0x0] =	vst.idx.add.f32.msk $0xffff, v33  }
0xb6: {  	[tilespmem:v34+s15+$0x0] =	vst.idx.add.f32.msk $0xffff, v37  }
0xb7: {  	v0 =	vadd.s32 $0x9C40, v56;
	v47 =	vshll.u32 v30, $0x10;
	[tilespmem:v55+s15+$0x0] =	vst.idx.add.f32.msk $0xffff, v43  }
0xb8: {  	v31 =	vadd.s32 $0x2710, v21;
	v50 =	vshll.u32 v32, $0x10;
	[tilespmem:v56+s15+$0x0] =	vst.idx.add.f32.msk $0xffff, v47  }
0xb9: {  	v46 =	vadd.s32 $0x9C40, v34;
	v24 =	vand.u32 $0xFFFF0000, v24;
	[tilespmem:v63+s15+$0x0] =	vst.idx.add.f32.msk $0xffff, v50  }
0xba: {  	v33 =	vshll.u32 v26, $0x10;
	[tilespmem:v28+s15+$0x0] =	vst.idx.add.f32.msk $0xffff, v24  }
0xbb: {  	v17 =	vadd.s32 $0x2710, v7;
	v30 =	vand.u32 $0xFFFF0000, v30;
	[tilespmem:v54+s15+$0x0] =	vst.idx.add.f32.msk $0xffff, v33  }
0xbc: {  	v52 =	vshll.u32 v22, $0x10;
	v53 =	vand.u32 $0xFFFF0000, v22;
	v22 =	vadd.s32 $0x9C40, v54;
	[tilespmem:v0+s15+$0x0] =	vst.idx.add.f32.msk $0xffff, v30  }
0xbd: {  	v15 =	vadd.s32 $0x2710, v5;
	v25 =	vand.u32 $0xFFFF0000, v25;
	v28 =	vld.idx.msk [tilespmem:v31+s23+$0x0], $0xffff  }
0xbe: {  	[tilespmem:v46+s15+$0x0] =	vst.idx.add.f32.msk $0xffff, v25;
	v25 =	vadd.s32 $0x9C40, v63  }
0xbf: {  	v31 =	vld [tilespmem:s22+$0x10]  }
0xc0: {  	v42 =	vand.u32 $0xFFFF0000, v26;
	v17 =	vld.idx.msk [tilespmem:v17+s23+$0x0], $0xffff  }
0xc1: {  	v36 =	vadd.s32 $0x7530, v7;
	v41 =	vadd.s32 $0x2710, v20;
	[tilespmem:v22+s15+$0x0] =	vst.idx.add.f32.msk $0xffff, v42  }
0xc2: {  	[tilespmem:$0x1FFC0] =	vst v36;
	v51 =	vand.u32 $0xFFFF0000, v32;
	v15 =	vld.idx.msk [tilespmem:v15+s23+$0x0], $0xffff  }
0xc3: {  	v45 =	vadd.s32 $0xC350, v20;
	v57 =	vshll.u32 v23, $0x10;
	[tilespmem:v25+s15+$0x0] =	vst.idx.add.f32.msk $0xffff, v51  }
0xc4: {  	v35 =	vadd.s32 $0x4E20, v7;
	v26 =	vadd.s32 $0x9C40, v27;
	[tilespmem:v27+s15+$0x0] =	vst.idx.add.f32.msk $0xffff, v57  }
0xc5: {  	[tilespmem:$0x1FF80] =	vst v35;
	v35 =	vadd.s32 $0x4E20, v21;
	v36 =	vshll.u32 v28, $0x10;
	v51 =	vld [tilespmem:$0x1FFC0]  }
0xc6: {  	[tilespmem:v41+s15+$0x0] =	vst.idx.add.f32.msk $0xffff, v36  }
0xc7: {  	v28 =	vand.u32 $0xFFFF0000, v28;
	v18 =	vld.idx.msk [tilespmem:v18+s23+$0x0], $0xffff  }
0xc8: {  	v61 =	vadd.s32 $0x2710, v54;
	v58 =	vand.u32 $0xFFFF0000, v23;
	[tilespmem:v45+s15+$0x0] =	vst.idx.add.f32.msk $0xffff, v28  }
0xc9: {  	[tilespmem:v26+s15+$0x0] =	vst.idx.add.f32.msk $0xffff, v58  }
0xca: {  	v24 =	vadd.s32 $0x9C40, v31;
	v48 =	vld.idx.msk [tilespmem:v35+s23+$0x0], $0xffff  }
0xcb: {  	[tilespmem:v31+s15+$0x0] =	vst.idx.add.f32.msk $0xffff, v52  }
0xcc: {  	v62 =	vadd.s32 $0xC350, v54;
	v57 =	vshll.u32 v15, $0x10;
	v52 =	vld [tilespmem:$0x1FFD0]  }
0xcd: {  	[tilespmem:v61+s15+$0x0] =	vst.idx.add.f32.msk $0xffff, v57  }
0xce: {  	v28 =	vadd.s32 $0x9C40, v55;
	v57 =	vld [tilespmem:$0x1FFF0]  }
0xcf: {  	v16 =	vadd.s32 $0x2710, v6;
	[tilespmem:v24+s15+$0x0] =	vst.idx.add.f32.msk $0xffff, v53  }
0xd0: {  	[tilespmem:$0x1FF90] =	vst v40;
	v40 =	vadd.s32 $0x4E20, v20;
	v15 =	vand.u32 $0xFFFF0000, v15;
	v53 =	vld.idx.msk [tilespmem:v39+s23+$0x0], $0xffff  }
0xd1: {  	v41 =	vadd.s32 $0xEA60, v20;
	[tilespmem:v62+s15+$0x0] =	vst.idx.add.f32.msk $0xffff, v15  }
0xd2: {  	v21 =	vadd.s32 $0x7530, v21;
	v19 =	vld.idx.msk [tilespmem:v19+s23+$0x0], $0xffff  }
0xd3: {  	v3 =	vadd.s32 $0x2710, v31;
	[tilespmem:v28+s15+$0x0] =	vst.idx.add.f32.msk $0xffff, v44  }
0xd4: {  	v4 =	vadd.s32 $0xC350, v31;
	v49 =	vshll.u32 v48, $0x10;
	v16 =	vld.idx.msk [tilespmem:v16+s23+$0x0], $0xffff  }
0xd5: {  	v23 =	vand.u32 $0xFFFF0000, v48;
	[tilespmem:v40+s15+$0x0] =	vst.idx.add.f32.msk $0xffff, v49  }
0xd6: {  	v9 =	vadd.s32 $0x2710, v55;
	[tilespmem:v41+s15+$0x0] =	vst.idx.add.f32.msk $0xffff, v23  }
0xd7: {  	v8 =	vadd.s32 $0xC350, v55;
	v10 =	vadd.s32 $0x2710, v56;
	v21 =	vld.idx.msk [tilespmem:v21+s23+$0x0], $0xffff;
	v61 =	vshll.u32 v19, $0x10  }
0xd8: {  	v7 =	vadd.s32 $0xC350, v56;
	v59 =	vadd.s32 $0x2710, v34;
	v19 =	vand.u32 $0xFFFF0000, v19;
	[tilespmem:v3+s15+$0x0] =	vst.idx.add.f32.msk $0xffff, v61  }
0xd9: {  	v60 =	vadd.s32 $0xC350, v34;
	v30 =	vadd.s32 $0x7530, v55;
	v22 =	vadd.s32 $0x7530, v20;
	[tilespmem:v4+s15+$0x0] =	vst.idx.add.f32.msk $0xffff, v19  }
0xda: {  	v1 =	vadd.s32 $0x2710, v27;
	v2 =	vadd.s32 $0xC350, v27;
	v58 =	vshll.u32 v16, $0x10;
	v19 =	vld [tilespmem:$0x1FF70]  }
0xdb: {  	v42 =	vadd.s32 $0x4E20, v56;
	v47 =	vadd.s32 $0xEA60, v27;
	v28 =	vadd.s32 $0x11170, v20;
	[tilespmem:v9+s15+$0x0] =	vst.idx.add.f32.msk $0xffff, v58  }
0xdc: {  	v25 =	vadd.s32 $0x7530, v27;
	v45 =	vadd.s32 $0x4E20, v55;
	v16 =	vand.u32 $0xFFFF0000, v16;
	v26 =	vld.idx.msk [tilespmem:v12+s23+$0x0], $0xffff  }
0xdd: {  	v20 =	vadd.s32 $0x11170, v56;
	v48 =	vadd.s32 $0xEA60, v55;
	[tilespmem:v8+s15+$0x0] =	vst.idx.add.f32.msk $0xffff, v16;
	v50 =	vshll.u32 v21, $0x10  }
0xde: {  	v40 =	vadd.s32 $0xEA60, v56;
	v49 =	vadd.s32 $0x4E20, v27;
	v23 =	vadd.s32 $0x11170, v55;
	[tilespmem:v22+s15+$0x0] =	vst.idx.add.f32.msk $0xffff, v50  }
0xdf: {  	[tilespmem:$0x1FFE0] =	vst v38;
	v55 =	vadd.s32 $0x7530, v56;
	v56 =	vand.u32 $0xFFFF0000, v21;
	v22 =	vadd.s32 $0x11170, v27;
	v27 =	vld.idx.msk [tilespmem:v29+s23+$0x0], $0xffff  }
0xe0: {  	[tilespmem:v28+s15+$0x0] =	vst.idx.add.f32.msk $0xffff, v56  }
0xe1: {  	v46 =	vadd.s32 $0x4E20, v31;
	v24 =	vand.u32 $0xFFFF0000, v53;
	v56 =	vshll.u32 v53, $0x10;
	v53 =	vld [tilespmem:$0x1FFE0]  }
0xe2: {  	[tilespmem:v59+s15+$0x0] =	vst.idx.add.f32.msk $0xffff, v56  }
0xe3: {  	v6 =	vadd.s32 $0x2710, v63;
	v59 =	vshll.u32 v17, $0x10;
	[tilespmem:v60+s15+$0x0] =	vst.idx.add.f32.msk $0xffff, v24  }
0xe4: {  	[tilespmem:v10+s15+$0x0] =	vst.idx.add.f32.msk $0xffff, v59  }
0xe5: {  	v39 =	vshll.u32 v26, $0x10;
	v24 =	vld [tilespmem:$0x1FF80]  }
0xe6: {  	v5 =	vadd.s32 $0xC350, v63;
	v17 =	vand.u32 $0xFFFF0000, v17;
	[tilespmem:v46+s15+$0x0] =	vst.idx.add.f32.msk $0xffff, v39  }
0xe7: {  	v60 =	vshll.u32 v18, $0x10;
	[tilespmem:v7+s15+$0x0] =	vst.idx.add.f32.msk $0xffff, v17  }
0xe8: {  	v44 =	vadd.s32 $0xEA60, v31;
	[tilespmem:v6+s15+$0x0] =	vst.idx.add.f32.msk $0xffff, v60  }
0xe9: {  	v17 =	vld.idx.msk [tilespmem:v14+s23+$0x0], $0xffff  }
0xea: {  	v18 =	vand.u32 $0xFFFF0000, v18;
	v3 =	vld.idx.msk [tilespmem:v19+s23+$0x0], $0xffff  }
0xeb: {  	[tilespmem:v5+s15+$0x0] =	vst.idx.add.f32.msk $0xffff, v18  }
0xec: {  	v6 =	vand.u32 $0xFFFF0000, v26;
	v18 =	vld [tilespmem:$0x1FF60]  }
0xed: {  	v62 =	vshll.u32 v27, $0x10;
	[tilespmem:v44+s15+$0x0] =	vst.idx.add.f32.msk $0xffff, v6  }
0xee: {  	v37 =	vadd.s32 $0x4E20, v34;
	v43 =	vadd.s32 $0x4E20, v63;
	v0 =	vadd.s32 $0x7530, v63;
	[tilespmem:v1+s15+$0x0] =	vst.idx.add.f32.msk $0xffff, v62  }
0xef: {  	v41 =	vadd.s32 $0xEA60, v63;
	v50 =	vadd.s32 $0x11170, v63;
	v63 =	vand.u32 $0xFFFF0000, v27;
	v5 =	vld.idx.msk [tilespmem:v11+s23+$0x0], $0xffff  }
0xf0: {  	[tilespmem:v2+s15+$0x0] =	vst.idx.add.f32.msk $0xffff, v63  }
0xf1: {  	v38 =	vadd.s32 $0xEA60, v34;
	v8 =	vld.idx.msk [tilespmem:v13+s23+$0x0], $0xffff  }
0xf2: {  	v27 =	vshll.u32 v17, $0x10;
	v6 =	vld.idx.msk [tilespmem:v53+s23+$0x0], $0xffff  }
0xf3: {  	v21 =	vadd.s32 $0x7530, v31;
	v28 =	vadd.s32 $0x11170, v31;
	v31 =	vshll.u32 v3, $0x10;
	[tilespmem:v37+s15+$0x0] =	vst.idx.add.f32.msk $0xffff, v27  }
0xf4: {  	[tilespmem:v45+s15+$0x0] =	vst.idx.add.f32.msk $0xffff, v31  }
0xf5: {  	v1 =	vand.u32 $0xFFFF0000, v17;
	v4 =	vld.idx.msk [tilespmem:v24+s23+$0x0], $0xffff  }
0xf6: {  	v3 =	vand.u32 $0xFFFF0000, v3;
	[tilespmem:v38+s15+$0x0] =	vst.idx.add.f32.msk $0xffff, v1  }
0xf7: {  	[tilespmem:v48+s15+$0x0] =	vst.idx.add.f32.msk $0xffff, v3  }
0xf8: {  	v38 =	vshll.u32 v5, $0x10;
	v48 =	vld [tilespmem:$0x1FFA0]  }
0xf9: {  	[tilespmem:v43+s15+$0x0] =	vst.idx.add.f32.msk $0xffff, v38  }
0xfa: {  	v5 =	vand.u32 $0xFFFF0000, v5;
	v2 =	vld.idx.msk [tilespmem:v18+s23+$0x0], $0xffff  }
0xfb: {  	v45 =	vshll.u32 v8, $0x10;
	[tilespmem:v41+s15+$0x0] =	vst.idx.add.f32.msk $0xffff, v5  }
0xfc: {  	[tilespmem:v49+s15+$0x0] =	vst.idx.add.f32.msk $0xffff, v45  }
0xfd: {  	v49 =	vld [tilespmem:$0x1FFB0]  }
0xfe: {  	v8 =	vand.u32 $0xFFFF0000, v8;
	v5 =	vld.idx.msk [tilespmem:v52+s23+$0x0], $0xffff  }
0xff: {  	[tilespmem:v47+s15+$0x0] =	vst.idx.add.f32.msk $0xffff, v8  }
0x100: {  	v62 =	vshll.u32 v6, $0x10;
	v47 =	vld [tilespmem:$0x1FF90]  }
0x101: {  	v36 =	vadd.s32 $0x4E20, v54;
	[tilespmem:v21+s15+$0x0] =	vst.idx.add.f32.msk $0xffff, v62  }
0x102: {  	v6 =	vand.u32 $0xFFFF0000, v6;
	v8 =	vld.idx.msk [tilespmem:v57+s23+$0x0], $0xffff  }
0x103: {  	v35 =	vadd.s32 $0xEA60, v54;
	v37 =	vshll.u32 v4, $0x10;
	[tilespmem:v28+s15+$0x0] =	vst.idx.add.f32.msk $0xffff, v6  }
0x104: {  	v4 =	vand.u32 $0xFFFF0000, v4;
	[tilespmem:v42+s15+$0x0] =	vst.idx.add.f32.msk $0xffff, v37  }
0x105: {  	v29 =	vshll.u32 v2, $0x10;
	[tilespmem:v40+s15+$0x0] =	vst.idx.add.f32.msk $0xffff, v4  }
0x106: {  	[tilespmem:v36+s15+$0x0] =	vst.idx.add.f32.msk $0xffff, v29  }
0x107: {  	v2 =	vand.u32 $0xFFFF0000, v2;
	v4 =	vld.idx.msk [tilespmem:v51+s23+$0x0], $0xffff  }
0x108: {  	v61 =	vshll.u32 v5, $0x10;
	[tilespmem:v35+s15+$0x0] =	vst.idx.add.f32.msk $0xffff, v2  }
0x109: {  	[tilespmem:v0+s15+$0x0] =	vst.idx.add.f32.msk $0xffff, v61  }
0x10a: {  	v5 =	vand.u32 $0xFFFF0000, v5;
	v2 =	vld.idx.msk [tilespmem:v48+s23+$0x0], $0xffff  }
0x10b: {  	[tilespmem:v50+s15+$0x0] =	vst.idx.add.f32.msk $0xffff, v5  }
0x10c: {  	v63 =	vshll.u32 v8, $0x10;
	v3 =	vld.idx.msk [tilespmem:v49+s23+$0x0], $0xffff  }
0x10d: {  	v32 =	vadd.s32 $0x7530, v54;
	[tilespmem:v25+s15+$0x0] =	vst.idx.add.f32.msk $0xffff, v63  }
0x10e: {  	v54 =	vadd.s32 $0x11170, v54;
	v8 =	vand.u32 $0xFFFF0000, v8;
	v1 =	vld.idx.msk [tilespmem:v47+s23+$0x0], $0xffff  }
0x10f: {  	[tilespmem:v22+s15+$0x0] =	vst.idx.add.f32.msk $0xffff, v8;
	v60 =	vshll.u32 v4, $0x10  }
0x110: {  	v33 =	vadd.s32 $0x7530, v34;
	v4 =	vand.u32 $0xFFFF0000, v4;
	[tilespmem:v55+s15+$0x0] =	vst.idx.add.f32.msk $0xffff, v60  }
0x111: {  	s24 =	sadd.s32 $0x8, s24;
	v58 =	vshll.u32 v2, $0x10;
	[tilespmem:v20+s15+$0x0] =	vst.idx.add.f32.msk $0xffff, v4  }
0x112: {  	p0 =	slt.u32 s24, $0x70;
	v34 =	vadd.s32 $0x11170, v34;
	v2 =	vand.u32 $0xFFFF0000, v2;
	[tilespmem:v32+s15+$0x0] =	vst.idx.add.f32.msk $0xffff, v58  }
.Ltmp1:
0x113: {  	v59 =	vshll.u32 v3, $0x10;
	[tilespmem:v54+s15+$0x0] =	vst.idx.add.f32.msk $0xffff, v2;
	(pc) =	sbr.rel @p0 .LBB2_5-.Ltmp1, $4  }
0x114: {  	v56 =	vshll.u32 v1, $0x10;
	[tilespmem:v30+s15+$0x0] =	vst.idx.add.f32.msk $0xffff, v59  }
0x115: {  	v3 =	vand.u32 $0xFFFF0000, v3;
	[tilespmem:v33+s15+$0x0] =	vst.idx.add.f32.msk $0xffff, v56  }
0x116: {  	v1 =	vand.u32 $0xFFFF0000, v1;
	[tilespmem:v23+s15+$0x0] =	vst.idx.add.f32.msk $0xffff, v3  }
0x117: {  	s25 =	sadd.s32 $0x80, s25;
	[tilespmem:v34+s15+$0x0] =	vst.idx.add.f32.msk $0xffff, v1  }
.LBB2_6:
0x118: {  	s22 =	sshra.s32 s23, $0x2  }
0x119: {  	v0 =	vld [tilespmem:s22+$0x1DC80];
	_ =	sdelay $0x4  }
0x11a: {  	v1 =	vld [tilespmem:s22+$0x1EC80];
	_ =	sdelay $0x2  }
0x11b: {  	v2 =	vld.idx.msk [tilespmem:v0+s2+$0x0], $0xffff;
	_ =	sdelay $0x1  }
0x11c: {  	v3 =	vadd.s32 $0x9C40, v1  }
0x11d: {  	v4 =	vadd.s32 $0x2710, v0;
	_ =	sdelay $0x1  }
0x11e: {  	v5 =	vshll.u32 v2, $0x10  }
0x11f: {  	v2 =	vand.u32 $0xFFFF0000, v2;
	[tilespmem:v1+s15+$0x0] =	vst.idx.add.f32.msk $0xffff, v5  }
0x120: {  	[tilespmem:v3+s15+$0x0] =	vst.idx.add.f32.msk $0xffff, v2  }
0x121: {  	v2 =	vld.idx.msk [tilespmem:v4+s2+$0x0], $0xffff  }
0x122: {  	v57 =	vadd.s32 $0x2710, v1  }
0x123: {  	v58 =	vadd.s32 $0xC350, v1  }
0x124: {  	v59 =	vadd.s32 $0x4E20, v0;
	_ =	sdelay $0x1  }
0x125: {  	v6 =	vshll.u32 v2, $0x10  }
0x126: {  	v2 =	vand.u32 $0xFFFF0000, v2;
	[tilespmem:v57+s15+$0x0] =	vst.idx.add.f32.msk $0xffff, v6  }
0x127: {  	[tilespmem:v58+s15+$0x0] =	vst.idx.add.f32.msk $0xffff, v2  }
0x128: {  	v2 =	vld.idx.msk [tilespmem:v59+s2+$0x0], $0xffff  }
0x129: {  	v60 =	vadd.s32 $0x4E20, v1  }
0x12a: {  	v61 =	vadd.s32 $0xEA60, v1  }
0x12b: {  	v0 =	vadd.s32 $0x7530, v0;
	_ =	sdelay $0x1  }
0x12c: {  	v5 =	vshll.u32 v2, $0x10  }
0x12d: {  	v2 =	vand.u32 $0xFFFF0000, v2;
	[tilespmem:v60+s15+$0x0] =	vst.idx.add.f32.msk $0xffff, v5  }
0x12e: {  	[tilespmem:v61+s15+$0x0] =	vst.idx.add.f32.msk $0xffff, v2  }
0x12f: {  	v0 =	vld.idx.msk [tilespmem:v0+s2+$0x0], $0xffff  }
0x130: {  	v62 =	vadd.s32 $0x7530, v1  }
0x131: {  	p0 =	sne.s32 s23, $0x100;
	v1 =	vadd.s32 $0x11170, v1  }
.Ltmp2:
0x132: {  	_ = 	snop;
	(pc) =	sbr.rel @p0 .LBB2_6-.Ltmp2, $4  }
0x133: {  	_ = 	snop  }
0x134: {  	v63 =	vshll.u32 v0, $0x10  }
0x135: {  	v0 =	vand.u32 $0xFFFF0000, v0;
	[tilespmem:v62+s15+$0x0] =	vst.idx.add.f32.msk $0xffff, v63  }
0x136: {  	s23 =	sadd.s32 $0x40, s23;
	[tilespmem:v1+s15+$0x0] =	vst.idx.add.f32.msk $0xffff, v0  }
0x137: {  	_ =	swait.ge [sflag:s16], $0x7D0  }
0x138: {  	[sflag:s16] =	ssyncset.done $0x0  }
0x139: {  	p0 =	seq.s32 s20, $0x4F;
	[sflag:s16] =	ssyncadd.s32 $0xFFFFF830  }
0x13a: {  	s21 =	sshrl.u32 @!p0 s21, $0x3;
	_ =	swait.ge [sflag:s16], $0x7D0  }
0x13b: {  	s23 =	simm.s32 @!p0 $0x0;
	s21 =	sadd.s32 @!p0 $0x1F4, s21;
	[sflag:s16] =	ssyncset.done $0x0  }
0x13c: {  	s24 =	simm.s32 @!p0 $0x1D500;
	s22 =	sadd.s32 @!p0 s3, s21;
	[sflag:s16] =	ssyncadd.s32 $0xFFFFF830  }
0x13d: {  	[tilespmem:s24], [sflag:$0x1] =	stream.linear.gather @!p0 [hbm4b:s22+s23], $0x7D0, $0x38;
	[tilespmem:$0x1F500] =	vst v63  }
0x13e: {  	s31 =	simm.s32 $0x1DD40;
	s21 =	sadd.s32 @!p0 s4, s21;
	s22 =	simm.s32 @!p0 $0x1E500  }
0x13f: {  	[tilespmem:s22], [sflag:$0x1] =	stream.linear.gather @!p0 [hbm4b:s21+s23], $0x7D0, $0x38;
	[tilespmem:$0x1F500] =	vst v63  }
0x140: {  	v0 =	vld [tilespmem:s31+$0x30]  }
0x141: {  	v6 =	vld [tilespmem:s31+$0xFFFFFFD0]  }
0x142: {  	s22 =	simm.s32 $0x1ED40;
	v5 =	vld [tilespmem:s31+$0xFFFFFFE0]  }
0x143: {  	v15 =	vld [tilespmem:s22+$0x30]  }
0x144: {  	v4 =	vld [tilespmem:s31+$0xFFFFFFF0]  }
0x145: {  	v3 =	vld [tilespmem:s31+$0x0]  }
0x146: {  	v2 =	vld [tilespmem:s31+$0x10]  }
0x147: {  	v14 =	vld [tilespmem:s31+$0xFFFFFFC0]  }
0x148: {  	v1 =	vld [tilespmem:s31+$0x20]  }
0x149: {  	s21 =	simm.s32 $0x0;
	v12 =	vld [tilespmem:s22+$0xFFFFFFC0]  }
0x14a: {  	v7 =	vld.idx.msk [tilespmem:v0+s21+$0x0], $0xffff  }
0x14b: {  	v11 =	vld.idx.msk [tilespmem:v6+s21+$0x0], $0xffff  }
0x14c: {  	v16 =	vld.idx.msk [tilespmem:v5+s21+$0x0], $0xffff  }
0x14d: {  	v17 =	vld.idx.msk [tilespmem:v4+s21+$0x0], $0xffff  }
0x14e: {  	v8 =	vadd.s32 $0x9C40, v15;
	v18 =	vld.idx.msk [tilespmem:v3+s21+$0x0], $0xffff  }
0x14f: {  	v9 =	vadd.s32 $0x2710, v0;
	v20 =	vld.idx.msk [tilespmem:v14+s21+$0x0], $0xffff  }
0x150: {  	v19 =	vld.idx.msk [tilespmem:v2+s21+$0x0], $0xffff;
	v10 =	vshll.u32 v7, $0x10  }
0x151: {  	v38 =	vadd.s32 $0x9C40, v12;
	[tilespmem:v15+s15+$0x0] =	vst.idx.add.f32.msk $0xffff, v10  }
0x152: {  	v50 =	vadd.s32 $0x2710, v14;
	v7 =	vand.u32 $0xFFFF0000, v7;
	v10 =	vld [tilespmem:s22+$0xFFFFFFE0]  }
0x153: {  	[tilespmem:v8+s15+$0x0] =	vst.idx.add.f32.msk $0xffff, v7  }
0x154: {  	v39 =	vshll.u32 v20, $0x10;
	v7 =	vld.idx.msk [tilespmem:v9+s21+$0x0], $0xffff  }
0x155: {  	v35 =	vadd.s32 $0x2710, v15;
	v20 =	vand.u32 $0xFFFF0000, v20;
	[tilespmem:v12+s15+$0x0] =	vst.idx.add.f32.msk $0xffff, v39  }
0x156: {  	[tilespmem:v38+s15+$0x0] =	vst.idx.add.f32.msk $0xffff, v20  }
0x157: {  	v58 =	vld.idx.msk [tilespmem:v50+s21+$0x0], $0xffff  }
0x158: {  	v60 =	vadd.s32 $0x2710, v12;
	v52 =	vld.idx.msk [tilespmem:v1+s21+$0x0], $0xffff  }
0x159: {  	v36 =	vadd.s32 $0xC350, v15;
	v8 =	vld [tilespmem:s22+$0x0];
	v13 =	vshll.u32 v7, $0x10  }
0x15a: {  	v37 =	vadd.s32 $0x4E20, v0;
	[tilespmem:v35+s15+$0x0] =	vst.idx.add.f32.msk $0xffff, v13  }
0x15b: {  	v44 =	vshll.u32 v16, $0x10;
	v13 =	vld [tilespmem:s22+$0xFFFFFFD0]  }
0x15c: {  	v26 =	vshll.u32 v58, $0x10;
	[tilespmem:v10+s15+$0x0] =	vst.idx.add.f32.msk $0xffff, v44  }
0x15d: {  	v43 =	vadd.s32 $0x9C40, v10;
	v7 =	vand.u32 $0xFFFF0000, v7;
	[tilespmem:v60+s15+$0x0] =	vst.idx.add.f32.msk $0xffff, v26  }
0x15e: {  	v48 =	vadd.s32 $0x9C40, v8;
	[tilespmem:v36+s15+$0x0] =	vst.idx.add.f32.msk $0xffff, v7  }
0x15f: {  	v28 =	vadd.s32 $0x2710, v3;
	v9 =	vld.idx.msk [tilespmem:v37+s21+$0x0], $0xffff  }
0x160: {  	v21 =	vadd.s32 $0x4E20, v15;
	v51 =	vshll.u32 v18, $0x10;
	v7 =	vld [tilespmem:s22+$0xFFFFFFF0]  }
0x161: {  	v16 =	vand.u32 $0xFFFF0000, v16;
	[tilespmem:v8+s15+$0x0] =	vst.idx.add.f32.msk $0xffff, v51  }
0x162: {  	v22 =	vadd.s32 $0xEA60, v15;
	v54 =	vand.u32 $0xFFFF0000, v18;
	[tilespmem:v43+s15+$0x0] =	vst.idx.add.f32.msk $0xffff, v16  }
0x163: {  	[tilespmem:v48+s15+$0x0] =	vst.idx.add.f32.msk $0xffff, v54  }
0x164: {  	v16 =	vld.idx.msk [tilespmem:v28+s21+$0x0], $0xffff;
	v40 =	vshll.u32 v9, $0x10  }
0x165: {  	v42 =	vshll.u32 v11, $0x10;
	v41 =	vadd.s32 $0x9C40, v13;
	[tilespmem:v21+s15+$0x0] =	vst.idx.add.f32.msk $0xffff, v40  }
0x166: {  	v0 =	vadd.s32 $0x7530, v0;
	v9 =	vand.u32 $0xFFFF0000, v9;
	[tilespmem:v13+s15+$0x0] =	vst.idx.add.f32.msk $0xffff, v42  }
0x167: {  	[tilespmem:v22+s15+$0x0] =	vst.idx.add.f32.msk $0xffff, v9  }
0x168: {  	v47 =	vshll.u32 v17, $0x10;
	v37 =	vadd.s32 $0x2710, v8;
	v9 =	vld [tilespmem:s22+$0x10]  }
0x169: {  	v11 =	vand.u32 $0xFFFF0000, v11;
	v45 =	vadd.s32 $0x9C40, v7;
	[tilespmem:v7+s15+$0x0] =	vst.idx.add.f32.msk $0xffff, v47  }
0x16a: {  	v63 =	vadd.s32 $0xC350, v12;
	[tilespmem:v41+s15+$0x0] =	vst.idx.add.f32.msk $0xffff, v11  }
0x16b: {  	v24 =	vadd.s32 $0x2710, v4;
	v0 =	vld.idx.msk [tilespmem:v0+s21+$0x0], $0xffff  }
0x16c: {  	v40 =	vadd.s32 $0xC350, v8;
	v44 =	vshll.u32 v16, $0x10;
	v11 =	vld [tilespmem:s22+$0x20]  }
0x16d: {  	v46 =	vadd.s32 $0x7530, v15;
	v17 =	vand.u32 $0xFFFF0000, v17;
	[tilespmem:v37+s15+$0x0] =	vst.idx.add.f32.msk $0xffff, v44  }
0x16e: {  	v15 =	vadd.s32 $0x11170, v15;
	[tilespmem:v45+s15+$0x0] =	vst.idx.add.f32.msk $0xffff, v17;
	v17 =	vand.u32 $0xFFFF0000, v58  }
0x16f: {  	[tilespmem:v63+s15+$0x0] =	vst.idx.add.f32.msk $0xffff, v17  }
0x170: {  	v55 =	vadd.s32 $0x2710, v6;
	v16 =	vand.u32 $0xFFFF0000, v16;
	v31 =	vld.idx.msk [tilespmem:v24+s21+$0x0], $0xffff  }
0x171: {  	v61 =	vadd.s32 $0x2710, v5;
	[tilespmem:v40+s15+$0x0] =	vst.idx.add.f32.msk $0xffff, v16;
	v49 =	vshll.u32 v0, $0x10  }
0x172: {  	v0 =	vand.u32 $0xFFFF0000, v0;
	[tilespmem:v46+s15+$0x0] =	vst.idx.add.f32.msk $0xffff, v49  }
0x173: {  	v56 =	vshll.u32 v19, $0x10;
	v33 =	vadd.s32 $0x2710, v7;
	[tilespmem:v15+s15+$0x0] =	vst.idx.add.f32.msk $0xffff, v0  }
0x174: {  	v53 =	vadd.s32 $0x9C40, v9;
	[tilespmem:v9+s15+$0x0] =	vst.idx.add.f32.msk $0xffff, v56  }
0x175: {  	v35 =	vadd.s32 $0xC350, v7;
	v0 =	vld.idx.msk [tilespmem:v55+s21+$0x0], $0xffff  }
0x176: {  	v62 =	vshll.u32 v52, $0x10;
	v57 =	vadd.s32 $0x9C40, v11;
	v15 =	vld.idx.msk [tilespmem:v61+s21+$0x0], $0xffff  }
0x177: {  	v34 =	vadd.s32 $0x2710, v2;
	v39 =	vshll.u32 v31, $0x10;
	[tilespmem:v11+s15+$0x0] =	vst.idx.add.f32.msk $0xffff, v62  }
0x178: {  	v59 =	vand.u32 $0xFFFF0000, v19;
	v38 =	vadd.s32 $0x2710, v1;
	[tilespmem:v33+s15+$0x0] =	vst.idx.add.f32.msk $0xffff, v39  }
0x179: {  	v25 =	vadd.s32 $0x2710, v13;
	v18 =	vand.u32 $0xFFFF0000, v31;
	[tilespmem:v53+s15+$0x0] =	vst.idx.add.f32.msk $0xffff, v59  }
0x17a: {  	v29 =	vadd.s32 $0x2710, v10;
	v21 =	vand.u32 $0xFFFF0000, v52;
	[tilespmem:v35+s15+$0x0] =	vst.idx.add.f32.msk $0xffff, v18  }
0x17b: {  	v56 =	vadd.s32 $0x4E20, v4;
	[tilespmem:v57+s15+$0x0] =	vst.idx.add.f32.msk $0xffff, v21  }
0x17c: {  	v27 =	vadd.s32 $0xC350, v13;
	v42 =	vld.idx.msk [tilespmem:v34+s21+$0x0], $0xffff  }
0x17d: {  	v30 =	vadd.s32 $0xC350, v10;
	v47 =	vld.idx.msk [tilespmem:v38+s21+$0x0], $0xffff;
	v32 =	vshll.u32 v0, $0x10  }
0x17e: {  	v41 =	vadd.s32 $0x4E20, v14;
	v36 =	vshll.u32 v15, $0x10;
	[tilespmem:v25+s15+$0x0] =	vst.idx.add.f32.msk $0xffff, v32  }
0x17f: {  	v59 =	vadd.s32 $0x4E20, v3;
	[tilespmem:v29+s15+$0x0] =	vst.idx.add.f32.msk $0xffff, v36  }
0x180: {  	v46 =	vadd.s32 $0x4E20, v6;
	v0 =	vand.u32 $0xFFFF0000, v0;
	v25 =	vld.idx.msk [tilespmem:v56+s21+$0x0], $0xffff  }
0x181: {  	v52 =	vadd.s32 $0x4E20, v5;
	v15 =	vand.u32 $0xFFFF0000, v15;
	[tilespmem:v27+s15+$0x0] =	vst.idx.add.f32.msk $0xffff, v0  }
0x182: {  	v43 =	vadd.s32 $0x2710, v9;
	[tilespmem:v30+s15+$0x0] =	vst.idx.add.f32.msk $0xffff, v15  }
0x183: {  	v45 =	vadd.s32 $0xC350, v9;
	v15 =	vld.idx.msk [tilespmem:v41+s21+$0x0], $0xffff  }
0x184: {  	v48 =	vadd.s32 $0x2710, v11;
	v16 =	vld.idx.msk [tilespmem:v59+s21+$0x0], $0xffff  }
0x185: {  	v49 =	vadd.s32 $0xC350, v11;
	v0 =	vld.idx.msk [tilespmem:v46+s21+$0x0], $0xffff  }
0x186: {  	v26 =	vadd.s32 $0x4E20, v7;
	v50 =	vshll.u32 v42, $0x10;
	v60 =	vld.idx.msk [tilespmem:v52+s21+$0x0], $0xffff  }
0x187: {  	v30 =	vadd.s32 $0x4E20, v1;
	v20 =	vand.u32 $0xFFFF0000, v42;
	[tilespmem:v43+s15+$0x0] =	vst.idx.add.f32.msk $0xffff, v50  }
0x188: {  	v51 =	vadd.s32 $0x4E20, v12;
	v54 =	vshll.u32 v47, $0x10;
	[tilespmem:v45+s15+$0x0] =	vst.idx.add.f32.msk $0xffff, v20  }
0x189: {  	v27 =	vadd.s32 $0xEA60, v7;
	v19 =	vand.u32 $0xFFFF0000, v47;
	[tilespmem:v48+s15+$0x0] =	vst.idx.add.f32.msk $0xffff, v54  }
0x18a: {  	v29 =	vadd.s32 $0x4E20, v8;
	[tilespmem:v49+s15+$0x0] =	vst.idx.add.f32.msk $0xffff, v19;
	v32 =	vshll.u32 v25, $0x10  }
0x18b: {  	v53 =	vadd.s32 $0xEA60, v12;
	[tilespmem:v26+s15+$0x0] =	vst.idx.add.f32.msk $0xffff, v32  }
0x18c: {  	v55 =	vadd.s32 $0x4E20, v13;
	v57 =	vshll.u32 v15, $0x10;
	v37 =	vld.idx.msk [tilespmem:v30+s21+$0x0], $0xffff  }
0x18d: {  	v61 =	vadd.s32 $0x4E20, v10;
	v20 =	vand.u32 $0xFFFF0000, v25;
	[tilespmem:v51+s15+$0x0] =	vst.idx.add.f32.msk $0xffff, v57  }
0x18e: {  	v24 =	vadd.s32 $0x4E20, v2;
	v35 =	vshll.u32 v16, $0x10;
	[tilespmem:v27+s15+$0x0] =	vst.idx.add.f32.msk $0xffff, v20  }
0x18f: {  	v31 =	vadd.s32 $0xEA60, v8;
	v15 =	vand.u32 $0xFFFF0000, v15;
	[tilespmem:v29+s15+$0x0] =	vst.idx.add.f32.msk $0xffff, v35  }
0x190: {  	v4 =	vadd.s32 $0x7530, v4;
	v62 =	vshll.u32 v0, $0x10;
	[tilespmem:v53+s15+$0x0] =	vst.idx.add.f32.msk $0xffff, v15  }
0x191: {  	v58 =	vadd.s32 $0xEA60, v13;
	v28 =	vshll.u32 v60, $0x10;
	[tilespmem:v55+s15+$0x0] =	vst.idx.add.f32.msk $0xffff, v62  }
0x192: {  	v63 =	vadd.s32 $0xEA60, v10;
	[tilespmem:v61+s15+$0x0] =	vst.idx.add.f32.msk $0xffff, v28  }
0x193: {  	v34 =	vadd.s32 $0x7530, v14;
	v16 =	vand.u32 $0xFFFF0000, v16;
	v15 =	vld.idx.msk [tilespmem:v24+s21+$0x0], $0xffff  }
0x194: {  	v6 =	vadd.s32 $0x7530, v6;
	[tilespmem:v31+s15+$0x0] =	vst.idx.add.f32.msk $0xffff, v16  }
0x195: {  	v5 =	vadd.s32 $0x7530, v5;
	v0 =	vand.u32 $0xFFFF0000, v0;
	v4 =	vld.idx.msk [tilespmem:v4+s21+$0x0], $0xffff  }
0x196: {  	v38 =	vadd.s32 $0x4E20, v11;
	v17 =	vand.u32 $0xFFFF0000, v60;
	[tilespmem:v58+s15+$0x0] =	vst.idx.add.f32.msk $0xffff, v0  }
0x197: {  	v40 =	vadd.s32 $0xEA60, v11;
	[tilespmem:v63+s15+$0x0] =	vst.idx.add.f32.msk $0xffff, v17  }
0x198: {  	v33 =	vadd.s32 $0x4E20, v9;
	v0 =	vld.idx.msk [tilespmem:v34+s21+$0x0], $0xffff  }
0x199: {  	v50 =	vadd.s32 $0x7530, v7;
	v6 =	vld.idx.msk [tilespmem:v6+s21+$0x0], $0xffff  }
0x19a: {  	v1 =	vadd.s32 $0x7530, v1;
	v5 =	vld.idx.msk [tilespmem:v5+s21+$0x0], $0xffff;
	v42 =	vshll.u32 v37, $0x10  }
0x19b: {  	v36 =	vadd.s32 $0xEA60, v9;
	v44 =	vand.u32 $0xFFFF0000, v37;
	[tilespmem:v38+s15+$0x0] =	vst.idx.add.f32.msk $0xffff, v42  }
0x19c: {  	v41 =	vadd.s32 $0x7530, v12;
	v39 =	vshll.u32 v15, $0x10;
	[tilespmem:v40+s15+$0x0] =	vst.idx.add.f32.msk $0xffff, v44  }
0x19d: {  	v7 =	vadd.s32 $0x11170, v7;
	v54 =	vshll.u32 v4, $0x10;
	[tilespmem:v33+s15+$0x0] =	vst.idx.add.f32.msk $0xffff, v39  }
0x19e: {  	v12 =	vadd.s32 $0x11170, v12;
	[tilespmem:v50+s15+$0x0] =	vst.idx.add.f32.msk $0xffff, v54  }
0x19f: {  	v43 =	vadd.s32 $0x7530, v13;
	v15 =	vand.u32 $0xFFFF0000, v15;
	v1 =	vld.idx.msk [tilespmem:v1+s21+$0x0], $0xffff  }
0x1a0: {  	v46 =	vadd.s32 $0x7530, v10;
	v45 =	vshll.u32 v0, $0x10;
	[tilespmem:v36+s15+$0x0] =	vst.idx.add.f32.msk $0xffff, v15  }
0x1a1: {  	v47 =	vadd.s32 $0x7530, v3;
	v4 =	vand.u32 $0xFFFF0000, v4;
	[tilespmem:v41+s15+$0x0] =	vst.idx.add.f32.msk $0xffff, v45  }
0x1a2: {  	v2 =	vadd.s32 $0x7530, v2;
	v0 =	vand.u32 $0xFFFF0000, v0;
	[tilespmem:v7+s15+$0x0] =	vst.idx.add.f32.msk $0xffff, v4  }
0x1a3: {  	v13 =	vadd.s32 $0x11170, v13;
	v48 =	vshll.u32 v6, $0x10;
	[tilespmem:v12+s15+$0x0] =	vst.idx.add.f32.msk $0xffff, v0  }
0x1a4: {  	v49 =	vadd.s32 $0x11170, v10;
	v51 =	vshll.u32 v5, $0x10;
	[tilespmem:v43+s15+$0x0] =	vst.idx.add.f32.msk $0xffff, v48  }
0x1a5: {  	v57 =	vadd.s32 $0x7530, v11;
	[tilespmem:v46+s15+$0x0] =	vst.idx.add.f32.msk $0xffff, v51  }
0x1a6: {  	v59 =	vadd.s32 $0x11170, v11;
	v0 =	vld.idx.msk [tilespmem:v47+s21+$0x0], $0xffff  }
0x1a7: {  	v52 =	vadd.s32 $0x7530, v8;
	v6 =	vand.u32 $0xFFFF0000, v6;
	v2 =	vld.idx.msk [tilespmem:v2+s21+$0x0], $0xffff  }
0x1a8: {  	v55 =	vadd.s32 $0x7530, v9;
	v5 =	vand.u32 $0xFFFF0000, v5;
	[tilespmem:v13+s15+$0x0] =	vst.idx.add.f32.msk $0xffff, v6  }
0x1a9: {  	v53 =	vadd.s32 $0x11170, v8;
	[tilespmem:v49+s15+$0x0] =	vst.idx.add.f32.msk $0xffff, v5;
	v62 =	vshll.u32 v1, $0x10  }
0x1aa: {  	v56 =	vadd.s32 $0x11170, v9;
	v63 =	vand.u32 $0xFFFF0000, v1;
	[tilespmem:v57+s15+$0x0] =	vst.idx.add.f32.msk $0xffff, v62  }
0x1ab: {  	v58 =	vshll.u32 v0, $0x10;
	[tilespmem:v59+s15+$0x0] =	vst.idx.add.f32.msk $0xffff, v63  }
0x1ac: {  	v60 =	vshll.u32 v2, $0x10;
	[tilespmem:v52+s15+$0x0] =	vst.idx.add.f32.msk $0xffff, v58  }
0x1ad: {  	v0 =	vand.u32 $0xFFFF0000, v0;
	[tilespmem:v55+s15+$0x0] =	vst.idx.add.f32.msk $0xffff, v60  }
0x1ae: {  	v61 =	vand.u32 $0xFFFF0000, v2;
	[tilespmem:v53+s15+$0x0] =	vst.idx.add.f32.msk $0xffff, v0  }
0x1af: {  	s24 =	simm.s32 $0x1DDC0;
	s23 =	simm.s32 $0x0;
	[tilespmem:v56+s15+$0x0] =	vst.idx.add.f32.msk $0xffff, v61  }
.LBB2_8:
0x1b0: {  	v0 =	vld [tilespmem:s24+$0x30]  }
0x1b1: {  	v5 =	vld [tilespmem:s24+$0xFFFFFFD0]  }
0x1b2: {  	v6 =	vld [tilespmem:s24+$0xFFFFFFE0]  }
0x1b3: {  	v7 =	vld [tilespmem:s24+$0xFFFFFFF0]  }
0x1b4: {  	v14 =	vld [tilespmem:s24+$0x0]  }
0x1b5: {  	v21 =	vld [tilespmem:s24+$0x10]  }
0x1b6: {  	v22 =	vld [tilespmem:s24+$0x20]  }
0x1b7: {  	s22 =	sadd.s32 $0x80, s22;
	v24 =	vld [tilespmem:s24+$0xFFFFFFC0]  }
0x1b8: {  	v20 =	vld [tilespmem:s22+$0x30]  }
0x1b9: {  	v54 =	vld [tilespmem:s22+$0xFFFFFFD0]  }
0x1ba: {  	v55 =	vld [tilespmem:s22+$0xFFFFFFE0]  }
0x1bb: {  	v56 =	vld [tilespmem:s22+$0xFFFFFFF0]  }
0x1bc: {  	v63 =	vld [tilespmem:s22+$0x0];
	v34 =	vadd.s32 $0x7530, v6  }
0x1bd: {  	[tilespmem:$0x1FF10] =	vst v34;
	v34 =	vld [tilespmem:s22+$0xFFFFFFC0]  }
0x1be: {  	v23 =	vld.idx.msk [tilespmem:v0+s21+$0x0], $0xffff  }
0x1bf: {  	v25 =	vld.idx.msk [tilespmem:v5+s21+$0x0], $0xffff  }
0x1c0: {  	v18 =	vadd.s32 $0x2710, v14;
	v26 =	vld.idx.msk [tilespmem:v6+s21+$0x0], $0xffff  }
0x1c1: {  	v37 =	vadd.s32 $0x4E20, v14;
	v38 =	vadd.s32 $0x7530, v14;
	v39 =	vadd.s32 $0x7530, v21;
	v31 =	vld.idx.msk [tilespmem:v14+s21+$0x0], $0xffff  }
0x1c2: {  	v41 =	vadd.s32 $0x7530, v24;
	[tilespmem:$0x1FF40] =	vst v39;
	v39 =	vadd.s32 $0x2710, v24;
	v14 =	vadd.s32 $0x4E20, v24;
	v24 =	vld.idx.msk [tilespmem:v24+s21+$0x0], $0xffff  }
0x1c3: {  	v32 =	vadd.s32 $0x7530, v5;
	v28 =	vld.idx.msk [tilespmem:v7+s21+$0x0], $0xffff  }
0x1c4: {  	v36 =	vadd.s32 $0x7530, v7;
	v19 =	vadd.s32 $0x2710, v21;
	v12 =	vadd.s32 $0x4E20, v21;
	v21 =	vld.idx.msk [tilespmem:v21+s21+$0x0], $0xffff  }
0x1c5: {  	v29 =	vadd.s32 $0x2710, v22;
	v13 =	vadd.s32 $0x4E20, v22;
	v40 =	vadd.s32 $0x7530, v22;
	[tilespmem:$0x1FF00] =	vst v32;
	v22 =	vld.idx.msk [tilespmem:v22+s21+$0x0], $0xffff  }
0x1c6: {  	[tilespmem:$0x1FF20] =	vst v36;
	v32 =	vshll.u32 v23, $0x10;
	v43 =	vshll.u32 v26, $0x10;
	v44 =	vand.u32 $0xFFFF0000, v26;
	v26 =	vld [tilespmem:s22+$0x20]  }
0x1c7: {  	v27 =	vadd.s32 $0x9C40, v20;
	v36 =	vshll.u32 v24, $0x10;
	[tilespmem:v20+s15+$0x0] =	vst.idx.add.f32.msk $0xffff, v32  }
0x1c8: {  	v46 =	vadd.s32 $0x9C40, v34;
	[tilespmem:v34+s15+$0x0] =	vst.idx.add.f32.msk $0xffff, v36  }
0x1c9: {  	v47 =	vshll.u32 v28, $0x10;
	[tilespmem:v55+s15+$0x0] =	vst.idx.add.f32.msk $0xffff, v43  }
0x1ca: {  	v30 =	vadd.s32 $0x2710, v0;
	v50 =	vshll.u32 v31, $0x10;
	[tilespmem:v56+s15+$0x0] =	vst.idx.add.f32.msk $0xffff, v47  }
0x1cb: {  	v23 =	vand.u32 $0xFFFF0000, v23;
	v52 =	vshll.u32 v21, $0x10;
	[tilespmem:v63+s15+$0x0] =	vst.idx.add.f32.msk $0xffff, v50  }
0x1cc: {  	v53 =	vand.u32 $0xFFFF0000, v21;
	v24 =	vand.u32 $0xFFFF0000, v24;
	v21 =	vadd.s32 $0x9C40, v54;
	[tilespmem:v27+s15+$0x0] =	vst.idx.add.f32.msk $0xffff, v23  }
0x1cd: {  	v32 =	vshll.u32 v25, $0x10;
	[tilespmem:v46+s15+$0x0] =	vst.idx.add.f32.msk $0xffff, v24;
	v24 =	vadd.s32 $0x9C40, v63  }
0x1ce: {  	v1 =	vadd.s32 $0x4E20, v5;
	[tilespmem:v54+s15+$0x0] =	vst.idx.add.f32.msk $0xffff, v32  }
0x1cf: {  	v33 =	vadd.s32 $0x4E20, v6;
	[tilespmem:$0x1FEB0] =	vst v1;
	v27 =	vld.idx.msk [tilespmem:v30+s21+$0x0], $0xffff  }
0x1d0: {  	[tilespmem:$0x1FEC0] =	vst v33;
	v42 =	vadd.s32 $0x2710, v20;
	v25 =	vand.u32 $0xFFFF0000, v25;
	v30 =	vld [tilespmem:s22+$0x10]  }
0x1d1: {  	v45 =	vadd.s32 $0xC350, v20;
	v51 =	vand.u32 $0xFFFF0000, v31;
	[tilespmem:v21+s15+$0x0] =	vst.idx.add.f32.msk $0xffff, v25  }
0x1d2: {  	v57 =	vshll.u32 v22, $0x10;
	v23 =	vadd.s32 $0x9C40, v26;
	[tilespmem:v24+s15+$0x0] =	vst.idx.add.f32.msk $0xffff, v51  }
0x1d3: {  	v15 =	vadd.s32 $0x2710, v5;
	v35 =	vadd.s32 $0x4E20, v7;
	[tilespmem:v26+s15+$0x0] =	vst.idx.add.f32.msk $0xffff, v57  }
0x1d4: {  	[tilespmem:$0x1FED0] =	vst v35;
	v33 =	vadd.s32 $0x4E20, v0;
	v35 =	vshll.u32 v27, $0x10;
	v57 =	vld.idx.msk [tilespmem:v39+s21+$0x0], $0xffff  }
0x1d5: {  	v27 =	vand.u32 $0xFFFF0000, v27;
	[tilespmem:v42+s15+$0x0] =	vst.idx.add.f32.msk $0xffff, v35  }
0x1d6: {  	v58 =	vand.u32 $0xFFFF0000, v22;
	[tilespmem:v45+s15+$0x0] =	vst.idx.add.f32.msk $0xffff, v27  }
0x1d7: {  	v1 =	vadd.s32 $0x9C40, v30;
	[tilespmem:v23+s15+$0x0] =	vst.idx.add.f32.msk $0xffff, v58  }
0x1d8: {  	v58 =	vld.idx.msk [tilespmem:v15+s21+$0x0], $0xffff  }
0x1d9: {  	v59 =	vadd.s32 $0x2710, v34;
	v48 =	vld.idx.msk [tilespmem:v33+s21+$0x0], $0xffff  }
0x1da: {  	[tilespmem:v30+s15+$0x0] =	vst.idx.add.f32.msk $0xffff, v52  }
0x1db: {  	[tilespmem:$0x1FF50] =	vst v40;
	v52 =	vld.idx.msk [tilespmem:v29+s21+$0x0], $0xffff  }
0x1dc: {  	v27 =	vadd.s32 $0x9C40, v55;
	[tilespmem:v1+s15+$0x0] =	vst.idx.add.f32.msk $0xffff, v53  }
0x1dd: {  	[tilespmem:$0x1FEF0] =	vst v41;
	v40 =	vadd.s32 $0x4E20, v20;
	v51 =	vshll.u32 v57, $0x10;
	v39 =	vld.idx.msk [tilespmem:v19+s21+$0x0], $0xffff  }
0x1de: {  	v41 =	vadd.s32 $0xEA60, v20;
	[tilespmem:v59+s15+$0x0] =	vst.idx.add.f32.msk $0xffff, v51  }
0x1df: {  	[tilespmem:$0x1FF30] =	vst v38;
	v0 =	vadd.s32 $0x7530, v0;
	v19 =	vld [tilespmem:$0x1FED0]  }
0x1e0: {  	v33 =	vadd.s32 $0x9C40, v56;
	v51 =	vld [tilespmem:$0x1FF30]  }
0x1e1: {  	v61 =	vadd.s32 $0x2710, v54;
	[tilespmem:v27+s15+$0x0] =	vst.idx.add.f32.msk $0xffff, v44;
	v49 =	vshll.u32 v48, $0x10  }
0x1e2: {  	v62 =	vadd.s32 $0xC350, v54;
	v22 =	vand.u32 $0xFFFF0000, v48;
	[tilespmem:v40+s15+$0x0] =	vst.idx.add.f32.msk $0xffff, v49  }
0x1e3: {  	v16 =	vadd.s32 $0x2710, v6;
	[tilespmem:v41+s15+$0x0] =	vst.idx.add.f32.msk $0xffff, v22  }
0x1e4: {  	v17 =	vadd.s32 $0x2710, v7;
	v28 =	vand.u32 $0xFFFF0000, v28;
	v22 =	vadd.s32 $0x2710, v26;
	v0 =	vld.idx.msk [tilespmem:v0+s21+$0x0], $0xffff  }
0x1e5: {  	v6 =	vadd.s32 $0x2710, v63;
	v21 =	vadd.s32 $0x7530, v20;
	v53 =	vshll.u32 v58, $0x10;
	[tilespmem:v33+s15+$0x0] =	vst.idx.add.f32.msk $0xffff, v28  }
0x1e6: {  	v5 =	vadd.s32 $0xC350, v63;
	v60 =	vadd.s32 $0xC350, v34;
	v1 =	vand.u32 $0xFFFF0000, v58;
	[tilespmem:v61+s15+$0x0] =	vst.idx.add.f32.msk $0xffff, v53  }
0x1e7: {  	v43 =	vadd.s32 $0x4E20, v63;
	v2 =	vadd.s32 $0xC350, v26;
	v25 =	vadd.s32 $0x11170, v63;
	[tilespmem:v62+s15+$0x0] =	vst.idx.add.f32.msk $0xffff, v1  }
0x1e8: {  	v27 =	vadd.s32 $0x7530, v63;
	v62 =	vshll.u32 v52, $0x10;
	v41 =	vadd.s32 $0xEA60, v63;
	v63 =	vld.idx.msk [tilespmem:v16+s21+$0x0], $0xffff  }
0x1e9: {  	v20 =	vadd.s32 $0x11170, v20;
	v47 =	vadd.s32 $0xEA60, v26;
	[tilespmem:v22+s15+$0x0] =	vst.idx.add.f32.msk $0xffff, v62;
	v50 =	vshll.u32 v0, $0x10  }
0x1ea: {  	v3 =	vadd.s32 $0x2710, v30;
	v4 =	vadd.s32 $0xC350, v30;
	v46 =	vadd.s32 $0x4E20, v30;
	[tilespmem:v21+s15+$0x0] =	vst.idx.add.f32.msk $0xffff, v50  }
0x1eb: {  	v24 =	vadd.s32 $0x11170, v26;
	v49 =	vadd.s32 $0x4E20, v26;
	v50 =	vadd.s32 $0x7530, v26;
	v26 =	vld.idx.msk [tilespmem:v17+s21+$0x0], $0xffff  }
0x1ec: {  	v44 =	vadd.s32 $0xEA60, v30;
	v28 =	vadd.s32 $0x11170, v30;
	v21 =	vadd.s32 $0x7530, v30;
	v30 =	vld.idx.msk [tilespmem:v18+s21+$0x0], $0xffff  }
0x1ed: {  	[tilespmem:$0x1FEE0] =	vst v37;
	v9 =	vadd.s32 $0x2710, v55;
	v0 =	vand.u32 $0xFFFF0000, v0;
	v18 =	vld [tilespmem:$0x1FEC0]  }
0x1ee: {  	[tilespmem:v20+s15+$0x0] =	vst.idx.add.f32.msk $0xffff, v0  }
0x1ef: {  	v8 =	vadd.s32 $0xC350, v55;
	v15 =	vand.u32 $0xFFFF0000, v63;
	v20 =	vld [tilespmem:$0x1FEE0]  }
0x1f0: {  	v0 =	vand.u32 $0xFFFF0000, v57;
	v57 =	vshll.u32 v63, $0x10;
	v63 =	vand.u32 $0xFFFF0000, v52;
	v52 =	vld [tilespmem:$0x1FF40]  }
0x1f1: {  	[tilespmem:v60+s15+$0x0] =	vst.idx.add.f32.msk $0xffff, v0  }
0x1f2: {  	[tilespmem:v9+s15+$0x0] =	vst.idx.add.f32.msk $0xffff, v57  }
0x1f3: {  	[tilespmem:v2+s15+$0x0] =	vst.idx.add.f32.msk $0xffff, v63  }
0x1f4: {  	v57 =	vld [tilespmem:$0x1FF50]  }
0x1f5: {  	v10 =	vadd.s32 $0x2710, v56;
	v60 =	vshll.u32 v39, $0x10;
	[tilespmem:v8+s15+$0x0] =	vst.idx.add.f32.msk $0xffff, v15  }
0x1f6: {  	v61 =	vand.u32 $0xFFFF0000, v39;
	[tilespmem:v3+s15+$0x0] =	vst.idx.add.f32.msk $0xffff, v60  }
0x1f7: {  	v7 =	vadd.s32 $0xC350, v56;
	[tilespmem:v4+s15+$0x0] =	vst.idx.add.f32.msk $0xffff, v61  }
0x1f8: {  	v22 =	vld.idx.msk [tilespmem:v12+s21+$0x0], $0xffff  }
0x1f9: {  	v58 =	vshll.u32 v26, $0x10;
	v16 =	vand.u32 $0xFFFF0000, v26;
	v26 =	vld.idx.msk [tilespmem:v13+s21+$0x0], $0xffff  }
0x1fa: {  	v59 =	vshll.u32 v30, $0x10;
	[tilespmem:v10+s15+$0x0] =	vst.idx.add.f32.msk $0xffff, v58  }
0x1fb: {  	[tilespmem:v6+s15+$0x0] =	vst.idx.add.f32.msk $0xffff, v59  }
0x1fc: {  	v17 =	vand.u32 $0xFFFF0000, v30;
	[tilespmem:v7+s15+$0x0] =	vst.idx.add.f32.msk $0xffff, v16  }
0x1fd: {  	[tilespmem:v5+s15+$0x0] =	vst.idx.add.f32.msk $0xffff, v17  }
0x1fe: {  	v16 =	vld.idx.msk [tilespmem:v14+s21+$0x0], $0xffff  }
0x1ff: {  	v17 =	vld [tilespmem:$0x1FEB0]  }
0x200: {  	v2 =	vld.idx.msk [tilespmem:v18+s21+$0x0], $0xffff  }
0x201: {  	v37 =	vadd.s32 $0x4E20, v34;
	v3 =	vld.idx.msk [tilespmem:v19+s21+$0x0], $0xffff  }
0x202: {  	v4 =	vld.idx.msk [tilespmem:v20+s21+$0x0], $0xffff;
	v39 =	vshll.u32 v22, $0x10  }
0x203: {  	v38 =	vadd.s32 $0xEA60, v34;
	[tilespmem:v46+s15+$0x0] =	vst.idx.add.f32.msk $0xffff, v39  }
0x204: {  	v45 =	vadd.s32 $0x4E20, v55;
	v5 =	vand.u32 $0xFFFF0000, v22;
	v46 =	vld [tilespmem:$0x1FEF0]  }
0x205: {  	v42 =	vadd.s32 $0x4E20, v56;
	v23 =	vshll.u32 v16, $0x10;
	[tilespmem:v44+s15+$0x0] =	vst.idx.add.f32.msk $0xffff, v5  }
0x206: {  	[tilespmem:v37+s15+$0x0] =	vst.idx.add.f32.msk $0xffff, v23  }
0x207: {  	v48 =	vadd.s32 $0xEA60, v55;
	v0 =	vand.u32 $0xFFFF0000, v16;
	v5 =	vld.idx.msk [tilespmem:v52+s21+$0x0], $0xffff  }
0x208: {  	v40 =	vadd.s32 $0xEA60, v56;
	v30 =	vshll.u32 v2, $0x10;
	[tilespmem:v38+s15+$0x0] =	vst.idx.add.f32.msk $0xffff, v0  }
0x209: {  	v37 =	vshll.u32 v3, $0x10;
	[tilespmem:v45+s15+$0x0] =	vst.idx.add.f32.msk $0xffff, v30  }
0x20a: {  	[tilespmem:v42+s15+$0x0] =	vst.idx.add.f32.msk $0xffff, v37  }
0x20b: {  	v2 =	vand.u32 $0xFFFF0000, v2;
	v1 =	vld.idx.msk [tilespmem:v17+s21+$0x0], $0xffff  }
0x20c: {  	v3 =	vand.u32 $0xFFFF0000, v3;
	[tilespmem:v48+s15+$0x0] =	vst.idx.add.f32.msk $0xffff, v2  }
0x20d: {  	v38 =	vshll.u32 v4, $0x10;
	[tilespmem:v40+s15+$0x0] =	vst.idx.add.f32.msk $0xffff, v3  }
0x20e: {  	v45 =	vshll.u32 v26, $0x10;
	[tilespmem:v43+s15+$0x0] =	vst.idx.add.f32.msk $0xffff, v38  }
0x20f: {  	[tilespmem:v49+s15+$0x0] =	vst.idx.add.f32.msk $0xffff, v45  }
0x210: {  	v48 =	vld [tilespmem:$0x1FF10]  }
0x211: {  	v4 =	vand.u32 $0xFFFF0000, v4;
	v49 =	vld [tilespmem:$0x1FF20]  }
0x212: {  	v7 =	vand.u32 $0xFFFF0000, v26;
	[tilespmem:v41+s15+$0x0] =	vst.idx.add.f32.msk $0xffff, v4  }
0x213: {  	[tilespmem:v47+s15+$0x0] =	vst.idx.add.f32.msk $0xffff, v7  }
0x214: {  	v47 =	vld [tilespmem:$0x1FF00]  }
0x215: {  	v36 =	vadd.s32 $0x4E20, v54;
	v4 =	vld.idx.msk [tilespmem:v51+s21+$0x0], $0xffff  }
0x216: {  	v35 =	vadd.s32 $0xEA60, v54;
	v7 =	vld.idx.msk [tilespmem:v57+s21+$0x0], $0xffff  }
0x217: {  	v62 =	vshll.u32 v5, $0x10;
	v0 =	vld.idx.msk [tilespmem:v46+s21+$0x0], $0xffff  }
0x218: {  	v5 =	vand.u32 $0xFFFF0000, v5;
	[tilespmem:v21+s15+$0x0] =	vst.idx.add.f32.msk $0xffff, v62  }
0x219: {  	v29 =	vshll.u32 v1, $0x10;
	[tilespmem:v28+s15+$0x0] =	vst.idx.add.f32.msk $0xffff, v5  }
0x21a: {  	v1 =	vand.u32 $0xFFFF0000, v1;
	[tilespmem:v36+s15+$0x0] =	vst.idx.add.f32.msk $0xffff, v29  }
0x21b: {  	[tilespmem:v35+s15+$0x0] =	vst.idx.add.f32.msk $0xffff, v1  }
0x21c: {  	v2 =	vld.idx.msk [tilespmem:v48+s21+$0x0], $0xffff  }
0x21d: {  	v61 =	vshll.u32 v4, $0x10;
	v3 =	vld.idx.msk [tilespmem:v49+s21+$0x0], $0xffff  }
0x21e: {  	v11 =	vadd.s32 $0x7530, v34;
	v63 =	vshll.u32 v7, $0x10;
	[tilespmem:v27+s15+$0x0] =	vst.idx.add.f32.msk $0xffff, v61  }
0x21f: {  	v34 =	vadd.s32 $0x11170, v34;
	[tilespmem:v50+s15+$0x0] =	vst.idx.add.f32.msk $0xffff, v63  }
0x220: {  	v31 =	vadd.s32 $0x11170, v54;
	v33 =	vadd.s32 $0x7530, v55;
	v4 =	vand.u32 $0xFFFF0000, v4;
	v1 =	vld.idx.msk [tilespmem:v47+s21+$0x0], $0xffff  }
0x221: {  	v32 =	vadd.s32 $0x7530, v54;
	v54 =	vadd.s32 $0x7530, v56;
	v7 =	vand.u32 $0xFFFF0000, v7;
	[tilespmem:v25+s15+$0x0] =	vst.idx.add.f32.msk $0xffff, v4  }
0x222: {  	v53 =	vshll.u32 v0, $0x10;
	[tilespmem:v24+s15+$0x0] =	vst.idx.add.f32.msk $0xffff, v7  }
0x223: {  	v55 =	vadd.s32 $0x11170, v55;
	v0 =	vand.u32 $0xFFFF0000, v0;
	[tilespmem:v11+s15+$0x0] =	vst.idx.add.f32.msk $0xffff, v53  }
0x224: {  	s23 =	sadd.s32 $0x8, s23;
	v56 =	vadd.s32 $0x11170, v56;
	[tilespmem:v34+s15+$0x0] =	vst.idx.add.f32.msk $0xffff, v0;
	v59 =	vshll.u32 v2, $0x10  }
0x225: {  	p0 =	slt.u32 s23, $0x70;
	v60 =	vshll.u32 v3, $0x10;
	[tilespmem:v33+s15+$0x0] =	vst.idx.add.f32.msk $0xffff, v59  }
.Ltmp3:
0x226: {  	v58 =	vshll.u32 v1, $0x10;
	[tilespmem:v54+s15+$0x0] =	vst.idx.add.f32.msk $0xffff, v60;
	(pc) =	sbr.rel @p0 .LBB2_8-.Ltmp3, $4  }
0x227: {  	v2 =	vand.u32 $0xFFFF0000, v2;
	[tilespmem:v32+s15+$0x0] =	vst.idx.add.f32.msk $0xffff, v58  }
0x228: {  	v3 =	vand.u32 $0xFFFF0000, v3;
	[tilespmem:v55+s15+$0x0] =	vst.idx.add.f32.msk $0xffff, v2  }
0x229: {  	v1 =	vand.u32 $0xFFFF0000, v1;
	[tilespmem:v56+s15+$0x0] =	vst.idx.add.f32.msk $0xffff, v3  }
0x22a: {  	s24 =	sadd.s32 $0x80, s24;
	[tilespmem:v31+s15+$0x0] =	vst.idx.add.f32.msk $0xffff, v1  }
.LBB2_9:
0x22b: {  	s22 =	sshra.s32 s21, $0x2  }
0x22c: {  	v0 =	vld [tilespmem:s22+$0x1E480];
	_ =	sdelay $0x4  }
0x22d: {  	v1 =	vld [tilespmem:s22+$0x1F480];
	_ =	sdelay $0x2  }
0x22e: {  	v2 =	vld.idx.msk [tilespmem:v0+s2+$0x0], $0xffff;
	_ =	sdelay $0x1  }
0x22f: {  	v3 =	vadd.s32 $0x9C40, v1  }
0x230: {  	v4 =	vadd.s32 $0x2710, v0;
	_ =	sdelay $0x1  }
0x231: {  	v5 =	vshll.u32 v2, $0x10  }
0x232: {  	v2 =	vand.u32 $0xFFFF0000, v2;
	[tilespmem:v1+s15+$0x0] =	vst.idx.add.f32.msk $0xffff, v5  }
0x233: {  	[tilespmem:v3+s15+$0x0] =	vst.idx.add.f32.msk $0xffff, v2  }
0x234: {  	v2 =	vld.idx.msk [tilespmem:v4+s2+$0x0], $0xffff  }
0x235: {  	v57 =	vadd.s32 $0x2710, v1  }
0x236: {  	v58 =	vadd.s32 $0xC350, v1  }
0x237: {  	v59 =	vadd.s32 $0x4E20, v0;
	_ =	sdelay $0x1  }
0x238: {  	v6 =	vshll.u32 v2, $0x10  }
0x239: {  	v2 =	vand.u32 $0xFFFF0000, v2;
	[tilespmem:v57+s15+$0x0] =	vst.idx.add.f32.msk $0xffff, v6  }
0x23a: {  	[tilespmem:v58+s15+$0x0] =	vst.idx.add.f32.msk $0xffff, v2  }
0x23b: {  	v2 =	vld.idx.msk [tilespmem:v59+s2+$0x0], $0xffff  }
0x23c: {  	v60 =	vadd.s32 $0x4E20, v1  }
0x23d: {  	v61 =	vadd.s32 $0xEA60, v1  }
0x23e: {  	v0 =	vadd.s32 $0x7530, v0;
	_ =	sdelay $0x1  }
0x23f: {  	v5 =	vshll.u32 v2, $0x10  }
0x240: {  	v2 =	vand.u32 $0xFFFF0000, v2;
	[tilespmem:v60+s15+$0x0] =	vst.idx.add.f32.msk $0xffff, v5  }
0x241: {  	[tilespmem:v61+s15+$0x0] =	vst.idx.add.f32.msk $0xffff, v2  }
0x242: {  	v0 =	vld.idx.msk [tilespmem:v0+s2+$0x0], $0xffff  }
0x243: {  	v62 =	vadd.s32 $0x7530, v1  }
0x244: {  	p0 =	sne.s32 s21, $0x100;
	v1 =	vadd.s32 $0x11170, v1  }
.Ltmp4:
0x245: {  	_ = 	snop;
	(pc) =	sbr.rel @p0 .LBB2_9-.Ltmp4, $4  }
0x246: {  	_ = 	snop  }
0x247: {  	v63 =	vshll.u32 v0, $0x10  }
0x248: {  	v0 =	vand.u32 $0xFFFF0000, v0;
	[tilespmem:v62+s15+$0x0] =	vst.idx.add.f32.msk $0xffff, v63  }
0x249: {  	s21 =	sadd.s32 $0x40, s21;
	[tilespmem:v1+s15+$0x0] =	vst.idx.add.f32.msk $0xffff, v0  }
0x24a: {  	s20 =	sadd.s32 $0x1, s20  }
0x24b: {  	p0 =	sne.s32 s20, $0x50  }
.Ltmp5:
0x24c: {  	_ = 	snop;
	(pc) =	sbr.rel @p0 .LBB2_4-.Ltmp5, $1  }
0x24d: {  	_ =	sdelay $0x3  }
0x24e: {  	[hbm4b:s6+s2] =	stream.linear.scatter [tilespmem:s15], [sflag:$0x3], $0x9C40, $0x38;
	[tilespmem:$0x1F500] =	vst v63  }
0x24f: {  	s18 =	sadd.s32 $0x1, s18;
	_ =	swait.ge [sflag:s11], $0x9C40  }
0x250: {  	p0 =	sne.s32 s18, s8;
	[sflag:s11] =	ssyncset.done $0x0  }
.Ltmp6:
0x251: {  	[sflag:s11] =	ssyncadd.s32 $0xFFFF63C0;
	(pc) =	sbr.rel @p0 .LBB2_1-.Ltmp6, $4  }
0x252: {  	[hbm4b:s7+s2] =	stream.linear.scatter [tilespmem:s17], [sflag:$0x3], $0x9C40, $0x38;
	[tilespmem:$0x1F500] =	vst v63  }
0x253: {  	_ =	swait.ge [sflag:s11], $0x9C40  }
0x254: {  	[sflag:s11] =	ssyncset.done $0x0  }
0x255: {  	v0 =	vimm.f32 $0.0e+00;
	[sflag:s11] =	ssyncadd.s32 $0xFFFF63C0  }
0x256: {  	_ =	sfence.sel $0x180000  }
0x257: {  	[bflag:$0x0] =	sbarrier.arrive $0xFFFF  }
0x258: {  	p0 =	sne.s32 s0, $0x0;
	_ =	strace $0x90000050  }
0x259: {  	s0 =	sadd.s32 @!p0 $0x100000, s1;
	[bflag:$0x2] =	sbarrier.arrive $0xFFFF  }
0x25a: {  	[sflag:s0] =	ssyncadd.tile.s32 @!p0 $0x1;
	_ =	shalt  }
.Lfunc_end2:
_tile_overlayer_lowered:
.L_overlay_start_2:
0x25b: {  	(tag) =	ssettag $0x2  }
0x25c: {  	s0 =	rddreg [dreg:$0x0];
	s2 =	stileid.u32  }
0x25d: {  	s1 =	rddreg [dreg:$0x1];
	p0 =	sne.s32 s2, $0x0  }
0x25e: {  	s3 =	rddreg [dreg:$0x2];
	[bflag:$0x3] =	sbarrier.arrive $0xFFFF;
	s2 =	simm.s32 @!p0 $0x1C03  }
0x25f: {  	[timem:s3], [sflag:s2] =	dma.local @!p0 [hbm:s0], s1  }
0x260: {  	s0 =	simm.s32 @!p0 $0x3  }
0x261: {  	_ =	swait.ge @!p0 [sflag:s0], s1  }
0x262: {  	s1 =	ssub.s32 @!p0 $0x0, s1;
	[sflag:s0] =	ssyncset.done @!p0 $0x0  }
0x263: {  	[sflag:s0] =	ssyncadd.s32 @!p0 s1  }
0x264: {  	[bflag:$0x3] =	sbarrier.arrive $0xFFFF  }
0x265: {  	_ =	shalt  }

</sc_bundles>
